<compile_context>
chip_gen: v7x
topology: tpu7x:2x2x1
jax: 0.10.2.dev20260603
libtpu: 0.0.44.dev20260713+nightly
codegen_flags: <defaults>
</compile_context>

<pallas_src>
import functools

import jax
import jax.numpy as jnp
from jax import lax
from jax.experimental import pallas as pl
from jax.experimental.pallas import tpu as pltpu
from jax.experimental.pallas import tpu_sc as plsc

NUM_EMB = 1_000_000
D = 32
B = 16384
L = 50

NC = 2
NS = 16
NW = NC * NS
BPW = B // NW
LANES = 16
KCH = BPW // LANES
NIDX = L * BPW
IDX_ROWS = NIDX // 128
BATCH_ROWS = 10
N_BATCH = IDX_ROWS // BATCH_ROWS

POS_PER_BLK = 65536
N_BLK = 16
TWN = N_BLK * POS_PER_BLK


def _matvec_body(w_ref, t_ref, o_ref):
    r1 = jnp.dot(w_ref[...], t_ref[...], preferred_element_type=jnp.float32)
    o_ref[...] = r1[0]


def _table_matvec(w_row, table_t):
    return pl.pallas_call(
        _matvec_body,
        grid=(N_BLK,),
        in_specs=[
            pl.BlockSpec((1, D), lambda i: (0, 0)),
            pl.BlockSpec((D, POS_PER_BLK), lambda i: (0, i)),
        ],
        out_specs=pl.BlockSpec((POS_PER_BLK,), lambda i: (i,)),
        out_shape=jax.ShapeDtypeStruct((TWN,), jnp.float32),
    )(w_row, table_t)


_MESH = plsc.VectorSubcoreMesh(core_axis_name="c", subcore_axis_name="s")


@functools.partial(
    pl.kernel,
    out_type=jax.ShapeDtypeStruct((B,), jnp.float32),
    mesh=_MESH,
    scratch_types=[
        pltpu.VMEM((L, BPW), jnp.int32),
        pltpu.VMEM((NIDX,), jnp.float32),
        pltpu.VMEM((BPW,), jnp.float32),
        pltpu.VMEM((LANES,), jnp.float32),
        pltpu.SemaphoreType.DMA,
        pltpu.SemaphoreType.DMA,
    ],
)
def _sc_gather_sum(xt_hbm, tw_hbm, bias_hbm, out_hbm,
                   idx_v, vals_v, acc_v, bias_v, sem0, sem1):
    wid = lax.axis_index("s") * NC + lax.axis_index("c")
    pltpu.sync_copy(xt_hbm.at[:, pl.ds(wid * BPW, BPW)], idx_v)
    pltpu.sync_copy(bias_hbm, bias_v)

    def _idx_row(i):
        return idx_v.at[i >> 2, pl.ds((i & 3) * 128, 128)]

    bias_vec = bias_v[...]
    for k in range(KCH):
        acc_v[pl.ds(k * LANES, LANES)] = bias_vec

    def _fire_batch(b, sem):
        for r in range(BATCH_ROWS):
            i = b * BATCH_ROWS + r
            pltpu.async_copy(
                tw_hbm.at[_idx_row(i)], vals_v.at[pl.ds(i * 128, 128)], sem)

    def _drain_accum_batch(b, sem):
        for r in range(BATCH_ROWS):
            i = b * BATCH_ROWS + r
            pltpu.make_async_copy(
                tw_hbm.at[_idx_row(i)], vals_v.at[pl.ds(i * 128, 128)], sem
            ).wait()
        for r in range(BATCH_ROWS):
            i = b * BATCH_ROWS + r
            lane0 = (i & 3) * 128
            for k in range(8):
                chunk = vals_v[pl.ds(i * 128 + k * LANES, LANES)]
                plsc.addupdate(acc_v.at[pl.ds(lane0 + k * LANES, LANES)], chunk)

    _fire_batch(0, sem0)
    _fire_batch(1, sem1)

    @pl.loop(0, N_BATCH // 2 - 1)
    def _ring(t):
        b = t * 2
        _drain_accum_batch(b, sem0)
        _fire_batch(b + 2, sem0)
        _drain_accum_batch(b + 1, sem1)
        _fire_batch(b + 3, sem1)

    _drain_accum_batch(N_BATCH - 2, sem0)
    _drain_accum_batch(N_BATCH - 1, sem1)

    pltpu.sync_copy(acc_v, out_hbm.at[pl.ds(wid * BPW, BPW)])


def kernel(x, table, W, b):
    table_t = table.T
    w_row = (W.astype(jnp.float32) / L).T
    tw = _table_matvec(w_row, table_t)
    xt = x.T
    bias16 = jnp.broadcast_to(b.astype(jnp.float32), (LANES,))
    out = _sc_gather_sum(xt, tw, bias16)
    return out.reshape(B, 1)

# --- scband reference (transcript-rebuilt; emitter-appended) ---
"""Pipeline reference for scband-sparse-embedding-model-34909494182615 (READ-ONLY COPY).

The authoritative reference and input builder live on the scoring server;
editing this copy changes nothing except your own understanding.
"""

import jax, jax.numpy as jnp
import numpy as np

NUM_EMBEDDINGS = 1000000
EMBEDDING_DIM = 32
BATCH = 16384
HIST = 50

def setup_inputs(seed: int = 0) -> dict:
    key = jax.random.key(seed)
    k1, k2, k3, k4 = jax.random.split(key, 4)
    x = jax.random.randint(k1, (BATCH, HIST), 0, NUM_EMBEDDINGS, dtype=jnp.int64 if jax.config.jax_enable_x64 else jnp.int32)
    table = jax.random.normal(k2, (NUM_EMBEDDINGS, EMBEDDING_DIM), dtype=jnp.float32)
    bound = 1.0 / np.sqrt(EMBEDDING_DIM)
    W = jax.random.uniform(k3, (EMBEDDING_DIM, 1), minval=-bound, maxval=bound, dtype=jnp.float32)
    b = jax.random.uniform(k4, (1,), minval=-bound, maxval=bound, dtype=jnp.float32)
    return {"x": x, "table": table, "W": W, "b": b}

def reference(x, table, W, b):
    embedded = jnp.take(table, x, axis=0)           # [B, L, D] gather
    pooled = embedded.mean(axis=1)                   # [B, D]
    out = pooled @ W + b                             # [B, 1]
    return out

if __name__ == "__main__":
    import jax
    _d = setup_inputs()
    print(jax.jit(kernel)(*tuple(_d.values())))

</pallas_src>

<mosaic_0001>
#map = affine_map<(d0, d1) -> (0, 0)>
#map1 = affine_map<(d0, d1) -> (0)>
module attributes {stable_mosaic.version = 14 : i64} {
  func.func @_sc_gather_sum(%arg0: i32, %arg1: i32, %arg2: memref<50x16384xi32, #tpu.memory_space<hbm>>, %arg3: memref<1048576xf32, #tpu.memory_space<hbm>>, %arg4: memref<16xf32, #tpu.memory_space<hbm>>, %arg5: memref<16384xf32, #tpu.memory_space<hbm>>, %arg6: memref<50x512xi32, #tpu.memory_space<vmem>>, %arg7: memref<25600xf32, #tpu.memory_space<vmem>>, %arg8: memref<512xf32, #tpu.memory_space<vmem>>, %arg9: memref<16xf32, #tpu.memory_space<vmem>>, %arg10: memref<!tpu.dma_semaphore, #tpu.memory_space<semaphore_mem>>, %arg11: memref<!tpu.dma_semaphore, #tpu.memory_space<semaphore_mem>>) attributes {dimension_semantics = [#tpu.dimension_semantics<core_parallel>, #tpu.dimension_semantics<subcore_parallel>], iteration_bounds = array<i64: 2, 16>, scalar_prefetch = 0 : i64, scratch_operands = 6 : i64, tpu.core_type = #tpu.core_type<sc_vector_subcore>, window_params = [{transform_indices = #map}, {transform_indices = #map1}, {transform_indices = #map1}, {transform_indices = #map1}]} {
    %mul3A = arith.constant 2 : i32
    %mul3A_0 = arith.muli %arg1, %mul3A : i32
    %add3A = arith.addi %mul3A_0, %arg0 : i32
    %mul3A_1 = arith.constant 512 : i32
    %mul3A_2 = arith.muli %add3A, %mul3A_1 : i32
    "tpu.region"() ({
      %run_scoped3A = tpu.sem_alloc : memref<!tpu.dma_semaphore, #tpu.memory_space<semaphore_mem>>
      %dma_start3A_1576 = arith.constant 0 : i32
      %dma_start3A_1577 = tpu.memref_slice %arg2[%dma_start3A_1576, %mul3A_2] : memref<50x16384xi32, #tpu.memory_space<hbm>> -> memref<50x512xi32, #tpu.memory_space<hbm>>
      %dma_start3A_1578 = arith.constant 0 : i32
      %dma_start3A_1579 = tpu.memref_slice %arg2[%dma_start3A_1578, %mul3A_2] : memref<50x16384xi32, #tpu.memory_space<hbm>> -> memref<50x512xi32, #tpu.memory_space<hbm>>
      tpu.enqueue_dma source(%dma_start3A_1579 : memref<50x512xi32, #tpu.memory_space<hbm>>) target(%arg6 : memref<50x512xi32, #tpu.memory_space<vmem>>) target_semaphore(%run_scoped3A : memref<!tpu.dma_semaphore, #tpu.memory_space<semaphore_mem>>)
      %dma_wait3A_1580 = arith.constant 0 : i32
      %dma_wait3A_1581 = tpu.memref_slice %arg2[%dma_wait3A_1580, %mul3A_2] : memref<50x16384xi32, #tpu.memory_space<hbm>> -> memref<50x512xi32, #tpu.memory_space<hbm>>
      %dma_wait3A_1582 = arith.constant 0 : i32
      %dma_wait3A_1583 = tpu.memref_slice %arg2[%dma_wait3A_1582, %mul3A_2] : memref<50x16384xi32, #tpu.memory_space<hbm>> -> memref<50x512xi32, #tpu.memory_space<hbm>>
      tpu.wait_dma2 semaphore(%run_scoped3A : memref<!tpu.dma_semaphore, #tpu.memory_space<semaphore_mem>>) src(%dma_wait3A_1583 : memref<50x512xi32, #tpu.memory_space<hbm>>) dst(%arg6 : memref<50x512xi32, #tpu.memory_space<vmem>>)
      tpu.yield
    }) : () -> ()
    "tpu.region"() ({
      %run_scoped3A = tpu.sem_alloc : memref<!tpu.dma_semaphore, #tpu.memory_space<semaphore_mem>>
      tpu.enqueue_dma source(%arg4 : memref<16xf32, #tpu.memory_space<hbm>>) target(%arg9 : memref<16xf32, #tpu.memory_space<vmem>>) target_semaphore(%run_scoped3A : memref<!tpu.dma_semaphore, #tpu.memory_space<semaphore_mem>>)
      tpu.wait_dma2 semaphore(%run_scoped3A : memref<!tpu.dma_semaphore, #tpu.memory_space<semaphore_mem>>) src(%arg4 : memref<16xf32, #tpu.memory_space<hbm>>) dst(%arg9 : memref<16xf32, #tpu.memory_space<vmem>>)
      tpu.yield
    }) : () -> ()
    %get3A = arith.constant 0 : index
    %get3A_3 = tpu.vector_load %arg9[%get3A] {strides = array<i32>} : memref<16xf32, #tpu.memory_space<vmem>>, vector<16xf32>,
    %get3A_4 = vector.shape_cast %get3A_3 : vector<16xf32> to vector<16xf32>
    %swap3A = arith.constant 0 : index
    %swap3A_5 = tpu.vector_load %arg8[%swap3A] {strides = array<i32>} : memref<512xf32, #tpu.memory_space<vmem>>, vector<16xf32>,
    %swap3A_6 = vector.shape_cast %swap3A_5 : vector<16xf32> to vector<16xf32>
    %swap3A_7 = vector.shape_cast %get3A_4 : vector<16xf32> to vector<16xf32>
    tpu.vector_store %arg8[%swap3A], %swap3A_7 {strides = array<i32>} : memref<512xf32, #tpu.memory_space<vmem>>, vector<16xf32>,
    %swap3A_8 = arith.constant 16 : index
    %swap3A_9 = tpu.vector_load %arg8[%swap3A_8] {strides = array<i32>} : memref<512xf32, #tpu.memory_space<vmem>>, vector<16xf32>,
    %swap3A_10 = vector.shape_cast %swap3A_9 : vector<16xf32> to vector<16xf32>
    %swap3A_11 = vector.shape_cast %get3A_4 : vector<16xf32> to vector<16xf32>
    tpu.vector_store %arg8[%swap3A_8], %swap3A_11 {strides = array<i32>} : memref<512xf32, #tpu.memory_space<vmem>>, vector<16xf32>,
    %swap3A_12 = arith.constant 32 : index
    %swap3A_13 = tpu.vector_load %arg8[%swap3A_12] {strides = array<i32>} : memref<512xf32, #tpu.memory_space<vmem>>, vector<16xf32>,
    %swap3A_14 = vector.shape_cast %swap3A_13 : vector<16xf32> to vector<16xf32>
    %swap3A_15 = vector.shape_cast %get3A_4 : vector<16xf32> to vector<16xf32>
    tpu.vector_store %arg8[%swap3A_12], %swap3A_15 {strides = array<i32>} : memref<512xf32, #tpu.memory_space<vmem>>, vector<16xf32>,
    %swap3A_16 = arith.constant 48 : index
    %swap3A_17 = tpu.vector_load %arg8[%swap3A_16] {strides = array<i32>} : memref<512xf32, #tpu.memory_space<vmem>>, vector<16xf32>,
    %swap3A_18 = vector.shape_cast %swap3A_17 : vector<16xf32> to vector<16xf32>
    %swap3A_19 = vector.shape_cast %get3A_4 : vector<16xf32> to vector<16xf32>
    tpu.vector_store %arg8[%swap3A_16], %swap3A_19 {strides = array<i32>} : memref<512xf32, #tpu.memory_space<vmem>>, vector<16xf32>,
    %swap3A_20 = arith.constant 64 : index
    %swap3A_21 = tpu.vector_load %arg8[%swap3A_20] {strides = array<i32>} : memref<512xf32, #tpu.memory_space<vmem>>, vector<16xf32>,
    %swap3A_22 = vector.shape_cast %swap3A_21 : vector<16xf32> to vector<16xf32>
    %swap3A_23 = vector.shape_cast %get3A_4 : vector<16xf32> to vector<16xf32>
    tpu.vector_store %arg8[%swap3A_20], %swap3A_23 {strides = array<i32>} : memref<512xf32, #tpu.memory_space<vmem>>, vector<16xf32>,
    %swap3A_24 = arith.constant 80 : index
    %swap3A_25 = tpu.vector_load %arg8[%swap3A_24] {strides = array<i32>} : memref<512xf32, #tpu.memory_space<vmem>>, vector<16xf32>,
    %swap3A_26 = vector.shape_cast %swap3A_25 : vector<16xf32> to vector<16xf32>
    %swap3A_27 = vector.shape_cast %get3A_4 : vector<16xf32> to vector<16xf32>
    tpu.vector_store %arg8[%swap3A_24], %swap3A_27 {strides = array<i32>} : memref<512xf32, #tpu.memory_space<vmem>>, vector<16xf32>,
    %swap3A_28 = arith.constant 96 : index
    %swap3A_29 = tpu.vector_load %arg8[%swap3A_28] {strides = array<i32>} : memref<512xf32, #tpu.memory_space<vmem>>, vector<16xf32>,
    %swap3A_30 = vector.shape_cast %swap3A_29 : vector<16xf32> to vector<16xf32>
    %swap3A_31 = vector.shape_cast %get3A_4 : vector<16xf32> to vector<16xf32>
    tpu.vector_store %arg8[%swap3A_28], %swap3A_31 {strides = array<i32>} : memref<512xf32, #tpu.memory_space<vmem>>, vector<16xf32>,
    %swap3A_32 = arith.constant 112 : index
    %swap3A_33 = tpu.vector_load %arg8[%swap3A_32] {strides = array<i32>} : memref<512xf32, #tpu.memory_space<vmem>>, vector<16xf32>,
    %swap3A_34 = vector.shape_cast %swap3A_33 : vector<16xf32> to vector<16xf32>
    %swap3A_35 = vector.shape_cast %get3A_4 : vector<16xf32> to vector<16xf32>
    tpu.vector_store %arg8[%swap3A_32], %swap3A_35 {strides = array<i32>} : memref<512xf32, #tpu.memory_space<vmem>>, vector<16xf32>,
    %swap3A_36 = arith.constant 128 : index
    %swap3A_37 = tpu.vector_load %arg8[%swap3A_36] {strides = array<i32>} : memref<512xf32, #tpu.memory_space<vmem>>, vector<16xf32>,
    %swap3A_38 = vector.shape_cast %swap3A_37 : vector<16xf32> to vector<16xf32>
    %swap3A_39 = vector.shape_cast %get3A_4 : vector<16xf32> to vector<16xf32>
    tpu.vector_store %arg8[%swap3A_36], %swap3A_39 {strides = array<i32>} : memref<512xf32, #tpu.memory_space<vmem>>, vector<16xf32>,
    %swap3A_40 = arith.constant 144 : index
    %swap3A_41 = tpu.vector_load %arg8[%swap3A_40] {strides = array<i32>} : memref<512xf32, #tpu.memory_space<vmem>>, vector<16xf32>,
    %swap3A_42 = vector.shape_cast %swap3A_41 : vector<16xf32> to vector<16xf32>
    %swap3A_43 = vector.shape_cast %get3A_4 : vector<16xf32> to vector<16xf32>
    tpu.vector_store %arg8[%swap3A_40], %swap3A_43 {strides = array<i32>} : memref<512xf32, #tpu.memory_space<vmem>>, vector<16xf32>,
    %swap3A_44 = arith.constant 160 : index
    %swap3A_45 = tpu.vector_load %arg8[%swap3A_44] {strides = array<i32>} : memref<512xf32, #tpu.memory_space<vmem>>, vector<16xf32>,
    %swap3A_46 = vector.shape_cast %swap3A_45 : vector<16xf32> to vector<16xf32>
    %swap3A_47 = vector.shape_cast %get3A_4 : vector<16xf32> to vector<16xf32>
    tpu.vector_store %arg8[%swap3A_44], %swap3A_47 {strides = array<i32>} : memref<512xf32, #tpu.memory_space<vmem>>, vector<16xf32>,
    %swap3A_48 = arith.constant 176 : index
    %swap3A_49 = tpu.vector_load %arg8[%swap3A_48] {strides = array<i32>} : memref<512xf32, #tpu.memory_space<vmem>>, vector<16xf32>,
    %swap3A_50 = vector.shape_cast %swap3A_49 : vector<16xf32> to vector<16xf32>
    %swap3A_51 = vector.shape_cast %get3A_4 : vector<16xf32> to vector<16xf32>
    tpu.vector_store %arg8[%swap3A_48], %swap3A_51 {strides = array<i32>} : memref<512xf32, #tpu.memory_space<vmem>>, vector<16xf32>,
    %swap3A_52 = arith.constant 192 : index
    %swap3A_53 = tpu.vector_load %arg8[%swap3A_52] {strides = array<i32>} : memref<512xf32, #tpu.memory_space<vmem>>, vector<16xf32>,
    %swap3A_54 = vector.shape_cast %swap3A_53 : vector<16xf32> to vector<16xf32>
    %swap3A_55 = vector.shape_cast %get3A_4 : vector<16xf32> to vector<16xf32>
    tpu.vector_store %arg8[%swap3A_52], %swap3A_55 {strides = array<i32>} : memref<512xf32, #tpu.memory_space<vmem>>, vector<16xf32>,
    %swap3A_56 = arith.constant 208 : index
    %swap3A_57 = tpu.vector_load %arg8[%swap3A_56] {strides = array<i32>} : memref<512xf32, #tpu.memory_space<vmem>>, vector<16xf32>,
    %swap3A_58 = vector.shape_cast %swap3A_57 : vector<16xf32> to vector<16xf32>
    %swap3A_59 = vector.shape_cast %get3A_4 : vector<16xf32> to vector<16xf32>
    tpu.vector_store %arg8[%swap3A_56], %swap3A_59 {strides = array<i32>} : memref<512xf32, #tpu.memory_space<vmem>>, vector<16xf32>,
    %swap3A_60 = arith.constant 224 : index
    %swap3A_61 = tpu.vector_load %arg8[%swap3A_60] {strides = array<i32>} : memref<512xf32, #tpu.memory_space<vmem>>, vector<16xf32>,
    %swap3A_62 = vector.shape_cast %swap3A_61 : vector<16xf32> to vector<16xf32>
    %swap3A_63 = vector.shape_cast %get3A_4 : vector<16xf32> to vector<16xf32>
    tpu.vector_store %arg8[%swap3A_60], %swap3A_63 {strides = array<i32>} : memref<512xf32, #tpu.memory_space<vmem>>, vector<16xf32>,
    %swap3A_64 = arith.constant 240 : index
    %swap3A_65 = tpu.vector_load %arg8[%swap3A_64] {strides = array<i32>} : memref<512xf32, #tpu.memory_space<vmem>>, vector<16xf32>,
    %swap3A_66 = vector.shape_cast %swap3A_65 : vector<16xf32> to vector<16xf32>
    %swap3A_67 = vector.shape_cast %get3A_4 : vector<16xf32> to vector<16xf32>
    tpu.vector_store %arg8[%swap3A_64], %swap3A_67 {strides = array<i32>} : memref<512xf32, #tpu.memory_space<vmem>>, vector<16xf32>,
    %swap3A_68 = arith.constant 256 : index
    %swap3A_69 = tpu.vector_load %arg8[%swap3A_68] {strides = array<i32>} : memref<512xf32, #tpu.memory_space<vmem>>, vector<16xf32>,
    %swap3A_70 = vector.shape_cast %swap3A_69 : vector<16xf32> to vector<16xf32>
    %swap3A_71 = vector.shape_cast %get3A_4 : vector<16xf32> to vector<16xf32>
    tpu.vector_store %arg8[%swap3A_68], %swap3A_71 {strides = array<i32>} : memref<512xf32, #tpu.memory_space<vmem>>, vector<16xf32>,
    %swap3A_72 = arith.constant 272 : index
    %swap3A_73 = tpu.vector_load %arg8[%swap3A_72] {strides = array<i32>} : memref<512xf32, #tpu.memory_space<vmem>>, vector<16xf32>,
    %swap3A_74 = vector.shape_cast %swap3A_73 : vector<16xf32> to vector<16xf32>
    %swap3A_75 = vector.shape_cast %get3A_4 : vector<16xf32> to vector<16xf32>
    tpu.vector_store %arg8[%swap3A_72], %swap3A_75 {strides = array<i32>} : memref<512xf32, #tpu.memory_space<vmem>>, vector<16xf32>,
    %swap3A_76 = arith.constant 288 : index
    %swap3A_77 = tpu.vector_load %arg8[%swap3A_76] {strides = array<i32>} : memref<512xf32, #tpu.memory_space<vmem>>, vector<16xf32>,
    %swap3A_78 = vector.shape_cast %swap3A_77 : vector<16xf32> to vector<16xf32>
    %swap3A_79 = vector.shape_cast %get3A_4 : vector<16xf32> to vector<16xf32>
    tpu.vector_store %arg8[%swap3A_76], %swap3A_79 {strides = array<i32>} : memref<512xf32, #tpu.memory_space<vmem>>, vector<16xf32>,
    %swap3A_80 = arith.constant 304 : index
    %swap3A_81 = tpu.vector_load %arg8[%swap3A_80] {strides = array<i32>} : memref<512xf32, #tpu.memory_space<vmem>>, vector<16xf32>,
    %swap3A_82 = vector.shape_cast %swap3A_81 : vector<16xf32> to vector<16xf32>
    %swap3A_83 = vector.shape_cast %get3A_4 : vector<16xf32> to vector<16xf32>
    tpu.vector_store %arg8[%swap3A_80], %swap3A_83 {strides = array<i32>} : memref<512xf32, #tpu.memory_space<vmem>>, vector<16xf32>,
    %swap3A_84 = arith.constant 320 : index
    %swap3A_85 = tpu.vector_load %arg8[%swap3A_84] {strides = array<i32>} : memref<512xf32, #tpu.memory_space<vmem>>, vector<16xf32>,
    %swap3A_86 = vector.shape_cast %swap3A_85 : vector<16xf32> to vector<16xf32>
    %swap3A_87 = vector.shape_cast %get3A_4 : vector<16xf32> to vector<16xf32>
    tpu.vector_store %arg8[%swap3A_84], %swap3A_87 {strides = array<i32>} : memref<512xf32, #tpu.memory_space<vmem>>, vector<16xf32>,
    %swap3A_88 = arith.constant 336 : index
    %swap3A_89 = tpu.vector_load %arg8[%swap3A_88] {strides = array<i32>} : memref<512xf32, #tpu.memory_space<vmem>>, vector<16xf32>,
    %swap3A_90 = vector.shape_cast %swap3A_89 : vector<16xf32> to vector<16xf32>
    %swap3A_91 = vector.shape_cast %get3A_4 : vector<16xf32> to vector<16xf32>
    tpu.vector_store %arg8[%swap3A_88], %swap3A_91 {strides = array<i32>} : memref<512xf32, #tpu.memory_space<vmem>>, vector<16xf32>,
    %swap3A_92 = arith.constant 352 : index
    %swap3A_93 = tpu.vector_load %arg8[%swap3A_92] {strides = array<i32>} : memref<512xf32, #tpu.memory_space<vmem>>, vector<16xf32>,
    %swap3A_94 = vector.shape_cast %swap3A_93 : vector<16xf32> to vector<16xf32>
    %swap3A_95 = vector.shape_cast %get3A_4 : vector<16xf32> to vector<16xf32>
    tpu.vector_store %arg8[%swap3A_92], %swap3A_95 {strides = array<i32>} : memref<512xf32, #tpu.memory_space<vmem>>, vector<16xf32>,
    %swap3A_96 = arith.constant 368 : index
    %swap3A_97 = tpu.vector_load %arg8[%swap3A_96] {strides = array<i32>} : memref<512xf32, #tpu.memory_space<vmem>>, vector<16xf32>,
    %swap3A_98 = vector.shape_cast %swap3A_97 : vector<16xf32> to vector<16xf32>
    %swap3A_99 = vector.shape_cast %get3A_4 : vector<16xf32> to vector<16xf32>
    tpu.vector_store %arg8[%swap3A_96], %swap3A_99 {strides = array<i32>} : memref<512xf32, #tpu.memory_space<vmem>>, vector<16xf32>,
    %swap3A_100 = arith.constant 384 : index
    %swap3A_101 = tpu.vector_load %arg8[%swap3A_100] {strides = array<i32>} : memref<512xf32, #tpu.memory_space<vmem>>, vector<16xf32>,
    %swap3A_102 = vector.shape_cast %swap3A_101 : vector<16xf32> to vector<16xf32>
    %swap3A_103 = vector.shape_cast %get3A_4 : vector<16xf32> to vector<16xf32>
    tpu.vector_store %arg8[%swap3A_100], %swap3A_103 {strides = array<i32>} : memref<512xf32, #tpu.memory_space<vmem>>, vector<16xf32>,
    %swap3A_104 = arith.constant 400 : index
    %swap3A_105 = tpu.vector_load %arg8[%swap3A_104] {strides = array<i32>} : memref<512xf32, #tpu.memory_space<vmem>>, vector<16xf32>,
    %swap3A_106 = vector.shape_cast %swap3A_105 : vector<16xf32> to vector<16xf32>
    %swap3A_107 = vector.shape_cast %get3A_4 : vector<16xf32> to vector<16xf32>
    tpu.vector_store %arg8[%swap3A_104], %swap3A_107 {strides = array<i32>} : memref<512xf32, #tpu.memory_space<vmem>>, vector<16xf32>,
    %swap3A_108 = arith.constant 416 : index
    %swap3A_109 = tpu.vector_load %arg8[%swap3A_108] {strides = array<i32>} : memref<512xf32, #tpu.memory_space<vmem>>, vector<16xf32>,
    %swap3A_110 = vector.shape_cast %swap3A_109 : vector<16xf32> to vector<16xf32>
    %swap3A_111 = vector.shape_cast %get3A_4 : vector<16xf32> to vector<16xf32>
    tpu.vector_store %arg8[%swap3A_108], %swap3A_111 {strides = array<i32>} : memref<512xf32, #tpu.memory_space<vmem>>, vector<16xf32>,
    %swap3A_112 = arith.constant 432 : index
    %swap3A_113 = tpu.vector_load %arg8[%swap3A_112] {strides = array<i32>} : memref<512xf32, #tpu.memory_space<vmem>>, vector<16xf32>,
    %swap3A_114 = vector.shape_cast %swap3A_113 : vector<16xf32> to vector<16xf32>
    %swap3A_115 = vector.shape_cast %get3A_4 : vector<16xf32> to vector<16xf32>
    tpu.vector_store %arg8[%swap3A_112], %swap3A_115 {strides = array<i32>} : memref<512xf32, #tpu.memory_space<vmem>>, vector<16xf32>,
    %swap3A_116 = arith.constant 448 : index
    %swap3A_117 = tpu.vector_load %arg8[%swap3A_116] {strides = array<i32>} : memref<512xf32, #tpu.memory_space<vmem>>, vector<16xf32>,
    %swap3A_118 = vector.shape_cast %swap3A_117 : vector<16xf32> to vector<16xf32>
    %swap3A_119 = vector.shape_cast %get3A_4 : vector<16xf32> to vector<16xf32>
    tpu.vector_store %arg8[%swap3A_116], %swap3A_119 {strides = array<i32>} : memref<512xf32, #tpu.memory_space<vmem>>, vector<16xf32>,
    %swap3A_120 = arith.constant 464 : index
    %swap3A_121 = tpu.vector_load %arg8[%swap3A_120] {strides = array<i32>} : memref<512xf32, #tpu.memory_space<vmem>>, vector<16xf32>,
    %swap3A_122 = vector.shape_cast %swap3A_121 : vector<16xf32> to vector<16xf32>
    %swap3A_123 = vector.shape_cast %get3A_4 : vector<16xf32> to vector<16xf32>
    tpu.vector_store %arg8[%swap3A_120], %swap3A_123 {strides = array<i32>} : memref<512xf32, #tpu.memory_space<vmem>>, vector<16xf32>,
    %swap3A_124 = arith.constant 480 : index
    %swap3A_125 = tpu.vector_load %arg8[%swap3A_124] {strides = array<i32>} : memref<512xf32, #tpu.memory_space<vmem>>, vector<16xf32>,
    %swap3A_126 = vector.shape_cast %swap3A_125 : vector<16xf32> to vector<16xf32>
    %swap3A_127 = vector.shape_cast %get3A_4 : vector<16xf32> to vector<16xf32>
    tpu.vector_store %arg8[%swap3A_124], %swap3A_127 {strides = array<i32>} : memref<512xf32, #tpu.memory_space<vmem>>, vector<16xf32>,
    %swap3A_128 = arith.constant 496 : index
    %swap3A_129 = tpu.vector_load %arg8[%swap3A_128] {strides = array<i32>} : memref<512xf32, #tpu.memory_space<vmem>>, vector<16xf32>,
    %swap3A_130 = vector.shape_cast %swap3A_129 : vector<16xf32> to vector<16xf32>
    %swap3A_131 = vector.shape_cast %get3A_4 : vector<16xf32> to vector<16xf32>
    tpu.vector_store %arg8[%swap3A_128], %swap3A_131 {strides = array<i32>} : memref<512xf32, #tpu.memory_space<vmem>>, vector<16xf32>,
    %dma_start3A = arith.constant 0 : i32
    %dma_start3A_132 = arith.constant 0 : i32
    %dma_start3A_133 = tpu.memref_slice %arg7[%dma_start3A_132] : memref<25600xf32, #tpu.memory_space<vmem>> -> memref<128xf32, #tpu.memory_space<vmem>>
    %dma_start3A_134 = arith.constant 0 : i32
    %dma_start3A_135 = tpu.memref_slice %arg6[%dma_start3A, %dma_start3A_134] : memref<50x512xi32, #tpu.memory_space<vmem>> -> memref<1x128xi32, #tpu.memory_space<vmem>>
    %dma_start3A_136 = tpu.memref_squeeze %dma_start3A_135 : memref<1x128xi32, #tpu.memory_space<vmem>> -> memref<128xi32, #tpu.memory_space<vmem>>
    %dma_start3A_137 = arith.constant 0 : i32
    %dma_start3A_138 = tpu.memref_slice %arg3[%dma_start3A_137] : memref<1048576xf32, #tpu.memory_space<hbm>> -> memref<1048576xf32, #tpu.memory_space<hbm>>
    tpu.enqueue_indirect_dma source(%dma_start3A_138 : memref<1048576xf32, #tpu.memory_space<hbm>>) target(%dma_start3A_133 : memref<128xf32, #tpu.memory_space<vmem>>) offsets(%dma_start3A_136 : memref<128xi32, #tpu.memory_space<vmem>>) semaphore(%arg10 : memref<!tpu.dma_semaphore, #tpu.memory_space<semaphore_mem>>)
    %dma_start3A_139 = arith.constant 0 : i32
    %dma_start3A_140 = arith.constant 128 : i32
    %dma_start3A_141 = tpu.memref_slice %arg7[%dma_start3A_140] : memref<25600xf32, #tpu.memory_space<vmem>> -> memref<128xf32, #tpu.memory_space<vmem>>
    %dma_start3A_142 = arith.constant 128 : i32
    %dma_start3A_143 = tpu.memref_slice %arg6[%dma_start3A_139, %dma_start3A_142] : memref<50x512xi32, #tpu.memory_space<vmem>> -> memref<1x128xi32, #tpu.memory_space<vmem>>
    %dma_start3A_144 = tpu.memref_squeeze %dma_start3A_143 : memref<1x128xi32, #tpu.memory_space<vmem>> -> memref<128xi32, #tpu.memory_space<vmem>>
    %dma_start3A_145 = arith.constant 0 : i32
    %dma_start3A_146 = tpu.memref_slice %arg3[%dma_start3A_145] : memref<1048576xf32, #tpu.memory_space<hbm>> -> memref<1048576xf32, #tpu.memory_space<hbm>>
    tpu.enqueue_indirect_dma source(%dma_start3A_146 : memref<1048576xf32, #tpu.memory_space<hbm>>) target(%dma_start3A_141 : memref<128xf32, #tpu.memory_space<vmem>>) offsets(%dma_start3A_144 : memref<128xi32, #tpu.memory_space<vmem>>) semaphore(%arg10 : memref<!tpu.dma_semaphore, #tpu.memory_space<semaphore_mem>>)
    %dma_start3A_147 = arith.constant 0 : i32
    %dma_start3A_148 = arith.constant 256 : i32
    %dma_start3A_149 = tpu.memref_slice %arg7[%dma_start3A_148] : memref<25600xf32, #tpu.memory_space<vmem>> -> memref<128xf32, #tpu.memory_space<vmem>>
    %dma_start3A_150 = arith.constant 256 : i32
    %dma_start3A_151 = tpu.memref_slice %arg6[%dma_start3A_147, %dma_start3A_150] : memref<50x512xi32, #tpu.memory_space<vmem>> -> memref<1x128xi32, #tpu.memory_space<vmem>>
    %dma_start3A_152 = tpu.memref_squeeze %dma_start3A_151 : memref<1x128xi32, #tpu.memory_space<vmem>> -> memref<128xi32, #tpu.memory_space<vmem>>
    %dma_start3A_153 = arith.constant 0 : i32
    %dma_start3A_154 = tpu.memref_slice %arg3[%dma_start3A_153] : memref<1048576xf32, #tpu.memory_space<hbm>> -> memref<1048576xf32, #tpu.memory_space<hbm>>
    tpu.enqueue_indirect_dma source(%dma_start3A_154 : memref<1048576xf32, #tpu.memory_space<hbm>>) target(%dma_start3A_149 : memref<128xf32, #tpu.memory_space<vmem>>) offsets(%dma_start3A_152 : memref<128xi32, #tpu.memory_space<vmem>>) semaphore(%arg10 : memref<!tpu.dma_semaphore, #tpu.memory_space<semaphore_mem>>)
    %dma_start3A_155 = arith.constant 0 : i32
    %dma_start3A_156 = arith.constant 384 : i32
    %dma_start3A_157 = tpu.memref_slice %arg7[%dma_start3A_156] : memref<25600xf32, #tpu.memory_space<vmem>> -> memref<128xf32, #tpu.memory_space<vmem>>
    %dma_start3A_158 = arith.constant 384 : i32
    %dma_start3A_159 = tpu.memref_slice %arg6[%dma_start3A_155, %dma_start3A_158] : memref<50x512xi32, #tpu.memory_space<vmem>> -> memref<1x128xi32, #tpu.memory_space<vmem>>
    %dma_start3A_160 = tpu.memref_squeeze %dma_start3A_159 : memref<1x128xi32, #tpu.memory_space<vmem>> -> memref<128xi32, #tpu.memory_space<vmem>>
    %dma_start3A_161 = arith.constant 0 : i32
    %dma_start3A_162 = tpu.memref_slice %arg3[%dma_start3A_161] : memref<1048576xf32, #tpu.memory_space<hbm>> -> memref<1048576xf32, #tpu.memory_space<hbm>>
    tpu.enqueue_indirect_dma source(%dma_start3A_162 : memref<1048576xf32, #tpu.memory_space<hbm>>) target(%dma_start3A_157 : memref<128xf32, #tpu.memory_space<vmem>>) offsets(%dma_start3A_160 : memref<128xi32, #tpu.memory_space<vmem>>) semaphore(%arg10 : memref<!tpu.dma_semaphore, #tpu.memory_space<semaphore_mem>>)
    %dma_start3A_163 = arith.constant 1 : i32
    %dma_start3A_164 = arith.constant 512 : i32
    %dma_start3A_165 = tpu.memref_slice %arg7[%dma_start3A_164] : memref<25600xf32, #tpu.memory_space<vmem>> -> memref<128xf32, #tpu.memory_space<vmem>>
    %dma_start3A_166 = arith.constant 0 : i32
    %dma_start3A_167 = tpu.memref_slice %arg6[%dma_start3A_163, %dma_start3A_166] : memref<50x512xi32, #tpu.memory_space<vmem>> -> memref<1x128xi32, #tpu.memory_space<vmem>>
    %dma_start3A_168 = tpu.memref_squeeze %dma_start3A_167 : memref<1x128xi32, #tpu.memory_space<vmem>> -> memref<128xi32, #tpu.memory_space<vmem>>
    %dma_start3A_169 = arith.constant 0 : i32
    %dma_start3A_170 = tpu.memref_slice %arg3[%dma_start3A_169] : memref<1048576xf32, #tpu.memory_space<hbm>> -> memref<1048576xf32, #tpu.memory_space<hbm>>
    tpu.enqueue_indirect_dma source(%dma_start3A_170 : memref<1048576xf32, #tpu.memory_space<hbm>>) target(%dma_start3A_165 : memref<128xf32, #tpu.memory_space<vmem>>) offsets(%dma_start3A_168 : memref<128xi32, #tpu.memory_space<vmem>>) semaphore(%arg10 : memref<!tpu.dma_semaphore, #tpu.memory_space<semaphore_mem>>)
    %dma_start3A_171 = arith.constant 1 : i32
    %dma_start3A_172 = arith.constant 640 : i32
    %dma_start3A_173 = tpu.memref_slice %arg7[%dma_start3A_172] : memref<25600xf32, #tpu.memory_space<vmem>> -> memref<128xf32, #tpu.memory_space<vmem>>
    %dma_start3A_174 = arith.constant 128 : i32
    %dma_start3A_175 = tpu.memref_slice %arg6[%dma_start3A_171, %dma_start3A_174] : memref<50x512xi32, #tpu.memory_space<vmem>> -> memref<1x128xi32, #tpu.memory_space<vmem>>
    %dma_start3A_176 = tpu.memref_squeeze %dma_start3A_175 : memref<1x128xi32, #tpu.memory_space<vmem>> -> memref<128xi32, #tpu.memory_space<vmem>>
    %dma_start3A_177 = arith.constant 0 : i32
    %dma_start3A_178 = tpu.memref_slice %arg3[%dma_start3A_177] : memref<1048576xf32, #tpu.memory_space<hbm>> -> memref<1048576xf32, #tpu.memory_space<hbm>>
    tpu.enqueue_indirect_dma source(%dma_start3A_178 : memref<1048576xf32, #tpu.memory_space<hbm>>) target(%dma_start3A_173 : memref<128xf32, #tpu.memory_space<vmem>>) offsets(%dma_start3A_176 : memref<128xi32, #tpu.memory_space<vmem>>) semaphore(%arg10 : memref<!tpu.dma_semaphore, #tpu.memory_space<semaphore_mem>>)
    %dma_start3A_179 = arith.constant 1 : i32
    %dma_start3A_180 = arith.constant 768 : i32
    %dma_start3A_181 = tpu.memref_slice %arg7[%dma_start3A_180] : memref<25600xf32, #tpu.memory_space<vmem>> -> memref<128xf32, #tpu.memory_space<vmem>>
    %dma_start3A_182 = arith.constant 256 : i32
    %dma_start3A_183 = tpu.memref_slice %arg6[%dma_start3A_179, %dma_start3A_182] : memref<50x512xi32, #tpu.memory_space<vmem>> -> memref<1x128xi32, #tpu.memory_space<vmem>>
    %dma_start3A_184 = tpu.memref_squeeze %dma_start3A_183 : memref<1x128xi32, #tpu.memory_space<vmem>> -> memref<128xi32, #tpu.memory_space<vmem>>
    %dma_start3A_185 = arith.constant 0 : i32
    %dma_start3A_186 = tpu.memref_slice %arg3[%dma_start3A_185] : memref<1048576xf32, #tpu.memory_space<hbm>> -> memref<1048576xf32, #tpu.memory_space<hbm>>
    tpu.enqueue_indirect_dma source(%dma_start3A_186 : memref<1048576xf32, #tpu.memory_space<hbm>>) target(%dma_start3A_181 : memref<128xf32, #tpu.memory_space<vmem>>) offsets(%dma_start3A_184 : memref<128xi32, #tpu.memory_space<vmem>>) semaphore(%arg10 : memref<!tpu.dma_semaphore, #tpu.memory_space<semaphore_mem>>)
    %dma_start3A_187 = arith.constant 1 : i32
    %dma_start3A_188 = arith.constant 896 : i32
    %dma_start3A_189 = tpu.memref_slice %arg7[%dma_start3A_188] : memref<25600xf32, #tpu.memory_space<vmem>> -> memref<128xf32, #tpu.memory_space<vmem>>
    %dma_start3A_190 = arith.constant 384 : i32
    %dma_start3A_191 = tpu.memref_slice %arg6[%dma_start3A_187, %dma_start3A_190] : memref<50x512xi32, #tpu.memory_space<vmem>> -> memref<1x128xi32, #tpu.memory_space<vmem>>
    %dma_start3A_192 = tpu.memref_squeeze %dma_start3A_191 : memref<1x128xi32, #tpu.memory_space<vmem>> -> memref<128xi32, #tpu.memory_space<vmem>>
    %dma_start3A_193 = arith.constant 0 : i32
    %dma_start3A_194 = tpu.memref_slice %arg3[%dma_start3A_193] : memref<1048576xf32, #tpu.memory_space<hbm>> -> memref<1048576xf32, #tpu.memory_space<hbm>>
    tpu.enqueue_indirect_dma source(%dma_start3A_194 : memref<1048576xf32, #tpu.memory_space<hbm>>) target(%dma_start3A_189 : memref<128xf32, #tpu.memory_space<vmem>>) offsets(%dma_start3A_192 : memref<128xi32, #tpu.memory_space<vmem>>) semaphore(%arg10 : memref<!tpu.dma_semaphore, #tpu.memory_space<semaphore_mem>>)
    %dma_start3A_195 = arith.constant 2 : i32
    %dma_start3A_196 = arith.constant 1024 : i32
    %dma_start3A_197 = tpu.memref_slice %arg7[%dma_start3A_196] : memref<25600xf32, #tpu.memory_space<vmem>> -> memref<128xf32, #tpu.memory_space<vmem>>
    %dma_start3A_198 = arith.constant 0 : i32
    %dma_start3A_199 = tpu.memref_slice %arg6[%dma_start3A_195, %dma_start3A_198] : memref<50x512xi32, #tpu.memory_space<vmem>> -> memref<1x128xi32, #tpu.memory_space<vmem>>
    %dma_start3A_200 = tpu.memref_squeeze %dma_start3A_199 : memref<1x128xi32, #tpu.memory_space<vmem>> -> memref<128xi32, #tpu.memory_space<vmem>>
    %dma_start3A_201 = arith.constant 0 : i32
    %dma_start3A_202 = tpu.memref_slice %arg3[%dma_start3A_201] : memref<1048576xf32, #tpu.memory_space<hbm>> -> memref<1048576xf32, #tpu.memory_space<hbm>>
    tpu.enqueue_indirect_dma source(%dma_start3A_202 : memref<1048576xf32, #tpu.memory_space<hbm>>) target(%dma_start3A_197 : memref<128xf32, #tpu.memory_space<vmem>>) offsets(%dma_start3A_200 : memref<128xi32, #tpu.memory_space<vmem>>) semaphore(%arg10 : memref<!tpu.dma_semaphore, #tpu.memory_space<semaphore_mem>>)
    %dma_start3A_203 = arith.constant 2 : i32
    %dma_start3A_204 = arith.constant 1152 : i32
    %dma_start3A_205 = tpu.memref_slice %arg7[%dma_start3A_204] : memref<25600xf32, #tpu.memory_space<vmem>> -> memref<128xf32, #tpu.memory_space<vmem>>
    %dma_start3A_206 = arith.constant 128 : i32
    %dma_start3A_207 = tpu.memref_slice %arg6[%dma_start3A_203, %dma_start3A_206] : memref<50x512xi32, #tpu.memory_space<vmem>> -> memref<1x128xi32, #tpu.memory_space<vmem>>
    %dma_start3A_208 = tpu.memref_squeeze %dma_start3A_207 : memref<1x128xi32, #tpu.memory_space<vmem>> -> memref<128xi32, #tpu.memory_space<vmem>>
    %dma_start3A_209 = arith.constant 0 : i32
    %dma_start3A_210 = tpu.memref_slice %arg3[%dma_start3A_209] : memref<1048576xf32, #tpu.memory_space<hbm>> -> memref<1048576xf32, #tpu.memory_space<hbm>>
    tpu.enqueue_indirect_dma source(%dma_start3A_210 : memref<1048576xf32, #tpu.memory_space<hbm>>) target(%dma_start3A_205 : memref<128xf32, #tpu.memory_space<vmem>>) offsets(%dma_start3A_208 : memref<128xi32, #tpu.memory_space<vmem>>) semaphore(%arg10 : memref<!tpu.dma_semaphore, #tpu.memory_space<semaphore_mem>>)
    %dma_start3A_211 = arith.constant 2 : i32
    %dma_start3A_212 = arith.constant 1280 : i32
    %dma_start3A_213 = tpu.memref_slice %arg7[%dma_start3A_212] : memref<25600xf32, #tpu.memory_space<vmem>> -> memref<128xf32, #tpu.memory_space<vmem>>
    %dma_start3A_214 = arith.constant 256 : i32
    %dma_start3A_215 = tpu.memref_slice %arg6[%dma_start3A_211, %dma_start3A_214] : memref<50x512xi32, #tpu.memory_space<vmem>> -> memref<1x128xi32, #tpu.memory_space<vmem>>
    %dma_start3A_216 = tpu.memref_squeeze %dma_start3A_215 : memref<1x128xi32, #tpu.memory_space<vmem>> -> memref<128xi32, #tpu.memory_space<vmem>>
    %dma_start3A_217 = arith.constant 0 : i32
    %dma_start3A_218 = tpu.memref_slice %arg3[%dma_start3A_217] : memref<1048576xf32, #tpu.memory_space<hbm>> -> memref<1048576xf32, #tpu.memory_space<hbm>>
    tpu.enqueue_indirect_dma source(%dma_start3A_218 : memref<1048576xf32, #tpu.memory_space<hbm>>) target(%dma_start3A_213 : memref<128xf32, #tpu.memory_space<vmem>>) offsets(%dma_start3A_216 : memref<128xi32, #tpu.memory_space<vmem>>) semaphore(%arg11 : memref<!tpu.dma_semaphore, #tpu.memory_space<semaphore_mem>>)
    %dma_start3A_219 = arith.constant 2 : i32
    %dma_start3A_220 = arith.constant 1408 : i32
    %dma_start3A_221 = tpu.memref_slice %arg7[%dma_start3A_220] : memref<25600xf32, #tpu.memory_space<vmem>> -> memref<128xf32, #tpu.memory_space<vmem>>
    %dma_start3A_222 = arith.constant 384 : i32
    %dma_start3A_223 = tpu.memref_slice %arg6[%dma_start3A_219, %dma_start3A_222] : memref<50x512xi32, #tpu.memory_space<vmem>> -> memref<1x128xi32, #tpu.memory_space<vmem>>
    %dma_start3A_224 = tpu.memref_squeeze %dma_start3A_223 : memref<1x128xi32, #tpu.memory_space<vmem>> -> memref<128xi32, #tpu.memory_space<vmem>>
    %dma_start3A_225 = arith.constant 0 : i32
    %dma_start3A_226 = tpu.memref_slice %arg3[%dma_start3A_225] : memref<1048576xf32, #tpu.memory_space<hbm>> -> memref<1048576xf32, #tpu.memory_space<hbm>>
    tpu.enqueue_indirect_dma source(%dma_start3A_226 : memref<1048576xf32, #tpu.memory_space<hbm>>) target(%dma_start3A_221 : memref<128xf32, #tpu.memory_space<vmem>>) offsets(%dma_start3A_224 : memref<128xi32, #tpu.memory_space<vmem>>) semaphore(%arg11 : memref<!tpu.dma_semaphore, #tpu.memory_space<semaphore_mem>>)
    %dma_start3A_227 = arith.constant 3 : i32
    %dma_start3A_228 = arith.constant 1536 : i32
    %dma_start3A_229 = tpu.memref_slice %arg7[%dma_start3A_228] : memref<25600xf32, #tpu.memory_space<vmem>> -> memref<128xf32, #tpu.memory_space<vmem>>
    %dma_start3A_230 = arith.constant 0 : i32
    %dma_start3A_231 = tpu.memref_slice %arg6[%dma_start3A_227, %dma_start3A_230] : memref<50x512xi32, #tpu.memory_space<vmem>> -> memref<1x128xi32, #tpu.memory_space<vmem>>
    %dma_start3A_232 = tpu.memref_squeeze %dma_start3A_231 : memref<1x128xi32, #tpu.memory_space<vmem>> -> memref<128xi32, #tpu.memory_space<vmem>>
    %dma_start3A_233 = arith.constant 0 : i32
    %dma_start3A_234 = tpu.memref_slice %arg3[%dma_start3A_233] : memref<1048576xf32, #tpu.memory_space<hbm>> -> memref<1048576xf32, #tpu.memory_space<hbm>>
    tpu.enqueue_indirect_dma source(%dma_start3A_234 : memref<1048576xf32, #tpu.memory_space<hbm>>) target(%dma_start3A_229 : memref<128xf32, #tpu.memory_space<vmem>>) offsets(%dma_start3A_232 : memref<128xi32, #tpu.memory_space<vmem>>) semaphore(%arg11 : memref<!tpu.dma_semaphore, #tpu.memory_space<semaphore_mem>>)
    %dma_start3A_235 = arith.constant 3 : i32
    %dma_start3A_236 = arith.constant 1664 : i32
    %dma_start3A_237 = tpu.memref_slice %arg7[%dma_start3A_236] : memref<25600xf32, #tpu.memory_space<vmem>> -> memref<128xf32, #tpu.memory_space<vmem>>
    %dma_start3A_238 = arith.constant 128 : i32
    %dma_start3A_239 = tpu.memref_slice %arg6[%dma_start3A_235, %dma_start3A_238] : memref<50x512xi32, #tpu.memory_space<vmem>> -> memref<1x128xi32, #tpu.memory_space<vmem>>
    %dma_start3A_240 = tpu.memref_squeeze %dma_start3A_239 : memref<1x128xi32, #tpu.memory_space<vmem>> -> memref<128xi32, #tpu.memory_space<vmem>>
    %dma_start3A_241 = arith.constant 0 : i32
    %dma_start3A_242 = tpu.memref_slice %arg3[%dma_start3A_241] : memref<1048576xf32, #tpu.memory_space<hbm>> -> memref<1048576xf32, #tpu.memory_space<hbm>>
    tpu.enqueue_indirect_dma source(%dma_start3A_242 : memref<1048576xf32, #tpu.memory_space<hbm>>) target(%dma_start3A_237 : memref<128xf32, #tpu.memory_space<vmem>>) offsets(%dma_start3A_240 : memref<128xi32, #tpu.memory_space<vmem>>) semaphore(%arg11 : memref<!tpu.dma_semaphore, #tpu.memory_space<semaphore_mem>>)
    %dma_start3A_243 = arith.constant 3 : i32
    %dma_start3A_244 = arith.constant 1792 : i32
    %dma_start3A_245 = tpu.memref_slice %arg7[%dma_start3A_244] : memref<25600xf32, #tpu.memory_space<vmem>> -> memref<128xf32, #tpu.memory_space<vmem>>
    %dma_start3A_246 = arith.constant 256 : i32
    %dma_start3A_247 = tpu.memref_slice %arg6[%dma_start3A_243, %dma_start3A_246] : memref<50x512xi32, #tpu.memory_space<vmem>> -> memref<1x128xi32, #tpu.memory_space<vmem>>
    %dma_start3A_248 = tpu.memref_squeeze %dma_start3A_247 : memref<1x128xi32, #tpu.memory_space<vmem>> -> memref<128xi32, #tpu.memory_space<vmem>>
    %dma_start3A_249 = arith.constant 0 : i32
    %dma_start3A_250 = tpu.memref_slice %arg3[%dma_start3A_249] : memref<1048576xf32, #tpu.memory_space<hbm>> -> memref<1048576xf32, #tpu.memory_space<hbm>>
    tpu.enqueue_indirect_dma source(%dma_start3A_250 : memref<1048576xf32, #tpu.memory_space<hbm>>) target(%dma_start3A_245 : memref<128xf32, #tpu.memory_space<vmem>>) offsets(%dma_start3A_248 : memref<128xi32, #tpu.memory_space<vmem>>) semaphore(%arg11 : memref<!tpu.dma_semaphore, #tpu.memory_space<semaphore_mem>>)
    %dma_start3A_251 = arith.constant 3 : i32
    %dma_start3A_252 = arith.constant 1920 : i32
    %dma_start3A_253 = tpu.memref_slice %arg7[%dma_start3A_252] : memref<25600xf32, #tpu.memory_space<vmem>> -> memref<128xf32, #tpu.memory_space<vmem>>
    %dma_start3A_254 = arith.constant 384 : i32
    %dma_start3A_255 = tpu.memref_slice %arg6[%dma_start3A_251, %dma_start3A_254] : memref<50x512xi32, #tpu.memory_space<vmem>> -> memref<1x128xi32, #tpu.memory_space<vmem>>
    %dma_start3A_256 = tpu.memref_squeeze %dma_start3A_255 : memref<1x128xi32, #tpu.memory_space<vmem>> -> memref<128xi32, #tpu.memory_space<vmem>>
    %dma_start3A_257 = arith.constant 0 : i32
    %dma_start3A_258 = tpu.memref_slice %arg3[%dma_start3A_257] : memref<1048576xf32, #tpu.memory_space<hbm>> -> memref<1048576xf32, #tpu.memory_space<hbm>>
    tpu.enqueue_indirect_dma source(%dma_start3A_258 : memref<1048576xf32, #tpu.memory_space<hbm>>) target(%dma_start3A_253 : memref<128xf32, #tpu.memory_space<vmem>>) offsets(%dma_start3A_256 : memref<128xi32, #tpu.memory_space<vmem>>) semaphore(%arg11 : memref<!tpu.dma_semaphore, #tpu.memory_space<semaphore_mem>>)
    %dma_start3A_259 = arith.constant 4 : i32
    %dma_start3A_260 = arith.constant 2048 : i32
    %dma_start3A_261 = tpu.memref_slice %arg7[%dma_start3A_260] : memref<25600xf32, #tpu.memory_space<vmem>> -> memref<128xf32, #tpu.memory_space<vmem>>
    %dma_start3A_262 = arith.constant 0 : i32
    %dma_start3A_263 = tpu.memref_slice %arg6[%dma_start3A_259, %dma_start3A_262] : memref<50x512xi32, #tpu.memory_space<vmem>> -> memref<1x128xi32, #tpu.memory_space<vmem>>
    %dma_start3A_264 = tpu.memref_squeeze %dma_start3A_263 : memref<1x128xi32, #tpu.memory_space<vmem>> -> memref<128xi32, #tpu.memory_space<vmem>>
    %dma_start3A_265 = arith.constant 0 : i32
    %dma_start3A_266 = tpu.memref_slice %arg3[%dma_start3A_265] : memref<1048576xf32, #tpu.memory_space<hbm>> -> memref<1048576xf32, #tpu.memory_space<hbm>>
    tpu.enqueue_indirect_dma source(%dma_start3A_266 : memref<1048576xf32, #tpu.memory_space<hbm>>) target(%dma_start3A_261 : memref<128xf32, #tpu.memory_space<vmem>>) offsets(%dma_start3A_264 : memref<128xi32, #tpu.memory_space<vmem>>) semaphore(%arg11 : memref<!tpu.dma_semaphore, #tpu.memory_space<semaphore_mem>>)
    %dma_start3A_267 = arith.constant 4 : i32
    %dma_start3A_268 = arith.constant 2176 : i32
    %dma_start3A_269 = tpu.memref_slice %arg7[%dma_start3A_268] : memref<25600xf32, #tpu.memory_space<vmem>> -> memref<128xf32, #tpu.memory_space<vmem>>
    %dma_start3A_270 = arith.constant 128 : i32
    %dma_start3A_271 = tpu.memref_slice %arg6[%dma_start3A_267, %dma_start3A_270] : memref<50x512xi32, #tpu.memory_space<vmem>> -> memref<1x128xi32, #tpu.memory_space<vmem>>
    %dma_start3A_272 = tpu.memref_squeeze %dma_start3A_271 : memref<1x128xi32, #tpu.memory_space<vmem>> -> memref<128xi32, #tpu.memory_space<vmem>>
    %dma_start3A_273 = arith.constant 0 : i32
    %dma_start3A_274 = tpu.memref_slice %arg3[%dma_start3A_273] : memref<1048576xf32, #tpu.memory_space<hbm>> -> memref<1048576xf32, #tpu.memory_space<hbm>>
    tpu.enqueue_indirect_dma source(%dma_start3A_274 : memref<1048576xf32, #tpu.memory_space<hbm>>) target(%dma_start3A_269 : memref<128xf32, #tpu.memory_space<vmem>>) offsets(%dma_start3A_272 : memref<128xi32, #tpu.memory_space<vmem>>) semaphore(%arg11 : memref<!tpu.dma_semaphore, #tpu.memory_space<semaphore_mem>>)
    %dma_start3A_275 = arith.constant 4 : i32
    %dma_start3A_276 = arith.constant 2304 : i32
    %dma_start3A_277 = tpu.memref_slice %arg7[%dma_start3A_276] : memref<25600xf32, #tpu.memory_space<vmem>> -> memref<128xf32, #tpu.memory_space<vmem>>
    %dma_start3A_278 = arith.constant 256 : i32
    %dma_start3A_279 = tpu.memref_slice %arg6[%dma_start3A_275, %dma_start3A_278] : memref<50x512xi32, #tpu.memory_space<vmem>> -> memref<1x128xi32, #tpu.memory_space<vmem>>
    %dma_start3A_280 = tpu.memref_squeeze %dma_start3A_279 : memref<1x128xi32, #tpu.memory_space<vmem>> -> memref<128xi32, #tpu.memory_space<vmem>>
    %dma_start3A_281 = arith.constant 0 : i32
    %dma_start3A_282 = tpu.memref_slice %arg3[%dma_start3A_281] : memref<1048576xf32, #tpu.memory_space<hbm>> -> memref<1048576xf32, #tpu.memory_space<hbm>>
    tpu.enqueue_indirect_dma source(%dma_start3A_282 : memref<1048576xf32, #tpu.memory_space<hbm>>) target(%dma_start3A_277 : memref<128xf32, #tpu.memory_space<vmem>>) offsets(%dma_start3A_280 : memref<128xi32, #tpu.memory_space<vmem>>) semaphore(%arg11 : memref<!tpu.dma_semaphore, #tpu.memory_space<semaphore_mem>>)
    %dma_start3A_283 = arith.constant 4 : i32
    %dma_start3A_284 = arith.constant 2432 : i32
    %dma_start3A_285 = tpu.memref_slice %arg7[%dma_start3A_284] : memref<25600xf32, #tpu.memory_space<vmem>> -> memref<128xf32, #tpu.memory_space<vmem>>
    %dma_start3A_286 = arith.constant 384 : i32
    %dma_start3A_287 = tpu.memref_slice %arg6[%dma_start3A_283, %dma_start3A_286] : memref<50x512xi32, #tpu.memory_space<vmem>> -> memref<1x128xi32, #tpu.memory_space<vmem>>
    %dma_start3A_288 = tpu.memref_squeeze %dma_start3A_287 : memref<1x128xi32, #tpu.memory_space<vmem>> -> memref<128xi32, #tpu.memory_space<vmem>>
    %dma_start3A_289 = arith.constant 0 : i32
    %dma_start3A_290 = tpu.memref_slice %arg3[%dma_start3A_289] : memref<1048576xf32, #tpu.memory_space<hbm>> -> memref<1048576xf32, #tpu.memory_space<hbm>>
    tpu.enqueue_indirect_dma source(%dma_start3A_290 : memref<1048576xf32, #tpu.memory_space<hbm>>) target(%dma_start3A_285 : memref<128xf32, #tpu.memory_space<vmem>>) offsets(%dma_start3A_288 : memref<128xi32, #tpu.memory_space<vmem>>) semaphore(%arg11 : memref<!tpu.dma_semaphore, #tpu.memory_space<semaphore_mem>>)
    %scan3A = arith.constant 0 : i32
    %scan3A_291 = arith.constant 9 : i32
    %scan3A_292 = arith.addi %scan3A, %scan3A_291 : i32
    %scan3A_293 = arith.constant 1 : i32
    scf.for %scan3A_1576 = %scan3A to %scan3A_292 step %scan3A_293  : i32 {
      %mul3A_1577 = arith.constant 1 : i32
      %mul3A_1578 = arith.muli %scan3A_1576, %mul3A_1577 : i32
      %add3A_1579 = arith.constant 0 : i32
      %add3A_1580 = arith.addi %add3A_1579, %mul3A_1578 : i32
      %mul3A_1581 = arith.constant 2 : i32
      %mul3A_1582 = arith.muli %add3A_1580, %mul3A_1581 : i32
      %mul3A_1583 = arith.constant 10 : i32
      %mul3A_1584 = arith.muli %mul3A_1582, %mul3A_1583 : i32
      %add3A_1585 = arith.constant 0 : i32
      %add3A_1586 = arith.addi %mul3A_1584, %add3A_1585 : i32
      %shift_right_arithmetic3A = arith.constant 2 : i32
      %shift_right_arithmetic3A_1587 = arith.shrsi %add3A_1586, %shift_right_arithmetic3A : i32
      %and3A = arith.constant 3 : i32
      %and3A_1588 = arith.andi %add3A_1586, %and3A : i32
      %mul3A_1589 = arith.constant 128 : i32
      %mul3A_1590 = arith.muli %and3A_1588, %mul3A_1589 : i32
      %mul3A_1591 = arith.constant 128 : i32
      %mul3A_1592 = arith.muli %add3A_1586, %mul3A_1591 : i32
      %dma_wait3A_1593 = tpu.memref_slice %arg7[%mul3A_1592] : memref<25600xf32, #tpu.memory_space<vmem>> -> memref<128xf32, #tpu.memory_space<vmem>>
      %dma_wait3A_1594 = tpu.memref_slice %arg6[%shift_right_arithmetic3A_1587, %mul3A_1590] : memref<50x512xi32, #tpu.memory_space<vmem>> -> memref<1x128xi32, #tpu.memory_space<vmem>>
      %dma_wait3A_1595 = tpu.memref_squeeze %dma_wait3A_1594 : memref<1x128xi32, #tpu.memory_space<vmem>> -> memref<128xi32, #tpu.memory_space<vmem>>
      %dma_wait3A_1596 = arith.constant 0 : i32
      %dma_wait3A_1597 = tpu.memref_slice %arg3[%dma_wait3A_1596] : memref<1048576xf32, #tpu.memory_space<hbm>> -> memref<1048576xf32, #tpu.memory_space<hbm>>
      tpu.wait_indirect_dma semaphore(%arg10 : memref<!tpu.dma_semaphore, #tpu.memory_space<semaphore_mem>>) src(%dma_wait3A_1597 : memref<1048576xf32, #tpu.memory_space<hbm>>) dst(%dma_wait3A_1593 : memref<128xf32, #tpu.memory_space<vmem>>)
      %mul3A_1598 = arith.constant 10 : i32
      %mul3A_1599 = arith.muli %mul3A_1582, %mul3A_1598 : i32
      %add3A_1600 = arith.constant 1 : i32
      %add3A_1601 = arith.addi %mul3A_1599, %add3A_1600 : i32
      %shift_right_arithmetic3A_1602 = arith.constant 2 : i32
      %shift_right_arithmetic3A_1603 = arith.shrsi %add3A_1601, %shift_right_arithmetic3A_1602 : i32
      %and3A_1604 = arith.constant 3 : i32
      %and3A_1605 = arith.andi %add3A_1601, %and3A_1604 : i32
      %mul3A_1606 = arith.constant 128 : i32
      %mul3A_1607 = arith.muli %and3A_1605, %mul3A_1606 : i32
      %mul3A_1608 = arith.constant 128 : i32
      %mul3A_1609 = arith.muli %add3A_1601, %mul3A_1608 : i32
      %dma_wait3A_1610 = tpu.memref_slice %arg7[%mul3A_1609] : memref<25600xf32, #tpu.memory_space<vmem>> -> memref<128xf32, #tpu.memory_space<vmem>>
      %dma_wait3A_1611 = tpu.memref_slice %arg6[%shift_right_arithmetic3A_1603, %mul3A_1607] : memref<50x512xi32, #tpu.memory_space<vmem>> -> memref<1x128xi32, #tpu.memory_space<vmem>>
      %dma_wait3A_1612 = tpu.memref_squeeze %dma_wait3A_1611 : memref<1x128xi32, #tpu.memory_space<vmem>> -> memref<128xi32, #tpu.memory_space<vmem>>
      %dma_wait3A_1613 = arith.constant 0 : i32
      %dma_wait3A_1614 = tpu.memref_slice %arg3[%dma_wait3A_1613] : memref<1048576xf32, #tpu.memory_space<hbm>> -> memref<1048576xf32, #tpu.memory_space<hbm>>
      tpu.wait_indirect_dma semaphore(%arg10 : memref<!tpu.dma_semaphore, #tpu.memory_space<semaphore_mem>>) src(%dma_wait3A_1614 : memref<1048576xf32, #tpu.memory_space<hbm>>) dst(%dma_wait3A_1610 : memref<128xf32, #tpu.memory_space<vmem>>)
      %mul3A_1615 = arith.constant 10 : i32
      %mul3A_1616 = arith.muli %mul3A_1582, %mul3A_1615 : i32
      %add3A_1617 = arith.constant 2 : i32
      %add3A_1618 = arith.addi %mul3A_1616, %add3A_1617 : i32
      %shift_right_arithmetic3A_1619 = arith.constant 2 : i32
      %shift_right_arithmetic3A_1620 = arith.shrsi %add3A_1618, %shift_right_arithmetic3A_1619 : i32
      %and3A_1621 = arith.constant 3 : i32
      %and3A_1622 = arith.andi %add3A_1618, %and3A_1621 : i32
      %mul3A_1623 = arith.constant 128 : i32
      %mul3A_1624 = arith.muli %and3A_1622, %mul3A_1623 : i32
      %mul3A_1625 = arith.constant 128 : i32
      %mul3A_1626 = arith.muli %add3A_1618, %mul3A_1625 : i32
      %dma_wait3A_1627 = tpu.memref_slice %arg7[%mul3A_1626] : memref<25600xf32, #tpu.memory_space<vmem>> -> memref<128xf32, #tpu.memory_space<vmem>>
      %dma_wait3A_1628 = tpu.memref_slice %arg6[%shift_right_arithmetic3A_1620, %mul3A_1624] : memref<50x512xi32, #tpu.memory_space<vmem>> -> memref<1x128xi32, #tpu.memory_space<vmem>>
      %dma_wait3A_1629 = tpu.memref_squeeze %dma_wait3A_1628 : memref<1x128xi32, #tpu.memory_space<vmem>> -> memref<128xi32, #tpu.memory_space<vmem>>
      %dma_wait3A_1630 = arith.constant 0 : i32
      %dma_wait3A_1631 = tpu.memref_slice %arg3[%dma_wait3A_1630] : memref<1048576xf32, #tpu.memory_space<hbm>> -> memref<1048576xf32, #tpu.memory_space<hbm>>
      tpu.wait_indirect_dma semaphore(%arg10 : memref<!tpu.dma_semaphore, #tpu.memory_space<semaphore_mem>>) src(%dma_wait3A_1631 : memref<1048576xf32, #tpu.memory_space<hbm>>) dst(%dma_wait3A_1627 : memref<128xf32, #tpu.memory_space<vmem>>)
      %mul3A_1632 = arith.constant 10 : i32
      %mul3A_1633 = arith.muli %mul3A_1582, %mul3A_1632 : i32
      %add3A_1634 = arith.constant 3 : i32
      %add3A_1635 = arith.addi %mul3A_1633, %add3A_1634 : i32
      %shift_right_arithmetic3A_1636 = arith.constant 2 : i32
      %shift_right_arithmetic3A_1637 = arith.shrsi %add3A_1635, %shift_right_arithmetic3A_1636 : i32
      %and3A_1638 = arith.constant 3 : i32
      %and3A_1639 = arith.andi %add3A_1635, %and3A_1638 : i32
      %mul3A_1640 = arith.constant 128 : i32
      %mul3A_1641 = arith.muli %and3A_1639, %mul3A_1640 : i32
      %mul3A_1642 = arith.constant 128 : i32
      %mul3A_1643 = arith.muli %add3A_1635, %mul3A_1642 : i32
      %dma_wait3A_1644 = tpu.memref_slice %arg7[%mul3A_1643] : memref<25600xf32, #tpu.memory_space<vmem>> -> memref<128xf32, #tpu.memory_space<vmem>>
      %dma_wait3A_1645 = tpu.memref_slice %arg6[%shift_right_arithmetic3A_1637, %mul3A_1641] : memref<50x512xi32, #tpu.memory_space<vmem>> -> memref<1x128xi32, #tpu.memory_space<vmem>>
      %dma_wait3A_1646 = tpu.memref_squeeze %dma_wait3A_1645 : memref<1x128xi32, #tpu.memory_space<vmem>> -> memref<128xi32, #tpu.memory_space<vmem>>
      %dma_wait3A_1647 = arith.constant 0 : i32
      %dma_wait3A_1648 = tpu.memref_slice %arg3[%dma_wait3A_1647] : memref<1048576xf32, #tpu.memory_space<hbm>> -> memref<1048576xf32, #tpu.memory_space<hbm>>
      tpu.wait_indirect_dma semaphore(%arg10 : memref<!tpu.dma_semaphore, #tpu.memory_space<semaphore_mem>>) src(%dma_wait3A_1648 : memref<1048576xf32, #tpu.memory_space<hbm>>) dst(%dma_wait3A_1644 : memref<128xf32, #tpu.memory_space<vmem>>)
      %mul3A_1649 = arith.constant 10 : i32
      %mul3A_1650 = arith.muli %mul3A_1582, %mul3A_1649 : i32
      %add3A_1651 = arith.constant 4 : i32
      %add3A_1652 = arith.addi %mul3A_1650, %add3A_1651 : i32
      %shift_right_arithmetic3A_1653 = arith.constant 2 : i32
      %shift_right_arithmetic3A_1654 = arith.shrsi %add3A_1652, %shift_right_arithmetic3A_1653 : i32
      %and3A_1655 = arith.constant 3 : i32
      %and3A_1656 = arith.andi %add3A_1652, %and3A_1655 : i32
      %mul3A_1657 = arith.constant 128 : i32
      %mul3A_1658 = arith.muli %and3A_1656, %mul3A_1657 : i32
      %mul3A_1659 = arith.constant 128 : i32
      %mul3A_1660 = arith.muli %add3A_1652, %mul3A_1659 : i32
      %dma_wait3A_1661 = tpu.memref_slice %arg7[%mul3A_1660] : memref<25600xf32, #tpu.memory_space<vmem>> -> memref<128xf32, #tpu.memory_space<vmem>>
      %dma_wait3A_1662 = tpu.memref_slice %arg6[%shift_right_arithmetic3A_1654, %mul3A_1658] : memref<50x512xi32, #tpu.memory_space<vmem>> -> memref<1x128xi32, #tpu.memory_space<vmem>>
      %dma_wait3A_1663 = tpu.memref_squeeze %dma_wait3A_1662 : memref<1x128xi32, #tpu.memory_space<vmem>> -> memref<128xi32, #tpu.memory_space<vmem>>
      %dma_wait3A_1664 = arith.constant 0 : i32
      %dma_wait3A_1665 = tpu.memref_slice %arg3[%dma_wait3A_1664] : memref<1048576xf32, #tpu.memory_space<hbm>> -> memref<1048576xf32, #tpu.memory_space<hbm>>
      tpu.wait_indirect_dma semaphore(%arg10 : memref<!tpu.dma_semaphore, #tpu.memory_space<semaphore_mem>>) src(%dma_wait3A_1665 : memref<1048576xf32, #tpu.memory_space<hbm>>) dst(%dma_wait3A_1661 : memref<128xf32, #tpu.memory_space<vmem>>)
      %mul3A_1666 = arith.constant 10 : i32
      %mul3A_1667 = arith.muli %mul3A_1582, %mul3A_1666 : i32
      %add3A_1668 = arith.constant 5 : i32
      %add3A_1669 = arith.addi %mul3A_1667, %add3A_1668 : i32
      %shift_right_arithmetic3A_1670 = arith.constant 2 : i32
      %shift_right_arithmetic3A_1671 = arith.shrsi %add3A_1669, %shift_right_arithmetic3A_1670 : i32
      %and3A_1672 = arith.constant 3 : i32
      %and3A_1673 = arith.andi %add3A_1669, %and3A_1672 : i32
      %mul3A_1674 = arith.constant 128 : i32
      %mul3A_1675 = arith.muli %and3A_1673, %mul3A_1674 : i32
      %mul3A_1676 = arith.constant 128 : i32
      %mul3A_1677 = arith.muli %add3A_1669, %mul3A_1676 : i32
      %dma_wait3A_1678 = tpu.memref_slice %arg7[%mul3A_1677] : memref<25600xf32, #tpu.memory_space<vmem>> -> memref<128xf32, #tpu.memory_space<vmem>>
      %dma_wait3A_1679 = tpu.memref_slice %arg6[%shift_right_arithmetic3A_1671, %mul3A_1675] : memref<50x512xi32, #tpu.memory_space<vmem>> -> memref<1x128xi32, #tpu.memory_space<vmem>>
      %dma_wait3A_1680 = tpu.memref_squeeze %dma_wait3A_1679 : memref<1x128xi32, #tpu.memory_space<vmem>> -> memref<128xi32, #tpu.memory_space<vmem>>
      %dma_wait3A_1681 = arith.constant 0 : i32
      %dma_wait3A_1682 = tpu.memref_slice %arg3[%dma_wait3A_1681] : memref<1048576xf32, #tpu.memory_space<hbm>> -> memref<1048576xf32, #tpu.memory_space<hbm>>
      tpu.wait_indirect_dma semaphore(%arg10 : memref<!tpu.dma_semaphore, #tpu.memory_space<semaphore_mem>>) src(%dma_wait3A_1682 : memref<1048576xf32, #tpu.memory_space<hbm>>) dst(%dma_wait3A_1678 : memref<128xf32, #tpu.memory_space<vmem>>)
      %mul3A_1683 = arith.constant 10 : i32
      %mul3A_1684 = arith.muli %mul3A_1582, %mul3A_1683 : i32
      %add3A_1685 = arith.constant 6 : i32
      %add3A_1686 = arith.addi %mul3A_1684, %add3A_1685 : i32
      %shift_right_arithmetic3A_1687 = arith.constant 2 : i32
      %shift_right_arithmetic3A_1688 = arith.shrsi %add3A_1686, %shift_right_arithmetic3A_1687 : i32
      %and3A_1689 = arith.constant 3 : i32
      %and3A_1690 = arith.andi %add3A_1686, %and3A_1689 : i32
      %mul3A_1691 = arith.constant 128 : i32
      %mul3A_1692 = arith.muli %and3A_1690, %mul3A_1691 : i32
      %mul3A_1693 = arith.constant 128 : i32
      %mul3A_1694 = arith.muli %add3A_1686, %mul3A_1693 : i32
      %dma_wait3A_1695 = tpu.memref_slice %arg7[%mul3A_1694] : memref<25600xf32, #tpu.memory_space<vmem>> -> memref<128xf32, #tpu.memory_space<vmem>>
      %dma_wait3A_1696 = tpu.memref_slice %arg6[%shift_right_arithmetic3A_1688, %mul3A_1692] : memref<50x512xi32, #tpu.memory_space<vmem>> -> memref<1x128xi32, #tpu.memory_space<vmem>>
      %dma_wait3A_1697 = tpu.memref_squeeze %dma_wait3A_1696 : memref<1x128xi32, #tpu.memory_space<vmem>> -> memref<128xi32, #tpu.memory_space<vmem>>
      %dma_wait3A_1698 = arith.constant 0 : i32
      %dma_wait3A_1699 = tpu.memref_slice %arg3[%dma_wait3A_1698] : memref<1048576xf32, #tpu.memory_space<hbm>> -> memref<1048576xf32, #tpu.memory_space<hbm>>
      tpu.wait_indirect_dma semaphore(%arg10 : memref<!tpu.dma_semaphore, #tpu.memory_space<semaphore_mem>>) src(%dma_wait3A_1699 : memref<1048576xf32, #tpu.memory_space<hbm>>) dst(%dma_wait3A_1695 : memref<128xf32, #tpu.memory_space<vmem>>)
      %mul3A_1700 = arith.constant 10 : i32
      %mul3A_1701 = arith.muli %mul3A_1582, %mul3A_1700 : i32
      %add3A_1702 = arith.constant 7 : i32
      %add3A_1703 = arith.addi %mul3A_1701, %add3A_1702 : i32
      %shift_right_arithmetic3A_1704 = arith.constant 2 : i32
      %shift_right_arithmetic3A_1705 = arith.shrsi %add3A_1703, %shift_right_arithmetic3A_1704 : i32
      %and3A_1706 = arith.constant 3 : i32
      %and3A_1707 = arith.andi %add3A_1703, %and3A_1706 : i32
      %mul3A_1708 = arith.constant 128 : i32
      %mul3A_1709 = arith.muli %and3A_1707, %mul3A_1708 : i32
      %mul3A_1710 = arith.constant 128 : i32
      %mul3A_1711 = arith.muli %add3A_1703, %mul3A_1710 : i32
      %dma_wait3A_1712 = tpu.memref_slice %arg7[%mul3A_1711] : memref<25600xf32, #tpu.memory_space<vmem>> -> memref<128xf32, #tpu.memory_space<vmem>>
      %dma_wait3A_1713 = tpu.memref_slice %arg6[%shift_right_arithmetic3A_1705, %mul3A_1709] : memref<50x512xi32, #tpu.memory_space<vmem>> -> memref<1x128xi32, #tpu.memory_space<vmem>>
      %dma_wait3A_1714 = tpu.memref_squeeze %dma_wait3A_1713 : memref<1x128xi32, #tpu.memory_space<vmem>> -> memref<128xi32, #tpu.memory_space<vmem>>
      %dma_wait3A_1715 = arith.constant 0 : i32
      %dma_wait3A_1716 = tpu.memref_slice %arg3[%dma_wait3A_1715] : memref<1048576xf32, #tpu.memory_space<hbm>> -> memref<1048576xf32, #tpu.memory_space<hbm>>
      tpu.wait_indirect_dma semaphore(%arg10 : memref<!tpu.dma_semaphore, #tpu.memory_space<semaphore_mem>>) src(%dma_wait3A_1716 : memref<1048576xf32, #tpu.memory_space<hbm>>) dst(%dma_wait3A_1712 : memref<128xf32, #tpu.memory_space<vmem>>)
      %mul3A_1717 = arith.constant 10 : i32
      %mul3A_1718 = arith.muli %mul3A_1582, %mul3A_1717 : i32
      %add3A_1719 = arith.constant 8 : i32
      %add3A_1720 = arith.addi %mul3A_1718, %add3A_1719 : i32
      %shift_right_arithmetic3A_1721 = arith.constant 2 : i32
      %shift_right_arithmetic3A_1722 = arith.shrsi %add3A_1720, %shift_right_arithmetic3A_1721 : i32
      %and3A_1723 = arith.constant 3 : i32
      %and3A_1724 = arith.andi %add3A_1720, %and3A_1723 : i32
      %mul3A_1725 = arith.constant 128 : i32
      %mul3A_1726 = arith.muli %and3A_1724, %mul3A_1725 : i32
      %mul3A_1727 = arith.constant 128 : i32
      %mul3A_1728 = arith.muli %add3A_1720, %mul3A_1727 : i32
      %dma_wait3A_1729 = tpu.memref_slice %arg7[%mul3A_1728] : memref<25600xf32, #tpu.memory_space<vmem>> -> memref<128xf32, #tpu.memory_space<vmem>>
      %dma_wait3A_1730 = tpu.memref_slice %arg6[%shift_right_arithmetic3A_1722, %mul3A_1726] : memref<50x512xi32, #tpu.memory_space<vmem>> -> memref<1x128xi32, #tpu.memory_space<vmem>>
      %dma_wait3A_1731 = tpu.memref_squeeze %dma_wait3A_1730 : memref<1x128xi32, #tpu.memory_space<vmem>> -> memref<128xi32, #tpu.memory_space<vmem>>
      %dma_wait3A_1732 = arith.constant 0 : i32
      %dma_wait3A_1733 = tpu.memref_slice %arg3[%dma_wait3A_1732] : memref<1048576xf32, #tpu.memory_space<hbm>> -> memref<1048576xf32, #tpu.memory_space<hbm>>
      tpu.wait_indirect_dma semaphore(%arg10 : memref<!tpu.dma_semaphore, #tpu.memory_space<semaphore_mem>>) src(%dma_wait3A_1733 : memref<1048576xf32, #tpu.memory_space<hbm>>) dst(%dma_wait3A_1729 : memref<128xf32, #tpu.memory_space<vmem>>)
      %mul3A_1734 = arith.constant 10 : i32
      %mul3A_1735 = arith.muli %mul3A_1582, %mul3A_1734 : i32
      %add3A_1736 = arith.constant 9 : i32
      %add3A_1737 = arith.addi %mul3A_1735, %add3A_1736 : i32
      %shift_right_arithmetic3A_1738 = arith.constant 2 : i32
      %shift_right_arithmetic3A_1739 = arith.shrsi %add3A_1737, %shift_right_arithmetic3A_1738 : i32
      %and3A_1740 = arith.constant 3 : i32
      %and3A_1741 = arith.andi %add3A_1737, %and3A_1740 : i32
      %mul3A_1742 = arith.constant 128 : i32
      %mul3A_1743 = arith.muli %and3A_1741, %mul3A_1742 : i32
      %mul3A_1744 = arith.constant 128 : i32
      %mul3A_1745 = arith.muli %add3A_1737, %mul3A_1744 : i32
      %dma_wait3A_1746 = tpu.memref_slice %arg7[%mul3A_1745] : memref<25600xf32, #tpu.memory_space<vmem>> -> memref<128xf32, #tpu.memory_space<vmem>>
      %dma_wait3A_1747 = tpu.memref_slice %arg6[%shift_right_arithmetic3A_1739, %mul3A_1743] : memref<50x512xi32, #tpu.memory_space<vmem>> -> memref<1x128xi32, #tpu.memory_space<vmem>>
      %dma_wait3A_1748 = tpu.memref_squeeze %dma_wait3A_1747 : memref<1x128xi32, #tpu.memory_space<vmem>> -> memref<128xi32, #tpu.memory_space<vmem>>
      %dma_wait3A_1749 = arith.constant 0 : i32
      %dma_wait3A_1750 = tpu.memref_slice %arg3[%dma_wait3A_1749] : memref<1048576xf32, #tpu.memory_space<hbm>> -> memref<1048576xf32, #tpu.memory_space<hbm>>
      tpu.wait_indirect_dma semaphore(%arg10 : memref<!tpu.dma_semaphore, #tpu.memory_space<semaphore_mem>>) src(%dma_wait3A_1750 : memref<1048576xf32, #tpu.memory_space<hbm>>) dst(%dma_wait3A_1746 : memref<128xf32, #tpu.memory_space<vmem>>)
      %mul3A_1751 = arith.constant 10 : i32
      %mul3A_1752 = arith.muli %mul3A_1582, %mul3A_1751 : i32
      %add3A_1753 = arith.constant 0 : i32
      %add3A_1754 = arith.addi %mul3A_1752, %add3A_1753 : i32
      %and3A_1755 = arith.constant 3 : i32
      %and3A_1756 = arith.andi %add3A_1754, %and3A_1755 : i32
      %mul3A_1757 = arith.constant 128 : i32
      %mul3A_1758 = arith.muli %and3A_1756, %mul3A_1757 : i32
      %mul3A_1759 = arith.constant 128 : i32
      %mul3A_1760 = arith.muli %add3A_1754, %mul3A_1759 : i32
      %add3A_1761 = arith.constant 0 : i32
      %add3A_1762 = arith.addi %mul3A_1760, %add3A_1761 : i32
      %get3A_1763 = arith.index_cast %add3A_1762 : i32 to index
      %get3A_1764 = tpu.vector_load %arg7[%get3A_1763] {strides = array<i32>} : memref<25600xf32, #tpu.memory_space<vmem>>, vector<16xf32>,
      %get3A_1765 = vector.shape_cast %get3A_1764 : vector<16xf32> to vector<16xf32>
      %add3A_1766 = arith.constant 0 : i32
      %add3A_1767 = arith.addi %mul3A_1758, %add3A_1766 : i32
      %swap3A_1768 = arith.index_cast %add3A_1767 : i32 to index
      %swap3A_1769 = tpu.vector_load %arg8[%swap3A_1768] {strides = array<i32>} : memref<512xf32, #tpu.memory_space<vmem>>, vector<16xf32>,
      %swap3A_1770 = vector.shape_cast %swap3A_1769 : vector<16xf32> to vector<16xf32>
      %swap3A_1771 = vector.shape_cast %get3A_1765 : vector<16xf32> to vector<16xf32>
      tpu.vector_store %arg8[%swap3A_1768], %swap3A_1771 {add = true, strides = array<i32>} : memref<512xf32, #tpu.memory_space<vmem>>, vector<16xf32>,
      %mul3A_1772 = arith.constant 128 : i32
      %mul3A_1773 = arith.muli %add3A_1754, %mul3A_1772 : i32
      %add3A_1774 = arith.constant 16 : i32
      %add3A_1775 = arith.addi %mul3A_1773, %add3A_1774 : i32
      %get3A_1776 = arith.index_cast %add3A_1775 : i32 to index
      %get3A_1777 = tpu.vector_load %arg7[%get3A_1776] {strides = array<i32>} : memref<25600xf32, #tpu.memory_space<vmem>>, vector<16xf32>,
      %get3A_1778 = vector.shape_cast %get3A_1777 : vector<16xf32> to vector<16xf32>
      %add3A_1779 = arith.constant 16 : i32
      %add3A_1780 = arith.addi %mul3A_1758, %add3A_1779 : i32
      %swap3A_1781 = arith.index_cast %add3A_1780 : i32 to index
      %swap3A_1782 = tpu.vector_load %arg8[%swap3A_1781] {strides = array<i32>} : memref<512xf32, #tpu.memory_space<vmem>>, vector<16xf32>,
      %swap3A_1783 = vector.shape_cast %swap3A_1782 : vector<16xf32> to vector<16xf32>
      %swap3A_1784 = vector.shape_cast %get3A_1778 : vector<16xf32> to vector<16xf32>
      tpu.vector_store %arg8[%swap3A_1781], %swap3A_1784 {add = true, strides = array<i32>} : memref<512xf32, #tpu.memory_space<vmem>>, vector<16xf32>,
      %mul3A_1785 = arith.constant 128 : i32
      %mul3A_1786 = arith.muli %add3A_1754, %mul3A_1785 : i32
      %add3A_1787 = arith.constant 32 : i32
      %add3A_1788 = arith.addi %mul3A_1786, %add3A_1787 : i32
      %get3A_1789 = arith.index_cast %add3A_1788 : i32 to index
      %get3A_1790 = tpu.vector_load %arg7[%get3A_1789] {strides = array<i32>} : memref<25600xf32, #tpu.memory_space<vmem>>, vector<16xf32>,
      %get3A_1791 = vector.shape_cast %get3A_1790 : vector<16xf32> to vector<16xf32>
      %add3A_1792 = arith.constant 32 : i32
      %add3A_1793 = arith.addi %mul3A_1758, %add3A_1792 : i32
      %swap3A_1794 = arith.index_cast %add3A_1793 : i32 to index
      %swap3A_1795 = tpu.vector_load %arg8[%swap3A_1794] {strides = array<i32>} : memref<512xf32, #tpu.memory_space<vmem>>, vector<16xf32>,
      %swap3A_1796 = vector.shape_cast %swap3A_1795 : vector<16xf32> to vector<16xf32>
      %swap3A_1797 = vector.shape_cast %get3A_1791 : vector<16xf32> to vector<16xf32>
      tpu.vector_store %arg8[%swap3A_1794], %swap3A_1797 {add = true, strides = array<i32>} : memref<512xf32, #tpu.memory_space<vmem>>, vector<16xf32>,
      %mul3A_1798 = arith.constant 128 : i32
      %mul3A_1799 = arith.muli %add3A_1754, %mul3A_1798 : i32
      %add3A_1800 = arith.constant 48 : i32
      %add3A_1801 = arith.addi %mul3A_1799, %add3A_1800 : i32
      %get3A_1802 = arith.index_cast %add3A_1801 : i32 to index
      %get3A_1803 = tpu.vector_load %arg7[%get3A_1802] {strides = array<i32>} : memref<25600xf32, #tpu.memory_space<vmem>>, vector<16xf32>,
      %get3A_1804 = vector.shape_cast %get3A_1803 : vector<16xf32> to vector<16xf32>
      %add3A_1805 = arith.constant 48 : i32
      %add3A_1806 = arith.addi %mul3A_1758, %add3A_1805 : i32
      %swap3A_1807 = arith.index_cast %add3A_1806 : i32 to index
      %swap3A_1808 = tpu.vector_load %arg8[%swap3A_1807] {strides = array<i32>} : memref<512xf32, #tpu.memory_space<vmem>>, vector<16xf32>,
      %swap3A_1809 = vector.shape_cast %swap3A_1808 : vector<16xf32> to vector<16xf32>
      %swap3A_1810 = vector.shape_cast %get3A_1804 : vector<16xf32> to vector<16xf32>
      tpu.vector_store %arg8[%swap3A_1807], %swap3A_1810 {add = true, strides = array<i32>} : memref<512xf32, #tpu.memory_space<vmem>>, vector<16xf32>,
      %mul3A_1811 = arith.constant 128 : i32
      %mul3A_1812 = arith.muli %add3A_1754, %mul3A_1811 : i32
      %add3A_1813 = arith.constant 64 : i32
      %add3A_1814 = arith.addi %mul3A_1812, %add3A_1813 : i32
      %get3A_1815 = arith.index_cast %add3A_1814 : i32 to index
      %get3A_1816 = tpu.vector_load %arg7[%get3A_1815] {strides = array<i32>} : memref<25600xf32, #tpu.memory_space<vmem>>, vector<16xf32>,
      %get3A_1817 = vector.shape_cast %get3A_1816 : vector<16xf32> to vector<16xf32>
      %add3A_1818 = arith.constant 64 : i32
      %add3A_1819 = arith.addi %mul3A_1758, %add3A_1818 : i32
      %swap3A_1820 = arith.index_cast %add3A_1819 : i32 to index
      %swap3A_1821 = tpu.vector_load %arg8[%swap3A_1820] {strides = array<i32>} : memref<512xf32, #tpu.memory_space<vmem>>, vector<16xf32>,
      %swap3A_1822 = vector.shape_cast %swap3A_1821 : vector<16xf32> to vector<16xf32>
      %swap3A_1823 = vector.shape_cast %get3A_1817 : vector<16xf32> to vector<16xf32>
      tpu.vector_store %arg8[%swap3A_1820], %swap3A_1823 {add = true, strides = array<i32>} : memref<512xf32, #tpu.memory_space<vmem>>, vector<16xf32>,
      %mul3A_1824 = arith.constant 128 : i32
      %mul3A_1825 = arith.muli %add3A_1754, %mul3A_1824 : i32
      %add3A_1826 = arith.constant 80 : i32
      %add3A_1827 = arith.addi %mul3A_1825, %add3A_1826 : i32
      %get3A_1828 = arith.index_cast %add3A_1827 : i32 to index
      %get3A_1829 = tpu.vector_load %arg7[%get3A_1828] {strides = array<i32>} : memref<25600xf32, #tpu.memory_space<vmem>>, vector<16xf32>,
      %get3A_1830 = vector.shape_cast %get3A_1829 : vector<16xf32> to vector<16xf32>
      %add3A_1831 = arith.constant 80 : i32
      %add3A_1832 = arith.addi %mul3A_1758, %add3A_1831 : i32
      %swap3A_1833 = arith.index_cast %add3A_1832 : i32 to index
      %swap3A_1834 = tpu.vector_load %arg8[%swap3A_1833] {strides = array<i32>} : memref<512xf32, #tpu.memory_space<vmem>>, vector<16xf32>,
      %swap3A_1835 = vector.shape_cast %swap3A_1834 : vector<16xf32> to vector<16xf32>
      %swap3A_1836 = vector.shape_cast %get3A_1830 : vector<16xf32> to vector<16xf32>
      tpu.vector_store %arg8[%swap3A_1833], %swap3A_1836 {add = true, strides = array<i32>} : memref<512xf32, #tpu.memory_space<vmem>>, vector<16xf32>,
      %mul3A_1837 = arith.constant 128 : i32
      %mul3A_1838 = arith.muli %add3A_1754, %mul3A_1837 : i32
      %add3A_1839 = arith.constant 96 : i32
      %add3A_1840 = arith.addi %mul3A_1838, %add3A_1839 : i32
      %get3A_1841 = arith.index_cast %add3A_1840 : i32 to index
      %get3A_1842 = tpu.vector_load %arg7[%get3A_1841] {strides = array<i32>} : memref<25600xf32, #tpu.memory_space<vmem>>, vector<16xf32>,
      %get3A_1843 = vector.shape_cast %get3A_1842 : vector<16xf32> to vector<16xf32>
      %add3A_1844 = arith.constant 96 : i32
      %add3A_1845 = arith.addi %mul3A_1758, %add3A_1844 : i32
      %swap3A_1846 = arith.index_cast %add3A_1845 : i32 to index
      %swap3A_1847 = tpu.vector_load %arg8[%swap3A_1846] {strides = array<i32>} : memref<512xf32, #tpu.memory_space<vmem>>, vector<16xf32>,
      %swap3A_1848 = vector.shape_cast %swap3A_1847 : vector<16xf32> to vector<16xf32>
      %swap3A_1849 = vector.shape_cast %get3A_1843 : vector<16xf32> to vector<16xf32>
      tpu.vector_store %arg8[%swap3A_1846], %swap3A_1849 {add = true, strides = array<i32>} : memref<512xf32, #tpu.memory_space<vmem>>, vector<16xf32>,
      %mul3A_1850 = arith.constant 128 : i32
      %mul3A_1851 = arith.muli %add3A_1754, %mul3A_1850 : i32
      %add3A_1852 = arith.constant 112 : i32
      %add3A_1853 = arith.addi %mul3A_1851, %add3A_1852 : i32
      %get3A_1854 = arith.index_cast %add3A_1853 : i32 to index
      %get3A_1855 = tpu.vector_load %arg7[%get3A_1854] {strides = array<i32>} : memref<25600xf32, #tpu.memory_space<vmem>>, vector<16xf32>,
      %get3A_1856 = vector.shape_cast %get3A_1855 : vector<16xf32> to vector<16xf32>
      %add3A_1857 = arith.constant 112 : i32
      %add3A_1858 = arith.addi %mul3A_1758, %add3A_1857 : i32
      %swap3A_1859 = arith.index_cast %add3A_1858 : i32 to index
      %swap3A_1860 = tpu.vector_load %arg8[%swap3A_1859] {strides = array<i32>} : memref<512xf32, #tpu.memory_space<vmem>>, vector<16xf32>,
      %swap3A_1861 = vector.shape_cast %swap3A_1860 : vector<16xf32> to vector<16xf32>
      %swap3A_1862 = vector.shape_cast %get3A_1856 : vector<16xf32> to vector<16xf32>
      tpu.vector_store %arg8[%swap3A_1859], %swap3A_1862 {add = true, strides = array<i32>} : memref<512xf32, #tpu.memory_space<vmem>>, vector<16xf32>,
      %mul3A_1863 = arith.constant 10 : i32
      %mul3A_1864 = arith.muli %mul3A_1582, %mul3A_1863 : i32
      %add3A_1865 = arith.constant 1 : i32
      %add3A_1866 = arith.addi %mul3A_1864, %add3A_1865 : i32
      %and3A_1867 = arith.constant 3 : i32
      %and3A_1868 = arith.andi %add3A_1866, %and3A_1867 : i32
      %mul3A_1869 = arith.constant 128 : i32
      %mul3A_1870 = arith.muli %and3A_1868, %mul3A_1869 : i32
      %mul3A_1871 = arith.constant 128 : i32
      %mul3A_1872 = arith.muli %add3A_1866, %mul3A_1871 : i32
      %add3A_1873 = arith.constant 0 : i32
      %add3A_1874 = arith.addi %mul3A_1872, %add3A_1873 : i32
      %get3A_1875 = arith.index_cast %add3A_1874 : i32 to index
      %get3A_1876 = tpu.vector_load %arg7[%get3A_1875] {strides = array<i32>} : memref<25600xf32, #tpu.memory_space<vmem>>, vector<16xf32>,
      %get3A_1877 = vector.shape_cast %get3A_1876 : vector<16xf32> to vector<16xf32>
      %add3A_1878 = arith.constant 0 : i32
      %add3A_1879 = arith.addi %mul3A_1870, %add3A_1878 : i32
      %swap3A_1880 = arith.index_cast %add3A_1879 : i32 to index
      %swap3A_1881 = tpu.vector_load %arg8[%swap3A_1880] {strides = array<i32>} : memref<512xf32, #tpu.memory_space<vmem>>, vector<16xf32>,
      %swap3A_1882 = vector.shape_cast %swap3A_1881 : vector<16xf32> to vector<16xf32>
      %swap3A_1883 = vector.shape_cast %get3A_1877 : vector<16xf32> to vector<16xf32>
      tpu.vector_store %arg8[%swap3A_1880], %swap3A_1883 {add = true, strides = array<i32>} : memref<512xf32, #tpu.memory_space<vmem>>, vector<16xf32>,
      %mul3A_1884 = arith.constant 128 : i32
      %mul3A_1885 = arith.muli %add3A_1866, %mul3A_1884 : i32
      %add3A_1886 = arith.constant 16 : i32
      %add3A_1887 = arith.addi %mul3A_1885, %add3A_1886 : i32
      %get3A_1888 = arith.index_cast %add3A_1887 : i32 to index
      %get3A_1889 = tpu.vector_load %arg7[%get3A_1888] {strides = array<i32>} : memref<25600xf32, #tpu.memory_space<vmem>>, vector<16xf32>,
      %get3A_1890 = vector.shape_cast %get3A_1889 : vector<16xf32> to vector<16xf32>
      %add3A_1891 = arith.constant 16 : i32
      %add3A_1892 = arith.addi %mul3A_1870, %add3A_1891 : i32
      %swap3A_1893 = arith.index_cast %add3A_1892 : i32 to index
      %swap3A_1894 = tpu.vector_load %arg8[%swap3A_1893] {strides = array<i32>} : memref<512xf32, #tpu.memory_space<vmem>>, vector<16xf32>,
      %swap3A_1895 = vector.shape_cast %swap3A_1894 : vector<16xf32> to vector<16xf32>
      %swap3A_1896 = vector.shape_cast %get3A_1890 : vector<16xf32> to vector<16xf32>
      tpu.vector_store %arg8[%swap3A_1893], %swap3A_1896 {add = true, strides = array<i32>} : memref<512xf32, #tpu.memory_space<vmem>>, vector<16xf32>,
      %mul3A_1897 = arith.constant 128 : i32
      %mul3A_1898 = arith.muli %add3A_1866, %mul3A_1897 : i32
      %add3A_1899 = arith.constant 32 : i32
      %add3A_1900 = arith.addi %mul3A_1898, %add3A_1899 : i32
      %get3A_1901 = arith.index_cast %add3A_1900 : i32 to index
      %get3A_1902 = tpu.vector_load %arg7[%get3A_1901] {strides = array<i32>} : memref<25600xf32, #tpu.memory_space<vmem>>, vector<16xf32>,
      %get3A_1903 = vector.shape_cast %get3A_1902 : vector<16xf32> to vector<16xf32>
      %add3A_1904 = arith.constant 32 : i32
      %add3A_1905 = arith.addi %mul3A_1870, %add3A_1904 : i32
      %swap3A_1906 = arith.index_cast %add3A_1905 : i32 to index
      %swap3A_1907 = tpu.vector_load %arg8[%swap3A_1906] {strides = array<i32>} : memref<512xf32, #tpu.memory_space<vmem>>, vector<16xf32>,
      %swap3A_1908 = vector.shape_cast %swap3A_1907 : vector<16xf32> to vector<16xf32>
      %swap3A_1909 = vector.shape_cast %get3A_1903 : vector<16xf32> to vector<16xf32>
      tpu.vector_store %arg8[%swap3A_1906], %swap3A_1909 {add = true, strides = array<i32>} : memref<512xf32, #tpu.memory_space<vmem>>, vector<16xf32>,
      %mul3A_1910 = arith.constant 128 : i32
      %mul3A_1911 = arith.muli %add3A_1866, %mul3A_1910 : i32
      %add3A_1912 = arith.constant 48 : i32
      %add3A_1913 = arith.addi %mul3A_1911, %add3A_1912 : i32
      %get3A_1914 = arith.index_cast %add3A_1913 : i32 to index
      %get3A_1915 = tpu.vector_load %arg7[%get3A_1914] {strides = array<i32>} : memref<25600xf32, #tpu.memory_space<vmem>>, vector<16xf32>,
      %get3A_1916 = vector.shape_cast %get3A_1915 : vector<16xf32> to vector<16xf32>
      %add3A_1917 = arith.constant 48 : i32
      %add3A_1918 = arith.addi %mul3A_1870, %add3A_1917 : i32
      %swap3A_1919 = arith.index_cast %add3A_1918 : i32 to index
      %swap3A_1920 = tpu.vector_load %arg8[%swap3A_1919] {strides = array<i32>} : memref<512xf32, #tpu.memory_space<vmem>>, vector<16xf32>,
      %swap3A_1921 = vector.shape_cast %swap3A_1920 : vector<16xf32> to vector<16xf32>
      %swap3A_1922 = vector.shape_cast %get3A_1916 : vector<16xf32> to vector<16xf32>
      tpu.vector_store %arg8[%swap3A_1919], %swap3A_1922 {add = true, strides = array<i32>} : memref<512xf32, #tpu.memory_space<vmem>>, vector<16xf32>,
      %mul3A_1923 = arith.constant 128 : i32
      %mul3A_1924 = arith.muli %add3A_1866, %mul3A_1923 : i32
      %add3A_1925 = arith.constant 64 : i32
      %add3A_1926 = arith.addi %mul3A_1924, %add3A_1925 : i32
      %get3A_1927 = arith.index_cast %add3A_1926 : i32 to index
      %get3A_1928 = tpu.vector_load %arg7[%get3A_1927] {strides = array<i32>} : memref<25600xf32, #tpu.memory_space<vmem>>, vector<16xf32>,
      %get3A_1929 = vector.shape_cast %get3A_1928 : vector<16xf32> to vector<16xf32>
      %add3A_1930 = arith.constant 64 : i32
      %add3A_1931 = arith.addi %mul3A_1870, %add3A_1930 : i32
      %swap3A_1932 = arith.index_cast %add3A_1931 : i32 to index
      %swap3A_1933 = tpu.vector_load %arg8[%swap3A_1932] {strides = array<i32>} : memref<512xf32, #tpu.memory_space<vmem>>, vector<16xf32>,
      %swap3A_1934 = vector.shape_cast %swap3A_1933 : vector<16xf32> to vector<16xf32>
      %swap3A_1935 = vector.shape_cast %get3A_1929 : vector<16xf32> to vector<16xf32>
      tpu.vector_store %arg8[%swap3A_1932], %swap3A_1935 {add = true, strides = array<i32>} : memref<512xf32, #tpu.memory_space<vmem>>, vector<16xf32>,
      %mul3A_1936 = arith.constant 128 : i32
      %mul3A_1937 = arith.muli %add3A_1866, %mul3A_1936 : i32
      %add3A_1938 = arith.constant 80 : i32
      %add3A_1939 = arith.addi %mul3A_1937, %add3A_1938 : i32
      %get3A_1940 = arith.index_cast %add3A_1939 : i32 to index
      %get3A_1941 = tpu.vector_load %arg7[%get3A_1940] {strides = array<i32>} : memref<25600xf32, #tpu.memory_space<vmem>>, vector<16xf32>,
      %get3A_1942 = vector.shape_cast %get3A_1941 : vector<16xf32> to vector<16xf32>
      %add3A_1943 = arith.constant 80 : i32
      %add3A_1944 = arith.addi %mul3A_1870, %add3A_1943 : i32
      %swap3A_1945 = arith.index_cast %add3A_1944 : i32 to index
      %swap3A_1946 = tpu.vector_load %arg8[%swap3A_1945] {strides = array<i32>} : memref<512xf32, #tpu.memory_space<vmem>>, vector<16xf32>,
      %swap3A_1947 = vector.shape_cast %swap3A_1946 : vector<16xf32> to vector<16xf32>
      %swap3A_1948 = vector.shape_cast %get3A_1942 : vector<16xf32> to vector<16xf32>
      tpu.vector_store %arg8[%swap3A_1945], %swap3A_1948 {add = true, strides = array<i32>} : memref<512xf32, #tpu.memory_space<vmem>>, vector<16xf32>,
      %mul3A_1949 = arith.constant 128 : i32
      %mul3A_1950 = arith.muli %add3A_1866, %mul3A_1949 : i32
      %add3A_1951 = arith.constant 96 : i32
      %add3A_1952 = arith.addi %mul3A_1950, %add3A_1951 : i32
      %get3A_1953 = arith.index_cast %add3A_1952 : i32 to index
      %get3A_1954 = tpu.vector_load %arg7[%get3A_1953] {strides = array<i32>} : memref<25600xf32, #tpu.memory_space<vmem>>, vector<16xf32>,
      %get3A_1955 = vector.shape_cast %get3A_1954 : vector<16xf32> to vector<16xf32>
      %add3A_1956 = arith.constant 96 : i32
      %add3A_1957 = arith.addi %mul3A_1870, %add3A_1956 : i32
      %swap3A_1958 = arith.index_cast %add3A_1957 : i32 to index
      %swap3A_1959 = tpu.vector_load %arg8[%swap3A_1958] {strides = array<i32>} : memref<512xf32, #tpu.memory_space<vmem>>, vector<16xf32>,
      %swap3A_1960 = vector.shape_cast %swap3A_1959 : vector<16xf32> to vector<16xf32>
      %swap3A_1961 = vector.shape_cast %get3A_1955 : vector<16xf32> to vector<16xf32>
      tpu.vector_store %arg8[%swap3A_1958], %swap3A_1961 {add = true, strides = array<i32>} : memref<512xf32, #tpu.memory_space<vmem>>, vector<16xf32>,
      %mul3A_1962 = arith.constant 128 : i32
      %mul3A_1963 = arith.muli %add3A_1866, %mul3A_1962 : i32
      %add3A_1964 = arith.constant 112 : i32
      %add3A_1965 = arith.addi %mul3A_1963, %add3A_1964 : i32
      %get3A_1966 = arith.index_cast %add3A_1965 : i32 to index
      %get3A_1967 = tpu.vector_load %arg7[%get3A_1966] {strides = array<i32>} : memref<25600xf32, #tpu.memory_space<vmem>>, vector<16xf32>,
      %get3A_1968 = vector.shape_cast %get3A_1967 : vector<16xf32> to vector<16xf32>
      %add3A_1969 = arith.constant 112 : i32
      %add3A_1970 = arith.addi %mul3A_1870, %add3A_1969 : i32
      %swap3A_1971 = arith.index_cast %add3A_1970 : i32 to index
      %swap3A_1972 = tpu.vector_load %arg8[%swap3A_1971] {strides = array<i32>} : memref<512xf32, #tpu.memory_space<vmem>>, vector<16xf32>,
      %swap3A_1973 = vector.shape_cast %swap3A_1972 : vector<16xf32> to vector<16xf32>
      %swap3A_1974 = vector.shape_cast %get3A_1968 : vector<16xf32> to vector<16xf32>
      tpu.vector_store %arg8[%swap3A_1971], %swap3A_1974 {add = true, strides = array<i32>} : memref<512xf32, #tpu.memory_space<vmem>>, vector<16xf32>,
      %mul3A_1975 = arith.constant 10 : i32
      %mul3A_1976 = arith.muli %mul3A_1582, %mul3A_1975 : i32
      %add3A_1977 = arith.constant 2 : i32
      %add3A_1978 = arith.addi %mul3A_1976, %add3A_1977 : i32
      %and3A_1979 = arith.constant 3 : i32
      %and3A_1980 = arith.andi %add3A_1978, %and3A_1979 : i32
      %mul3A_1981 = arith.constant 128 : i32
      %mul3A_1982 = arith.muli %and3A_1980, %mul3A_1981 : i32
      %mul3A_1983 = arith.constant 128 : i32
      %mul3A_1984 = arith.muli %add3A_1978, %mul3A_1983 : i32
      %add3A_1985 = arith.constant 0 : i32
      %add3A_1986 = arith.addi %mul3A_1984, %add3A_1985 : i32
      %get3A_1987 = arith.index_cast %add3A_1986 : i32 to index
      %get3A_1988 = tpu.vector_load %arg7[%get3A_1987] {strides = array<i32>} : memref<25600xf32, #tpu.memory_space<vmem>>, vector<16xf32>,
      %get3A_1989 = vector.shape_cast %get3A_1988 : vector<16xf32> to vector<16xf32>
      %add3A_1990 = arith.constant 0 : i32
      %add3A_1991 = arith.addi %mul3A_1982, %add3A_1990 : i32
      %swap3A_1992 = arith.index_cast %add3A_1991 : i32 to index
      %swap3A_1993 = tpu.vector_load %arg8[%swap3A_1992] {strides = array<i32>} : memref<512xf32, #tpu.memory_space<vmem>>, vector<16xf32>,
      %swap3A_1994 = vector.shape_cast %swap3A_1993 : vector<16xf32> to vector<16xf32>
      %swap3A_1995 = vector.shape_cast %get3A_1989 : vector<16xf32> to vector<16xf32>
      tpu.vector_store %arg8[%swap3A_1992], %swap3A_1995 {add = true, strides = array<i32>} : memref<512xf32, #tpu.memory_space<vmem>>, vector<16xf32>,
      %mul3A_1996 = arith.constant 128 : i32
      %mul3A_1997 = arith.muli %add3A_1978, %mul3A_1996 : i32
      %add3A_1998 = arith.constant 16 : i32
      %add3A_1999 = arith.addi %mul3A_1997, %add3A_1998 : i32
      %get3A_2000 = arith.index_cast %add3A_1999 : i32 to index
      %get3A_2001 = tpu.vector_load %arg7[%get3A_2000] {strides = array<i32>} : memref<25600xf32, #tpu.memory_space<vmem>>, vector<16xf32>,
      %get3A_2002 = vector.shape_cast %get3A_2001 : vector<16xf32> to vector<16xf32>
      %add3A_2003 = arith.constant 16 : i32
      %add3A_2004 = arith.addi %mul3A_1982, %add3A_2003 : i32
      %swap3A_2005 = arith.index_cast %add3A_2004 : i32 to index
      %swap3A_2006 = tpu.vector_load %arg8[%swap3A_2005] {strides = array<i32>} : memref<512xf32, #tpu.memory_space<vmem>>, vector<16xf32>,
      %swap3A_2007 = vector.shape_cast %swap3A_2006 : vector<16xf32> to vector<16xf32>
      %swap3A_2008 = vector.shape_cast %get3A_2002 : vector<16xf32> to vector<16xf32>
      tpu.vector_store %arg8[%swap3A_2005], %swap3A_2008 {add = true, strides = array<i32>} : memref<512xf32, #tpu.memory_space<vmem>>, vector<16xf32>,
      %mul3A_2009 = arith.constant 128 : i32
      %mul3A_2010 = arith.muli %add3A_1978, %mul3A_2009 : i32
      %add3A_2011 = arith.constant 32 : i32
      %add3A_2012 = arith.addi %mul3A_2010, %add3A_2011 : i32
      %get3A_2013 = arith.index_cast %add3A_2012 : i32 to index
      %get3A_2014 = tpu.vector_load %arg7[%get3A_2013] {strides = array<i32>} : memref<25600xf32, #tpu.memory_space<vmem>>, vector<16xf32>,
      %get3A_2015 = vector.shape_cast %get3A_2014 : vector<16xf32> to vector<16xf32>
      %add3A_2016 = arith.constant 32 : i32
      %add3A_2017 = arith.addi %mul3A_1982, %add3A_2016 : i32
      %swap3A_2018 = arith.index_cast %add3A_2017 : i32 to index
      %swap3A_2019 = tpu.vector_load %arg8[%swap3A_2018] {strides = array<i32>} : memref<512xf32, #tpu.memory_space<vmem>>, vector<16xf32>,
      %swap3A_2020 = vector.shape_cast %swap3A_2019 : vector<16xf32> to vector<16xf32>
      %swap3A_2021 = vector.shape_cast %get3A_2015 : vector<16xf32> to vector<16xf32>
      tpu.vector_store %arg8[%swap3A_2018], %swap3A_2021 {add = true, strides = array<i32>} : memref<512xf32, #tpu.memory_space<vmem>>, vector<16xf32>,
      %mul3A_2022 = arith.constant 128 : i32
      %mul3A_2023 = arith.muli %add3A_1978, %mul3A_2022 : i32
      %add3A_2024 = arith.constant 48 : i32
      %add3A_2025 = arith.addi %mul3A_2023, %add3A_2024 : i32
      %get3A_2026 = arith.index_cast %add3A_2025 : i32 to index
      %get3A_2027 = tpu.vector_load %arg7[%get3A_2026] {strides = array<i32>} : memref<25600xf32, #tpu.memory_space<vmem>>, vector<16xf32>,
      %get3A_2028 = vector.shape_cast %get3A_2027 : vector<16xf32> to vector<16xf32>
      %add3A_2029 = arith.constant 48 : i32
      %add3A_2030 = arith.addi %mul3A_1982, %add3A_2029 : i32
      %swap3A_2031 = arith.index_cast %add3A_2030 : i32 to index
      %swap3A_2032 = tpu.vector_load %arg8[%swap3A_2031] {strides = array<i32>} : memref<512xf32, #tpu.memory_space<vmem>>, vector<16xf32>,
      %swap3A_2033 = vector.shape_cast %swap3A_2032 : vector<16xf32> to vector<16xf32>
      %swap3A_2034 = vector.shape_cast %get3A_2028 : vector<16xf32> to vector<16xf32>
      tpu.vector_store %arg8[%swap3A_2031], %swap3A_2034 {add = true, strides = array<i32>} : memref<512xf32, #tpu.memory_space<vmem>>, vector<16xf32>,
      %mul3A_2035 = arith.constant 128 : i32
      %mul3A_2036 = arith.muli %add3A_1978, %mul3A_2035 : i32
      %add3A_2037 = arith.constant 64 : i32
      %add3A_2038 = arith.addi %mul3A_2036, %add3A_2037 : i32
      %get3A_2039 = arith.index_cast %add3A_2038 : i32 to index
      %get3A_2040 = tpu.vector_load %arg7[%get3A_2039] {strides = array<i32>} : memref<25600xf32, #tpu.memory_space<vmem>>, vector<16xf32>,
      %get3A_2041 = vector.shape_cast %get3A_2040 : vector<16xf32> to vector<16xf32>
      %add3A_2042 = arith.constant 64 : i32
      %add3A_2043 = arith.addi %mul3A_1982, %add3A_2042 : i32
      %swap3A_2044 = arith.index_cast %add3A_2043 : i32 to index
      %swap3A_2045 = tpu.vector_load %arg8[%swap3A_2044] {strides = array<i32>} : memref<512xf32, #tpu.memory_space<vmem>>, vector<16xf32>,
      %swap3A_2046 = vector.shape_cast %swap3A_2045 : vector<16xf32> to vector<16xf32>
      %swap3A_2047 = vector.shape_cast %get3A_2041 : vector<16xf32> to vector<16xf32>
      tpu.vector_store %arg8[%swap3A_2044], %swap3A_2047 {add = true, strides = array<i32>} : memref<512xf32, #tpu.memory_space<vmem>>, vector<16xf32>,
      %mul3A_2048 = arith.constant 128 : i32
      %mul3A_2049 = arith.muli %add3A_1978, %mul3A_2048 : i32
      %add3A_2050 = arith.constant 80 : i32
      %add3A_2051 = arith.addi %mul3A_2049, %add3A_2050 : i32
      %get3A_2052 = arith.index_cast %add3A_2051 : i32 to index
      %get3A_2053 = tpu.vector_load %arg7[%get3A_2052] {strides = array<i32>} : memref<25600xf32, #tpu.memory_space<vmem>>, vector<16xf32>,
      %get3A_2054 = vector.shape_cast %get3A_2053 : vector<16xf32> to vector<16xf32>
      %add3A_2055 = arith.constant 80 : i32
      %add3A_2056 = arith.addi %mul3A_1982, %add3A_2055 : i32
      %swap3A_2057 = arith.index_cast %add3A_2056 : i32 to index
      %swap3A_2058 = tpu.vector_load %arg8[%swap3A_2057] {strides = array<i32>} : memref<512xf32, #tpu.memory_space<vmem>>, vector<16xf32>,
      %swap3A_2059 = vector.shape_cast %swap3A_2058 : vector<16xf32> to vector<16xf32>
      %swap3A_2060 = vector.shape_cast %get3A_2054 : vector<16xf32> to vector<16xf32>
      tpu.vector_store %arg8[%swap3A_2057], %swap3A_2060 {add = true, strides = array<i32>} : memref<512xf32, #tpu.memory_space<vmem>>, vector<16xf32>,
      %mul3A_2061 = arith.constant 128 : i32
      %mul3A_2062 = arith.muli %add3A_1978, %mul3A_2061 : i32
      %add3A_2063 = arith.constant 96 : i32
      %add3A_2064 = arith.addi %mul3A_2062, %add3A_2063 : i32
      %get3A_2065 = arith.index_cast %add3A_2064 : i32 to index
      %get3A_2066 = tpu.vector_load %arg7[%get3A_2065] {strides = array<i32>} : memref<25600xf32, #tpu.memory_space<vmem>>, vector<16xf32>,
      %get3A_2067 = vector.shape_cast %get3A_2066 : vector<16xf32> to vector<16xf32>
      %add3A_2068 = arith.constant 96 : i32
      %add3A_2069 = arith.addi %mul3A_1982, %add3A_2068 : i32
      %swap3A_2070 = arith.index_cast %add3A_2069 : i32 to index
      %swap3A_2071 = tpu.vector_load %arg8[%swap3A_2070] {strides = array<i32>} : memref<512xf32, #tpu.memory_space<vmem>>, vector<16xf32>,
      %swap3A_2072 = vector.shape_cast %swap3A_2071 : vector<16xf32> to vector<16xf32>
      %swap3A_2073 = vector.shape_cast %get3A_2067 : vector<16xf32> to vector<16xf32>
      tpu.vector_store %arg8[%swap3A_2070], %swap3A_2073 {add = true, strides = array<i32>} : memref<512xf32, #tpu.memory_space<vmem>>, vector<16xf32>,
      %mul3A_2074 = arith.constant 128 : i32
      %mul3A_2075 = arith.muli %add3A_1978, %mul3A_2074 : i32
      %add3A_2076 = arith.constant 112 : i32
      %add3A_2077 = arith.addi %mul3A_2075, %add3A_2076 : i32
      %get3A_2078 = arith.index_cast %add3A_2077 : i32 to index
      %get3A_2079 = tpu.vector_load %arg7[%get3A_2078] {strides = array<i32>} : memref<25600xf32, #tpu.memory_space<vmem>>, vector<16xf32>,
      %get3A_2080 = vector.shape_cast %get3A_2079 : vector<16xf32> to vector<16xf32>
      %add3A_2081 = arith.constant 112 : i32
      %add3A_2082 = arith.addi %mul3A_1982, %add3A_2081 : i32
      %swap3A_2083 = arith.index_cast %add3A_2082 : i32 to index
      %swap3A_2084 = tpu.vector_load %arg8[%swap3A_2083] {strides = array<i32>} : memref<512xf32, #tpu.memory_space<vmem>>, vector<16xf32>,
      %swap3A_2085 = vector.shape_cast %swap3A_2084 : vector<16xf32> to vector<16xf32>
      %swap3A_2086 = vector.shape_cast %get3A_2080 : vector<16xf32> to vector<16xf32>
      tpu.vector_store %arg8[%swap3A_2083], %swap3A_2086 {add = true, strides = array<i32>} : memref<512xf32, #tpu.memory_space<vmem>>, vector<16xf32>,
      %mul3A_2087 = arith.constant 10 : i32
      %mul3A_2088 = arith.muli %mul3A_1582, %mul3A_2087 : i32
      %add3A_2089 = arith.constant 3 : i32
      %add3A_2090 = arith.addi %mul3A_2088, %add3A_2089 : i32
      %and3A_2091 = arith.constant 3 : i32
      %and3A_2092 = arith.andi %add3A_2090, %and3A_2091 : i32
      %mul3A_2093 = arith.constant 128 : i32
      %mul3A_2094 = arith.muli %and3A_2092, %mul3A_2093 : i32
      %mul3A_2095 = arith.constant 128 : i32
      %mul3A_2096 = arith.muli %add3A_2090, %mul3A_2095 : i32
      %add3A_2097 = arith.constant 0 : i32
      %add3A_2098 = arith.addi %mul3A_2096, %add3A_2097 : i32
      %get3A_2099 = arith.index_cast %add3A_2098 : i32 to index
      %get3A_2100 = tpu.vector_load %arg7[%get3A_2099] {strides = array<i32>} : memref<25600xf32, #tpu.memory_space<vmem>>, vector<16xf32>,
      %get3A_2101 = vector.shape_cast %get3A_2100 : vector<16xf32> to vector<16xf32>
      %add3A_2102 = arith.constant 0 : i32
      %add3A_2103 = arith.addi %mul3A_2094, %add3A_2102 : i32
      %swap3A_2104 = arith.index_cast %add3A_2103 : i32 to index
      %swap3A_2105 = tpu.vector_load %arg8[%swap3A_2104] {strides = array<i32>} : memref<512xf32, #tpu.memory_space<vmem>>, vector<16xf32>,
      %swap3A_2106 = vector.shape_cast %swap3A_2105 : vector<16xf32> to vector<16xf32>
      %swap3A_2107 = vector.shape_cast %get3A_2101 : vector<16xf32> to vector<16xf32>
      tpu.vector_store %arg8[%swap3A_2104], %swap3A_2107 {add = true, strides = array<i32>} : memref<512xf32, #tpu.memory_space<vmem>>, vector<16xf32>,
      %mul3A_2108 = arith.constant 128 : i32
      %mul3A_2109 = arith.muli %add3A_2090, %mul3A_2108 : i32
      %add3A_2110 = arith.constant 16 : i32
      %add3A_2111 = arith.addi %mul3A_2109, %add3A_2110 : i32
      %get3A_2112 = arith.index_cast %add3A_2111 : i32 to index
      %get3A_2113 = tpu.vector_load %arg7[%get3A_2112] {strides = array<i32>} : memref<25600xf32, #tpu.memory_space<vmem>>, vector<16xf32>,
      %get3A_2114 = vector.shape_cast %get3A_2113 : vector<16xf32> to vector<16xf32>
      %add3A_2115 = arith.constant 16 : i32
      %add3A_2116 = arith.addi %mul3A_2094, %add3A_2115 : i32
      %swap3A_2117 = arith.index_cast %add3A_2116 : i32 to index
      %swap3A_2118 = tpu.vector_load %arg8[%swap3A_2117] {strides = array<i32>} : memref<512xf32, #tpu.memory_space<vmem>>, vector<16xf32>,
      %swap3A_2119 = vector.shape_cast %swap3A_2118 : vector<16xf32> to vector<16xf32>
      %swap3A_2120 = vector.shape_cast %get3A_2114 : vector<16xf32> to vector<16xf32>
      tpu.vector_store %arg8[%swap3A_2117], %swap3A_2120 {add = true, strides = array<i32>} : memref<512xf32, #tpu.memory_space<vmem>>, vector<16xf32>,
      %mul3A_2121 = arith.constant 128 : i32
      %mul3A_2122 = arith.muli %add3A_2090, %mul3A_2121 : i32
      %add3A_2123 = arith.constant 32 : i32
      %add3A_2124 = arith.addi %mul3A_2122, %add3A_2123 : i32
      %get3A_2125 = arith.index_cast %add3A_2124 : i32 to index
      %get3A_2126 = tpu.vector_load %arg7[%get3A_2125] {strides = array<i32>} : memref<25600xf32, #tpu.memory_space<vmem>>, vector<16xf32>,
      %get3A_2127 = vector.shape_cast %get3A_2126 : vector<16xf32> to vector<16xf32>
      %add3A_2128 = arith.constant 32 : i32
      %add3A_2129 = arith.addi %mul3A_2094, %add3A_2128 : i32
      %swap3A_2130 = arith.index_cast %add3A_2129 : i32 to index
      %swap3A_2131 = tpu.vector_load %arg8[%swap3A_2130] {strides = array<i32>} : memref<512xf32, #tpu.memory_space<vmem>>, vector<16xf32>,
      %swap3A_2132 = vector.shape_cast %swap3A_2131 : vector<16xf32> to vector<16xf32>
      %swap3A_2133 = vector.shape_cast %get3A_2127 : vector<16xf32> to vector<16xf32>
      tpu.vector_store %arg8[%swap3A_2130], %swap3A_2133 {add = true, strides = array<i32>} : memref<512xf32, #tpu.memory_space<vmem>>, vector<16xf32>,
      %mul3A_2134 = arith.constant 128 : i32
      %mul3A_2135 = arith.muli %add3A_2090, %mul3A_2134 : i32
      %add3A_2136 = arith.constant 48 : i32
      %add3A_2137 = arith.addi %mul3A_2135, %add3A_2136 : i32
      %get3A_2138 = arith.index_cast %add3A_2137 : i32 to index
      %get3A_2139 = tpu.vector_load %arg7[%get3A_2138] {strides = array<i32>} : memref<25600xf32, #tpu.memory_space<vmem>>, vector<16xf32>,
      %get3A_2140 = vector.shape_cast %get3A_2139 : vector<16xf32> to vector<16xf32>
      %add3A_2141 = arith.constant 48 : i32
      %add3A_2142 = arith.addi %mul3A_2094, %add3A_2141 : i32
      %swap3A_2143 = arith.index_cast %add3A_2142 : i32 to index
      %swap3A_2144 = tpu.vector_load %arg8[%swap3A_2143] {strides = array<i32>} : memref<512xf32, #tpu.memory_space<vmem>>, vector<16xf32>,
      %swap3A_2145 = vector.shape_cast %swap3A_2144 : vector<16xf32> to vector<16xf32>
      %swap3A_2146 = vector.shape_cast %get3A_2140 : vector<16xf32> to vector<16xf32>
      tpu.vector_store %arg8[%swap3A_2143], %swap3A_2146 {add = true, strides = array<i32>} : memref<512xf32, #tpu.memory_space<vmem>>, vector<16xf32>,
      %mul3A_2147 = arith.constant 128 : i32
      %mul3A_2148 = arith.muli %add3A_2090, %mul3A_2147 : i32
      %add3A_2149 = arith.constant 64 : i32
      %add3A_2150 = arith.addi %mul3A_2148, %add3A_2149 : i32
      %get3A_2151 = arith.index_cast %add3A_2150 : i32 to index
      %get3A_2152 = tpu.vector_load %arg7[%get3A_2151] {strides = array<i32>} : memref<25600xf32, #tpu.memory_space<vmem>>, vector<16xf32>,
      %get3A_2153 = vector.shape_cast %get3A_2152 : vector<16xf32> to vector<16xf32>
      %add3A_2154 = arith.constant 64 : i32
      %add3A_2155 = arith.addi %mul3A_2094, %add3A_2154 : i32
      %swap3A_2156 = arith.index_cast %add3A_2155 : i32 to index
      %swap3A_2157 = tpu.vector_load %arg8[%swap3A_2156] {strides = array<i32>} : memref<512xf32, #tpu.memory_space<vmem>>, vector<16xf32>,
      %swap3A_2158 = vector.shape_cast %swap3A_2157 : vector<16xf32> to vector<16xf32>
      %swap3A_2159 = vector.shape_cast %get3A_2153 : vector<16xf32> to vector<16xf32>
      tpu.vector_store %arg8[%swap3A_2156], %swap3A_2159 {add = true, strides = array<i32>} : memref<512xf32, #tpu.memory_space<vmem>>, vector<16xf32>,
      %mul3A_2160 = arith.constant 128 : i32
      %mul3A_2161 = arith.muli %add3A_2090, %mul3A_2160 : i32
      %add3A_2162 = arith.constant 80 : i32
      %add3A_2163 = arith.addi %mul3A_2161, %add3A_2162 : i32
      %get3A_2164 = arith.index_cast %add3A_2163 : i32 to index
      %get3A_2165 = tpu.vector_load %arg7[%get3A_2164] {strides = array<i32>} : memref<25600xf32, #tpu.memory_space<vmem>>, vector<16xf32>,
      %get3A_2166 = vector.shape_cast %get3A_2165 : vector<16xf32> to vector<16xf32>
      %add3A_2167 = arith.constant 80 : i32
      %add3A_2168 = arith.addi %mul3A_2094, %add3A_2167 : i32
      %swap3A_2169 = arith.index_cast %add3A_2168 : i32 to index
      %swap3A_2170 = tpu.vector_load %arg8[%swap3A_2169] {strides = array<i32>} : memref<512xf32, #tpu.memory_space<vmem>>, vector<16xf32>,
      %swap3A_2171 = vector.shape_cast %swap3A_2170 : vector<16xf32> to vector<16xf32>
      %swap3A_2172 = vector.shape_cast %get3A_2166 : vector<16xf32> to vector<16xf32>
      tpu.vector_store %arg8[%swap3A_2169], %swap3A_2172 {add = true, strides = array<i32>} : memref<512xf32, #tpu.memory_space<vmem>>, vector<16xf32>,
      %mul3A_2173 = arith.constant 128 : i32
      %mul3A_2174 = arith.muli %add3A_2090, %mul3A_2173 : i32
      %add3A_2175 = arith.constant 96 : i32
      %add3A_2176 = arith.addi %mul3A_2174, %add3A_2175 : i32
      %get3A_2177 = arith.index_cast %add3A_2176 : i32 to index
      %get3A_2178 = tpu.vector_load %arg7[%get3A_2177] {strides = array<i32>} : memref<25600xf32, #tpu.memory_space<vmem>>, vector<16xf32>,
      %get3A_2179 = vector.shape_cast %get3A_2178 : vector<16xf32> to vector<16xf32>
      %add3A_2180 = arith.constant 96 : i32
      %add3A_2181 = arith.addi %mul3A_2094, %add3A_2180 : i32
      %swap3A_2182 = arith.index_cast %add3A_2181 : i32 to index
      %swap3A_2183 = tpu.vector_load %arg8[%swap3A_2182] {strides = array<i32>} : memref<512xf32, #tpu.memory_space<vmem>>, vector<16xf32>,
      %swap3A_2184 = vector.shape_cast %swap3A_2183 : vector<16xf32> to vector<16xf32>
      %swap3A_2185 = vector.shape_cast %get3A_2179 : vector<16xf32> to vector<16xf32>
      tpu.vector_store %arg8[%swap3A_2182], %swap3A_2185 {add = true, strides = array<i32>} : memref<512xf32, #tpu.memory_space<vmem>>, vector<16xf32>,
      %mul3A_2186 = arith.constant 128 : i32
      %mul3A_2187 = arith.muli %add3A_2090, %mul3A_2186 : i32
      %add3A_2188 = arith.constant 112 : i32
      %add3A_2189 = arith.addi %mul3A_2187, %add3A_2188 : i32
      %get3A_2190 = arith.index_cast %add3A_2189 : i32 to index
      %get3A_2191 = tpu.vector_load %arg7[%get3A_2190] {strides = array<i32>} : memref<25600xf32, #tpu.memory_space<vmem>>, vector<16xf32>,
      %get3A_2192 = vector.shape_cast %get3A_2191 : vector<16xf32> to vector<16xf32>
      %add3A_2193 = arith.constant 112 : i32
      %add3A_2194 = arith.addi %mul3A_2094, %add3A_2193 : i32
      %swap3A_2195 = arith.index_cast %add3A_2194 : i32 to index
      %swap3A_2196 = tpu.vector_load %arg8[%swap3A_2195] {strides = array<i32>} : memref<512xf32, #tpu.memory_space<vmem>>, vector<16xf32>,
      %swap3A_2197 = vector.shape_cast %swap3A_2196 : vector<16xf32> to vector<16xf32>
      %swap3A_2198 = vector.shape_cast %get3A_2192 : vector<16xf32> to vector<16xf32>
      tpu.vector_store %arg8[%swap3A_2195], %swap3A_2198 {add = true, strides = array<i32>} : memref<512xf32, #tpu.memory_space<vmem>>, vector<16xf32>,
      %mul3A_2199 = arith.constant 10 : i32
      %mul3A_2200 = arith.muli %mul3A_1582, %mul3A_2199 : i32
      %add3A_2201 = arith.constant 4 : i32
      %add3A_2202 = arith.addi %mul3A_2200, %add3A_2201 : i32
      %and3A_2203 = arith.constant 3 : i32
      %and3A_2204 = arith.andi %add3A_2202, %and3A_2203 : i32
      %mul3A_2205 = arith.constant 128 : i32
      %mul3A_2206 = arith.muli %and3A_2204, %mul3A_2205 : i32
      %mul3A_2207 = arith.constant 128 : i32
      %mul3A_2208 = arith.muli %add3A_2202, %mul3A_2207 : i32
      %add3A_2209 = arith.constant 0 : i32
      %add3A_2210 = arith.addi %mul3A_2208, %add3A_2209 : i32
      %get3A_2211 = arith.index_cast %add3A_2210 : i32 to index
      %get3A_2212 = tpu.vector_load %arg7[%get3A_2211] {strides = array<i32>} : memref<25600xf32, #tpu.memory_space<vmem>>, vector<16xf32>,
      %get3A_2213 = vector.shape_cast %get3A_2212 : vector<16xf32> to vector<16xf32>
      %add3A_2214 = arith.constant 0 : i32
      %add3A_2215 = arith.addi %mul3A_2206, %add3A_2214 : i32
      %swap3A_2216 = arith.index_cast %add3A_2215 : i32 to index
      %swap3A_2217 = tpu.vector_load %arg8[%swap3A_2216] {strides = array<i32>} : memref<512xf32, #tpu.memory_space<vmem>>, vector<16xf32>,
      %swap3A_2218 = vector.shape_cast %swap3A_2217 : vector<16xf32> to vector<16xf32>
      %swap3A_2219 = vector.shape_cast %get3A_2213 : vector<16xf32> to vector<16xf32>
      tpu.vector_store %arg8[%swap3A_2216], %swap3A_2219 {add = true, strides = array<i32>} : memref<512xf32, #tpu.memory_space<vmem>>, vector<16xf32>,
      %mul3A_2220 = arith.constant 128 : i32
      %mul3A_2221 = arith.muli %add3A_2202, %mul3A_2220 : i32
      %add3A_2222 = arith.constant 16 : i32
      %add3A_2223 = arith.addi %mul3A_2221, %add3A_2222 : i32
      %get3A_2224 = arith.index_cast %add3A_2223 : i32 to index
      %get3A_2225 = tpu.vector_load %arg7[%get3A_2224] {strides = array<i32>} : memref<25600xf32, #tpu.memory_space<vmem>>, vector<16xf32>,
      %get3A_2226 = vector.shape_cast %get3A_2225 : vector<16xf32> to vector<16xf32>
      %add3A_2227 = arith.constant 16 : i32
      %add3A_2228 = arith.addi %mul3A_2206, %add3A_2227 : i32
      %swap3A_2229 = arith.index_cast %add3A_2228 : i32 to index
      %swap3A_2230 = tpu.vector_load %arg8[%swap3A_2229] {strides = array<i32>} : memref<512xf32, #tpu.memory_space<vmem>>, vector<16xf32>,
      %swap3A_2231 = vector.shape_cast %swap3A_2230 : vector<16xf32> to vector<16xf32>
      %swap3A_2232 = vector.shape_cast %get3A_2226 : vector<16xf32> to vector<16xf32>
      tpu.vector_store %arg8[%swap3A_2229], %swap3A_2232 {add = true, strides = array<i32>} : memref<512xf32, #tpu.memory_space<vmem>>, vector<16xf32>,
      %mul3A_2233 = arith.constant 128 : i32
      %mul3A_2234 = arith.muli %add3A_2202, %mul3A_2233 : i32
      %add3A_2235 = arith.constant 32 : i32
      %add3A_2236 = arith.addi %mul3A_2234, %add3A_2235 : i32
      %get3A_2237 = arith.index_cast %add3A_2236 : i32 to index
      %get3A_2238 = tpu.vector_load %arg7[%get3A_2237] {strides = array<i32>} : memref<25600xf32, #tpu.memory_space<vmem>>, vector<16xf32>,
      %get3A_2239 = vector.shape_cast %get3A_2238 : vector<16xf32> to vector<16xf32>
      %add3A_2240 = arith.constant 32 : i32
      %add3A_2241 = arith.addi %mul3A_2206, %add3A_2240 : i32
      %swap3A_2242 = arith.index_cast %add3A_2241 : i32 to index
      %swap3A_2243 = tpu.vector_load %arg8[%swap3A_2242] {strides = array<i32>} : memref<512xf32, #tpu.memory_space<vmem>>, vector<16xf32>,
      %swap3A_2244 = vector.shape_cast %swap3A_2243 : vector<16xf32> to vector<16xf32>
      %swap3A_2245 = vector.shape_cast %get3A_2239 : vector<16xf32> to vector<16xf32>
      tpu.vector_store %arg8[%swap3A_2242], %swap3A_2245 {add = true, strides = array<i32>} : memref<512xf32, #tpu.memory_space<vmem>>, vector<16xf32>,
      %mul3A_2246 = arith.constant 128 : i32
      %mul3A_2247 = arith.muli %add3A_2202, %mul3A_2246 : i32
      %add3A_2248 = arith.constant 48 : i32
      %add3A_2249 = arith.addi %mul3A_2247, %add3A_2248 : i32
      %get3A_2250 = arith.index_cast %add3A_2249 : i32 to index
      %get3A_2251 = tpu.vector_load %arg7[%get3A_2250] {strides = array<i32>} : memref<25600xf32, #tpu.memory_space<vmem>>, vector<16xf32>,
      %get3A_2252 = vector.shape_cast %get3A_2251 : vector<16xf32> to vector<16xf32>
      %add3A_2253 = arith.constant 48 : i32
      %add3A_2254 = arith.addi %mul3A_2206, %add3A_2253 : i32
      %swap3A_2255 = arith.index_cast %add3A_2254 : i32 to index
      %swap3A_2256 = tpu.vector_load %arg8[%swap3A_2255] {strides = array<i32>} : memref<512xf32, #tpu.memory_space<vmem>>, vector<16xf32>,
      %swap3A_2257 = vector.shape_cast %swap3A_2256 : vector<16xf32> to vector<16xf32>
      %swap3A_2258 = vector.shape_cast %get3A_2252 : vector<16xf32> to vector<16xf32>
      tpu.vector_store %arg8[%swap3A_2255], %swap3A_2258 {add = true, strides = array<i32>} : memref<512xf32, #tpu.memory_space<vmem>>, vector<16xf32>,
      %mul3A_2259 = arith.constant 128 : i32
      %mul3A_2260 = arith.muli %add3A_2202, %mul3A_2259 : i32
      %add3A_2261 = arith.constant 64 : i32
      %add3A_2262 = arith.addi %mul3A_2260, %add3A_2261 : i32
      %get3A_2263 = arith.index_cast %add3A_2262 : i32 to index
      %get3A_2264 = tpu.vector_load %arg7[%get3A_2263] {strides = array<i32>} : memref<25600xf32, #tpu.memory_space<vmem>>, vector<16xf32>,
      %get3A_2265 = vector.shape_cast %get3A_2264 : vector<16xf32> to vector<16xf32>
      %add3A_2266 = arith.constant 64 : i32
      %add3A_2267 = arith.addi %mul3A_2206, %add3A_2266 : i32
      %swap3A_2268 = arith.index_cast %add3A_2267 : i32 to index
      %swap3A_2269 = tpu.vector_load %arg8[%swap3A_2268] {strides = array<i32>} : memref<512xf32, #tpu.memory_space<vmem>>, vector<16xf32>,
      %swap3A_2270 = vector.shape_cast %swap3A_2269 : vector<16xf32> to vector<16xf32>
      %swap3A_2271 = vector.shape_cast %get3A_2265 : vector<16xf32> to vector<16xf32>
      tpu.vector_store %arg8[%swap3A_2268], %swap3A_2271 {add = true, strides = array<i32>} : memref<512xf32, #tpu.memory_space<vmem>>, vector<16xf32>,
      %mul3A_2272 = arith.constant 128 : i32
      %mul3A_2273 = arith.muli %add3A_2202, %mul3A_2272 : i32
      %add3A_2274 = arith.constant 80 : i32
      %add3A_2275 = arith.addi %mul3A_2273, %add3A_2274 : i32
      %get3A_2276 = arith.index_cast %add3A_2275 : i32 to index
      %get3A_2277 = tpu.vector_load %arg7[%get3A_2276] {strides = array<i32>} : memref<25600xf32, #tpu.memory_space<vmem>>, vector<16xf32>,
      %get3A_2278 = vector.shape_cast %get3A_2277 : vector<16xf32> to vector<16xf32>
      %add3A_2279 = arith.constant 80 : i32
      %add3A_2280 = arith.addi %mul3A_2206, %add3A_2279 : i32
      %swap3A_2281 = arith.index_cast %add3A_2280 : i32 to index
      %swap3A_2282 = tpu.vector_load %arg8[%swap3A_2281] {strides = array<i32>} : memref<512xf32, #tpu.memory_space<vmem>>, vector<16xf32>,
      %swap3A_2283 = vector.shape_cast %swap3A_2282 : vector<16xf32> to vector<16xf32>
      %swap3A_2284 = vector.shape_cast %get3A_2278 : vector<16xf32> to vector<16xf32>
      tpu.vector_store %arg8[%swap3A_2281], %swap3A_2284 {add = true, strides = array<i32>} : memref<512xf32, #tpu.memory_space<vmem>>, vector<16xf32>,
      %mul3A_2285 = arith.constant 128 : i32
      %mul3A_2286 = arith.muli %add3A_2202, %mul3A_2285 : i32
      %add3A_2287 = arith.constant 96 : i32
      %add3A_2288 = arith.addi %mul3A_2286, %add3A_2287 : i32
      %get3A_2289 = arith.index_cast %add3A_2288 : i32 to index
      %get3A_2290 = tpu.vector_load %arg7[%get3A_2289] {strides = array<i32>} : memref<25600xf32, #tpu.memory_space<vmem>>, vector<16xf32>,
      %get3A_2291 = vector.shape_cast %get3A_2290 : vector<16xf32> to vector<16xf32>
      %add3A_2292 = arith.constant 96 : i32
      %add3A_2293 = arith.addi %mul3A_2206, %add3A_2292 : i32
      %swap3A_2294 = arith.index_cast %add3A_2293 : i32 to index
      %swap3A_2295 = tpu.vector_load %arg8[%swap3A_2294] {strides = array<i32>} : memref<512xf32, #tpu.memory_space<vmem>>, vector<16xf32>,
      %swap3A_2296 = vector.shape_cast %swap3A_2295 : vector<16xf32> to vector<16xf32>
      %swap3A_2297 = vector.shape_cast %get3A_2291 : vector<16xf32> to vector<16xf32>
      tpu.vector_store %arg8[%swap3A_2294], %swap3A_2297 {add = true, strides = array<i32>} : memref<512xf32, #tpu.memory_space<vmem>>, vector<16xf32>,
      %mul3A_2298 = arith.constant 128 : i32
      %mul3A_2299 = arith.muli %add3A_2202, %mul3A_2298 : i32
      %add3A_2300 = arith.constant 112 : i32
      %add3A_2301 = arith.addi %mul3A_2299, %add3A_2300 : i32
      %get3A_2302 = arith.index_cast %add3A_2301 : i32 to index
      %get3A_2303 = tpu.vector_load %arg7[%get3A_2302] {strides = array<i32>} : memref<25600xf32, #tpu.memory_space<vmem>>, vector<16xf32>,
      %get3A_2304 = vector.shape_cast %get3A_2303 : vector<16xf32> to vector<16xf32>
      %add3A_2305 = arith.constant 112 : i32
      %add3A_2306 = arith.addi %mul3A_2206, %add3A_2305 : i32
      %swap3A_2307 = arith.index_cast %add3A_2306 : i32 to index
      %swap3A_2308 = tpu.vector_load %arg8[%swap3A_2307] {strides = array<i32>} : memref<512xf32, #tpu.memory_space<vmem>>, vector<16xf32>,
      %swap3A_2309 = vector.shape_cast %swap3A_2308 : vector<16xf32> to vector<16xf32>
      %swap3A_2310 = vector.shape_cast %get3A_2304 : vector<16xf32> to vector<16xf32>
      tpu.vector_store %arg8[%swap3A_2307], %swap3A_2310 {add = true, strides = array<i32>} : memref<512xf32, #tpu.memory_space<vmem>>, vector<16xf32>,
      %mul3A_2311 = arith.constant 10 : i32
      %mul3A_2312 = arith.muli %mul3A_1582, %mul3A_2311 : i32
      %add3A_2313 = arith.constant 5 : i32
      %add3A_2314 = arith.addi %mul3A_2312, %add3A_2313 : i32
      %and3A_2315 = arith.constant 3 : i32
      %and3A_2316 = arith.andi %add3A_2314, %and3A_2315 : i32
      %mul3A_2317 = arith.constant 128 : i32
      %mul3A_2318 = arith.muli %and3A_2316, %mul3A_2317 : i32
      %mul3A_2319 = arith.constant 128 : i32
      %mul3A_2320 = arith.muli %add3A_2314, %mul3A_2319 : i32
      %add3A_2321 = arith.constant 0 : i32
      %add3A_2322 = arith.addi %mul3A_2320, %add3A_2321 : i32
      %get3A_2323 = arith.index_cast %add3A_2322 : i32 to index
      %get3A_2324 = tpu.vector_load %arg7[%get3A_2323] {strides = array<i32>} : memref<25600xf32, #tpu.memory_space<vmem>>, vector<16xf32>,
      %get3A_2325 = vector.shape_cast %get3A_2324 : vector<16xf32> to vector<16xf32>
      %add3A_2326 = arith.constant 0 : i32
      %add3A_2327 = arith.addi %mul3A_2318, %add3A_2326 : i32
      %swap3A_2328 = arith.index_cast %add3A_2327 : i32 to index
      %swap3A_2329 = tpu.vector_load %arg8[%swap3A_2328] {strides = array<i32>} : memref<512xf32, #tpu.memory_space<vmem>>, vector<16xf32>,
      %swap3A_2330 = vector.shape_cast %swap3A_2329 : vector<16xf32> to vector<16xf32>
      %swap3A_2331 = vector.shape_cast %get3A_2325 : vector<16xf32> to vector<16xf32>
      tpu.vector_store %arg8[%swap3A_2328], %swap3A_2331 {add = true, strides = array<i32>} : memref<512xf32, #tpu.memory_space<vmem>>, vector<16xf32>,
      %mul3A_2332 = arith.constant 128 : i32
      %mul3A_2333 = arith.muli %add3A_2314, %mul3A_2332 : i32
      %add3A_2334 = arith.constant 16 : i32
      %add3A_2335 = arith.addi %mul3A_2333, %add3A_2334 : i32
      %get3A_2336 = arith.index_cast %add3A_2335 : i32 to index
      %get3A_2337 = tpu.vector_load %arg7[%get3A_2336] {strides = array<i32>} : memref<25600xf32, #tpu.memory_space<vmem>>, vector<16xf32>,
      %get3A_2338 = vector.shape_cast %get3A_2337 : vector<16xf32> to vector<16xf32>
      %add3A_2339 = arith.constant 16 : i32
      %add3A_2340 = arith.addi %mul3A_2318, %add3A_2339 : i32
      %swap3A_2341 = arith.index_cast %add3A_2340 : i32 to index
      %swap3A_2342 = tpu.vector_load %arg8[%swap3A_2341] {strides = array<i32>} : memref<512xf32, #tpu.memory_space<vmem>>, vector<16xf32>,
      %swap3A_2343 = vector.shape_cast %swap3A_2342 : vector<16xf32> to vector<16xf32>
      %swap3A_2344 = vector.shape_cast %get3A_2338 : vector<16xf32> to vector<16xf32>
      tpu.vector_store %arg8[%swap3A_2341], %swap3A_2344 {add = true, strides = array<i32>} : memref<512xf32, #tpu.memory_space<vmem>>, vector<16xf32>,
      %mul3A_2345 = arith.constant 128 : i32
      %mul3A_2346 = arith.muli %add3A_2314, %mul3A_2345 : i32
      %add3A_2347 = arith.constant 32 : i32
      %add3A_2348 = arith.addi %mul3A_2346, %add3A_2347 : i32
      %get3A_2349 = arith.index_cast %add3A_2348 : i32 to index
      %get3A_2350 = tpu.vector_load %arg7[%get3A_2349] {strides = array<i32>} : memref<25600xf32, #tpu.memory_space<vmem>>, vector<16xf32>,
      %get3A_2351 = vector.shape_cast %get3A_2350 : vector<16xf32> to vector<16xf32>
      %add3A_2352 = arith.constant 32 : i32
      %add3A_2353 = arith.addi %mul3A_2318, %add3A_2352 : i32
      %swap3A_2354 = arith.index_cast %add3A_2353 : i32 to index
      %swap3A_2355 = tpu.vector_load %arg8[%swap3A_2354] {strides = array<i32>} : memref<512xf32, #tpu.memory_space<vmem>>, vector<16xf32>,
      %swap3A_2356 = vector.shape_cast %swap3A_2355 : vector<16xf32> to vector<16xf32>
      %swap3A_2357 = vector.shape_cast %get3A_2351 : vector<16xf32> to vector<16xf32>
      tpu.vector_store %arg8[%swap3A_2354], %swap3A_2357 {add = true, strides = array<i32>} : memref<512xf32, #tpu.memory_space<vmem>>, vector<16xf32>,
      %mul3A_2358 = arith.constant 128 : i32
      %mul3A_2359 = arith.muli %add3A_2314, %mul3A_2358 : i32
      %add3A_2360 = arith.constant 48 : i32
      %add3A_2361 = arith.addi %mul3A_2359, %add3A_2360 : i32
      %get3A_2362 = arith.index_cast %add3A_2361 : i32 to index
      %get3A_2363 = tpu.vector_load %arg7[%get3A_2362] {strides = array<i32>} : memref<25600xf32, #tpu.memory_space<vmem>>, vector<16xf32>,
      %get3A_2364 = vector.shape_cast %get3A_2363 : vector<16xf32> to vector<16xf32>
      %add3A_2365 = arith.constant 48 : i32
      %add3A_2366 = arith.addi %mul3A_2318, %add3A_2365 : i32
      %swap3A_2367 = arith.index_cast %add3A_2366 : i32 to index
      %swap3A_2368 = tpu.vector_load %arg8[%swap3A_2367] {strides = array<i32>} : memref<512xf32, #tpu.memory_space<vmem>>, vector<16xf32>,
      %swap3A_2369 = vector.shape_cast %swap3A_2368 : vector<16xf32> to vector<16xf32>
      %swap3A_2370 = vector.shape_cast %get3A_2364 : vector<16xf32> to vector<16xf32>
      tpu.vector_store %arg8[%swap3A_2367], %swap3A_2370 {add = true, strides = array<i32>} : memref<512xf32, #tpu.memory_space<vmem>>, vector<16xf32>,
      %mul3A_2371 = arith.constant 128 : i32
      %mul3A_2372 = arith.muli %add3A_2314, %mul3A_2371 : i32
      %add3A_2373 = arith.constant 64 : i32
      %add3A_2374 = arith.addi %mul3A_2372, %add3A_2373 : i32
      %get3A_2375 = arith.index_cast %add3A_2374 : i32 to index
      %get3A_2376 = tpu.vector_load %arg7[%get3A_2375] {strides = array<i32>} : memref<25600xf32, #tpu.memory_space<vmem>>, vector<16xf32>,
      %get3A_2377 = vector.shape_cast %get3A_2376 : vector<16xf32> to vector<16xf32>
      %add3A_2378 = arith.constant 64 : i32
      %add3A_2379 = arith.addi %mul3A_2318, %add3A_2378 : i32
      %swap3A_2380 = arith.index_cast %add3A_2379 : i32 to index
      %swap3A_2381 = tpu.vector_load %arg8[%swap3A_2380] {strides = array<i32>} : memref<512xf32, #tpu.memory_space<vmem>>, vector<16xf32>,
      %swap3A_2382 = vector.shape_cast %swap3A_2381 : vector<16xf32> to vector<16xf32>
      %swap3A_2383 = vector.shape_cast %get3A_2377 : vector<16xf32> to vector<16xf32>
      tpu.vector_store %arg8[%swap3A_2380], %swap3A_2383 {add = true, strides = array<i32>} : memref<512xf32, #tpu.memory_space<vmem>>, vector<16xf32>,
      %mul3A_2384 = arith.constant 128 : i32
      %mul3A_2385 = arith.muli %add3A_2314, %mul3A_2384 : i32
      %add3A_2386 = arith.constant 80 : i32
      %add3A_2387 = arith.addi %mul3A_2385, %add3A_2386 : i32
      %get3A_2388 = arith.index_cast %add3A_2387 : i32 to index
      %get3A_2389 = tpu.vector_load %arg7[%get3A_2388] {strides = array<i32>} : memref<25600xf32, #tpu.memory_space<vmem>>, vector<16xf32>,
      %get3A_2390 = vector.shape_cast %get3A_2389 : vector<16xf32> to vector<16xf32>
      %add3A_2391 = arith.constant 80 : i32
      %add3A_2392 = arith.addi %mul3A_2318, %add3A_2391 : i32
      %swap3A_2393 = arith.index_cast %add3A_2392 : i32 to index
      %swap3A_2394 = tpu.vector_load %arg8[%swap3A_2393] {strides = array<i32>} : memref<512xf32, #tpu.memory_space<vmem>>, vector<16xf32>,
      %swap3A_2395 = vector.shape_cast %swap3A_2394 : vector<16xf32> to vector<16xf32>
      %swap3A_2396 = vector.shape_cast %get3A_2390 : vector<16xf32> to vector<16xf32>
      tpu.vector_store %arg8[%swap3A_2393], %swap3A_2396 {add = true, strides = array<i32>} : memref<512xf32, #tpu.memory_space<vmem>>, vector<16xf32>,
      %mul3A_2397 = arith.constant 128 : i32
      %mul3A_2398 = arith.muli %add3A_2314, %mul3A_2397 : i32
      %add3A_2399 = arith.constant 96 : i32
      %add3A_2400 = arith.addi %mul3A_2398, %add3A_2399 : i32
      %get3A_2401 = arith.index_cast %add3A_2400 : i32 to index
      %get3A_2402 = tpu.vector_load %arg7[%get3A_2401] {strides = array<i32>} : memref<25600xf32, #tpu.memory_space<vmem>>, vector<16xf32>,
      %get3A_2403 = vector.shape_cast %get3A_2402 : vector<16xf32> to vector<16xf32>
      %add3A_2404 = arith.constant 96 : i32
      %add3A_2405 = arith.addi %mul3A_2318, %add3A_2404 : i32
      %swap3A_2406 = arith.index_cast %add3A_2405 : i32 to index
      %swap3A_2407 = tpu.vector_load %arg8[%swap3A_2406] {strides = array<i32>} : memref<512xf32, #tpu.memory_space<vmem>>, vector<16xf32>,
      %swap3A_2408 = vector.shape_cast %swap3A_2407 : vector<16xf32> to vector<16xf32>
      %swap3A_2409 = vector.shape_cast %get3A_2403 : vector<16xf32> to vector<16xf32>
      tpu.vector_store %arg8[%swap3A_2406], %swap3A_2409 {add = true, strides = array<i32>} : memref<512xf32, #tpu.memory_space<vmem>>, vector<16xf32>,
      %mul3A_2410 = arith.constant 128 : i32
      %mul3A_2411 = arith.muli %add3A_2314, %mul3A_2410 : i32
      %add3A_2412 = arith.constant 112 : i32
      %add3A_2413 = arith.addi %mul3A_2411, %add3A_2412 : i32
      %get3A_2414 = arith.index_cast %add3A_2413 : i32 to index
      %get3A_2415 = tpu.vector_load %arg7[%get3A_2414] {strides = array<i32>} : memref<25600xf32, #tpu.memory_space<vmem>>, vector<16xf32>,
      %get3A_2416 = vector.shape_cast %get3A_2415 : vector<16xf32> to vector<16xf32>
      %add3A_2417 = arith.constant 112 : i32
      %add3A_2418 = arith.addi %mul3A_2318, %add3A_2417 : i32
      %swap3A_2419 = arith.index_cast %add3A_2418 : i32 to index
      %swap3A_2420 = tpu.vector_load %arg8[%swap3A_2419] {strides = array<i32>} : memref<512xf32, #tpu.memory_space<vmem>>, vector<16xf32>,
      %swap3A_2421 = vector.shape_cast %swap3A_2420 : vector<16xf32> to vector<16xf32>
      %swap3A_2422 = vector.shape_cast %get3A_2416 : vector<16xf32> to vector<16xf32>
      tpu.vector_store %arg8[%swap3A_2419], %swap3A_2422 {add = true, strides = array<i32>} : memref<512xf32, #tpu.memory_space<vmem>>, vector<16xf32>,
      %mul3A_2423 = arith.constant 10 : i32
      %mul3A_2424 = arith.muli %mul3A_1582, %mul3A_2423 : i32
      %add3A_2425 = arith.constant 6 : i32
      %add3A_2426 = arith.addi %mul3A_2424, %add3A_2425 : i32
      %and3A_2427 = arith.constant 3 : i32
      %and3A_2428 = arith.andi %add3A_2426, %and3A_2427 : i32
      %mul3A_2429 = arith.constant 128 : i32
      %mul3A_2430 = arith.muli %and3A_2428, %mul3A_2429 : i32
      %mul3A_2431 = arith.constant 128 : i32
      %mul3A_2432 = arith.muli %add3A_2426, %mul3A_2431 : i32
      %add3A_2433 = arith.constant 0 : i32
      %add3A_2434 = arith.addi %mul3A_2432, %add3A_2433 : i32
      %get3A_2435 = arith.index_cast %add3A_2434 : i32 to index
      %get3A_2436 = tpu.vector_load %arg7[%get3A_2435] {strides = array<i32>} : memref<25600xf32, #tpu.memory_space<vmem>>, vector<16xf32>,
      %get3A_2437 = vector.shape_cast %get3A_2436 : vector<16xf32> to vector<16xf32>
      %add3A_2438 = arith.constant 0 : i32
      %add3A_2439 = arith.addi %mul3A_2430, %add3A_2438 : i32
      %swap3A_2440 = arith.index_cast %add3A_2439 : i32 to index
      %swap3A_2441 = tpu.vector_load %arg8[%swap3A_2440] {strides = array<i32>} : memref<512xf32, #tpu.memory_space<vmem>>, vector<16xf32>,
      %swap3A_2442 = vector.shape_cast %swap3A_2441 : vector<16xf32> to vector<16xf32>
      %swap3A_2443 = vector.shape_cast %get3A_2437 : vector<16xf32> to vector<16xf32>
      tpu.vector_store %arg8[%swap3A_2440], %swap3A_2443 {add = true, strides = array<i32>} : memref<512xf32, #tpu.memory_space<vmem>>, vector<16xf32>,
      %mul3A_2444 = arith.constant 128 : i32
      %mul3A_2445 = arith.muli %add3A_2426, %mul3A_2444 : i32
      %add3A_2446 = arith.constant 16 : i32
      %add3A_2447 = arith.addi %mul3A_2445, %add3A_2446 : i32
      %get3A_2448 = arith.index_cast %add3A_2447 : i32 to index
      %get3A_2449 = tpu.vector_load %arg7[%get3A_2448] {strides = array<i32>} : memref<25600xf32, #tpu.memory_space<vmem>>, vector<16xf32>,
      %get3A_2450 = vector.shape_cast %get3A_2449 : vector<16xf32> to vector<16xf32>
      %add3A_2451 = arith.constant 16 : i32
      %add3A_2452 = arith.addi %mul3A_2430, %add3A_2451 : i32
      %swap3A_2453 = arith.index_cast %add3A_2452 : i32 to index
      %swap3A_2454 = tpu.vector_load %arg8[%swap3A_2453] {strides = array<i32>} : memref<512xf32, #tpu.memory_space<vmem>>, vector<16xf32>,
      %swap3A_2455 = vector.shape_cast %swap3A_2454 : vector<16xf32> to vector<16xf32>
      %swap3A_2456 = vector.shape_cast %get3A_2450 : vector<16xf32> to vector<16xf32>
      tpu.vector_store %arg8[%swap3A_2453], %swap3A_2456 {add = true, strides = array<i32>} : memref<512xf32, #tpu.memory_space<vmem>>, vector<16xf32>,
      %mul3A_2457 = arith.constant 128 : i32
      %mul3A_2458 = arith.muli %add3A_2426, %mul3A_2457 : i32
      %add3A_2459 = arith.constant 32 : i32
      %add3A_2460 = arith.addi %mul3A_2458, %add3A_2459 : i32
      %get3A_2461 = arith.index_cast %add3A_2460 : i32 to index
      %get3A_2462 = tpu.vector_load %arg7[%get3A_2461] {strides = array<i32>} : memref<25600xf32, #tpu.memory_space<vmem>>, vector<16xf32>,
      %get3A_2463 = vector.shape_cast %get3A_2462 : vector<16xf32> to vector<16xf32>
      %add3A_2464 = arith.constant 32 : i32
      %add3A_2465 = arith.addi %mul3A_2430, %add3A_2464 : i32
      %swap3A_2466 = arith.index_cast %add3A_2465 : i32 to index
      %swap3A_2467 = tpu.vector_load %arg8[%swap3A_2466] {strides = array<i32>} : memref<512xf32, #tpu.memory_space<vmem>>, vector<16xf32>,
      %swap3A_2468 = vector.shape_cast %swap3A_2467 : vector<16xf32> to vector<16xf32>
      %swap3A_2469 = vector.shape_cast %get3A_2463 : vector<16xf32> to vector<16xf32>
      tpu.vector_store %arg8[%swap3A_2466], %swap3A_2469 {add = true, strides = array<i32>} : memref<512xf32, #tpu.memory_space<vmem>>, vector<16xf32>,
      %mul3A_2470 = arith.constant 128 : i32
      %mul3A_2471 = arith.muli %add3A_2426, %mul3A_2470 : i32
      %add3A_2472 = arith.constant 48 : i32
      %add3A_2473 = arith.addi %mul3A_2471, %add3A_2472 : i32
      %get3A_2474 = arith.index_cast %add3A_2473 : i32 to index
      %get3A_2475 = tpu.vector_load %arg7[%get3A_2474] {strides = array<i32>} : memref<25600xf32, #tpu.memory_space<vmem>>, vector<16xf32>,
      %get3A_2476 = vector.shape_cast %get3A_2475 : vector<16xf32> to vector<16xf32>
      %add3A_2477 = arith.constant 48 : i32
      %add3A_2478 = arith.addi %mul3A_2430, %add3A_2477 : i32
      %swap3A_2479 = arith.index_cast %add3A_2478 : i32 to index
      %swap3A_2480 = tpu.vector_load %arg8[%swap3A_2479] {strides = array<i32>} : memref<512xf32, #tpu.memory_space<vmem>>, vector<16xf32>,
      %swap3A_2481 = vector.shape_cast %swap3A_2480 : vector<16xf32> to vector<16xf32>
      %swap3A_2482 = vector.shape_cast %get3A_2476 : vector<16xf32> to vector<16xf32>
      tpu.vector_store %arg8[%swap3A_2479], %swap3A_2482 {add = true, strides = array<i32>} : memref<512xf32, #tpu.memory_space<vmem>>, vector<16xf32>,
      %mul3A_2483 = arith.constant 128 : i32
      %mul3A_2484 = arith.muli %add3A_2426, %mul3A_2483 : i32
      %add3A_2485 = arith.constant 64 : i32
      %add3A_2486 = arith.addi %mul3A_2484, %add3A_2485 : i32
      %get3A_2487 = arith.index_cast %add3A_2486 : i32 to index
      %get3A_2488 = tpu.vector_load %arg7[%get3A_2487] {strides = array<i32>} : memref<25600xf32, #tpu.memory_space<vmem>>, vector<16xf32>,
      %get3A_2489 = vector.shape_cast %get3A_2488 : vector<16xf32> to vector<16xf32>
      %add3A_2490 = arith.constant 64 : i32
      %add3A_2491 = arith.addi %mul3A_2430, %add3A_2490 : i32
      %swap3A_2492 = arith.index_cast %add3A_2491 : i32 to index
      %swap3A_2493 = tpu.vector_load %arg8[%swap3A_2492] {strides = array<i32>} : memref<512xf32, #tpu.memory_space<vmem>>, vector<16xf32>,
      %swap3A_2494 = vector.shape_cast %swap3A_2493 : vector<16xf32> to vector<16xf32>
      %swap3A_2495 = vector.shape_cast %get3A_2489 : vector<16xf32> to vector<16xf32>
      tpu.vector_store %arg8[%swap3A_2492], %swap3A_2495 {add = true, strides = array<i32>} : memref<512xf32, #tpu.memory_space<vmem>>, vector<16xf32>,
      %mul3A_2496 = arith.constant 128 : i32
      %mul3A_2497 = arith.muli %add3A_2426, %mul3A_2496 : i32
      %add3A_2498 = arith.constant 80 : i32
      %add3A_2499 = arith.addi %mul3A_2497, %add3A_2498 : i32
      %get3A_2500 = arith.index_cast %add3A_2499 : i32 to index
      %get3A_2501 = tpu.vector_load %arg7[%get3A_2500] {strides = array<i32>} : memref<25600xf32, #tpu.memory_space<vmem>>, vector<16xf32>,
      %get3A_2502 = vector.shape_cast %get3A_2501 : vector<16xf32> to vector<16xf32>
      %add3A_2503 = arith.constant 80 : i32
      %add3A_2504 = arith.addi %mul3A_2430, %add3A_2503 : i32
      %swap3A_2505 = arith.index_cast %add3A_2504 : i32 to index
      %swap3A_2506 = tpu.vector_load %arg8[%swap3A_2505] {strides = array<i32>} : memref<512xf32, #tpu.memory_space<vmem>>, vector<16xf32>,
      %swap3A_2507 = vector.shape_cast %swap3A_2506 : vector<16xf32> to vector<16xf32>
      %swap3A_2508 = vector.shape_cast %get3A_2502 : vector<16xf32> to vector<16xf32>
      tpu.vector_store %arg8[%swap3A_2505], %swap3A_2508 {add = true, strides = array<i32>} : memref<512xf32, #tpu.memory_space<vmem>>, vector<16xf32>,
      %mul3A_2509 = arith.constant 128 : i32
      %mul3A_2510 = arith.muli %add3A_2426, %mul3A_2509 : i32
      %add3A_2511 = arith.constant 96 : i32
      %add3A_2512 = arith.addi %mul3A_2510, %add3A_2511 : i32
      %get3A_2513 = arith.index_cast %add3A_2512 : i32 to index
      %get3A_2514 = tpu.vector_load %arg7[%get3A_2513] {strides = array<i32>} : memref<25600xf32, #tpu.memory_space<vmem>>, vector<16xf32>,
      %get3A_2515 = vector.shape_cast %get3A_2514 : vector<16xf32> to vector<16xf32>
      %add3A_2516 = arith.constant 96 : i32
      %add3A_2517 = arith.addi %mul3A_2430, %add3A_2516 : i32
      %swap3A_2518 = arith.index_cast %add3A_2517 : i32 to index
      %swap3A_2519 = tpu.vector_load %arg8[%swap3A_2518] {strides = array<i32>} : memref<512xf32, #tpu.memory_space<vmem>>, vector<16xf32>,
      %swap3A_2520 = vector.shape_cast %swap3A_2519 : vector<16xf32> to vector<16xf32>
      %swap3A_2521 = vector.shape_cast %get3A_2515 : vector<16xf32> to vector<16xf32>
      tpu.vector_store %arg8[%swap3A_2518], %swap3A_2521 {add = true, strides = array<i32>} : memref<512xf32, #tpu.memory_space<vmem>>, vector<16xf32>,
      %mul3A_2522 = arith.constant 128 : i32
      %mul3A_2523 = arith.muli %add3A_2426, %mul3A_2522 : i32
      %add3A_2524 = arith.constant 112 : i32
      %add3A_2525 = arith.addi %mul3A_2523, %add3A_2524 : i32
      %get3A_2526 = arith.index_cast %add3A_2525 : i32 to index
      %get3A_2527 = tpu.vector_load %arg7[%get3A_2526] {strides = array<i32>} : memref<25600xf32, #tpu.memory_space<vmem>>, vector<16xf32>,
      %get3A_2528 = vector.shape_cast %get3A_2527 : vector<16xf32> to vector<16xf32>
      %add3A_2529 = arith.constant 112 : i32
      %add3A_2530 = arith.addi %mul3A_2430, %add3A_2529 : i32
      %swap3A_2531 = arith.index_cast %add3A_2530 : i32 to index
      %swap3A_2532 = tpu.vector_load %arg8[%swap3A_2531] {strides = array<i32>} : memref<512xf32, #tpu.memory_space<vmem>>, vector<16xf32>,
      %swap3A_2533 = vector.shape_cast %swap3A_2532 : vector<16xf32> to vector<16xf32>
      %swap3A_2534 = vector.shape_cast %get3A_2528 : vector<16xf32> to vector<16xf32>
      tpu.vector_store %arg8[%swap3A_2531], %swap3A_2534 {add = true, strides = array<i32>} : memref<512xf32, #tpu.memory_space<vmem>>, vector<16xf32>,
      %mul3A_2535 = arith.constant 10 : i32
      %mul3A_2536 = arith.muli %mul3A_1582, %mul3A_2535 : i32
      %add3A_2537 = arith.constant 7 : i32
      %add3A_2538 = arith.addi %mul3A_2536, %add3A_2537 : i32
      %and3A_2539 = arith.constant 3 : i32
      %and3A_2540 = arith.andi %add3A_2538, %and3A_2539 : i32
      %mul3A_2541 = arith.constant 128 : i32
      %mul3A_2542 = arith.muli %and3A_2540, %mul3A_2541 : i32
      %mul3A_2543 = arith.constant 128 : i32
      %mul3A_2544 = arith.muli %add3A_2538, %mul3A_2543 : i32
      %add3A_2545 = arith.constant 0 : i32
      %add3A_2546 = arith.addi %mul3A_2544, %add3A_2545 : i32
      %get3A_2547 = arith.index_cast %add3A_2546 : i32 to index
      %get3A_2548 = tpu.vector_load %arg7[%get3A_2547] {strides = array<i32>} : memref<25600xf32, #tpu.memory_space<vmem>>, vector<16xf32>,
      %get3A_2549 = vector.shape_cast %get3A_2548 : vector<16xf32> to vector<16xf32>
      %add3A_2550 = arith.constant 0 : i32
      %add3A_2551 = arith.addi %mul3A_2542, %add3A_2550 : i32
      %swap3A_2552 = arith.index_cast %add3A_2551 : i32 to index
      %swap3A_2553 = tpu.vector_load %arg8[%swap3A_2552] {strides = array<i32>} : memref<512xf32, #tpu.memory_space<vmem>>, vector<16xf32>,
      %swap3A_2554 = vector.shape_cast %swap3A_2553 : vector<16xf32> to vector<16xf32>
      %swap3A_2555 = vector.shape_cast %get3A_2549 : vector<16xf32> to vector<16xf32>
      tpu.vector_store %arg8[%swap3A_2552], %swap3A_2555 {add = true, strides = array<i32>} : memref<512xf32, #tpu.memory_space<vmem>>, vector<16xf32>,
      %mul3A_2556 = arith.constant 128 : i32
      %mul3A_2557 = arith.muli %add3A_2538, %mul3A_2556 : i32
      %add3A_2558 = arith.constant 16 : i32
      %add3A_2559 = arith.addi %mul3A_2557, %add3A_2558 : i32
      %get3A_2560 = arith.index_cast %add3A_2559 : i32 to index
      %get3A_2561 = tpu.vector_load %arg7[%get3A_2560] {strides = array<i32>} : memref<25600xf32, #tpu.memory_space<vmem>>, vector<16xf32>,
      %get3A_2562 = vector.shape_cast %get3A_2561 : vector<16xf32> to vector<16xf32>
      %add3A_2563 = arith.constant 16 : i32
      %add3A_2564 = arith.addi %mul3A_2542, %add3A_2563 : i32
      %swap3A_2565 = arith.index_cast %add3A_2564 : i32 to index
      %swap3A_2566 = tpu.vector_load %arg8[%swap3A_2565] {strides = array<i32>} : memref<512xf32, #tpu.memory_space<vmem>>, vector<16xf32>,
      %swap3A_2567 = vector.shape_cast %swap3A_2566 : vector<16xf32> to vector<16xf32>
      %swap3A_2568 = vector.shape_cast %get3A_2562 : vector<16xf32> to vector<16xf32>
      tpu.vector_store %arg8[%swap3A_2565], %swap3A_2568 {add = true, strides = array<i32>} : memref<512xf32, #tpu.memory_space<vmem>>, vector<16xf32>,
      %mul3A_2569 = arith.constant 128 : i32
      %mul3A_2570 = arith.muli %add3A_2538, %mul3A_2569 : i32
      %add3A_2571 = arith.constant 32 : i32
      %add3A_2572 = arith.addi %mul3A_2570, %add3A_2571 : i32
      %get3A_2573 = arith.index_cast %add3A_2572 : i32 to index
      %get3A_2574 = tpu.vector_load %arg7[%get3A_2573] {strides = array<i32>} : memref<25600xf32, #tpu.memory_space<vmem>>, vector<16xf32>,
      %get3A_2575 = vector.shape_cast %get3A_2574 : vector<16xf32> to vector<16xf32>
      %add3A_2576 = arith.constant 32 : i32
      %add3A_2577 = arith.addi %mul3A_2542, %add3A_2576 : i32
      %swap3A_2578 = arith.index_cast %add3A_2577 : i32 to index
      %swap3A_2579 = tpu.vector_load %arg8[%swap3A_2578] {strides = array<i32>} : memref<512xf32, #tpu.memory_space<vmem>>, vector<16xf32>,
      %swap3A_2580 = vector.shape_cast %swap3A_2579 : vector<16xf32> to vector<16xf32>
      %swap3A_2581 = vector.shape_cast %get3A_2575 : vector<16xf32> to vector<16xf32>
      tpu.vector_store %arg8[%swap3A_2578], %swap3A_2581 {add = true, strides = array<i32>} : memref<512xf32, #tpu.memory_space<vmem>>, vector<16xf32>,
      %mul3A_2582 = arith.constant 128 : i32
      %mul3A_2583 = arith.muli %add3A_2538, %mul3A_2582 : i32
      %add3A_2584 = arith.constant 48 : i32
      %add3A_2585 = arith.addi %mul3A_2583, %add3A_2584 : i32
      %get3A_2586 = arith.index_cast %add3A_2585 : i32 to index
      %get3A_2587 = tpu.vector_load %arg7[%get3A_2586] {strides = array<i32>} : memref<25600xf32, #tpu.memory_space<vmem>>, vector<16xf32>,
      %get3A_2588 = vector.shape_cast %get3A_2587 : vector<16xf32> to vector<16xf32>
      %add3A_2589 = arith.constant 48 : i32
      %add3A_2590 = arith.addi %mul3A_2542, %add3A_2589 : i32
      %swap3A_2591 = arith.index_cast %add3A_2590 : i32 to index
      %swap3A_2592 = tpu.vector_load %arg8[%swap3A_2591] {strides = array<i32>} : memref<512xf32, #tpu.memory_space<vmem>>, vector<16xf32>,
      %swap3A_2593 = vector.shape_cast %swap3A_2592 : vector<16xf32> to vector<16xf32>
      %swap3A_2594 = vector.shape_cast %get3A_2588 : vector<16xf32> to vector<16xf32>
      tpu.vector_store %arg8[%swap3A_2591], %swap3A_2594 {add = true, strides = array<i32>} : memref<512xf32, #tpu.memory_space<vmem>>, vector<16xf32>,
      %mul3A_2595 = arith.constant 128 : i32
      %mul3A_2596 = arith.muli %add3A_2538, %mul3A_2595 : i32
      %add3A_2597 = arith.constant 64 : i32
      %add3A_2598 = arith.addi %mul3A_2596, %add3A_2597 : i32
      %get3A_2599 = arith.index_cast %add3A_2598 : i32 to index
      %get3A_2600 = tpu.vector_load %arg7[%get3A_2599] {strides = array<i32>} : memref<25600xf32, #tpu.memory_space<vmem>>, vector<16xf32>,
      %get3A_2601 = vector.shape_cast %get3A_2600 : vector<16xf32> to vector<16xf32>
      %add3A_2602 = arith.constant 64 : i32
      %add3A_2603 = arith.addi %mul3A_2542, %add3A_2602 : i32
      %swap3A_2604 = arith.index_cast %add3A_2603 : i32 to index
      %swap3A_2605 = tpu.vector_load %arg8[%swap3A_2604] {strides = array<i32>} : memref<512xf32, #tpu.memory_space<vmem>>, vector<16xf32>,
      %swap3A_2606 = vector.shape_cast %swap3A_2605 : vector<16xf32> to vector<16xf32>
      %swap3A_2607 = vector.shape_cast %get3A_2601 : vector<16xf32> to vector<16xf32>
      tpu.vector_store %arg8[%swap3A_2604], %swap3A_2607 {add = true, strides = array<i32>} : memref<512xf32, #tpu.memory_space<vmem>>, vector<16xf32>,
      %mul3A_2608 = arith.constant 128 : i32
      %mul3A_2609 = arith.muli %add3A_2538, %mul3A_2608 : i32
      %add3A_2610 = arith.constant 80 : i32
      %add3A_2611 = arith.addi %mul3A_2609, %add3A_2610 : i32
      %get3A_2612 = arith.index_cast %add3A_2611 : i32 to index
      %get3A_2613 = tpu.vector_load %arg7[%get3A_2612] {strides = array<i32>} : memref<25600xf32, #tpu.memory_space<vmem>>, vector<16xf32>,
      %get3A_2614 = vector.shape_cast %get3A_2613 : vector<16xf32> to vector<16xf32>
      %add3A_2615 = arith.constant 80 : i32
      %add3A_2616 = arith.addi %mul3A_2542, %add3A_2615 : i32
      %swap3A_2617 = arith.index_cast %add3A_2616 : i32 to index
      %swap3A_2618 = tpu.vector_load %arg8[%swap3A_2617] {strides = array<i32>} : memref<512xf32, #tpu.memory_space<vmem>>, vector<16xf32>,
      %swap3A_2619 = vector.shape_cast %swap3A_2618 : vector<16xf32> to vector<16xf32>
      %swap3A_2620 = vector.shape_cast %get3A_2614 : vector<16xf32> to vector<16xf32>
      tpu.vector_store %arg8[%swap3A_2617], %swap3A_2620 {add = true, strides = array<i32>} : memref<512xf32, #tpu.memory_space<vmem>>, vector<16xf32>,
      %mul3A_2621 = arith.constant 128 : i32
      %mul3A_2622 = arith.muli %add3A_2538, %mul3A_2621 : i32
      %add3A_2623 = arith.constant 96 : i32
      %add3A_2624 = arith.addi %mul3A_2622, %add3A_2623 : i32
      %get3A_2625 = arith.index_cast %add3A_2624 : i32 to index
      %get3A_2626 = tpu.vector_load %arg7[%get3A_2625] {strides = array<i32>} : memref<25600xf32, #tpu.memory_space<vmem>>, vector<16xf32>,
      %get3A_2627 = vector.shape_cast %get3A_2626 : vector<16xf32> to vector<16xf32>
      %add3A_2628 = arith.constant 96 : i32
      %add3A_2629 = arith.addi %mul3A_2542, %add3A_2628 : i32
      %swap3A_2630 = arith.index_cast %add3A_2629 : i32 to index
      %swap3A_2631 = tpu.vector_load %arg8[%swap3A_2630] {strides = array<i32>} : memref<512xf32, #tpu.memory_space<vmem>>, vector<16xf32>,
      %swap3A_2632 = vector.shape_cast %swap3A_2631 : vector<16xf32> to vector<16xf32>
      %swap3A_2633 = vector.shape_cast %get3A_2627 : vector<16xf32> to vector<16xf32>
      tpu.vector_store %arg8[%swap3A_2630], %swap3A_2633 {add = true, strides = array<i32>} : memref<512xf32, #tpu.memory_space<vmem>>, vector<16xf32>,
      %mul3A_2634 = arith.constant 128 : i32
      %mul3A_2635 = arith.muli %add3A_2538, %mul3A_2634 : i32
      %add3A_2636 = arith.constant 112 : i32
      %add3A_2637 = arith.addi %mul3A_2635, %add3A_2636 : i32
      %get3A_2638 = arith.index_cast %add3A_2637 : i32 to index
      %get3A_2639 = tpu.vector_load %arg7[%get3A_2638] {strides = array<i32>} : memref<25600xf32, #tpu.memory_space<vmem>>, vector<16xf32>,
      %get3A_2640 = vector.shape_cast %get3A_2639 : vector<16xf32> to vector<16xf32>
      %add3A_2641 = arith.constant 112 : i32
      %add3A_2642 = arith.addi %mul3A_2542, %add3A_2641 : i32
      %swap3A_2643 = arith.index_cast %add3A_2642 : i32 to index
      %swap3A_2644 = tpu.vector_load %arg8[%swap3A_2643] {strides = array<i32>} : memref<512xf32, #tpu.memory_space<vmem>>, vector<16xf32>,
      %swap3A_2645 = vector.shape_cast %swap3A_2644 : vector<16xf32> to vector<16xf32>
      %swap3A_2646 = vector.shape_cast %get3A_2640 : vector<16xf32> to vector<16xf32>
      tpu.vector_store %arg8[%swap3A_2643], %swap3A_2646 {add = true, strides = array<i32>} : memref<512xf32, #tpu.memory_space<vmem>>, vector<16xf32>,
      %mul3A_2647 = arith.constant 10 : i32
      %mul3A_2648 = arith.muli %mul3A_1582, %mul3A_2647 : i32
      %add3A_2649 = arith.constant 8 : i32
      %add3A_2650 = arith.addi %mul3A_2648, %add3A_2649 : i32
      %and3A_2651 = arith.constant 3 : i32
      %and3A_2652 = arith.andi %add3A_2650, %and3A_2651 : i32
      %mul3A_2653 = arith.constant 128 : i32
      %mul3A_2654 = arith.muli %and3A_2652, %mul3A_2653 : i32
      %mul3A_2655 = arith.constant 128 : i32
      %mul3A_2656 = arith.muli %add3A_2650, %mul3A_2655 : i32
      %add3A_2657 = arith.constant 0 : i32
      %add3A_2658 = arith.addi %mul3A_2656, %add3A_2657 : i32
      %get3A_2659 = arith.index_cast %add3A_2658 : i32 to index
      %get3A_2660 = tpu.vector_load %arg7[%get3A_2659] {strides = array<i32>} : memref<25600xf32, #tpu.memory_space<vmem>>, vector<16xf32>,
      %get3A_2661 = vector.shape_cast %get3A_2660 : vector<16xf32> to vector<16xf32>
      %add3A_2662 = arith.constant 0 : i32
      %add3A_2663 = arith.addi %mul3A_2654, %add3A_2662 : i32
      %swap3A_2664 = arith.index_cast %add3A_2663 : i32 to index
      %swap3A_2665 = tpu.vector_load %arg8[%swap3A_2664] {strides = array<i32>} : memref<512xf32, #tpu.memory_space<vmem>>, vector<16xf32>,
      %swap3A_2666 = vector.shape_cast %swap3A_2665 : vector<16xf32> to vector<16xf32>
      %swap3A_2667 = vector.shape_cast %get3A_2661 : vector<16xf32> to vector<16xf32>
      tpu.vector_store %arg8[%swap3A_2664], %swap3A_2667 {add = true, strides = array<i32>} : memref<512xf32, #tpu.memory_space<vmem>>, vector<16xf32>,
      %mul3A_2668 = arith.constant 128 : i32
      %mul3A_2669 = arith.muli %add3A_2650, %mul3A_2668 : i32
      %add3A_2670 = arith.constant 16 : i32
      %add3A_2671 = arith.addi %mul3A_2669, %add3A_2670 : i32
      %get3A_2672 = arith.index_cast %add3A_2671 : i32 to index
      %get3A_2673 = tpu.vector_load %arg7[%get3A_2672] {strides = array<i32>} : memref<25600xf32, #tpu.memory_space<vmem>>, vector<16xf32>,
      %get3A_2674 = vector.shape_cast %get3A_2673 : vector<16xf32> to vector<16xf32>
      %add3A_2675 = arith.constant 16 : i32
      %add3A_2676 = arith.addi %mul3A_2654, %add3A_2675 : i32
      %swap3A_2677 = arith.index_cast %add3A_2676 : i32 to index
      %swap3A_2678 = tpu.vector_load %arg8[%swap3A_2677] {strides = array<i32>} : memref<512xf32, #tpu.memory_space<vmem>>, vector<16xf32>,
      %swap3A_2679 = vector.shape_cast %swap3A_2678 : vector<16xf32> to vector<16xf32>
      %swap3A_2680 = vector.shape_cast %get3A_2674 : vector<16xf32> to vector<16xf32>
      tpu.vector_store %arg8[%swap3A_2677], %swap3A_2680 {add = true, strides = array<i32>} : memref<512xf32, #tpu.memory_space<vmem>>, vector<16xf32>,
      %mul3A_2681 = arith.constant 128 : i32
      %mul3A_2682 = arith.muli %add3A_2650, %mul3A_2681 : i32
      %add3A_2683 = arith.constant 32 : i32
      %add3A_2684 = arith.addi %mul3A_2682, %add3A_2683 : i32
      %get3A_2685 = arith.index_cast %add3A_2684 : i32 to index
      %get3A_2686 = tpu.vector_load %arg7[%get3A_2685] {strides = array<i32>} : memref<25600xf32, #tpu.memory_space<vmem>>, vector<16xf32>,
      %get3A_2687 = vector.shape_cast %get3A_2686 : vector<16xf32> to vector<16xf32>
      %add3A_2688 = arith.constant 32 : i32
      %add3A_2689 = arith.addi %mul3A_2654, %add3A_2688 : i32
      %swap3A_2690 = arith.index_cast %add3A_2689 : i32 to index
      %swap3A_2691 = tpu.vector_load %arg8[%swap3A_2690] {strides = array<i32>} : memref<512xf32, #tpu.memory_space<vmem>>, vector<16xf32>,
      %swap3A_2692 = vector.shape_cast %swap3A_2691 : vector<16xf32> to vector<16xf32>
      %swap3A_2693 = vector.shape_cast %get3A_2687 : vector<16xf32> to vector<16xf32>
      tpu.vector_store %arg8[%swap3A_2690], %swap3A_2693 {add = true, strides = array<i32>} : memref<512xf32, #tpu.memory_space<vmem>>, vector<16xf32>,
      %mul3A_2694 = arith.constant 128 : i32
      %mul3A_2695 = arith.muli %add3A_2650, %mul3A_2694 : i32
      %add3A_2696 = arith.constant 48 : i32
      %add3A_2697 = arith.addi %mul3A_2695, %add3A_2696 : i32
      %get3A_2698 = arith.index_cast %add3A_2697 : i32 to index
      %get3A_2699 = tpu.vector_load %arg7[%get3A_2698] {strides = array<i32>} : memref<25600xf32, #tpu.memory_space<vmem>>, vector<16xf32>,
      %get3A_2700 = vector.shape_cast %get3A_2699 : vector<16xf32> to vector<16xf32>
      %add3A_2701 = arith.constant 48 : i32
      %add3A_2702 = arith.addi %mul3A_2654, %add3A_2701 : i32
      %swap3A_2703 = arith.index_cast %add3A_2702 : i32 to index
      %swap3A_2704 = tpu.vector_load %arg8[%swap3A_2703] {strides = array<i32>} : memref<512xf32, #tpu.memory_space<vmem>>, vector<16xf32>,
      %swap3A_2705 = vector.shape_cast %swap3A_2704 : vector<16xf32> to vector<16xf32>
      %swap3A_2706 = vector.shape_cast %get3A_2700 : vector<16xf32> to vector<16xf32>
      tpu.vector_store %arg8[%swap3A_2703], %swap3A_2706 {add = true, strides = array<i32>} : memref<512xf32, #tpu.memory_space<vmem>>, vector<16xf32>,
      %mul3A_2707 = arith.constant 128 : i32
      %mul3A_2708 = arith.muli %add3A_2650, %mul3A_2707 : i32
      %add3A_2709 = arith.constant 64 : i32
      %add3A_2710 = arith.addi %mul3A_2708, %add3A_2709 : i32
      %get3A_2711 = arith.index_cast %add3A_2710 : i32 to index
      %get3A_2712 = tpu.vector_load %arg7[%get3A_2711] {strides = array<i32>} : memref<25600xf32, #tpu.memory_space<vmem>>, vector<16xf32>,
      %get3A_2713 = vector.shape_cast %get3A_2712 : vector<16xf32> to vector<16xf32>
      %add3A_2714 = arith.constant 64 : i32
      %add3A_2715 = arith.addi %mul3A_2654, %add3A_2714 : i32
      %swap3A_2716 = arith.index_cast %add3A_2715 : i32 to index
      %swap3A_2717 = tpu.vector_load %arg8[%swap3A_2716] {strides = array<i32>} : memref<512xf32, #tpu.memory_space<vmem>>, vector<16xf32>,
      %swap3A_2718 = vector.shape_cast %swap3A_2717 : vector<16xf32> to vector<16xf32>
      %swap3A_2719 = vector.shape_cast %get3A_2713 : vector<16xf32> to vector<16xf32>
      tpu.vector_store %arg8[%swap3A_2716], %swap3A_2719 {add = true, strides = array<i32>} : memref<512xf32, #tpu.memory_space<vmem>>, vector<16xf32>,
      %mul3A_2720 = arith.constant 128 : i32
      %mul3A_2721 = arith.muli %add3A_2650, %mul3A_2720 : i32
      %add3A_2722 = arith.constant 80 : i32
      %add3A_2723 = arith.addi %mul3A_2721, %add3A_2722 : i32
      %get3A_2724 = arith.index_cast %add3A_2723 : i32 to index
      %get3A_2725 = tpu.vector_load %arg7[%get3A_2724] {strides = array<i32>} : memref<25600xf32, #tpu.memory_space<vmem>>, vector<16xf32>,
      %get3A_2726 = vector.shape_cast %get3A_2725 : vector<16xf32> to vector<16xf32>
      %add3A_2727 = arith.constant 80 : i32
      %add3A_2728 = arith.addi %mul3A_2654, %add3A_2727 : i32
      %swap3A_2729 = arith.index_cast %add3A_2728 : i32 to index
      %swap3A_2730 = tpu.vector_load %arg8[%swap3A_2729] {strides = array<i32>} : memref<512xf32, #tpu.memory_space<vmem>>, vector<16xf32>,
      %swap3A_2731 = vector.shape_cast %swap3A_2730 : vector<16xf32> to vector<16xf32>
      %swap3A_2732 = vector.shape_cast %get3A_2726 : vector<16xf32> to vector<16xf32>
      tpu.vector_store %arg8[%swap3A_2729], %swap3A_2732 {add = true, strides = array<i32>} : memref<512xf32, #tpu.memory_space<vmem>>, vector<16xf32>,
      %mul3A_2733 = arith.constant 128 : i32
      %mul3A_2734 = arith.muli %add3A_2650, %mul3A_2733 : i32
      %add3A_2735 = arith.constant 96 : i32
      %add3A_2736 = arith.addi %mul3A_2734, %add3A_2735 : i32
      %get3A_2737 = arith.index_cast %add3A_2736 : i32 to index
      %get3A_2738 = tpu.vector_load %arg7[%get3A_2737] {strides = array<i32>} : memref<25600xf32, #tpu.memory_space<vmem>>, vector<16xf32>,
      %get3A_2739 = vector.shape_cast %get3A_2738 : vector<16xf32> to vector<16xf32>
      %add3A_2740 = arith.constant 96 : i32
      %add3A_2741 = arith.addi %mul3A_2654, %add3A_2740 : i32
      %swap3A_2742 = arith.index_cast %add3A_2741 : i32 to index
      %swap3A_2743 = tpu.vector_load %arg8[%swap3A_2742] {strides = array<i32>} : memref<512xf32, #tpu.memory_space<vmem>>, vector<16xf32>,
      %swap3A_2744 = vector.shape_cast %swap3A_2743 : vector<16xf32> to vector<16xf32>
      %swap3A_2745 = vector.shape_cast %get3A_2739 : vector<16xf32> to vector<16xf32>
      tpu.vector_store %arg8[%swap3A_2742], %swap3A_2745 {add = true, strides = array<i32>} : memref<512xf32, #tpu.memory_space<vmem>>, vector<16xf32>,
      %mul3A_2746 = arith.constant 128 : i32
      %mul3A_2747 = arith.muli %add3A_2650, %mul3A_2746 : i32
      %add3A_2748 = arith.constant 112 : i32
      %add3A_2749 = arith.addi %mul3A_2747, %add3A_2748 : i32
      %get3A_2750 = arith.index_cast %add3A_2749 : i32 to index
      %get3A_2751 = tpu.vector_load %arg7[%get3A_2750] {strides = array<i32>} : memref<25600xf32, #tpu.memory_space<vmem>>, vector<16xf32>,
      %get3A_2752 = vector.shape_cast %get3A_2751 : vector<16xf32> to vector<16xf32>
      %add3A_2753 = arith.constant 112 : i32
      %add3A_2754 = arith.addi %mul3A_2654, %add3A_2753 : i32
      %swap3A_2755 = arith.index_cast %add3A_2754 : i32 to index
      %swap3A_2756 = tpu.vector_load %arg8[%swap3A_2755] {strides = array<i32>} : memref<512xf32, #tpu.memory_space<vmem>>, vector<16xf32>,
      %swap3A_2757 = vector.shape_cast %swap3A_2756 : vector<16xf32> to vector<16xf32>
      %swap3A_2758 = vector.shape_cast %get3A_2752 : vector<16xf32> to vector<16xf32>
      tpu.vector_store %arg8[%swap3A_2755], %swap3A_2758 {add = true, strides = array<i32>} : memref<512xf32, #tpu.memory_space<vmem>>, vector<16xf32>,
      %mul3A_2759 = arith.constant 10 : i32
      %mul3A_2760 = arith.muli %mul3A_1582, %mul3A_2759 : i32
      %add3A_2761 = arith.constant 9 : i32
      %add3A_2762 = arith.addi %mul3A_2760, %add3A_2761 : i32
      %and3A_2763 = arith.constant 3 : i32
      %and3A_2764 = arith.andi %add3A_2762, %and3A_2763 : i32
      %mul3A_2765 = arith.constant 128 : i32
      %mul3A_2766 = arith.muli %and3A_2764, %mul3A_2765 : i32
      %mul3A_2767 = arith.constant 128 : i32
      %mul3A_2768 = arith.muli %add3A_2762, %mul3A_2767 : i32
      %add3A_2769 = arith.constant 0 : i32
      %add3A_2770 = arith.addi %mul3A_2768, %add3A_2769 : i32
      %get3A_2771 = arith.index_cast %add3A_2770 : i32 to index
      %get3A_2772 = tpu.vector_load %arg7[%get3A_2771] {strides = array<i32>} : memref<25600xf32, #tpu.memory_space<vmem>>, vector<16xf32>,
      %get3A_2773 = vector.shape_cast %get3A_2772 : vector<16xf32> to vector<16xf32>
      %add3A_2774 = arith.constant 0 : i32
      %add3A_2775 = arith.addi %mul3A_2766, %add3A_2774 : i32
      %swap3A_2776 = arith.index_cast %add3A_2775 : i32 to index
      %swap3A_2777 = tpu.vector_load %arg8[%swap3A_2776] {strides = array<i32>} : memref<512xf32, #tpu.memory_space<vmem>>, vector<16xf32>,
      %swap3A_2778 = vector.shape_cast %swap3A_2777 : vector<16xf32> to vector<16xf32>
      %swap3A_2779 = vector.shape_cast %get3A_2773 : vector<16xf32> to vector<16xf32>
      tpu.vector_store %arg8[%swap3A_2776], %swap3A_2779 {add = true, strides = array<i32>} : memref<512xf32, #tpu.memory_space<vmem>>, vector<16xf32>,
      %mul3A_2780 = arith.constant 128 : i32
      %mul3A_2781 = arith.muli %add3A_2762, %mul3A_2780 : i32
      %add3A_2782 = arith.constant 16 : i32
      %add3A_2783 = arith.addi %mul3A_2781, %add3A_2782 : i32
      %get3A_2784 = arith.index_cast %add3A_2783 : i32 to index
      %get3A_2785 = tpu.vector_load %arg7[%get3A_2784] {strides = array<i32>} : memref<25600xf32, #tpu.memory_space<vmem>>, vector<16xf32>,
      %get3A_2786 = vector.shape_cast %get3A_2785 : vector<16xf32> to vector<16xf32>
      %add3A_2787 = arith.constant 16 : i32
      %add3A_2788 = arith.addi %mul3A_2766, %add3A_2787 : i32
      %swap3A_2789 = arith.index_cast %add3A_2788 : i32 to index
      %swap3A_2790 = tpu.vector_load %arg8[%swap3A_2789] {strides = array<i32>} : memref<512xf32, #tpu.memory_space<vmem>>, vector<16xf32>,
      %swap3A_2791 = vector.shape_cast %swap3A_2790 : vector<16xf32> to vector<16xf32>
      %swap3A_2792 = vector.shape_cast %get3A_2786 : vector<16xf32> to vector<16xf32>
      tpu.vector_store %arg8[%swap3A_2789], %swap3A_2792 {add = true, strides = array<i32>} : memref<512xf32, #tpu.memory_space<vmem>>, vector<16xf32>,
      %mul3A_2793 = arith.constant 128 : i32
      %mul3A_2794 = arith.muli %add3A_2762, %mul3A_2793 : i32
      %add3A_2795 = arith.constant 32 : i32
      %add3A_2796 = arith.addi %mul3A_2794, %add3A_2795 : i32
      %get3A_2797 = arith.index_cast %add3A_2796 : i32 to index
      %get3A_2798 = tpu.vector_load %arg7[%get3A_2797] {strides = array<i32>} : memref<25600xf32, #tpu.memory_space<vmem>>, vector<16xf32>,
      %get3A_2799 = vector.shape_cast %get3A_2798 : vector<16xf32> to vector<16xf32>
      %add3A_2800 = arith.constant 32 : i32
      %add3A_2801 = arith.addi %mul3A_2766, %add3A_2800 : i32
      %swap3A_2802 = arith.index_cast %add3A_2801 : i32 to index
      %swap3A_2803 = tpu.vector_load %arg8[%swap3A_2802] {strides = array<i32>} : memref<512xf32, #tpu.memory_space<vmem>>, vector<16xf32>,
      %swap3A_2804 = vector.shape_cast %swap3A_2803 : vector<16xf32> to vector<16xf32>
      %swap3A_2805 = vector.shape_cast %get3A_2799 : vector<16xf32> to vector<16xf32>
      tpu.vector_store %arg8[%swap3A_2802], %swap3A_2805 {add = true, strides = array<i32>} : memref<512xf32, #tpu.memory_space<vmem>>, vector<16xf32>,
      %mul3A_2806 = arith.constant 128 : i32
      %mul3A_2807 = arith.muli %add3A_2762, %mul3A_2806 : i32
      %add3A_2808 = arith.constant 48 : i32
      %add3A_2809 = arith.addi %mul3A_2807, %add3A_2808 : i32
      %get3A_2810 = arith.index_cast %add3A_2809 : i32 to index
      %get3A_2811 = tpu.vector_load %arg7[%get3A_2810] {strides = array<i32>} : memref<25600xf32, #tpu.memory_space<vmem>>, vector<16xf32>,
      %get3A_2812 = vector.shape_cast %get3A_2811 : vector<16xf32> to vector<16xf32>
      %add3A_2813 = arith.constant 48 : i32
      %add3A_2814 = arith.addi %mul3A_2766, %add3A_2813 : i32
      %swap3A_2815 = arith.index_cast %add3A_2814 : i32 to index
      %swap3A_2816 = tpu.vector_load %arg8[%swap3A_2815] {strides = array<i32>} : memref<512xf32, #tpu.memory_space<vmem>>, vector<16xf32>,
      %swap3A_2817 = vector.shape_cast %swap3A_2816 : vector<16xf32> to vector<16xf32>
      %swap3A_2818 = vector.shape_cast %get3A_2812 : vector<16xf32> to vector<16xf32>
      tpu.vector_store %arg8[%swap3A_2815], %swap3A_2818 {add = true, strides = array<i32>} : memref<512xf32, #tpu.memory_space<vmem>>, vector<16xf32>,
      %mul3A_2819 = arith.constant 128 : i32
      %mul3A_2820 = arith.muli %add3A_2762, %mul3A_2819 : i32
      %add3A_2821 = arith.constant 64 : i32
      %add3A_2822 = arith.addi %mul3A_2820, %add3A_2821 : i32
      %get3A_2823 = arith.index_cast %add3A_2822 : i32 to index
      %get3A_2824 = tpu.vector_load %arg7[%get3A_2823] {strides = array<i32>} : memref<25600xf32, #tpu.memory_space<vmem>>, vector<16xf32>,
      %get3A_2825 = vector.shape_cast %get3A_2824 : vector<16xf32> to vector<16xf32>
      %add3A_2826 = arith.constant 64 : i32
      %add3A_2827 = arith.addi %mul3A_2766, %add3A_2826 : i32
      %swap3A_2828 = arith.index_cast %add3A_2827 : i32 to index
      %swap3A_2829 = tpu.vector_load %arg8[%swap3A_2828] {strides = array<i32>} : memref<512xf32, #tpu.memory_space<vmem>>, vector<16xf32>,
      %swap3A_2830 = vector.shape_cast %swap3A_2829 : vector<16xf32> to vector<16xf32>
      %swap3A_2831 = vector.shape_cast %get3A_2825 : vector<16xf32> to vector<16xf32>
      tpu.vector_store %arg8[%swap3A_2828], %swap3A_2831 {add = true, strides = array<i32>} : memref<512xf32, #tpu.memory_space<vmem>>, vector<16xf32>,
      %mul3A_2832 = arith.constant 128 : i32
      %mul3A_2833 = arith.muli %add3A_2762, %mul3A_2832 : i32
      %add3A_2834 = arith.constant 80 : i32
      %add3A_2835 = arith.addi %mul3A_2833, %add3A_2834 : i32
      %get3A_2836 = arith.index_cast %add3A_2835 : i32 to index
      %get3A_2837 = tpu.vector_load %arg7[%get3A_2836] {strides = array<i32>} : memref<25600xf32, #tpu.memory_space<vmem>>, vector<16xf32>,
      %get3A_2838 = vector.shape_cast %get3A_2837 : vector<16xf32> to vector<16xf32>
      %add3A_2839 = arith.constant 80 : i32
      %add3A_2840 = arith.addi %mul3A_2766, %add3A_2839 : i32
      %swap3A_2841 = arith.index_cast %add3A_2840 : i32 to index
      %swap3A_2842 = tpu.vector_load %arg8[%swap3A_2841] {strides = array<i32>} : memref<512xf32, #tpu.memory_space<vmem>>, vector<16xf32>,
      %swap3A_2843 = vector.shape_cast %swap3A_2842 : vector<16xf32> to vector<16xf32>
      %swap3A_2844 = vector.shape_cast %get3A_2838 : vector<16xf32> to vector<16xf32>
      tpu.vector_store %arg8[%swap3A_2841], %swap3A_2844 {add = true, strides = array<i32>} : memref<512xf32, #tpu.memory_space<vmem>>, vector<16xf32>,
      %mul3A_2845 = arith.constant 128 : i32
      %mul3A_2846 = arith.muli %add3A_2762, %mul3A_2845 : i32
      %add3A_2847 = arith.constant 96 : i32
      %add3A_2848 = arith.addi %mul3A_2846, %add3A_2847 : i32
      %get3A_2849 = arith.index_cast %add3A_2848 : i32 to index
      %get3A_2850 = tpu.vector_load %arg7[%get3A_2849] {strides = array<i32>} : memref<25600xf32, #tpu.memory_space<vmem>>, vector<16xf32>,
      %get3A_2851 = vector.shape_cast %get3A_2850 : vector<16xf32> to vector<16xf32>
      %add3A_2852 = arith.constant 96 : i32
      %add3A_2853 = arith.addi %mul3A_2766, %add3A_2852 : i32
      %swap3A_2854 = arith.index_cast %add3A_2853 : i32 to index
      %swap3A_2855 = tpu.vector_load %arg8[%swap3A_2854] {strides = array<i32>} : memref<512xf32, #tpu.memory_space<vmem>>, vector<16xf32>,
      %swap3A_2856 = vector.shape_cast %swap3A_2855 : vector<16xf32> to vector<16xf32>
      %swap3A_2857 = vector.shape_cast %get3A_2851 : vector<16xf32> to vector<16xf32>
      tpu.vector_store %arg8[%swap3A_2854], %swap3A_2857 {add = true, strides = array<i32>} : memref<512xf32, #tpu.memory_space<vmem>>, vector<16xf32>,
      %mul3A_2858 = arith.constant 128 : i32
      %mul3A_2859 = arith.muli %add3A_2762, %mul3A_2858 : i32
      %add3A_2860 = arith.constant 112 : i32
      %add3A_2861 = arith.addi %mul3A_2859, %add3A_2860 : i32
      %get3A_2862 = arith.index_cast %add3A_2861 : i32 to index
      %get3A_2863 = tpu.vector_load %arg7[%get3A_2862] {strides = array<i32>} : memref<25600xf32, #tpu.memory_space<vmem>>, vector<16xf32>,
      %get3A_2864 = vector.shape_cast %get3A_2863 : vector<16xf32> to vector<16xf32>
      %add3A_2865 = arith.constant 112 : i32
      %add3A_2866 = arith.addi %mul3A_2766, %add3A_2865 : i32
      %swap3A_2867 = arith.index_cast %add3A_2866 : i32 to index
      %swap3A_2868 = tpu.vector_load %arg8[%swap3A_2867] {strides = array<i32>} : memref<512xf32, #tpu.memory_space<vmem>>, vector<16xf32>,
      %swap3A_2869 = vector.shape_cast %swap3A_2868 : vector<16xf32> to vector<16xf32>
      %swap3A_2870 = vector.shape_cast %get3A_2864 : vector<16xf32> to vector<16xf32>
      tpu.vector_store %arg8[%swap3A_2867], %swap3A_2870 {add = true, strides = array<i32>} : memref<512xf32, #tpu.memory_space<vmem>>, vector<16xf32>,
      %add3A_2871 = arith.constant 2 : i32
      %add3A_2872 = arith.addi %mul3A_1582, %add3A_2871 : i32
      %mul3A_2873 = arith.constant 10 : i32
      %mul3A_2874 = arith.muli %add3A_2872, %mul3A_2873 : i32
      %add3A_2875 = arith.constant 0 : i32
      %add3A_2876 = arith.addi %mul3A_2874, %add3A_2875 : i32
      %shift_right_arithmetic3A_2877 = arith.constant 2 : i32
      %shift_right_arithmetic3A_2878 = arith.shrsi %add3A_2876, %shift_right_arithmetic3A_2877 : i32
      %and3A_2879 = arith.constant 3 : i32
      %and3A_2880 = arith.andi %add3A_2876, %and3A_2879 : i32
      %mul3A_2881 = arith.constant 128 : i32
      %mul3A_2882 = arith.muli %and3A_2880, %mul3A_2881 : i32
      %mul3A_2883 = arith.constant 128 : i32
      %mul3A_2884 = arith.muli %add3A_2876, %mul3A_2883 : i32
      %dma_start3A_2885 = tpu.memref_slice %arg7[%mul3A_2884] : memref<25600xf32, #tpu.memory_space<vmem>> -> memref<128xf32, #tpu.memory_space<vmem>>
      %dma_start3A_2886 = tpu.memref_slice %arg6[%shift_right_arithmetic3A_2878, %mul3A_2882] : memref<50x512xi32, #tpu.memory_space<vmem>> -> memref<1x128xi32, #tpu.memory_space<vmem>>
      %dma_start3A_2887 = tpu.memref_squeeze %dma_start3A_2886 : memref<1x128xi32, #tpu.memory_space<vmem>> -> memref<128xi32, #tpu.memory_space<vmem>>
      %dma_start3A_2888 = arith.constant 0 : i32
      %dma_start3A_2889 = tpu.memref_slice %arg3[%dma_start3A_2888] : memref<1048576xf32, #tpu.memory_space<hbm>> -> memref<1048576xf32, #tpu.memory_space<hbm>>
      tpu.enqueue_indirect_dma source(%dma_start3A_2889 : memref<1048576xf32, #tpu.memory_space<hbm>>) target(%dma_start3A_2885 : memref<128xf32, #tpu.memory_space<vmem>>) offsets(%dma_start3A_2887 : memref<128xi32, #tpu.memory_space<vmem>>) semaphore(%arg10 : memref<!tpu.dma_semaphore, #tpu.memory_space<semaphore_mem>>)
      %mul3A_2890 = arith.constant 10 : i32
      %mul3A_2891 = arith.muli %add3A_2872, %mul3A_2890 : i32
      %add3A_2892 = arith.constant 1 : i32
      %add3A_2893 = arith.addi %mul3A_2891, %add3A_2892 : i32
      %shift_right_arithmetic3A_2894 = arith.constant 2 : i32
      %shift_right_arithmetic3A_2895 = arith.shrsi %add3A_2893, %shift_right_arithmetic3A_2894 : i32
      %and3A_2896 = arith.constant 3 : i32
      %and3A_2897 = arith.andi %add3A_2893, %and3A_2896 : i32
      %mul3A_2898 = arith.constant 128 : i32
      %mul3A_2899 = arith.muli %and3A_2897, %mul3A_2898 : i32
      %mul3A_2900 = arith.constant 128 : i32
      %mul3A_2901 = arith.muli %add3A_2893, %mul3A_2900 : i32
      %dma_start3A_2902 = tpu.memref_slice %arg7[%mul3A_2901] : memref<25600xf32, #tpu.memory_space<vmem>> -> memref<128xf32, #tpu.memory_space<vmem>>
      %dma_start3A_2903 = tpu.memref_slice %arg6[%shift_right_arithmetic3A_2895, %mul3A_2899] : memref<50x512xi32, #tpu.memory_space<vmem>> -> memref<1x128xi32, #tpu.memory_space<vmem>>
      %dma_start3A_2904 = tpu.memref_squeeze %dma_start3A_2903 : memref<1x128xi32, #tpu.memory_space<vmem>> -> memref<128xi32, #tpu.memory_space<vmem>>
      %dma_start3A_2905 = arith.constant 0 : i32
      %dma_start3A_2906 = tpu.memref_slice %arg3[%dma_start3A_2905] : memref<1048576xf32, #tpu.memory_space<hbm>> -> memref<1048576xf32, #tpu.memory_space<hbm>>
      tpu.enqueue_indirect_dma source(%dma_start3A_2906 : memref<1048576xf32, #tpu.memory_space<hbm>>) target(%dma_start3A_2902 : memref<128xf32, #tpu.memory_space<vmem>>) offsets(%dma_start3A_2904 : memref<128xi32, #tpu.memory_space<vmem>>) semaphore(%arg10 : memref<!tpu.dma_semaphore, #tpu.memory_space<semaphore_mem>>)
      %mul3A_2907 = arith.constant 10 : i32
      %mul3A_2908 = arith.muli %add3A_2872, %mul3A_2907 : i32
      %add3A_2909 = arith.constant 2 : i32
      %add3A_2910 = arith.addi %mul3A_2908, %add3A_2909 : i32
      %shift_right_arithmetic3A_2911 = arith.constant 2 : i32
      %shift_right_arithmetic3A_2912 = arith.shrsi %add3A_2910, %shift_right_arithmetic3A_2911 : i32
      %and3A_2913 = arith.constant 3 : i32
      %and3A_2914 = arith.andi %add3A_2910, %and3A_2913 : i32
      %mul3A_2915 = arith.constant 128 : i32
      %mul3A_2916 = arith.muli %and3A_2914, %mul3A_2915 : i32
      %mul3A_2917 = arith.constant 128 : i32
      %mul3A_2918 = arith.muli %add3A_2910, %mul3A_2917 : i32
      %dma_start3A_2919 = tpu.memref_slice %arg7[%mul3A_2918] : memref<25600xf32, #tpu.memory_space<vmem>> -> memref<128xf32, #tpu.memory_space<vmem>>
      %dma_start3A_2920 = tpu.memref_slice %arg6[%shift_right_arithmetic3A_2912, %mul3A_2916] : memref<50x512xi32, #tpu.memory_space<vmem>> -> memref<1x128xi32, #tpu.memory_space<vmem>>
      %dma_start3A_2921 = tpu.memref_squeeze %dma_start3A_2920 : memref<1x128xi32, #tpu.memory_space<vmem>> -> memref<128xi32, #tpu.memory_space<vmem>>
      %dma_start3A_2922 = arith.constant 0 : i32
      %dma_start3A_2923 = tpu.memref_slice %arg3[%dma_start3A_2922] : memref<1048576xf32, #tpu.memory_space<hbm>> -> memref<1048576xf32, #tpu.memory_space<hbm>>
      tpu.enqueue_indirect_dma source(%dma_start3A_2923 : memref<1048576xf32, #tpu.memory_space<hbm>>) target(%dma_start3A_2919 : memref<128xf32, #tpu.memory_space<vmem>>) offsets(%dma_start3A_2921 : memref<128xi32, #tpu.memory_space<vmem>>) semaphore(%arg10 : memref<!tpu.dma_semaphore, #tpu.memory_space<semaphore_mem>>)
      %mul3A_2924 = arith.constant 10 : i32
      %mul3A_2925 = arith.muli %add3A_2872, %mul3A_2924 : i32
      %add3A_2926 = arith.constant 3 : i32
      %add3A_2927 = arith.addi %mul3A_2925, %add3A_2926 : i32
      %shift_right_arithmetic3A_2928 = arith.constant 2 : i32
      %shift_right_arithmetic3A_2929 = arith.shrsi %add3A_2927, %shift_right_arithmetic3A_2928 : i32
      %and3A_2930 = arith.constant 3 : i32
      %and3A_2931 = arith.andi %add3A_2927, %and3A_2930 : i32
      %mul3A_2932 = arith.constant 128 : i32
      %mul3A_2933 = arith.muli %and3A_2931, %mul3A_2932 : i32
      %mul3A_2934 = arith.constant 128 : i32
      %mul3A_2935 = arith.muli %add3A_2927, %mul3A_2934 : i32
      %dma_start3A_2936 = tpu.memref_slice %arg7[%mul3A_2935] : memref<25600xf32, #tpu.memory_space<vmem>> -> memref<128xf32, #tpu.memory_space<vmem>>
      %dma_start3A_2937 = tpu.memref_slice %arg6[%shift_right_arithmetic3A_2929, %mul3A_2933] : memref<50x512xi32, #tpu.memory_space<vmem>> -> memref<1x128xi32, #tpu.memory_space<vmem>>
      %dma_start3A_2938 = tpu.memref_squeeze %dma_start3A_2937 : memref<1x128xi32, #tpu.memory_space<vmem>> -> memref<128xi32, #tpu.memory_space<vmem>>
      %dma_start3A_2939 = arith.constant 0 : i32
      %dma_start3A_2940 = tpu.memref_slice %arg3[%dma_start3A_2939] : memref<1048576xf32, #tpu.memory_space<hbm>> -> memref<1048576xf32, #tpu.memory_space<hbm>>
      tpu.enqueue_indirect_dma source(%dma_start3A_2940 : memref<1048576xf32, #tpu.memory_space<hbm>>) target(%dma_start3A_2936 : memref<128xf32, #tpu.memory_space<vmem>>) offsets(%dma_start3A_2938 : memref<128xi32, #tpu.memory_space<vmem>>) semaphore(%arg10 : memref<!tpu.dma_semaphore, #tpu.memory_space<semaphore_mem>>)
      %mul3A_2941 = arith.constant 10 : i32
      %mul3A_2942 = arith.muli %add3A_2872, %mul3A_2941 : i32
      %add3A_2943 = arith.constant 4 : i32
      %add3A_2944 = arith.addi %mul3A_2942, %add3A_2943 : i32
      %shift_right_arithmetic3A_2945 = arith.constant 2 : i32
      %shift_right_arithmetic3A_2946 = arith.shrsi %add3A_2944, %shift_right_arithmetic3A_2945 : i32
      %and3A_2947 = arith.constant 3 : i32
      %and3A_2948 = arith.andi %add3A_2944, %and3A_2947 : i32
      %mul3A_2949 = arith.constant 128 : i32
      %mul3A_2950 = arith.muli %and3A_2948, %mul3A_2949 : i32
      %mul3A_2951 = arith.constant 128 : i32
      %mul3A_2952 = arith.muli %add3A_2944, %mul3A_2951 : i32
      %dma_start3A_2953 = tpu.memref_slice %arg7[%mul3A_2952] : memref<25600xf32, #tpu.memory_space<vmem>> -> memref<128xf32, #tpu.memory_space<vmem>>
      %dma_start3A_2954 = tpu.memref_slice %arg6[%shift_right_arithmetic3A_2946, %mul3A_2950] : memref<50x512xi32, #tpu.memory_space<vmem>> -> memref<1x128xi32, #tpu.memory_space<vmem>>
      %dma_start3A_2955 = tpu.memref_squeeze %dma_start3A_2954 : memref<1x128xi32, #tpu.memory_space<vmem>> -> memref<128xi32, #tpu.memory_space<vmem>>
      %dma_start3A_2956 = arith.constant 0 : i32
      %dma_start3A_2957 = tpu.memref_slice %arg3[%dma_start3A_2956] : memref<1048576xf32, #tpu.memory_space<hbm>> -> memref<1048576xf32, #tpu.memory_space<hbm>>
      tpu.enqueue_indirect_dma source(%dma_start3A_2957 : memref<1048576xf32, #tpu.memory_space<hbm>>) target(%dma_start3A_2953 : memref<128xf32, #tpu.memory_space<vmem>>) offsets(%dma_start3A_2955 : memref<128xi32, #tpu.memory_space<vmem>>) semaphore(%arg10 : memref<!tpu.dma_semaphore, #tpu.memory_space<semaphore_mem>>)
      %mul3A_2958 = arith.constant 10 : i32
      %mul3A_2959 = arith.muli %add3A_2872, %mul3A_2958 : i32
      %add3A_2960 = arith.constant 5 : i32
      %add3A_2961 = arith.addi %mul3A_2959, %add3A_2960 : i32
      %shift_right_arithmetic3A_2962 = arith.constant 2 : i32
      %shift_right_arithmetic3A_2963 = arith.shrsi %add3A_2961, %shift_right_arithmetic3A_2962 : i32
      %and3A_2964 = arith.constant 3 : i32
      %and3A_2965 = arith.andi %add3A_2961, %and3A_2964 : i32
      %mul3A_2966 = arith.constant 128 : i32
      %mul3A_2967 = arith.muli %and3A_2965, %mul3A_2966 : i32
      %mul3A_2968 = arith.constant 128 : i32
      %mul3A_2969 = arith.muli %add3A_2961, %mul3A_2968 : i32
      %dma_start3A_2970 = tpu.memref_slice %arg7[%mul3A_2969] : memref<25600xf32, #tpu.memory_space<vmem>> -> memref<128xf32, #tpu.memory_space<vmem>>
      %dma_start3A_2971 = tpu.memref_slice %arg6[%shift_right_arithmetic3A_2963, %mul3A_2967] : memref<50x512xi32, #tpu.memory_space<vmem>> -> memref<1x128xi32, #tpu.memory_space<vmem>>
      %dma_start3A_2972 = tpu.memref_squeeze %dma_start3A_2971 : memref<1x128xi32, #tpu.memory_space<vmem>> -> memref<128xi32, #tpu.memory_space<vmem>>
      %dma_start3A_2973 = arith.constant 0 : i32
      %dma_start3A_2974 = tpu.memref_slice %arg3[%dma_start3A_2973] : memref<1048576xf32, #tpu.memory_space<hbm>> -> memref<1048576xf32, #tpu.memory_space<hbm>>
      tpu.enqueue_indirect_dma source(%dma_start3A_2974 : memref<1048576xf32, #tpu.memory_space<hbm>>) target(%dma_start3A_2970 : memref<128xf32, #tpu.memory_space<vmem>>) offsets(%dma_start3A_2972 : memref<128xi32, #tpu.memory_space<vmem>>) semaphore(%arg10 : memref<!tpu.dma_semaphore, #tpu.memory_space<semaphore_mem>>)
      %mul3A_2975 = arith.constant 10 : i32
      %mul3A_2976 = arith.muli %add3A_2872, %mul3A_2975 : i32
      %add3A_2977 = arith.constant 6 : i32
      %add3A_2978 = arith.addi %mul3A_2976, %add3A_2977 : i32
      %shift_right_arithmetic3A_2979 = arith.constant 2 : i32
      %shift_right_arithmetic3A_2980 = arith.shrsi %add3A_2978, %shift_right_arithmetic3A_2979 : i32
      %and3A_2981 = arith.constant 3 : i32
      %and3A_2982 = arith.andi %add3A_2978, %and3A_2981 : i32
      %mul3A_2983 = arith.constant 128 : i32
      %mul3A_2984 = arith.muli %and3A_2982, %mul3A_2983 : i32
      %mul3A_2985 = arith.constant 128 : i32
      %mul3A_2986 = arith.muli %add3A_2978, %mul3A_2985 : i32
      %dma_start3A_2987 = tpu.memref_slice %arg7[%mul3A_2986] : memref<25600xf32, #tpu.memory_space<vmem>> -> memref<128xf32, #tpu.memory_space<vmem>>
      %dma_start3A_2988 = tpu.memref_slice %arg6[%shift_right_arithmetic3A_2980, %mul3A_2984] : memref<50x512xi32, #tpu.memory_space<vmem>> -> memref<1x128xi32, #tpu.memory_space<vmem>>
      %dma_start3A_2989 = tpu.memref_squeeze %dma_start3A_2988 : memref<1x128xi32, #tpu.memory_space<vmem>> -> memref<128xi32, #tpu.memory_space<vmem>>
      %dma_start3A_2990 = arith.constant 0 : i32
      %dma_start3A_2991 = tpu.memref_slice %arg3[%dma_start3A_2990] : memref<1048576xf32, #tpu.memory_space<hbm>> -> memref<1048576xf32, #tpu.memory_space<hbm>>
      tpu.enqueue_indirect_dma source(%dma_start3A_2991 : memref<1048576xf32, #tpu.memory_space<hbm>>) target(%dma_start3A_2987 : memref<128xf32, #tpu.memory_space<vmem>>) offsets(%dma_start3A_2989 : memref<128xi32, #tpu.memory_space<vmem>>) semaphore(%arg10 : memref<!tpu.dma_semaphore, #tpu.memory_space<semaphore_mem>>)
      %mul3A_2992 = arith.constant 10 : i32
      %mul3A_2993 = arith.muli %add3A_2872, %mul3A_2992 : i32
      %add3A_2994 = arith.constant 7 : i32
      %add3A_2995 = arith.addi %mul3A_2993, %add3A_2994 : i32
      %shift_right_arithmetic3A_2996 = arith.constant 2 : i32
      %shift_right_arithmetic3A_2997 = arith.shrsi %add3A_2995, %shift_right_arithmetic3A_2996 : i32
      %and3A_2998 = arith.constant 3 : i32
      %and3A_2999 = arith.andi %add3A_2995, %and3A_2998 : i32
      %mul3A_3000 = arith.constant 128 : i32
      %mul3A_3001 = arith.muli %and3A_2999, %mul3A_3000 : i32
      %mul3A_3002 = arith.constant 128 : i32
      %mul3A_3003 = arith.muli %add3A_2995, %mul3A_3002 : i32
      %dma_start3A_3004 = tpu.memref_slice %arg7[%mul3A_3003] : memref<25600xf32, #tpu.memory_space<vmem>> -> memref<128xf32, #tpu.memory_space<vmem>>
      %dma_start3A_3005 = tpu.memref_slice %arg6[%shift_right_arithmetic3A_2997, %mul3A_3001] : memref<50x512xi32, #tpu.memory_space<vmem>> -> memref<1x128xi32, #tpu.memory_space<vmem>>
      %dma_start3A_3006 = tpu.memref_squeeze %dma_start3A_3005 : memref<1x128xi32, #tpu.memory_space<vmem>> -> memref<128xi32, #tpu.memory_space<vmem>>
      %dma_start3A_3007 = arith.constant 0 : i32
      %dma_start3A_3008 = tpu.memref_slice %arg3[%dma_start3A_3007] : memref<1048576xf32, #tpu.memory_space<hbm>> -> memref<1048576xf32, #tpu.memory_space<hbm>>
      tpu.enqueue_indirect_dma source(%dma_start3A_3008 : memref<1048576xf32, #tpu.memory_space<hbm>>) target(%dma_start3A_3004 : memref<128xf32, #tpu.memory_space<vmem>>) offsets(%dma_start3A_3006 : memref<128xi32, #tpu.memory_space<vmem>>) semaphore(%arg10 : memref<!tpu.dma_semaphore, #tpu.memory_space<semaphore_mem>>)
      %mul3A_3009 = arith.constant 10 : i32
      %mul3A_3010 = arith.muli %add3A_2872, %mul3A_3009 : i32
      %add3A_3011 = arith.constant 8 : i32
      %add3A_3012 = arith.addi %mul3A_3010, %add3A_3011 : i32
      %shift_right_arithmetic3A_3013 = arith.constant 2 : i32
      %shift_right_arithmetic3A_3014 = arith.shrsi %add3A_3012, %shift_right_arithmetic3A_3013 : i32
      %and3A_3015 = arith.constant 3 : i32
      %and3A_3016 = arith.andi %add3A_3012, %and3A_3015 : i32
      %mul3A_3017 = arith.constant 128 : i32
      %mul3A_3018 = arith.muli %and3A_3016, %mul3A_3017 : i32
      %mul3A_3019 = arith.constant 128 : i32
      %mul3A_3020 = arith.muli %add3A_3012, %mul3A_3019 : i32
      %dma_start3A_3021 = tpu.memref_slice %arg7[%mul3A_3020] : memref<25600xf32, #tpu.memory_space<vmem>> -> memref<128xf32, #tpu.memory_space<vmem>>
      %dma_start3A_3022 = tpu.memref_slice %arg6[%shift_right_arithmetic3A_3014, %mul3A_3018] : memref<50x512xi32, #tpu.memory_space<vmem>> -> memref<1x128xi32, #tpu.memory_space<vmem>>
      %dma_start3A_3023 = tpu.memref_squeeze %dma_start3A_3022 : memref<1x128xi32, #tpu.memory_space<vmem>> -> memref<128xi32, #tpu.memory_space<vmem>>
      %dma_start3A_3024 = arith.constant 0 : i32
      %dma_start3A_3025 = tpu.memref_slice %arg3[%dma_start3A_3024] : memref<1048576xf32, #tpu.memory_space<hbm>> -> memref<1048576xf32, #tpu.memory_space<hbm>>
      tpu.enqueue_indirect_dma source(%dma_start3A_3025 : memref<1048576xf32, #tpu.memory_space<hbm>>) target(%dma_start3A_3021 : memref<128xf32, #tpu.memory_space<vmem>>) offsets(%dma_start3A_3023 : memref<128xi32, #tpu.memory_space<vmem>>) semaphore(%arg10 : memref<!tpu.dma_semaphore, #tpu.memory_space<semaphore_mem>>)
      %mul3A_3026 = arith.constant 10 : i32
      %mul3A_3027 = arith.muli %add3A_2872, %mul3A_3026 : i32
      %add3A_3028 = arith.constant 9 : i32
      %add3A_3029 = arith.addi %mul3A_3027, %add3A_3028 : i32
      %shift_right_arithmetic3A_3030 = arith.constant 2 : i32
      %shift_right_arithmetic3A_3031 = arith.shrsi %add3A_3029, %shift_right_arithmetic3A_3030 : i32
      %and3A_3032 = arith.constant 3 : i32
      %and3A_3033 = arith.andi %add3A_3029, %and3A_3032 : i32
      %mul3A_3034 = arith.constant 128 : i32
      %mul3A_3035 = arith.muli %and3A_3033, %mul3A_3034 : i32
      %mul3A_3036 = arith.constant 128 : i32
      %mul3A_3037 = arith.muli %add3A_3029, %mul3A_3036 : i32
      %dma_start3A_3038 = tpu.memref_slice %arg7[%mul3A_3037] : memref<25600xf32, #tpu.memory_space<vmem>> -> memref<128xf32, #tpu.memory_space<vmem>>
      %dma_start3A_3039 = tpu.memref_slice %arg6[%shift_right_arithmetic3A_3031, %mul3A_3035] : memref<50x512xi32, #tpu.memory_space<vmem>> -> memref<1x128xi32, #tpu.memory_space<vmem>>
      %dma_start3A_3040 = tpu.memref_squeeze %dma_start3A_3039 : memref<1x128xi32, #tpu.memory_space<vmem>> -> memref<128xi32, #tpu.memory_space<vmem>>
      %dma_start3A_3041 = arith.constant 0 : i32
      %dma_start3A_3042 = tpu.memref_slice %arg3[%dma_start3A_3041] : memref<1048576xf32, #tpu.memory_space<hbm>> -> memref<1048576xf32, #tpu.memory_space<hbm>>
      tpu.enqueue_indirect_dma source(%dma_start3A_3042 : memref<1048576xf32, #tpu.memory_space<hbm>>) target(%dma_start3A_3038 : memref<128xf32, #tpu.memory_space<vmem>>) offsets(%dma_start3A_3040 : memref<128xi32, #tpu.memory_space<vmem>>) semaphore(%arg10 : memref<!tpu.dma_semaphore, #tpu.memory_space<semaphore_mem>>)
      %add3A_3043 = arith.constant 1 : i32
      %add3A_3044 = arith.addi %mul3A_1582, %add3A_3043 : i32
      %mul3A_3045 = arith.constant 10 : i32
      %mul3A_3046 = arith.muli %add3A_3044, %mul3A_3045 : i32
      %add3A_3047 = arith.constant 0 : i32
      %add3A_3048 = arith.addi %mul3A_3046, %add3A_3047 : i32
      %shift_right_arithmetic3A_3049 = arith.constant 2 : i32
      %shift_right_arithmetic3A_3050 = arith.shrsi %add3A_3048, %shift_right_arithmetic3A_3049 : i32
      %and3A_3051 = arith.constant 3 : i32
      %and3A_3052 = arith.andi %add3A_3048, %and3A_3051 : i32
      %mul3A_3053 = arith.constant 128 : i32
      %mul3A_3054 = arith.muli %and3A_3052, %mul3A_3053 : i32
      %mul3A_3055 = arith.constant 128 : i32
      %mul3A_3056 = arith.muli %add3A_3048, %mul3A_3055 : i32
      %dma_wait3A_3057 = tpu.memref_slice %arg7[%mul3A_3056] : memref<25600xf32, #tpu.memory_space<vmem>> -> memref<128xf32, #tpu.memory_space<vmem>>
      %dma_wait3A_3058 = tpu.memref_slice %arg6[%shift_right_arithmetic3A_3050, %mul3A_3054] : memref<50x512xi32, #tpu.memory_space<vmem>> -> memref<1x128xi32, #tpu.memory_space<vmem>>
      %dma_wait3A_3059 = tpu.memref_squeeze %dma_wait3A_3058 : memref<1x128xi32, #tpu.memory_space<vmem>> -> memref<128xi32, #tpu.memory_space<vmem>>
      %dma_wait3A_3060 = arith.constant 0 : i32
      %dma_wait3A_3061 = tpu.memref_slice %arg3[%dma_wait3A_3060] : memref<1048576xf32, #tpu.memory_space<hbm>> -> memref<1048576xf32, #tpu.memory_space<hbm>>
      tpu.wait_indirect_dma semaphore(%arg11 : memref<!tpu.dma_semaphore, #tpu.memory_space<semaphore_mem>>) src(%dma_wait3A_3061 : memref<1048576xf32, #tpu.memory_space<hbm>>) dst(%dma_wait3A_3057 : memref<128xf32, #tpu.memory_space<vmem>>)
      %mul3A_3062 = arith.constant 10 : i32
      %mul3A_3063 = arith.muli %add3A_3044, %mul3A_3062 : i32
      %add3A_3064 = arith.constant 1 : i32
      %add3A_3065 = arith.addi %mul3A_3063, %add3A_3064 : i32
      %shift_right_arithmetic3A_3066 = arith.constant 2 : i32
      %shift_right_arithmetic3A_3067 = arith.shrsi %add3A_3065, %shift_right_arithmetic3A_3066 : i32
      %and3A_3068 = arith.constant 3 : i32
      %and3A_3069 = arith.andi %add3A_3065, %and3A_3068 : i32
      %mul3A_3070 = arith.constant 128 : i32
      %mul3A_3071 = arith.muli %and3A_3069, %mul3A_3070 : i32
      %mul3A_3072 = arith.constant 128 : i32
      %mul3A_3073 = arith.muli %add3A_3065, %mul3A_3072 : i32
      %dma_wait3A_3074 = tpu.memref_slice %arg7[%mul3A_3073] : memref<25600xf32, #tpu.memory_space<vmem>> -> memref<128xf32, #tpu.memory_space<vmem>>
      %dma_wait3A_3075 = tpu.memref_slice %arg6[%shift_right_arithmetic3A_3067, %mul3A_3071] : memref<50x512xi32, #tpu.memory_space<vmem>> -> memref<1x128xi32, #tpu.memory_space<vmem>>
      %dma_wait3A_3076 = tpu.memref_squeeze %dma_wait3A_3075 : memref<1x128xi32, #tpu.memory_space<vmem>> -> memref<128xi32, #tpu.memory_space<vmem>>
      %dma_wait3A_3077 = arith.constant 0 : i32
      %dma_wait3A_3078 = tpu.memref_slice %arg3[%dma_wait3A_3077] : memref<1048576xf32, #tpu.memory_space<hbm>> -> memref<1048576xf32, #tpu.memory_space<hbm>>
      tpu.wait_indirect_dma semaphore(%arg11 : memref<!tpu.dma_semaphore, #tpu.memory_space<semaphore_mem>>) src(%dma_wait3A_3078 : memref<1048576xf32, #tpu.memory_space<hbm>>) dst(%dma_wait3A_3074 : memref<128xf32, #tpu.memory_space<vmem>>)
      %mul3A_3079 = arith.constant 10 : i32
      %mul3A_3080 = arith.muli %add3A_3044, %mul3A_3079 : i32
      %add3A_3081 = arith.constant 2 : i32
      %add3A_3082 = arith.addi %mul3A_3080, %add3A_3081 : i32
      %shift_right_arithmetic3A_3083 = arith.constant 2 : i32
      %shift_right_arithmetic3A_3084 = arith.shrsi %add3A_3082, %shift_right_arithmetic3A_3083 : i32
      %and3A_3085 = arith.constant 3 : i32
      %and3A_3086 = arith.andi %add3A_3082, %and3A_3085 : i32
      %mul3A_3087 = arith.constant 128 : i32
      %mul3A_3088 = arith.muli %and3A_3086, %mul3A_3087 : i32
      %mul3A_3089 = arith.constant 128 : i32
      %mul3A_3090 = arith.muli %add3A_3082, %mul3A_3089 : i32
      %dma_wait3A_3091 = tpu.memref_slice %arg7[%mul3A_3090] : memref<25600xf32, #tpu.memory_space<vmem>> -> memref<128xf32, #tpu.memory_space<vmem>>
      %dma_wait3A_3092 = tpu.memref_slice %arg6[%shift_right_arithmetic3A_3084, %mul3A_3088] : memref<50x512xi32, #tpu.memory_space<vmem>> -> memref<1x128xi32, #tpu.memory_space<vmem>>
      %dma_wait3A_3093 = tpu.memref_squeeze %dma_wait3A_3092 : memref<1x128xi32, #tpu.memory_space<vmem>> -> memref<128xi32, #tpu.memory_space<vmem>>
      %dma_wait3A_3094 = arith.constant 0 : i32
      %dma_wait3A_3095 = tpu.memref_slice %arg3[%dma_wait3A_3094] : memref<1048576xf32, #tpu.memory_space<hbm>> -> memref<1048576xf32, #tpu.memory_space<hbm>>
      tpu.wait_indirect_dma semaphore(%arg11 : memref<!tpu.dma_semaphore, #tpu.memory_space<semaphore_mem>>) src(%dma_wait3A_3095 : memref<1048576xf32, #tpu.memory_space<hbm>>) dst(%dma_wait3A_3091 : memref<128xf32, #tpu.memory_space<vmem>>)
      %mul3A_3096 = arith.constant 10 : i32
      %mul3A_3097 = arith.muli %add3A_3044, %mul3A_3096 : i32
      %add3A_3098 = arith.constant 3 : i32
      %add3A_3099 = arith.addi %mul3A_3097, %add3A_3098 : i32
      %shift_right_arithmetic3A_3100 = arith.constant 2 : i32
      %shift_right_arithmetic3A_3101 = arith.shrsi %add3A_3099, %shift_right_arithmetic3A_3100 : i32
      %and3A_3102 = arith.constant 3 : i32
      %and3A_3103 = arith.andi %add3A_3099, %and3A_3102 : i32
      %mul3A_3104 = arith.constant 128 : i32
      %mul3A_3105 = arith.muli %and3A_3103, %mul3A_3104 : i32
      %mul3A_3106 = arith.constant 128 : i32
      %mul3A_3107 = arith.muli %add3A_3099, %mul3A_3106 : i32
      %dma_wait3A_3108 = tpu.memref_slice %arg7[%mul3A_3107] : memref<25600xf32, #tpu.memory_space<vmem>> -> memref<128xf32, #tpu.memory_space<vmem>>
      %dma_wait3A_3109 = tpu.memref_slice %arg6[%shift_right_arithmetic3A_3101, %mul3A_3105] : memref<50x512xi32, #tpu.memory_space<vmem>> -> memref<1x128xi32, #tpu.memory_space<vmem>>
      %dma_wait3A_3110 = tpu.memref_squeeze %dma_wait3A_3109 : memref<1x128xi32, #tpu.memory_space<vmem>> -> memref<128xi32, #tpu.memory_space<vmem>>
      %dma_wait3A_3111 = arith.constant 0 : i32
      %dma_wait3A_3112 = tpu.memref_slice %arg3[%dma_wait3A_3111] : memref<1048576xf32, #tpu.memory_space<hbm>> -> memref<1048576xf32, #tpu.memory_space<hbm>>
      tpu.wait_indirect_dma semaphore(%arg11 : memref<!tpu.dma_semaphore, #tpu.memory_space<semaphore_mem>>) src(%dma_wait3A_3112 : memref<1048576xf32, #tpu.memory_space<hbm>>) dst(%dma_wait3A_3108 : memref<128xf32, #tpu.memory_space<vmem>>)
      %mul3A_3113 = arith.constant 10 : i32
      %mul3A_3114 = arith.muli %add3A_3044, %mul3A_3113 : i32
      %add3A_3115 = arith.constant 4 : i32
      %add3A_3116 = arith.addi %mul3A_3114, %add3A_3115 : i32
      %shift_right_arithmetic3A_3117 = arith.constant 2 : i32
      %shift_right_arithmetic3A_3118 = arith.shrsi %add3A_3116, %shift_right_arithmetic3A_3117 : i32
      %and3A_3119 = arith.constant 3 : i32
      %and3A_3120 = arith.andi %add3A_3116, %and3A_3119 : i32
      %mul3A_3121 = arith.constant 128 : i32
      %mul3A_3122 = arith.muli %and3A_3120, %mul3A_3121 : i32
      %mul3A_3123 = arith.constant 128 : i32
      %mul3A_3124 = arith.muli %add3A_3116, %mul3A_3123 : i32
      %dma_wait3A_3125 = tpu.memref_slice %arg7[%mul3A_3124] : memref<25600xf32, #tpu.memory_space<vmem>> -> memref<128xf32, #tpu.memory_space<vmem>>
      %dma_wait3A_3126 = tpu.memref_slice %arg6[%shift_right_arithmetic3A_3118, %mul3A_3122] : memref<50x512xi32, #tpu.memory_space<vmem>> -> memref<1x128xi32, #tpu.memory_space<vmem>>
      %dma_wait3A_3127 = tpu.memref_squeeze %dma_wait3A_3126 : memref<1x128xi32, #tpu.memory_space<vmem>> -> memref<128xi32, #tpu.memory_space<vmem>>
      %dma_wait3A_3128 = arith.constant 0 : i32
      %dma_wait3A_3129 = tpu.memref_slice %arg3[%dma_wait3A_3128] : memref<1048576xf32, #tpu.memory_space<hbm>> -> memref<1048576xf32, #tpu.memory_space<hbm>>
      tpu.wait_indirect_dma semaphore(%arg11 : memref<!tpu.dma_semaphore, #tpu.memory_space<semaphore_mem>>) src(%dma_wait3A_3129 : memref<1048576xf32, #tpu.memory_space<hbm>>) dst(%dma_wait3A_3125 : memref<128xf32, #tpu.memory_space<vmem>>)
      %mul3A_3130 = arith.constant 10 : i32
      %mul3A_3131 = arith.muli %add3A_3044, %mul3A_3130 : i32
      %add3A_3132 = arith.constant 5 : i32
      %add3A_3133 = arith.addi %mul3A_3131, %add3A_3132 : i32
      %shift_right_arithmetic3A_3134 = arith.constant 2 : i32
      %shift_right_arithmetic3A_3135 = arith.shrsi %add3A_3133, %shift_right_arithmetic3A_3134 : i32
      %and3A_3136 = arith.constant 3 : i32
      %and3A_3137 = arith.andi %add3A_3133, %and3A_3136 : i32
      %mul3A_3138 = arith.constant 128 : i32
      %mul3A_3139 = arith.muli %and3A_3137, %mul3A_3138 : i32
      %mul3A_3140 = arith.constant 128 : i32
      %mul3A_3141 = arith.muli %add3A_3133, %mul3A_3140 : i32
      %dma_wait3A_3142 = tpu.memref_slice %arg7[%mul3A_3141] : memref<25600xf32, #tpu.memory_space<vmem>> -> memref<128xf32, #tpu.memory_space<vmem>>
      %dma_wait3A_3143 = tpu.memref_slice %arg6[%shift_right_arithmetic3A_3135, %mul3A_3139] : memref<50x512xi32, #tpu.memory_space<vmem>> -> memref<1x128xi32, #tpu.memory_space<vmem>>
      %dma_wait3A_3144 = tpu.memref_squeeze %dma_wait3A_3143 : memref<1x128xi32, #tpu.memory_space<vmem>> -> memref<128xi32, #tpu.memory_space<vmem>>
      %dma_wait3A_3145 = arith.constant 0 : i32
      %dma_wait3A_3146 = tpu.memref_slice %arg3[%dma_wait3A_3145] : memref<1048576xf32, #tpu.memory_space<hbm>> -> memref<1048576xf32, #tpu.memory_space<hbm>>
      tpu.wait_indirect_dma semaphore(%arg11 : memref<!tpu.dma_semaphore, #tpu.memory_space<semaphore_mem>>) src(%dma_wait3A_3146 : memref<1048576xf32, #tpu.memory_space<hbm>>) dst(%dma_wait3A_3142 : memref<128xf32, #tpu.memory_space<vmem>>)
      %mul3A_3147 = arith.constant 10 : i32
      %mul3A_3148 = arith.muli %add3A_3044, %mul3A_3147 : i32
      %add3A_3149 = arith.constant 6 : i32
      %add3A_3150 = arith.addi %mul3A_3148, %add3A_3149 : i32
      %shift_right_arithmetic3A_3151 = arith.constant 2 : i32
      %shift_right_arithmetic3A_3152 = arith.shrsi %add3A_3150, %shift_right_arithmetic3A_3151 : i32
      %and3A_3153 = arith.constant 3 : i32
      %and3A_3154 = arith.andi %add3A_3150, %and3A_3153 : i32
      %mul3A_3155 = arith.constant 128 : i32
      %mul3A_3156 = arith.muli %and3A_3154, %mul3A_3155 : i32
      %mul3A_3157 = arith.constant 128 : i32
      %mul3A_3158 = arith.muli %add3A_3150, %mul3A_3157 : i32
      %dma_wait3A_3159 = tpu.memref_slice %arg7[%mul3A_3158] : memref<25600xf32, #tpu.memory_space<vmem>> -> memref<128xf32, #tpu.memory_space<vmem>>
      %dma_wait3A_3160 = tpu.memref_slice %arg6[%shift_right_arithmetic3A_3152, %mul3A_3156] : memref<50x512xi32, #tpu.memory_space<vmem>> -> memref<1x128xi32, #tpu.memory_space<vmem>>
      %dma_wait3A_3161 = tpu.memref_squeeze %dma_wait3A_3160 : memref<1x128xi32, #tpu.memory_space<vmem>> -> memref<128xi32, #tpu.memory_space<vmem>>
      %dma_wait3A_3162 = arith.constant 0 : i32
      %dma_wait3A_3163 = tpu.memref_slice %arg3[%dma_wait3A_3162] : memref<1048576xf32, #tpu.memory_space<hbm>> -> memref<1048576xf32, #tpu.memory_space<hbm>>
      tpu.wait_indirect_dma semaphore(%arg11 : memref<!tpu.dma_semaphore, #tpu.memory_space<semaphore_mem>>) src(%dma_wait3A_3163 : memref<1048576xf32, #tpu.memory_space<hbm>>) dst(%dma_wait3A_3159 : memref<128xf32, #tpu.memory_space<vmem>>)
      %mul3A_3164 = arith.constant 10 : i32
      %mul3A_3165 = arith.muli %add3A_3044, %mul3A_3164 : i32
      %add3A_3166 = arith.constant 7 : i32
      %add3A_3167 = arith.addi %mul3A_3165, %add3A_3166 : i32
      %shift_right_arithmetic3A_3168 = arith.constant 2 : i32
      %shift_right_arithmetic3A_3169 = arith.shrsi %add3A_3167, %shift_right_arithmetic3A_3168 : i32
      %and3A_3170 = arith.constant 3 : i32
      %and3A_3171 = arith.andi %add3A_3167, %and3A_3170 : i32
      %mul3A_3172 = arith.constant 128 : i32
      %mul3A_3173 = arith.muli %and3A_3171, %mul3A_3172 : i32
      %mul3A_3174 = arith.constant 128 : i32
      %mul3A_3175 = arith.muli %add3A_3167, %mul3A_3174 : i32
      %dma_wait3A_3176 = tpu.memref_slice %arg7[%mul3A_3175] : memref<25600xf32, #tpu.memory_space<vmem>> -> memref<128xf32, #tpu.memory_space<vmem>>
      %dma_wait3A_3177 = tpu.memref_slice %arg6[%shift_right_arithmetic3A_3169, %mul3A_3173] : memref<50x512xi32, #tpu.memory_space<vmem>> -> memref<1x128xi32, #tpu.memory_space<vmem>>
      %dma_wait3A_3178 = tpu.memref_squeeze %dma_wait3A_3177 : memref<1x128xi32, #tpu.memory_space<vmem>> -> memref<128xi32, #tpu.memory_space<vmem>>
      %dma_wait3A_3179 = arith.constant 0 : i32
      %dma_wait3A_3180 = tpu.memref_slice %arg3[%dma_wait3A_3179] : memref<1048576xf32, #tpu.memory_space<hbm>> -> memref<1048576xf32, #tpu.memory_space<hbm>>
      tpu.wait_indirect_dma semaphore(%arg11 : memref<!tpu.dma_semaphore, #tpu.memory_space<semaphore_mem>>) src(%dma_wait3A_3180 : memref<1048576xf32, #tpu.memory_space<hbm>>) dst(%dma_wait3A_3176 : memref<128xf32, #tpu.memory_space<vmem>>)
      %mul3A_3181 = arith.constant 10 : i32
      %mul3A_3182 = arith.muli %add3A_3044, %mul3A_3181 : i32
      %add3A_3183 = arith.constant 8 : i32
      %add3A_3184 = arith.addi %mul3A_3182, %add3A_3183 : i32
      %shift_right_arithmetic3A_3185 = arith.constant 2 : i32
      %shift_right_arithmetic3A_3186 = arith.shrsi %add3A_3184, %shift_right_arithmetic3A_3185 : i32
      %and3A_3187 = arith.constant 3 : i32
      %and3A_3188 = arith.andi %add3A_3184, %and3A_3187 : i32
      %mul3A_3189 = arith.constant 128 : i32
      %mul3A_3190 = arith.muli %and3A_3188, %mul3A_3189 : i32
      %mul3A_3191 = arith.constant 128 : i32
      %mul3A_3192 = arith.muli %add3A_3184, %mul3A_3191 : i32
      %dma_wait3A_3193 = tpu.memref_slice %arg7[%mul3A_3192] : memref<25600xf32, #tpu.memory_space<vmem>> -> memref<128xf32, #tpu.memory_space<vmem>>
      %dma_wait3A_3194 = tpu.memref_slice %arg6[%shift_right_arithmetic3A_3186, %mul3A_3190] : memref<50x512xi32, #tpu.memory_space<vmem>> -> memref<1x128xi32, #tpu.memory_space<vmem>>
      %dma_wait3A_3195 = tpu.memref_squeeze %dma_wait3A_3194 : memref<1x128xi32, #tpu.memory_space<vmem>> -> memref<128xi32, #tpu.memory_space<vmem>>
      %dma_wait3A_3196 = arith.constant 0 : i32
      %dma_wait3A_3197 = tpu.memref_slice %arg3[%dma_wait3A_3196] : memref<1048576xf32, #tpu.memory_space<hbm>> -> memref<1048576xf32, #tpu.memory_space<hbm>>
      tpu.wait_indirect_dma semaphore(%arg11 : memref<!tpu.dma_semaphore, #tpu.memory_space<semaphore_mem>>) src(%dma_wait3A_3197 : memref<1048576xf32, #tpu.memory_space<hbm>>) dst(%dma_wait3A_3193 : memref<128xf32, #tpu.memory_space<vmem>>)
      %mul3A_3198 = arith.constant 10 : i32
      %mul3A_3199 = arith.muli %add3A_3044, %mul3A_3198 : i32
      %add3A_3200 = arith.constant 9 : i32
      %add3A_3201 = arith.addi %mul3A_3199, %add3A_3200 : i32
      %shift_right_arithmetic3A_3202 = arith.constant 2 : i32
      %shift_right_arithmetic3A_3203 = arith.shrsi %add3A_3201, %shift_right_arithmetic3A_3202 : i32
      %and3A_3204 = arith.constant 3 : i32
      %and3A_3205 = arith.andi %add3A_3201, %and3A_3204 : i32
      %mul3A_3206 = arith.constant 128 : i32
      %mul3A_3207 = arith.muli %and3A_3205, %mul3A_3206 : i32
      %mul3A_3208 = arith.constant 128 : i32
      %mul3A_3209 = arith.muli %add3A_3201, %mul3A_3208 : i32
      %dma_wait3A_3210 = tpu.memref_slice %arg7[%mul3A_3209] : memref<25600xf32, #tpu.memory_space<vmem>> -> memref<128xf32, #tpu.memory_space<vmem>>
      %dma_wait3A_3211 = tpu.memref_slice %arg6[%shift_right_arithmetic3A_3203, %mul3A_3207] : memref<50x512xi32, #tpu.memory_space<vmem>> -> memref<1x128xi32, #tpu.memory_space<vmem>>
      %dma_wait3A_3212 = tpu.memref_squeeze %dma_wait3A_3211 : memref<1x128xi32, #tpu.memory_space<vmem>> -> memref<128xi32, #tpu.memory_space<vmem>>
      %dma_wait3A_3213 = arith.constant 0 : i32
      %dma_wait3A_3214 = tpu.memref_slice %arg3[%dma_wait3A_3213] : memref<1048576xf32, #tpu.memory_space<hbm>> -> memref<1048576xf32, #tpu.memory_space<hbm>>
      tpu.wait_indirect_dma semaphore(%arg11 : memref<!tpu.dma_semaphore, #tpu.memory_space<semaphore_mem>>) src(%dma_wait3A_3214 : memref<1048576xf32, #tpu.memory_space<hbm>>) dst(%dma_wait3A_3210 : memref<128xf32, #tpu.memory_space<vmem>>)
      %mul3A_3215 = arith.constant 10 : i32
      %mul3A_3216 = arith.muli %add3A_3044, %mul3A_3215 : i32
      %add3A_3217 = arith.constant 0 : i32
      %add3A_3218 = arith.addi %mul3A_3216, %add3A_3217 : i32
      %and3A_3219 = arith.constant 3 : i32
      %and3A_3220 = arith.andi %add3A_3218, %and3A_3219 : i32
      %mul3A_3221 = arith.constant 128 : i32
      %mul3A_3222 = arith.muli %and3A_3220, %mul3A_3221 : i32
      %mul3A_3223 = arith.constant 128 : i32
      %mul3A_3224 = arith.muli %add3A_3218, %mul3A_3223 : i32
      %add3A_3225 = arith.constant 0 : i32
      %add3A_3226 = arith.addi %mul3A_3224, %add3A_3225 : i32
      %get3A_3227 = arith.index_cast %add3A_3226 : i32 to index
      %get3A_3228 = tpu.vector_load %arg7[%get3A_3227] {strides = array<i32>} : memref<25600xf32, #tpu.memory_space<vmem>>, vector<16xf32>,
      %get3A_3229 = vector.shape_cast %get3A_3228 : vector<16xf32> to vector<16xf32>
      %add3A_3230 = arith.constant 0 : i32
      %add3A_3231 = arith.addi %mul3A_3222, %add3A_3230 : i32
      %swap3A_3232 = arith.index_cast %add3A_3231 : i32 to index
      %swap3A_3233 = tpu.vector_load %arg8[%swap3A_3232] {strides = array<i32>} : memref<512xf32, #tpu.memory_space<vmem>>, vector<16xf32>,
      %swap3A_3234 = vector.shape_cast %swap3A_3233 : vector<16xf32> to vector<16xf32>
      %swap3A_3235 = vector.shape_cast %get3A_3229 : vector<16xf32> to vector<16xf32>
      tpu.vector_store %arg8[%swap3A_3232], %swap3A_3235 {add = true, strides = array<i32>} : memref<512xf32, #tpu.memory_space<vmem>>, vector<16xf32>,
      %mul3A_3236 = arith.constant 128 : i32
      %mul3A_3237 = arith.muli %add3A_3218, %mul3A_3236 : i32
      %add3A_3238 = arith.constant 16 : i32
      %add3A_3239 = arith.addi %mul3A_3237, %add3A_3238 : i32
      %get3A_3240 = arith.index_cast %add3A_3239 : i32 to index
      %get3A_3241 = tpu.vector_load %arg7[%get3A_3240] {strides = array<i32>} : memref<25600xf32, #tpu.memory_space<vmem>>, vector<16xf32>,
      %get3A_3242 = vector.shape_cast %get3A_3241 : vector<16xf32> to vector<16xf32>
      %add3A_3243 = arith.constant 16 : i32
      %add3A_3244 = arith.addi %mul3A_3222, %add3A_3243 : i32
      %swap3A_3245 = arith.index_cast %add3A_3244 : i32 to index
      %swap3A_3246 = tpu.vector_load %arg8[%swap3A_3245] {strides = array<i32>} : memref<512xf32, #tpu.memory_space<vmem>>, vector<16xf32>,
      %swap3A_3247 = vector.shape_cast %swap3A_3246 : vector<16xf32> to vector<16xf32>
      %swap3A_3248 = vector.shape_cast %get3A_3242 : vector<16xf32> to vector<16xf32>
      tpu.vector_store %arg8[%swap3A_3245], %swap3A_3248 {add = true, strides = array<i32>} : memref<512xf32, #tpu.memory_space<vmem>>, vector<16xf32>,
      %mul3A_3249 = arith.constant 128 : i32
      %mul3A_3250 = arith.muli %add3A_3218, %mul3A_3249 : i32
      %add3A_3251 = arith.constant 32 : i32
      %add3A_3252 = arith.addi %mul3A_3250, %add3A_3251 : i32
      %get3A_3253 = arith.index_cast %add3A_3252 : i32 to index
      %get3A_3254 = tpu.vector_load %arg7[%get3A_3253] {strides = array<i32>} : memref<25600xf32, #tpu.memory_space<vmem>>, vector<16xf32>,
      %get3A_3255 = vector.shape_cast %get3A_3254 : vector<16xf32> to vector<16xf32>
      %add3A_3256 = arith.constant 32 : i32
      %add3A_3257 = arith.addi %mul3A_3222, %add3A_3256 : i32
      %swap3A_3258 = arith.index_cast %add3A_3257 : i32 to index
      %swap3A_3259 = tpu.vector_load %arg8[%swap3A_3258] {strides = array<i32>} : memref<512xf32, #tpu.memory_space<vmem>>, vector<16xf32>,
      %swap3A_3260 = vector.shape_cast %swap3A_3259 : vector<16xf32> to vector<16xf32>
      %swap3A_3261 = vector.shape_cast %get3A_3255 : vector<16xf32> to vector<16xf32>
      tpu.vector_store %arg8[%swap3A_3258], %swap3A_3261 {add = true, strides = array<i32>} : memref<512xf32, #tpu.memory_space<vmem>>, vector<16xf32>,
      %mul3A_3262 = arith.constant 128 : i32
      %mul3A_3263 = arith.muli %add3A_3218, %mul3A_3262 : i32
      %add3A_3264 = arith.constant 48 : i32
      %add3A_3265 = arith.addi %mul3A_3263, %add3A_3264 : i32
      %get3A_3266 = arith.index_cast %add3A_3265 : i32 to index
      %get3A_3267 = tpu.vector_load %arg7[%get3A_3266] {strides = array<i32>} : memref<25600xf32, #tpu.memory_space<vmem>>, vector<16xf32>,
      %get3A_3268 = vector.shape_cast %get3A_3267 : vector<16xf32> to vector<16xf32>
      %add3A_3269 = arith.constant 48 : i32
      %add3A_3270 = arith.addi %mul3A_3222, %add3A_3269 : i32
      %swap3A_3271 = arith.index_cast %add3A_3270 : i32 to index
      %swap3A_3272 = tpu.vector_load %arg8[%swap3A_3271] {strides = array<i32>} : memref<512xf32, #tpu.memory_space<vmem>>, vector<16xf32>,
      %swap3A_3273 = vector.shape_cast %swap3A_3272 : vector<16xf32> to vector<16xf32>
      %swap3A_3274 = vector.shape_cast %get3A_3268 : vector<16xf32> to vector<16xf32>
      tpu.vector_store %arg8[%swap3A_3271], %swap3A_3274 {add = true, strides = array<i32>} : memref<512xf32, #tpu.memory_space<vmem>>, vector<16xf32>,
      %mul3A_3275 = arith.constant 128 : i32
      %mul3A_3276 = arith.muli %add3A_3218, %mul3A_3275 : i32
      %add3A_3277 = arith.constant 64 : i32
      %add3A_3278 = arith.addi %mul3A_3276, %add3A_3277 : i32
      %get3A_3279 = arith.index_cast %add3A_3278 : i32 to index
      %get3A_3280 = tpu.vector_load %arg7[%get3A_3279] {strides = array<i32>} : memref<25600xf32, #tpu.memory_space<vmem>>, vector<16xf32>,
      %get3A_3281 = vector.shape_cast %get3A_3280 : vector<16xf32> to vector<16xf32>
      %add3A_3282 = arith.constant 64 : i32
      %add3A_3283 = arith.addi %mul3A_3222, %add3A_3282 : i32
      %swap3A_3284 = arith.index_cast %add3A_3283 : i32 to index
      %swap3A_3285 = tpu.vector_load %arg8[%swap3A_3284] {strides = array<i32>} : memref<512xf32, #tpu.memory_space<vmem>>, vector<16xf32>,
      %swap3A_3286 = vector.shape_cast %swap3A_3285 : vector<16xf32> to vector<16xf32>
      %swap3A_3287 = vector.shape_cast %get3A_3281 : vector<16xf32> to vector<16xf32>
      tpu.vector_store %arg8[%swap3A_3284], %swap3A_3287 {add = true, strides = array<i32>} : memref<512xf32, #tpu.memory_space<vmem>>, vector<16xf32>,
      %mul3A_3288 = arith.constant 128 : i32
      %mul3A_3289 = arith.muli %add3A_3218, %mul3A_3288 : i32
      %add3A_3290 = arith.constant 80 : i32
      %add3A_3291 = arith.addi %mul3A_3289, %add3A_3290 : i32
      %get3A_3292 = arith.index_cast %add3A_3291 : i32 to index
      %get3A_3293 = tpu.vector_load %arg7[%get3A_3292] {strides = array<i32>} : memref<25600xf32, #tpu.memory_space<vmem>>, vector<16xf32>,
      %get3A_3294 = vector.shape_cast %get3A_3293 : vector<16xf32> to vector<16xf32>
      %add3A_3295 = arith.constant 80 : i32
      %add3A_3296 = arith.addi %mul3A_3222, %add3A_3295 : i32
      %swap3A_3297 = arith.index_cast %add3A_3296 : i32 to index
      %swap3A_3298 = tpu.vector_load %arg8[%swap3A_3297] {strides = array<i32>} : memref<512xf32, #tpu.memory_space<vmem>>, vector<16xf32>,
      %swap3A_3299 = vector.shape_cast %swap3A_3298 : vector<16xf32> to vector<16xf32>
      %swap3A_3300 = vector.shape_cast %get3A_3294 : vector<16xf32> to vector<16xf32>
      tpu.vector_store %arg8[%swap3A_3297], %swap3A_3300 {add = true, strides = array<i32>} : memref<512xf32, #tpu.memory_space<vmem>>, vector<16xf32>,
      %mul3A_3301 = arith.constant 128 : i32
      %mul3A_3302 = arith.muli %add3A_3218, %mul3A_3301 : i32
      %add3A_3303 = arith.constant 96 : i32
      %add3A_3304 = arith.addi %mul3A_3302, %add3A_3303 : i32
      %get3A_3305 = arith.index_cast %add3A_3304 : i32 to index
      %get3A_3306 = tpu.vector_load %arg7[%get3A_3305] {strides = array<i32>} : memref<25600xf32, #tpu.memory_space<vmem>>, vector<16xf32>,
      %get3A_3307 = vector.shape_cast %get3A_3306 : vector<16xf32> to vector<16xf32>
      %add3A_3308 = arith.constant 96 : i32
      %add3A_3309 = arith.addi %mul3A_3222, %add3A_3308 : i32
      %swap3A_3310 = arith.index_cast %add3A_3309 : i32 to index
      %swap3A_3311 = tpu.vector_load %arg8[%swap3A_3310] {strides = array<i32>} : memref<512xf32, #tpu.memory_space<vmem>>, vector<16xf32>,
      %swap3A_3312 = vector.shape_cast %swap3A_3311 : vector<16xf32> to vector<16xf32>
      %swap3A_3313 = vector.shape_cast %get3A_3307 : vector<16xf32> to vector<16xf32>
      tpu.vector_store %arg8[%swap3A_3310], %swap3A_3313 {add = true, strides = array<i32>} : memref<512xf32, #tpu.memory_space<vmem>>, vector<16xf32>,
      %mul3A_3314 = arith.constant 128 : i32
      %mul3A_3315 = arith.muli %add3A_3218, %mul3A_3314 : i32
      %add3A_3316 = arith.constant 112 : i32
      %add3A_3317 = arith.addi %mul3A_3315, %add3A_3316 : i32
      %get3A_3318 = arith.index_cast %add3A_3317 : i32 to index
      %get3A_3319 = tpu.vector_load %arg7[%get3A_3318] {strides = array<i32>} : memref<25600xf32, #tpu.memory_space<vmem>>, vector<16xf32>,
      %get3A_3320 = vector.shape_cast %get3A_3319 : vector<16xf32> to vector<16xf32>
      %add3A_3321 = arith.constant 112 : i32
      %add3A_3322 = arith.addi %mul3A_3222, %add3A_3321 : i32
      %swap3A_3323 = arith.index_cast %add3A_3322 : i32 to index
      %swap3A_3324 = tpu.vector_load %arg8[%swap3A_3323] {strides = array<i32>} : memref<512xf32, #tpu.memory_space<vmem>>, vector<16xf32>,
      %swap3A_3325 = vector.shape_cast %swap3A_3324 : vector<16xf32> to vector<16xf32>
      %swap3A_3326 = vector.shape_cast %get3A_3320 : vector<16xf32> to vector<16xf32>
      tpu.vector_store %arg8[%swap3A_3323], %swap3A_3326 {add = true, strides = array<i32>} : memref<512xf32, #tpu.memory_space<vmem>>, vector<16xf32>,
      %mul3A_3327 = arith.constant 10 : i32
      %mul3A_3328 = arith.muli %add3A_3044, %mul3A_3327 : i32
      %add3A_3329 = arith.constant 1 : i32
      %add3A_3330 = arith.addi %mul3A_3328, %add3A_3329 : i32
      %and3A_3331 = arith.constant 3 : i32
      %and3A_3332 = arith.andi %add3A_3330, %and3A_3331 : i32
      %mul3A_3333 = arith.constant 128 : i32
      %mul3A_3334 = arith.muli %and3A_3332, %mul3A_3333 : i32
      %mul3A_3335 = arith.constant 128 : i32
      %mul3A_3336 = arith.muli %add3A_3330, %mul3A_3335 : i32
      %add3A_3337 = arith.constant 0 : i32
      %add3A_3338 = arith.addi %mul3A_3336, %add3A_3337 : i32
      %get3A_3339 = arith.index_cast %add3A_3338 : i32 to index
      %get3A_3340 = tpu.vector_load %arg7[%get3A_3339] {strides = array<i32>} : memref<25600xf32, #tpu.memory_space<vmem>>, vector<16xf32>,
      %get3A_3341 = vector.shape_cast %get3A_3340 : vector<16xf32> to vector<16xf32>
      %add3A_3342 = arith.constant 0 : i32
      %add3A_3343 = arith.addi %mul3A_3334, %add3A_3342 : i32
      %swap3A_3344 = arith.index_cast %add3A_3343 : i32 to index
      %swap3A_3345 = tpu.vector_load %arg8[%swap3A_3344] {strides = array<i32>} : memref<512xf32, #tpu.memory_space<vmem>>, vector<16xf32>,
      %swap3A_3346 = vector.shape_cast %swap3A_3345 : vector<16xf32> to vector<16xf32>
      %swap3A_3347 = vector.shape_cast %get3A_3341 : vector<16xf32> to vector<16xf32>
      tpu.vector_store %arg8[%swap3A_3344], %swap3A_3347 {add = true, strides = array<i32>} : memref<512xf32, #tpu.memory_space<vmem>>, vector<16xf32>,
      %mul3A_3348 = arith.constant 128 : i32
      %mul3A_3349 = arith.muli %add3A_3330, %mul3A_3348 : i32
      %add3A_3350 = arith.constant 16 : i32
      %add3A_3351 = arith.addi %mul3A_3349, %add3A_3350 : i32
      %get3A_3352 = arith.index_cast %add3A_3351 : i32 to index
      %get3A_3353 = tpu.vector_load %arg7[%get3A_3352] {strides = array<i32>} : memref<25600xf32, #tpu.memory_space<vmem>>, vector<16xf32>,
      %get3A_3354 = vector.shape_cast %get3A_3353 : vector<16xf32> to vector<16xf32>
      %add3A_3355 = arith.constant 16 : i32
      %add3A_3356 = arith.addi %mul3A_3334, %add3A_3355 : i32
      %swap3A_3357 = arith.index_cast %add3A_3356 : i32 to index
      %swap3A_3358 = tpu.vector_load %arg8[%swap3A_3357] {strides = array<i32>} : memref<512xf32, #tpu.memory_space<vmem>>, vector<16xf32>,
      %swap3A_3359 = vector.shape_cast %swap3A_3358 : vector<16xf32> to vector<16xf32>
      %swap3A_3360 = vector.shape_cast %get3A_3354 : vector<16xf32> to vector<16xf32>
      tpu.vector_store %arg8[%swap3A_3357], %swap3A_3360 {add = true, strides = array<i32>} : memref<512xf32, #tpu.memory_space<vmem>>, vector<16xf32>,
      %mul3A_3361 = arith.constant 128 : i32
      %mul3A_3362 = arith.muli %add3A_3330, %mul3A_3361 : i32
      %add3A_3363 = arith.constant 32 : i32
      %add3A_3364 = arith.addi %mul3A_3362, %add3A_3363 : i32
      %get3A_3365 = arith.index_cast %add3A_3364 : i32 to index
      %get3A_3366 = tpu.vector_load %arg7[%get3A_3365] {strides = array<i32>} : memref<25600xf32, #tpu.memory_space<vmem>>, vector<16xf32>,
      %get3A_3367 = vector.shape_cast %get3A_3366 : vector<16xf32> to vector<16xf32>
      %add3A_3368 = arith.constant 32 : i32
      %add3A_3369 = arith.addi %mul3A_3334, %add3A_3368 : i32
      %swap3A_3370 = arith.index_cast %add3A_3369 : i32 to index
      %swap3A_3371 = tpu.vector_load %arg8[%swap3A_3370] {strides = array<i32>} : memref<512xf32, #tpu.memory_space<vmem>>, vector<16xf32>,
      %swap3A_3372 = vector.shape_cast %swap3A_3371 : vector<16xf32> to vector<16xf32>
      %swap3A_3373 = vector.shape_cast %get3A_3367 : vector<16xf32> to vector<16xf32>
      tpu.vector_store %arg8[%swap3A_3370], %swap3A_3373 {add = true, strides = array<i32>} : memref<512xf32, #tpu.memory_space<vmem>>, vector<16xf32>,
      %mul3A_3374 = arith.constant 128 : i32
      %mul3A_3375 = arith.muli %add3A_3330, %mul3A_3374 : i32
      %add3A_3376 = arith.constant 48 : i32
      %add3A_3377 = arith.addi %mul3A_3375, %add3A_3376 : i32
      %get3A_3378 = arith.index_cast %add3A_3377 : i32 to index
      %get3A_3379 = tpu.vector_load %arg7[%get3A_3378] {strides = array<i32>} : memref<25600xf32, #tpu.memory_space<vmem>>, vector<16xf32>,
      %get3A_3380 = vector.shape_cast %get3A_3379 : vector<16xf32> to vector<16xf32>
      %add3A_3381 = arith.constant 48 : i32
      %add3A_3382 = arith.addi %mul3A_3334, %add3A_3381 : i32
      %swap3A_3383 = arith.index_cast %add3A_3382 : i32 to index
      %swap3A_3384 = tpu.vector_load %arg8[%swap3A_3383] {strides = array<i32>} : memref<512xf32, #tpu.memory_space<vmem>>, vector<16xf32>,
      %swap3A_3385 = vector.shape_cast %swap3A_3384 : vector<16xf32> to vector<16xf32>
      %swap3A_3386 = vector.shape_cast %get3A_3380 : vector<16xf32> to vector<16xf32>
      tpu.vector_store %arg8[%swap3A_3383], %swap3A_3386 {add = true, strides = array<i32>} : memref<512xf32, #tpu.memory_space<vmem>>, vector<16xf32>,
      %mul3A_3387 = arith.constant 128 : i32
      %mul3A_3388 = arith.muli %add3A_3330, %mul3A_3387 : i32
      %add3A_3389 = arith.constant 64 : i32
      %add3A_3390 = arith.addi %mul3A_3388, %add3A_3389 : i32
      %get3A_3391 = arith.index_cast %add3A_3390 : i32 to index
      %get3A_3392 = tpu.vector_load %arg7[%get3A_3391] {strides = array<i32>} : memref<25600xf32, #tpu.memory_space<vmem>>, vector<16xf32>,
      %get3A_3393 = vector.shape_cast %get3A_3392 : vector<16xf32> to vector<16xf32>
      %add3A_3394 = arith.constant 64 : i32
      %add3A_3395 = arith.addi %mul3A_3334, %add3A_3394 : i32
      %swap3A_3396 = arith.index_cast %add3A_3395 : i32 to index
      %swap3A_3397 = tpu.vector_load %arg8[%swap3A_3396] {strides = array<i32>} : memref<512xf32, #tpu.memory_space<vmem>>, vector<16xf32>,
      %swap3A_3398 = vector.shape_cast %swap3A_3397 : vector<16xf32> to vector<16xf32>
      %swap3A_3399 = vector.shape_cast %get3A_3393 : vector<16xf32> to vector<16xf32>
      tpu.vector_store %arg8[%swap3A_3396], %swap3A_3399 {add = true, strides = array<i32>} : memref<512xf32, #tpu.memory_space<vmem>>, vector<16xf32>,
      %mul3A_3400 = arith.constant 128 : i32
      %mul3A_3401 = arith.muli %add3A_3330, %mul3A_3400 : i32
      %add3A_3402 = arith.constant 80 : i32
      %add3A_3403 = arith.addi %mul3A_3401, %add3A_3402 : i32
      %get3A_3404 = arith.index_cast %add3A_3403 : i32 to index
      %get3A_3405 = tpu.vector_load %arg7[%get3A_3404] {strides = array<i32>} : memref<25600xf32, #tpu.memory_space<vmem>>, vector<16xf32>,
      %get3A_3406 = vector.shape_cast %get3A_3405 : vector<16xf32> to vector<16xf32>
      %add3A_3407 = arith.constant 80 : i32
      %add3A_3408 = arith.addi %mul3A_3334, %add3A_3407 : i32
      %swap3A_3409 = arith.index_cast %add3A_3408 : i32 to index
      %swap3A_3410 = tpu.vector_load %arg8[%swap3A_3409] {strides = array<i32>} : memref<512xf32, #tpu.memory_space<vmem>>, vector<16xf32>,
      %swap3A_3411 = vector.shape_cast %swap3A_3410 : vector<16xf32> to vector<16xf32>
      %swap3A_3412 = vector.shape_cast %get3A_3406 : vector<16xf32> to vector<16xf32>
      tpu.vector_store %arg8[%swap3A_3409], %swap3A_3412 {add = true, strides = array<i32>} : memref<512xf32, #tpu.memory_space<vmem>>, vector<16xf32>,
      %mul3A_3413 = arith.constant 128 : i32
      %mul3A_3414 = arith.muli %add3A_3330, %mul3A_3413 : i32
      %add3A_3415 = arith.constant 96 : i32
      %add3A_3416 = arith.addi %mul3A_3414, %add3A_3415 : i32
      %get3A_3417 = arith.index_cast %add3A_3416 : i32 to index
      %get3A_3418 = tpu.vector_load %arg7[%get3A_3417] {strides = array<i32>} : memref<25600xf32, #tpu.memory_space<vmem>>, vector<16xf32>,
      %get3A_3419 = vector.shape_cast %get3A_3418 : vector<16xf32> to vector<16xf32>
      %add3A_3420 = arith.constant 96 : i32
      %add3A_3421 = arith.addi %mul3A_3334, %add3A_3420 : i32
      %swap3A_3422 = arith.index_cast %add3A_3421 : i32 to index
      %swap3A_3423 = tpu.vector_load %arg8[%swap3A_3422] {strides = array<i32>} : memref<512xf32, #tpu.memory_space<vmem>>, vector<16xf32>,
      %swap3A_3424 = vector.shape_cast %swap3A_3423 : vector<16xf32> to vector<16xf32>
      %swap3A_3425 = vector.shape_cast %get3A_3419 : vector<16xf32> to vector<16xf32>
      tpu.vector_store %arg8[%swap3A_3422], %swap3A_3425 {add = true, strides = array<i32>} : memref<512xf32, #tpu.memory_space<vmem>>, vector<16xf32>,
      %mul3A_3426 = arith.constant 128 : i32
      %mul3A_3427 = arith.muli %add3A_3330, %mul3A_3426 : i32
      %add3A_3428 = arith.constant 112 : i32
      %add3A_3429 = arith.addi %mul3A_3427, %add3A_3428 : i32
      %get3A_3430 = arith.index_cast %add3A_3429 : i32 to index
      %get3A_3431 = tpu.vector_load %arg7[%get3A_3430] {strides = array<i32>} : memref<25600xf32, #tpu.memory_space<vmem>>, vector<16xf32>,
      %get3A_3432 = vector.shape_cast %get3A_3431 : vector<16xf32> to vector<16xf32>
      %add3A_3433 = arith.constant 112 : i32
      %add3A_3434 = arith.addi %mul3A_3334, %add3A_3433 : i32
      %swap3A_3435 = arith.index_cast %add3A_3434 : i32 to index
      %swap3A_3436 = tpu.vector_load %arg8[%swap3A_3435] {strides = array<i32>} : memref<512xf32, #tpu.memory_space<vmem>>, vector<16xf32>,
      %swap3A_3437 = vector.shape_cast %swap3A_3436 : vector<16xf32> to vector<16xf32>
      %swap3A_3438 = vector.shape_cast %get3A_3432 : vector<16xf32> to vector<16xf32>
      tpu.vector_store %arg8[%swap3A_3435], %swap3A_3438 {add = true, strides = array<i32>} : memref<512xf32, #tpu.memory_space<vmem>>, vector<16xf32>,
      %mul3A_3439 = arith.constant 10 : i32
      %mul3A_3440 = arith.muli %add3A_3044, %mul3A_3439 : i32
      %add3A_3441 = arith.constant 2 : i32
      %add3A_3442 = arith.addi %mul3A_3440, %add3A_3441 : i32
      %and3A_3443 = arith.constant 3 : i32
      %and3A_3444 = arith.andi %add3A_3442, %and3A_3443 : i32
      %mul3A_3445 = arith.constant 128 : i32
      %mul3A_3446 = arith.muli %and3A_3444, %mul3A_3445 : i32
      %mul3A_3447 = arith.constant 128 : i32
      %mul3A_3448 = arith.muli %add3A_3442, %mul3A_3447 : i32
      %add3A_3449 = arith.constant 0 : i32
      %add3A_3450 = arith.addi %mul3A_3448, %add3A_3449 : i32
      %get3A_3451 = arith.index_cast %add3A_3450 : i32 to index
      %get3A_3452 = tpu.vector_load %arg7[%get3A_3451] {strides = array<i32>} : memref<25600xf32, #tpu.memory_space<vmem>>, vector<16xf32>,
      %get3A_3453 = vector.shape_cast %get3A_3452 : vector<16xf32> to vector<16xf32>
      %add3A_3454 = arith.constant 0 : i32
      %add3A_3455 = arith.addi %mul3A_3446, %add3A_3454 : i32
      %swap3A_3456 = arith.index_cast %add3A_3455 : i32 to index
      %swap3A_3457 = tpu.vector_load %arg8[%swap3A_3456] {strides = array<i32>} : memref<512xf32, #tpu.memory_space<vmem>>, vector<16xf32>,
      %swap3A_3458 = vector.shape_cast %swap3A_3457 : vector<16xf32> to vector<16xf32>
      %swap3A_3459 = vector.shape_cast %get3A_3453 : vector<16xf32> to vector<16xf32>
      tpu.vector_store %arg8[%swap3A_3456], %swap3A_3459 {add = true, strides = array<i32>} : memref<512xf32, #tpu.memory_space<vmem>>, vector<16xf32>,
      %mul3A_3460 = arith.constant 128 : i32
      %mul3A_3461 = arith.muli %add3A_3442, %mul3A_3460 : i32
      %add3A_3462 = arith.constant 16 : i32
      %add3A_3463 = arith.addi %mul3A_3461, %add3A_3462 : i32
      %get3A_3464 = arith.index_cast %add3A_3463 : i32 to index
      %get3A_3465 = tpu.vector_load %arg7[%get3A_3464] {strides = array<i32>} : memref<25600xf32, #tpu.memory_space<vmem>>, vector<16xf32>,
      %get3A_3466 = vector.shape_cast %get3A_3465 : vector<16xf32> to vector<16xf32>
      %add3A_3467 = arith.constant 16 : i32
      %add3A_3468 = arith.addi %mul3A_3446, %add3A_3467 : i32
      %swap3A_3469 = arith.index_cast %add3A_3468 : i32 to index
      %swap3A_3470 = tpu.vector_load %arg8[%swap3A_3469] {strides = array<i32>} : memref<512xf32, #tpu.memory_space<vmem>>, vector<16xf32>,
      %swap3A_3471 = vector.shape_cast %swap3A_3470 : vector<16xf32> to vector<16xf32>
      %swap3A_3472 = vector.shape_cast %get3A_3466 : vector<16xf32> to vector<16xf32>
      tpu.vector_store %arg8[%swap3A_3469], %swap3A_3472 {add = true, strides = array<i32>} : memref<512xf32, #tpu.memory_space<vmem>>, vector<16xf32>,
      %mul3A_3473 = arith.constant 128 : i32
      %mul3A_3474 = arith.muli %add3A_3442, %mul3A_3473 : i32
      %add3A_3475 = arith.constant 32 : i32
      %add3A_3476 = arith.addi %mul3A_3474, %add3A_3475 : i32
      %get3A_3477 = arith.index_cast %add3A_3476 : i32 to index
      %get3A_3478 = tpu.vector_load %arg7[%get3A_3477] {strides = array<i32>} : memref<25600xf32, #tpu.memory_space<vmem>>, vector<16xf32>,
      %get3A_3479 = vector.shape_cast %get3A_3478 : vector<16xf32> to vector<16xf32>
      %add3A_3480 = arith.constant 32 : i32
      %add3A_3481 = arith.addi %mul3A_3446, %add3A_3480 : i32
      %swap3A_3482 = arith.index_cast %add3A_3481 : i32 to index
      %swap3A_3483 = tpu.vector_load %arg8[%swap3A_3482] {strides = array<i32>} : memref<512xf32, #tpu.memory_space<vmem>>, vector<16xf32>,
      %swap3A_3484 = vector.shape_cast %swap3A_3483 : vector<16xf32> to vector<16xf32>
      %swap3A_3485 = vector.shape_cast %get3A_3479 : vector<16xf32> to vector<16xf32>
      tpu.vector_store %arg8[%swap3A_3482], %swap3A_3485 {add = true, strides = array<i32>} : memref<512xf32, #tpu.memory_space<vmem>>, vector<16xf32>,
      %mul3A_3486 = arith.constant 128 : i32
      %mul3A_3487 = arith.muli %add3A_3442, %mul3A_3486 : i32
      %add3A_3488 = arith.constant 48 : i32
      %add3A_3489 = arith.addi %mul3A_3487, %add3A_3488 : i32
      %get3A_3490 = arith.index_cast %add3A_3489 : i32 to index
      %get3A_3491 = tpu.vector_load %arg7[%get3A_3490] {strides = array<i32>} : memref<25600xf32, #tpu.memory_space<vmem>>, vector<16xf32>,
      %get3A_3492 = vector.shape_cast %get3A_3491 : vector<16xf32> to vector<16xf32>
      %add3A_3493 = arith.constant 48 : i32
      %add3A_3494 = arith.addi %mul3A_3446, %add3A_3493 : i32
      %swap3A_3495 = arith.index_cast %add3A_3494 : i32 to index
      %swap3A_3496 = tpu.vector_load %arg8[%swap3A_3495] {strides = array<i32>} : memref<512xf32, #tpu.memory_space<vmem>>, vector<16xf32>,
      %swap3A_3497 = vector.shape_cast %swap3A_3496 : vector<16xf32> to vector<16xf32>
      %swap3A_3498 = vector.shape_cast %get3A_3492 : vector<16xf32> to vector<16xf32>
      tpu.vector_store %arg8[%swap3A_3495], %swap3A_3498 {add = true, strides = array<i32>} : memref<512xf32, #tpu.memory_space<vmem>>, vector<16xf32>,
      %mul3A_3499 = arith.constant 128 : i32
      %mul3A_3500 = arith.muli %add3A_3442, %mul3A_3499 : i32
      %add3A_3501 = arith.constant 64 : i32
      %add3A_3502 = arith.addi %mul3A_3500, %add3A_3501 : i32
      %get3A_3503 = arith.index_cast %add3A_3502 : i32 to index
      %get3A_3504 = tpu.vector_load %arg7[%get3A_3503] {strides = array<i32>} : memref<25600xf32, #tpu.memory_space<vmem>>, vector<16xf32>,
      %get3A_3505 = vector.shape_cast %get3A_3504 : vector<16xf32> to vector<16xf32>
      %add3A_3506 = arith.constant 64 : i32
      %add3A_3507 = arith.addi %mul3A_3446, %add3A_3506 : i32
      %swap3A_3508 = arith.index_cast %add3A_3507 : i32 to index
      %swap3A_3509 = tpu.vector_load %arg8[%swap3A_3508] {strides = array<i32>} : memref<512xf32, #tpu.memory_space<vmem>>, vector<16xf32>,
      %swap3A_3510 = vector.shape_cast %swap3A_3509 : vector<16xf32> to vector<16xf32>
      %swap3A_3511 = vector.shape_cast %get3A_3505 : vector<16xf32> to vector<16xf32>
      tpu.vector_store %arg8[%swap3A_3508], %swap3A_3511 {add = true, strides = array<i32>} : memref<512xf32, #tpu.memory_space<vmem>>, vector<16xf32>,
      %mul3A_3512 = arith.constant 128 : i32
      %mul3A_3513 = arith.muli %add3A_3442, %mul3A_3512 : i32
      %add3A_3514 = arith.constant 80 : i32
      %add3A_3515 = arith.addi %mul3A_3513, %add3A_3514 : i32
      %get3A_3516 = arith.index_cast %add3A_3515 : i32 to index
      %get3A_3517 = tpu.vector_load %arg7[%get3A_3516] {strides = array<i32>} : memref<25600xf32, #tpu.memory_space<vmem>>, vector<16xf32>,
      %get3A_3518 = vector.shape_cast %get3A_3517 : vector<16xf32> to vector<16xf32>
      %add3A_3519 = arith.constant 80 : i32
      %add3A_3520 = arith.addi %mul3A_3446, %add3A_3519 : i32
      %swap3A_3521 = arith.index_cast %add3A_3520 : i32 to index
      %swap3A_3522 = tpu.vector_load %arg8[%swap3A_3521] {strides = array<i32>} : memref<512xf32, #tpu.memory_space<vmem>>, vector<16xf32>,
      %swap3A_3523 = vector.shape_cast %swap3A_3522 : vector<16xf32> to vector<16xf32>
      %swap3A_3524 = vector.shape_cast %get3A_3518 : vector<16xf32> to vector<16xf32>
      tpu.vector_store %arg8[%swap3A_3521], %swap3A_3524 {add = true, strides = array<i32>} : memref<512xf32, #tpu.memory_space<vmem>>, vector<16xf32>,
      %mul3A_3525 = arith.constant 128 : i32
      %mul3A_3526 = arith.muli %add3A_3442, %mul3A_3525 : i32
      %add3A_3527 = arith.constant 96 : i32
      %add3A_3528 = arith.addi %mul3A_3526, %add3A_3527 : i32
      %get3A_3529 = arith.index_cast %add3A_3528 : i32 to index
      %get3A_3530 = tpu.vector_load %arg7[%get3A_3529] {strides = array<i32>} : memref<25600xf32, #tpu.memory_space<vmem>>, vector<16xf32>,
      %get3A_3531 = vector.shape_cast %get3A_3530 : vector<16xf32> to vector<16xf32>
      %add3A_3532 = arith.constant 96 : i32
      %add3A_3533 = arith.addi %mul3A_3446, %add3A_3532 : i32
      %swap3A_3534 = arith.index_cast %add3A_3533 : i32 to index
      %swap3A_3535 = tpu.vector_load %arg8[%swap3A_3534] {strides = array<i32>} : memref<512xf32, #tpu.memory_space<vmem>>, vector<16xf32>,
      %swap3A_3536 = vector.shape_cast %swap3A_3535 : vector<16xf32> to vector<16xf32>
      %swap3A_3537 = vector.shape_cast %get3A_3531 : vector<16xf32> to vector<16xf32>
      tpu.vector_store %arg8[%swap3A_3534], %swap3A_3537 {add = true, strides = array<i32>} : memref<512xf32, #tpu.memory_space<vmem>>, vector<16xf32>,
      %mul3A_3538 = arith.constant 128 : i32
      %mul3A_3539 = arith.muli %add3A_3442, %mul3A_3538 : i32
      %add3A_3540 = arith.constant 112 : i32
      %add3A_3541 = arith.addi %mul3A_3539, %add3A_3540 : i32
      %get3A_3542 = arith.index_cast %add3A_3541 : i32 to index
      %get3A_3543 = tpu.vector_load %arg7[%get3A_3542] {strides = array<i32>} : memref<25600xf32, #tpu.memory_space<vmem>>, vector<16xf32>,
      %get3A_3544 = vector.shape_cast %get3A_3543 : vector<16xf32> to vector<16xf32>
      %add3A_3545 = arith.constant 112 : i32
      %add3A_3546 = arith.addi %mul3A_3446, %add3A_3545 : i32
      %swap3A_3547 = arith.index_cast %add3A_3546 : i32 to index
      %swap3A_3548 = tpu.vector_load %arg8[%swap3A_3547] {strides = array<i32>} : memref<512xf32, #tpu.memory_space<vmem>>, vector<16xf32>,
      %swap3A_3549 = vector.shape_cast %swap3A_3548 : vector<16xf32> to vector<16xf32>
      %swap3A_3550 = vector.shape_cast %get3A_3544 : vector<16xf32> to vector<16xf32>
      tpu.vector_store %arg8[%swap3A_3547], %swap3A_3550 {add = true, strides = array<i32>} : memref<512xf32, #tpu.memory_space<vmem>>, vector<16xf32>,
      %mul3A_3551 = arith.constant 10 : i32
      %mul3A_3552 = arith.muli %add3A_3044, %mul3A_3551 : i32
      %add3A_3553 = arith.constant 3 : i32
      %add3A_3554 = arith.addi %mul3A_3552, %add3A_3553 : i32
      %and3A_3555 = arith.constant 3 : i32
      %and3A_3556 = arith.andi %add3A_3554, %and3A_3555 : i32
      %mul3A_3557 = arith.constant 128 : i32
      %mul3A_3558 = arith.muli %and3A_3556, %mul3A_3557 : i32
      %mul3A_3559 = arith.constant 128 : i32
      %mul3A_3560 = arith.muli %add3A_3554, %mul3A_3559 : i32
      %add3A_3561 = arith.constant 0 : i32
      %add3A_3562 = arith.addi %mul3A_3560, %add3A_3561 : i32
      %get3A_3563 = arith.index_cast %add3A_3562 : i32 to index
      %get3A_3564 = tpu.vector_load %arg7[%get3A_3563] {strides = array<i32>} : memref<25600xf32, #tpu.memory_space<vmem>>, vector<16xf32>,
      %get3A_3565 = vector.shape_cast %get3A_3564 : vector<16xf32> to vector<16xf32>
      %add3A_3566 = arith.constant 0 : i32
      %add3A_3567 = arith.addi %mul3A_3558, %add3A_3566 : i32
      %swap3A_3568 = arith.index_cast %add3A_3567 : i32 to index
      %swap3A_3569 = tpu.vector_load %arg8[%swap3A_3568] {strides = array<i32>} : memref<512xf32, #tpu.memory_space<vmem>>, vector<16xf32>,
      %swap3A_3570 = vector.shape_cast %swap3A_3569 : vector<16xf32> to vector<16xf32>
      %swap3A_3571 = vector.shape_cast %get3A_3565 : vector<16xf32> to vector<16xf32>
      tpu.vector_store %arg8[%swap3A_3568], %swap3A_3571 {add = true, strides = array<i32>} : memref<512xf32, #tpu.memory_space<vmem>>, vector<16xf32>,
      %mul3A_3572 = arith.constant 128 : i32
      %mul3A_3573 = arith.muli %add3A_3554, %mul3A_3572 : i32
      %add3A_3574 = arith.constant 16 : i32
      %add3A_3575 = arith.addi %mul3A_3573, %add3A_3574 : i32
      %get3A_3576 = arith.index_cast %add3A_3575 : i32 to index
      %get3A_3577 = tpu.vector_load %arg7[%get3A_3576] {strides = array<i32>} : memref<25600xf32, #tpu.memory_space<vmem>>, vector<16xf32>,
      %get3A_3578 = vector.shape_cast %get3A_3577 : vector<16xf32> to vector<16xf32>
      %add3A_3579 = arith.constant 16 : i32
      %add3A_3580 = arith.addi %mul3A_3558, %add3A_3579 : i32
      %swap3A_3581 = arith.index_cast %add3A_3580 : i32 to index
      %swap3A_3582 = tpu.vector_load %arg8[%swap3A_3581] {strides = array<i32>} : memref<512xf32, #tpu.memory_space<vmem>>, vector<16xf32>,
      %swap3A_3583 = vector.shape_cast %swap3A_3582 : vector<16xf32> to vector<16xf32>
      %swap3A_3584 = vector.shape_cast %get3A_3578 : vector<16xf32> to vector<16xf32>
      tpu.vector_store %arg8[%swap3A_3581], %swap3A_3584 {add = true, strides = array<i32>} : memref<512xf32, #tpu.memory_space<vmem>>, vector<16xf32>,
      %mul3A_3585 = arith.constant 128 : i32
      %mul3A_3586 = arith.muli %add3A_3554, %mul3A_3585 : i32
      %add3A_3587 = arith.constant 32 : i32
      %add3A_3588 = arith.addi %mul3A_3586, %add3A_3587 : i32
      %get3A_3589 = arith.index_cast %add3A_3588 : i32 to index
      %get3A_3590 = tpu.vector_load %arg7[%get3A_3589] {strides = array<i32>} : memref<25600xf32, #tpu.memory_space<vmem>>, vector<16xf32>,
      %get3A_3591 = vector.shape_cast %get3A_3590 : vector<16xf32> to vector<16xf32>
      %add3A_3592 = arith.constant 32 : i32
      %add3A_3593 = arith.addi %mul3A_3558, %add3A_3592 : i32
      %swap3A_3594 = arith.index_cast %add3A_3593 : i32 to index
      %swap3A_3595 = tpu.vector_load %arg8[%swap3A_3594] {strides = array<i32>} : memref<512xf32, #tpu.memory_space<vmem>>, vector<16xf32>,
      %swap3A_3596 = vector.shape_cast %swap3A_3595 : vector<16xf32> to vector<16xf32>
      %swap3A_3597 = vector.shape_cast %get3A_3591 : vector<16xf32> to vector<16xf32>
      tpu.vector_store %arg8[%swap3A_3594], %swap3A_3597 {add = true, strides = array<i32>} : memref<512xf32, #tpu.memory_space<vmem>>, vector<16xf32>,
      %mul3A_3598 = arith.constant 128 : i32
      %mul3A_3599 = arith.muli %add3A_3554, %mul3A_3598 : i32
      %add3A_3600 = arith.constant 48 : i32
      %add3A_3601 = arith.addi %mul3A_3599, %add3A_3600 : i32
      %get3A_3602 = arith.index_cast %add3A_3601 : i32 to index
      %get3A_3603 = tpu.vector_load %arg7[%get3A_3602] {strides = array<i32>} : memref<25600xf32, #tpu.memory_space<vmem>>, vector<16xf32>,
      %get3A_3604 = vector.shape_cast %get3A_3603 : vector<16xf32> to vector<16xf32>
      %add3A_3605 = arith.constant 48 : i32
      %add3A_3606 = arith.addi %mul3A_3558, %add3A_3605 : i32
      %swap3A_3607 = arith.index_cast %add3A_3606 : i32 to index
      %swap3A_3608 = tpu.vector_load %arg8[%swap3A_3607] {strides = array<i32>} : memref<512xf32, #tpu.memory_space<vmem>>, vector<16xf32>,
      %swap3A_3609 = vector.shape_cast %swap3A_3608 : vector<16xf32> to vector<16xf32>
      %swap3A_3610 = vector.shape_cast %get3A_3604 : vector<16xf32> to vector<16xf32>
      tpu.vector_store %arg8[%swap3A_3607], %swap3A_3610 {add = true, strides = array<i32>} : memref<512xf32, #tpu.memory_space<vmem>>, vector<16xf32>,
      %mul3A_3611 = arith.constant 128 : i32
      %mul3A_3612 = arith.muli %add3A_3554, %mul3A_3611 : i32
      %add3A_3613 = arith.constant 64 : i32
      %add3A_3614 = arith.addi %mul3A_3612, %add3A_3613 : i32
      %get3A_3615 = arith.index_cast %add3A_3614 : i32 to index
      %get3A_3616 = tpu.vector_load %arg7[%get3A_3615] {strides = array<i32>} : memref<25600xf32, #tpu.memory_space<vmem>>, vector<16xf32>,
      %get3A_3617 = vector.shape_cast %get3A_3616 : vector<16xf32> to vector<16xf32>
      %add3A_3618 = arith.constant 64 : i32
      %add3A_3619 = arith.addi %mul3A_3558, %add3A_3618 : i32
      %swap3A_3620 = arith.index_cast %add3A_3619 : i32 to index
      %swap3A_3621 = tpu.vector_load %arg8[%swap3A_3620] {strides = array<i32>} : memref<512xf32, #tpu.memory_space<vmem>>, vector<16xf32>,
      %swap3A_3622 = vector.shape_cast %swap3A_3621 : vector<16xf32> to vector<16xf32>
      %swap3A_3623 = vector.shape_cast %get3A_3617 : vector<16xf32> to vector<16xf32>
      tpu.vector_store %arg8[%swap3A_3620], %swap3A_3623 {add = true, strides = array<i32>} : memref<512xf32, #tpu.memory_space<vmem>>, vector<16xf32>,
      %mul3A_3624 = arith.constant 128 : i32
      %mul3A_3625 = arith.muli %add3A_3554, %mul3A_3624 : i32
      %add3A_3626 = arith.constant 80 : i32
      %add3A_3627 = arith.addi %mul3A_3625, %add3A_3626 : i32
      %get3A_3628 = arith.index_cast %add3A_3627 : i32 to index
      %get3A_3629 = tpu.vector_load %arg7[%get3A_3628] {strides = array<i32>} : memref<25600xf32, #tpu.memory_space<vmem>>, vector<16xf32>,
      %get3A_3630 = vector.shape_cast %get3A_3629 : vector<16xf32> to vector<16xf32>
      %add3A_3631 = arith.constant 80 : i32
      %add3A_3632 = arith.addi %mul3A_3558, %add3A_3631 : i32
      %swap3A_3633 = arith.index_cast %add3A_3632 : i32 to index
      %swap3A_3634 = tpu.vector_load %arg8[%swap3A_3633] {strides = array<i32>} : memref<512xf32, #tpu.memory_space<vmem>>, vector<16xf32>,
      %swap3A_3635 = vector.shape_cast %swap3A_3634 : vector<16xf32> to vector<16xf32>
      %swap3A_3636 = vector.shape_cast %get3A_3630 : vector<16xf32> to vector<16xf32>
      tpu.vector_store %arg8[%swap3A_3633], %swap3A_3636 {add = true, strides = array<i32>} : memref<512xf32, #tpu.memory_space<vmem>>, vector<16xf32>,
      %mul3A_3637 = arith.constant 128 : i32
      %mul3A_3638 = arith.muli %add3A_3554, %mul3A_3637 : i32
      %add3A_3639 = arith.constant 96 : i32
      %add3A_3640 = arith.addi %mul3A_3638, %add3A_3639 : i32
      %get3A_3641 = arith.index_cast %add3A_3640 : i32 to index
      %get3A_3642 = tpu.vector_load %arg7[%get3A_3641] {strides = array<i32>} : memref<25600xf32, #tpu.memory_space<vmem>>, vector<16xf32>,
      %get3A_3643 = vector.shape_cast %get3A_3642 : vector<16xf32> to vector<16xf32>
      %add3A_3644 = arith.constant 96 : i32
      %add3A_3645 = arith.addi %mul3A_3558, %add3A_3644 : i32
      %swap3A_3646 = arith.index_cast %add3A_3645 : i32 to index
      %swap3A_3647 = tpu.vector_load %arg8[%swap3A_3646] {strides = array<i32>} : memref<512xf32, #tpu.memory_space<vmem>>, vector<16xf32>,
      %swap3A_3648 = vector.shape_cast %swap3A_3647 : vector<16xf32> to vector<16xf32>
      %swap3A_3649 = vector.shape_cast %get3A_3643 : vector<16xf32> to vector<16xf32>
      tpu.vector_store %arg8[%swap3A_3646], %swap3A_3649 {add = true, strides = array<i32>} : memref<512xf32, #tpu.memory_space<vmem>>, vector<16xf32>,
      %mul3A_3650 = arith.constant 128 : i32
      %mul3A_3651 = arith.muli %add3A_3554, %mul3A_3650 : i32
      %add3A_3652 = arith.constant 112 : i32
      %add3A_3653 = arith.addi %mul3A_3651, %add3A_3652 : i32
      %get3A_3654 = arith.index_cast %add3A_3653 : i32 to index
      %get3A_3655 = tpu.vector_load %arg7[%get3A_3654] {strides = array<i32>} : memref<25600xf32, #tpu.memory_space<vmem>>, vector<16xf32>,
      %get3A_3656 = vector.shape_cast %get3A_3655 : vector<16xf32> to vector<16xf32>
      %add3A_3657 = arith.constant 112 : i32
      %add3A_3658 = arith.addi %mul3A_3558, %add3A_3657 : i32
      %swap3A_3659 = arith.index_cast %add3A_3658 : i32 to index
      %swap3A_3660 = tpu.vector_load %arg8[%swap3A_3659] {strides = array<i32>} : memref<512xf32, #tpu.memory_space<vmem>>, vector<16xf32>,
      %swap3A_3661 = vector.shape_cast %swap3A_3660 : vector<16xf32> to vector<16xf32>
      %swap3A_3662 = vector.shape_cast %get3A_3656 : vector<16xf32> to vector<16xf32>
      tpu.vector_store %arg8[%swap3A_3659], %swap3A_3662 {add = true, strides = array<i32>} : memref<512xf32, #tpu.memory_space<vmem>>, vector<16xf32>,
      %mul3A_3663 = arith.constant 10 : i32
      %mul3A_3664 = arith.muli %add3A_3044, %mul3A_3663 : i32
      %add3A_3665 = arith.constant 4 : i32
      %add3A_3666 = arith.addi %mul3A_3664, %add3A_3665 : i32
      %and3A_3667 = arith.constant 3 : i32
      %and3A_3668 = arith.andi %add3A_3666, %and3A_3667 : i32
      %mul3A_3669 = arith.constant 128 : i32
      %mul3A_3670 = arith.muli %and3A_3668, %mul3A_3669 : i32
      %mul3A_3671 = arith.constant 128 : i32
      %mul3A_3672 = arith.muli %add3A_3666, %mul3A_3671 : i32
      %add3A_3673 = arith.constant 0 : i32
      %add3A_3674 = arith.addi %mul3A_3672, %add3A_3673 : i32
      %get3A_3675 = arith.index_cast %add3A_3674 : i32 to index
      %get3A_3676 = tpu.vector_load %arg7[%get3A_3675] {strides = array<i32>} : memref<25600xf32, #tpu.memory_space<vmem>>, vector<16xf32>,
      %get3A_3677 = vector.shape_cast %get3A_3676 : vector<16xf32> to vector<16xf32>
      %add3A_3678 = arith.constant 0 : i32
      %add3A_3679 = arith.addi %mul3A_3670, %add3A_3678 : i32
      %swap3A_3680 = arith.index_cast %add3A_3679 : i32 to index
      %swap3A_3681 = tpu.vector_load %arg8[%swap3A_3680] {strides = array<i32>} : memref<512xf32, #tpu.memory_space<vmem>>, vector<16xf32>,
      %swap3A_3682 = vector.shape_cast %swap3A_3681 : vector<16xf32> to vector<16xf32>
      %swap3A_3683 = vector.shape_cast %get3A_3677 : vector<16xf32> to vector<16xf32>
      tpu.vector_store %arg8[%swap3A_3680], %swap3A_3683 {add = true, strides = array<i32>} : memref<512xf32, #tpu.memory_space<vmem>>, vector<16xf32>,
      %mul3A_3684 = arith.constant 128 : i32
      %mul3A_3685 = arith.muli %add3A_3666, %mul3A_3684 : i32
      %add3A_3686 = arith.constant 16 : i32
      %add3A_3687 = arith.addi %mul3A_3685, %add3A_3686 : i32
      %get3A_3688 = arith.index_cast %add3A_3687 : i32 to index
      %get3A_3689 = tpu.vector_load %arg7[%get3A_3688] {strides = array<i32>} : memref<25600xf32, #tpu.memory_space<vmem>>, vector<16xf32>,
      %get3A_3690 = vector.shape_cast %get3A_3689 : vector<16xf32> to vector<16xf32>
      %add3A_3691 = arith.constant 16 : i32
      %add3A_3692 = arith.addi %mul3A_3670, %add3A_3691 : i32
      %swap3A_3693 = arith.index_cast %add3A_3692 : i32 to index
      %swap3A_3694 = tpu.vector_load %arg8[%swap3A_3693] {strides = array<i32>} : memref<512xf32, #tpu.memory_space<vmem>>, vector<16xf32>,
      %swap3A_3695 = vector.shape_cast %swap3A_3694 : vector<16xf32> to vector<16xf32>
      %swap3A_3696 = vector.shape_cast %get3A_3690 : vector<16xf32> to vector<16xf32>
      tpu.vector_store %arg8[%swap3A_3693], %swap3A_3696 {add = true, strides = array<i32>} : memref<512xf32, #tpu.memory_space<vmem>>, vector<16xf32>,
      %mul3A_3697 = arith.constant 128 : i32
      %mul3A_3698 = arith.muli %add3A_3666, %mul3A_3697 : i32
      %add3A_3699 = arith.constant 32 : i32
      %add3A_3700 = arith.addi %mul3A_3698, %add3A_3699 : i32
      %get3A_3701 = arith.index_cast %add3A_3700 : i32 to index
      %get3A_3702 = tpu.vector_load %arg7[%get3A_3701] {strides = array<i32>} : memref<25600xf32, #tpu.memory_space<vmem>>, vector<16xf32>,
      %get3A_3703 = vector.shape_cast %get3A_3702 : vector<16xf32> to vector<16xf32>
      %add3A_3704 = arith.constant 32 : i32
      %add3A_3705 = arith.addi %mul3A_3670, %add3A_3704 : i32
      %swap3A_3706 = arith.index_cast %add3A_3705 : i32 to index
      %swap3A_3707 = tpu.vector_load %arg8[%swap3A_3706] {strides = array<i32>} : memref<512xf32, #tpu.memory_space<vmem>>, vector<16xf32>,
      %swap3A_3708 = vector.shape_cast %swap3A_3707 : vector<16xf32> to vector<16xf32>
      %swap3A_3709 = vector.shape_cast %get3A_3703 : vector<16xf32> to vector<16xf32>
      tpu.vector_store %arg8[%swap3A_3706], %swap3A_3709 {add = true, strides = array<i32>} : memref<512xf32, #tpu.memory_space<vmem>>, vector<16xf32>,
      %mul3A_3710 = arith.constant 128 : i32
      %mul3A_3711 = arith.muli %add3A_3666, %mul3A_3710 : i32
      %add3A_3712 = arith.constant 48 : i32
      %add3A_3713 = arith.addi %mul3A_3711, %add3A_3712 : i32
      %get3A_3714 = arith.index_cast %add3A_3713 : i32 to index
      %get3A_3715 = tpu.vector_load %arg7[%get3A_3714] {strides = array<i32>} : memref<25600xf32, #tpu.memory_space<vmem>>, vector<16xf32>,
      %get3A_3716 = vector.shape_cast %get3A_3715 : vector<16xf32> to vector<16xf32>
      %add3A_3717 = arith.constant 48 : i32
      %add3A_3718 = arith.addi %mul3A_3670, %add3A_3717 : i32
      %swap3A_3719 = arith.index_cast %add3A_3718 : i32 to index
      %swap3A_3720 = tpu.vector_load %arg8[%swap3A_3719] {strides = array<i32>} : memref<512xf32, #tpu.memory_space<vmem>>, vector<16xf32>,
      %swap3A_3721 = vector.shape_cast %swap3A_3720 : vector<16xf32> to vector<16xf32>
      %swap3A_3722 = vector.shape_cast %get3A_3716 : vector<16xf32> to vector<16xf32>
      tpu.vector_store %arg8[%swap3A_3719], %swap3A_3722 {add = true, strides = array<i32>} : memref<512xf32, #tpu.memory_space<vmem>>, vector<16xf32>,
      %mul3A_3723 = arith.constant 128 : i32
      %mul3A_3724 = arith.muli %add3A_3666, %mul3A_3723 : i32
      %add3A_3725 = arith.constant 64 : i32
      %add3A_3726 = arith.addi %mul3A_3724, %add3A_3725 : i32
      %get3A_3727 = arith.index_cast %add3A_3726 : i32 to index
      %get3A_3728 = tpu.vector_load %arg7[%get3A_3727] {strides = array<i32>} : memref<25600xf32, #tpu.memory_space<vmem>>, vector<16xf32>,
      %get3A_3729 = vector.shape_cast %get3A_3728 : vector<16xf32> to vector<16xf32>
      %add3A_3730 = arith.constant 64 : i32
      %add3A_3731 = arith.addi %mul3A_3670, %add3A_3730 : i32
      %swap3A_3732 = arith.index_cast %add3A_3731 : i32 to index
      %swap3A_3733 = tpu.vector_load %arg8[%swap3A_3732] {strides = array<i32>} : memref<512xf32, #tpu.memory_space<vmem>>, vector<16xf32>,
      %swap3A_3734 = vector.shape_cast %swap3A_3733 : vector<16xf32> to vector<16xf32>
      %swap3A_3735 = vector.shape_cast %get3A_3729 : vector<16xf32> to vector<16xf32>
      tpu.vector_store %arg8[%swap3A_3732], %swap3A_3735 {add = true, strides = array<i32>} : memref<512xf32, #tpu.memory_space<vmem>>, vector<16xf32>,
      %mul3A_3736 = arith.constant 128 : i32
      %mul3A_3737 = arith.muli %add3A_3666, %mul3A_3736 : i32
      %add3A_3738 = arith.constant 80 : i32
      %add3A_3739 = arith.addi %mul3A_3737, %add3A_3738 : i32
      %get3A_3740 = arith.index_cast %add3A_3739 : i32 to index
      %get3A_3741 = tpu.vector_load %arg7[%get3A_3740] {strides = array<i32>} : memref<25600xf32, #tpu.memory_space<vmem>>, vector<16xf32>,
      %get3A_3742 = vector.shape_cast %get3A_3741 : vector<16xf32> to vector<16xf32>
      %add3A_3743 = arith.constant 80 : i32
      %add3A_3744 = arith.addi %mul3A_3670, %add3A_3743 : i32
      %swap3A_3745 = arith.index_cast %add3A_3744 : i32 to index
      %swap3A_3746 = tpu.vector_load %arg8[%swap3A_3745] {strides = array<i32>} : memref<512xf32, #tpu.memory_space<vmem>>, vector<16xf32>,
      %swap3A_3747 = vector.shape_cast %swap3A_3746 : vector<16xf32> to vector<16xf32>
      %swap3A_3748 = vector.shape_cast %get3A_3742 : vector<16xf32> to vector<16xf32>
      tpu.vector_store %arg8[%swap3A_3745], %swap3A_3748 {add = true, strides = array<i32>} : memref<512xf32, #tpu.memory_space<vmem>>, vector<16xf32>,
      %mul3A_3749 = arith.constant 128 : i32
      %mul3A_3750 = arith.muli %add3A_3666, %mul3A_3749 : i32
      %add3A_3751 = arith.constant 96 : i32
      %add3A_3752 = arith.addi %mul3A_3750, %add3A_3751 : i32
      %get3A_3753 = arith.index_cast %add3A_3752 : i32 to index
      %get3A_3754 = tpu.vector_load %arg7[%get3A_3753] {strides = array<i32>} : memref<25600xf32, #tpu.memory_space<vmem>>, vector<16xf32>,
      %get3A_3755 = vector.shape_cast %get3A_3754 : vector<16xf32> to vector<16xf32>
      %add3A_3756 = arith.constant 96 : i32
      %add3A_3757 = arith.addi %mul3A_3670, %add3A_3756 : i32
      %swap3A_3758 = arith.index_cast %add3A_3757 : i32 to index
      %swap3A_3759 = tpu.vector_load %arg8[%swap3A_3758] {strides = array<i32>} : memref<512xf32, #tpu.memory_space<vmem>>, vector<16xf32>,
      %swap3A_3760 = vector.shape_cast %swap3A_3759 : vector<16xf32> to vector<16xf32>
      %swap3A_3761 = vector.shape_cast %get3A_3755 : vector<16xf32> to vector<16xf32>
      tpu.vector_store %arg8[%swap3A_3758], %swap3A_3761 {add = true, strides = array<i32>} : memref<512xf32, #tpu.memory_space<vmem>>, vector<16xf32>,
      %mul3A_3762 = arith.constant 128 : i32
      %mul3A_3763 = arith.muli %add3A_3666, %mul3A_3762 : i32
      %add3A_3764 = arith.constant 112 : i32
      %add3A_3765 = arith.addi %mul3A_3763, %add3A_3764 : i32
      %get3A_3766 = arith.index_cast %add3A_3765 : i32 to index
      %get3A_3767 = tpu.vector_load %arg7[%get3A_3766] {strides = array<i32>} : memref<25600xf32, #tpu.memory_space<vmem>>, vector<16xf32>,
      %get3A_3768 = vector.shape_cast %get3A_3767 : vector<16xf32> to vector<16xf32>
      %add3A_3769 = arith.constant 112 : i32
      %add3A_3770 = arith.addi %mul3A_3670, %add3A_3769 : i32
      %swap3A_3771 = arith.index_cast %add3A_3770 : i32 to index
      %swap3A_3772 = tpu.vector_load %arg8[%swap3A_3771] {strides = array<i32>} : memref<512xf32, #tpu.memory_space<vmem>>, vector<16xf32>,
      %swap3A_3773 = vector.shape_cast %swap3A_3772 : vector<16xf32> to vector<16xf32>
      %swap3A_3774 = vector.shape_cast %get3A_3768 : vector<16xf32> to vector<16xf32>
      tpu.vector_store %arg8[%swap3A_3771], %swap3A_3774 {add = true, strides = array<i32>} : memref<512xf32, #tpu.memory_space<vmem>>, vector<16xf32>,
      %mul3A_3775 = arith.constant 10 : i32
      %mul3A_3776 = arith.muli %add3A_3044, %mul3A_3775 : i32
      %add3A_3777 = arith.constant 5 : i32
      %add3A_3778 = arith.addi %mul3A_3776, %add3A_3777 : i32
      %and3A_3779 = arith.constant 3 : i32
      %and3A_3780 = arith.andi %add3A_3778, %and3A_3779 : i32
      %mul3A_3781 = arith.constant 128 : i32
      %mul3A_3782 = arith.muli %and3A_3780, %mul3A_3781 : i32
      %mul3A_3783 = arith.constant 128 : i32
      %mul3A_3784 = arith.muli %add3A_3778, %mul3A_3783 : i32
      %add3A_3785 = arith.constant 0 : i32
      %add3A_3786 = arith.addi %mul3A_3784, %add3A_3785 : i32
      %get3A_3787 = arith.index_cast %add3A_3786 : i32 to index
      %get3A_3788 = tpu.vector_load %arg7[%get3A_3787] {strides = array<i32>} : memref<25600xf32, #tpu.memory_space<vmem>>, vector<16xf32>,
      %get3A_3789 = vector.shape_cast %get3A_3788 : vector<16xf32> to vector<16xf32>
      %add3A_3790 = arith.constant 0 : i32
      %add3A_3791 = arith.addi %mul3A_3782, %add3A_3790 : i32
      %swap3A_3792 = arith.index_cast %add3A_3791 : i32 to index
      %swap3A_3793 = tpu.vector_load %arg8[%swap3A_3792] {strides = array<i32>} : memref<512xf32, #tpu.memory_space<vmem>>, vector<16xf32>,
      %swap3A_3794 = vector.shape_cast %swap3A_3793 : vector<16xf32> to vector<16xf32>
      %swap3A_3795 = vector.shape_cast %get3A_3789 : vector<16xf32> to vector<16xf32>
      tpu.vector_store %arg8[%swap3A_3792], %swap3A_3795 {add = true, strides = array<i32>} : memref<512xf32, #tpu.memory_space<vmem>>, vector<16xf32>,
      %mul3A_3796 = arith.constant 128 : i32
      %mul3A_3797 = arith.muli %add3A_3778, %mul3A_3796 : i32
      %add3A_3798 = arith.constant 16 : i32
      %add3A_3799 = arith.addi %mul3A_3797, %add3A_3798 : i32
      %get3A_3800 = arith.index_cast %add3A_3799 : i32 to index
      %get3A_3801 = tpu.vector_load %arg7[%get3A_3800] {strides = array<i32>} : memref<25600xf32, #tpu.memory_space<vmem>>, vector<16xf32>,
      %get3A_3802 = vector.shape_cast %get3A_3801 : vector<16xf32> to vector<16xf32>
      %add3A_3803 = arith.constant 16 : i32
      %add3A_3804 = arith.addi %mul3A_3782, %add3A_3803 : i32
      %swap3A_3805 = arith.index_cast %add3A_3804 : i32 to index
      %swap3A_3806 = tpu.vector_load %arg8[%swap3A_3805] {strides = array<i32>} : memref<512xf32, #tpu.memory_space<vmem>>, vector<16xf32>,
      %swap3A_3807 = vector.shape_cast %swap3A_3806 : vector<16xf32> to vector<16xf32>
      %swap3A_3808 = vector.shape_cast %get3A_3802 : vector<16xf32> to vector<16xf32>
      tpu.vector_store %arg8[%swap3A_3805], %swap3A_3808 {add = true, strides = array<i32>} : memref<512xf32, #tpu.memory_space<vmem>>, vector<16xf32>,
      %mul3A_3809 = arith.constant 128 : i32
      %mul3A_3810 = arith.muli %add3A_3778, %mul3A_3809 : i32
      %add3A_3811 = arith.constant 32 : i32
      %add3A_3812 = arith.addi %mul3A_3810, %add3A_3811 : i32
      %get3A_3813 = arith.index_cast %add3A_3812 : i32 to index
      %get3A_3814 = tpu.vector_load %arg7[%get3A_3813] {strides = array<i32>} : memref<25600xf32, #tpu.memory_space<vmem>>, vector<16xf32>,
      %get3A_3815 = vector.shape_cast %get3A_3814 : vector<16xf32> to vector<16xf32>
      %add3A_3816 = arith.constant 32 : i32
      %add3A_3817 = arith.addi %mul3A_3782, %add3A_3816 : i32
      %swap3A_3818 = arith.index_cast %add3A_3817 : i32 to index
      %swap3A_3819 = tpu.vector_load %arg8[%swap3A_3818] {strides = array<i32>} : memref<512xf32, #tpu.memory_space<vmem>>, vector<16xf32>,
      %swap3A_3820 = vector.shape_cast %swap3A_3819 : vector<16xf32> to vector<16xf32>
      %swap3A_3821 = vector.shape_cast %get3A_3815 : vector<16xf32> to vector<16xf32>
      tpu.vector_store %arg8[%swap3A_3818], %swap3A_3821 {add = true, strides = array<i32>} : memref<512xf32, #tpu.memory_space<vmem>>, vector<16xf32>,
      %mul3A_3822 = arith.constant 128 : i32
      %mul3A_3823 = arith.muli %add3A_3778, %mul3A_3822 : i32
      %add3A_3824 = arith.constant 48 : i32
      %add3A_3825 = arith.addi %mul3A_3823, %add3A_3824 : i32
      %get3A_3826 = arith.index_cast %add3A_3825 : i32 to index
      %get3A_3827 = tpu.vector_load %arg7[%get3A_3826] {strides = array<i32>} : memref<25600xf32, #tpu.memory_space<vmem>>, vector<16xf32>,
      %get3A_3828 = vector.shape_cast %get3A_3827 : vector<16xf32> to vector<16xf32>
      %add3A_3829 = arith.constant 48 : i32
      %add3A_3830 = arith.addi %mul3A_3782, %add3A_3829 : i32
      %swap3A_3831 = arith.index_cast %add3A_3830 : i32 to index
      %swap3A_3832 = tpu.vector_load %arg8[%swap3A_3831] {strides = array<i32>} : memref<512xf32, #tpu.memory_space<vmem>>, vector<16xf32>,
      %swap3A_3833 = vector.shape_cast %swap3A_3832 : vector<16xf32> to vector<16xf32>
      %swap3A_3834 = vector.shape_cast %get3A_3828 : vector<16xf32> to vector<16xf32>
      tpu.vector_store %arg8[%swap3A_3831], %swap3A_3834 {add = true, strides = array<i32>} : memref<512xf32, #tpu.memory_space<vmem>>, vector<16xf32>,
      %mul3A_3835 = arith.constant 128 : i32
      %mul3A_3836 = arith.muli %add3A_3778, %mul3A_3835 : i32
      %add3A_3837 = arith.constant 64 : i32
      %add3A_3838 = arith.addi %mul3A_3836, %add3A_3837 : i32
      %get3A_3839 = arith.index_cast %add3A_3838 : i32 to index
      %get3A_3840 = tpu.vector_load %arg7[%get3A_3839] {strides = array<i32>} : memref<25600xf32, #tpu.memory_space<vmem>>, vector<16xf32>,
      %get3A_3841 = vector.shape_cast %get3A_3840 : vector<16xf32> to vector<16xf32>
      %add3A_3842 = arith.constant 64 : i32
      %add3A_3843 = arith.addi %mul3A_3782, %add3A_3842 : i32
      %swap3A_3844 = arith.index_cast %add3A_3843 : i32 to index
      %swap3A_3845 = tpu.vector_load %arg8[%swap3A_3844] {strides = array<i32>} : memref<512xf32, #tpu.memory_space<vmem>>, vector<16xf32>,
      %swap3A_3846 = vector.shape_cast %swap3A_3845 : vector<16xf32> to vector<16xf32>
      %swap3A_3847 = vector.shape_cast %get3A_3841 : vector<16xf32> to vector<16xf32>
      tpu.vector_store %arg8[%swap3A_3844], %swap3A_3847 {add = true, strides = array<i32>} : memref<512xf32, #tpu.memory_space<vmem>>, vector<16xf32>,
      %mul3A_3848 = arith.constant 128 : i32
      %mul3A_3849 = arith.muli %add3A_3778, %mul3A_3848 : i32
      %add3A_3850 = arith.constant 80 : i32
      %add3A_3851 = arith.addi %mul3A_3849, %add3A_3850 : i32
      %get3A_3852 = arith.index_cast %add3A_3851 : i32 to index
      %get3A_3853 = tpu.vector_load %arg7[%get3A_3852] {strides = array<i32>} : memref<25600xf32, #tpu.memory_space<vmem>>, vector<16xf32>,
      %get3A_3854 = vector.shape_cast %get3A_3853 : vector<16xf32> to vector<16xf32>
      %add3A_3855 = arith.constant 80 : i32
      %add3A_3856 = arith.addi %mul3A_3782, %add3A_3855 : i32
      %swap3A_3857 = arith.index_cast %add3A_3856 : i32 to index
      %swap3A_3858 = tpu.vector_load %arg8[%swap3A_3857] {strides = array<i32>} : memref<512xf32, #tpu.memory_space<vmem>>, vector<16xf32>,
      %swap3A_3859 = vector.shape_cast %swap3A_3858 : vector<16xf32> to vector<16xf32>
      %swap3A_3860 = vector.shape_cast %get3A_3854 : vector<16xf32> to vector<16xf32>
      tpu.vector_store %arg8[%swap3A_3857], %swap3A_3860 {add = true, strides = array<i32>} : memref<512xf32, #tpu.memory_space<vmem>>, vector<16xf32>,
      %mul3A_3861 = arith.constant 128 : i32
      %mul3A_3862 = arith.muli %add3A_3778, %mul3A_3861 : i32
      %add3A_3863 = arith.constant 96 : i32
      %add3A_3864 = arith.addi %mul3A_3862, %add3A_3863 : i32
      %get3A_3865 = arith.index_cast %add3A_3864 : i32 to index
      %get3A_3866 = tpu.vector_load %arg7[%get3A_3865] {strides = array<i32>} : memref<25600xf32, #tpu.memory_space<vmem>>, vector<16xf32>,
      %get3A_3867 = vector.shape_cast %get3A_3866 : vector<16xf32> to vector<16xf32>
      %add3A_3868 = arith.constant 96 : i32
      %add3A_3869 = arith.addi %mul3A_3782, %add3A_3868 : i32
      %swap3A_3870 = arith.index_cast %add3A_3869 : i32 to index
      %swap3A_3871 = tpu.vector_load %arg8[%swap3A_3870] {strides = array<i32>} : memref<512xf32, #tpu.memory_space<vmem>>, vector<16xf32>,
      %swap3A_3872 = vector.shape_cast %swap3A_3871 : vector<16xf32> to vector<16xf32>
      %swap3A_3873 = vector.shape_cast %get3A_3867 : vector<16xf32> to vector<16xf32>
      tpu.vector_store %arg8[%swap3A_3870], %swap3A_3873 {add = true, strides = array<i32>} : memref<512xf32, #tpu.memory_space<vmem>>, vector<16xf32>,
      %mul3A_3874 = arith.constant 128 : i32
      %mul3A_3875 = arith.muli %add3A_3778, %mul3A_3874 : i32
      %add3A_3876 = arith.constant 112 : i32
      %add3A_3877 = arith.addi %mul3A_3875, %add3A_3876 : i32
      %get3A_3878 = arith.index_cast %add3A_3877 : i32 to index
      %get3A_3879 = tpu.vector_load %arg7[%get3A_3878] {strides = array<i32>} : memref<25600xf32, #tpu.memory_space<vmem>>, vector<16xf32>,
      %get3A_3880 = vector.shape_cast %get3A_3879 : vector<16xf32> to vector<16xf32>
      %add3A_3881 = arith.constant 112 : i32
      %add3A_3882 = arith.addi %mul3A_3782, %add3A_3881 : i32
      %swap3A_3883 = arith.index_cast %add3A_3882 : i32 to index
      %swap3A_3884 = tpu.vector_load %arg8[%swap3A_3883] {strides = array<i32>} : memref<512xf32, #tpu.memory_space<vmem>>, vector<16xf32>,
      %swap3A_3885 = vector.shape_cast %swap3A_3884 : vector<16xf32> to vector<16xf32>
      %swap3A_3886 = vector.shape_cast %get3A_3880 : vector<16xf32> to vector<16xf32>
      tpu.vector_store %arg8[%swap3A_3883], %swap3A_3886 {add = true, strides = array<i32>} : memref<512xf32, #tpu.memory_space<vmem>>, vector<16xf32>,
      %mul3A_3887 = arith.constant 10 : i32
      %mul3A_3888 = arith.muli %add3A_3044, %mul3A_3887 : i32
      %add3A_3889 = arith.constant 6 : i32
      %add3A_3890 = arith.addi %mul3A_3888, %add3A_3889 : i32
      %and3A_3891 = arith.constant 3 : i32
      %and3A_3892 = arith.andi %add3A_3890, %and3A_3891 : i32
      %mul3A_3893 = arith.constant 128 : i32
      %mul3A_3894 = arith.muli %and3A_3892, %mul3A_3893 : i32
      %mul3A_3895 = arith.constant 128 : i32
      %mul3A_3896 = arith.muli %add3A_3890, %mul3A_3895 : i32
      %add3A_3897 = arith.constant 0 : i32
      %add3A_3898 = arith.addi %mul3A_3896, %add3A_3897 : i32
      %get3A_3899 = arith.index_cast %add3A_3898 : i32 to index
      %get3A_3900 = tpu.vector_load %arg7[%get3A_3899] {strides = array<i32>} : memref<25600xf32, #tpu.memory_space<vmem>>, vector<16xf32>,
      %get3A_3901 = vector.shape_cast %get3A_3900 : vector<16xf32> to vector<16xf32>
      %add3A_3902 = arith.constant 0 : i32
      %add3A_3903 = arith.addi %mul3A_3894, %add3A_3902 : i32
      %swap3A_3904 = arith.index_cast %add3A_3903 : i32 to index
      %swap3A_3905 = tpu.vector_load %arg8[%swap3A_3904] {strides = array<i32>} : memref<512xf32, #tpu.memory_space<vmem>>, vector<16xf32>,
      %swap3A_3906 = vector.shape_cast %swap3A_3905 : vector<16xf32> to vector<16xf32>
      %swap3A_3907 = vector.shape_cast %get3A_3901 : vector<16xf32> to vector<16xf32>
      tpu.vector_store %arg8[%swap3A_3904], %swap3A_3907 {add = true, strides = array<i32>} : memref<512xf32, #tpu.memory_space<vmem>>, vector<16xf32>,
      %mul3A_3908 = arith.constant 128 : i32
      %mul3A_3909 = arith.muli %add3A_3890, %mul3A_3908 : i32
      %add3A_3910 = arith.constant 16 : i32
      %add3A_3911 = arith.addi %mul3A_3909, %add3A_3910 : i32
      %get3A_3912 = arith.index_cast %add3A_3911 : i32 to index
      %get3A_3913 = tpu.vector_load %arg7[%get3A_3912] {strides = array<i32>} : memref<25600xf32, #tpu.memory_space<vmem>>, vector<16xf32>,
      %get3A_3914 = vector.shape_cast %get3A_3913 : vector<16xf32> to vector<16xf32>
      %add3A_3915 = arith.constant 16 : i32
      %add3A_3916 = arith.addi %mul3A_3894, %add3A_3915 : i32
      %swap3A_3917 = arith.index_cast %add3A_3916 : i32 to index
      %swap3A_3918 = tpu.vector_load %arg8[%swap3A_3917] {strides = array<i32>} : memref<512xf32, #tpu.memory_space<vmem>>, vector<16xf32>,
      %swap3A_3919 = vector.shape_cast %swap3A_3918 : vector<16xf32> to vector<16xf32>
      %swap3A_3920 = vector.shape_cast %get3A_3914 : vector<16xf32> to vector<16xf32>
      tpu.vector_store %arg8[%swap3A_3917], %swap3A_3920 {add = true, strides = array<i32>} : memref<512xf32, #tpu.memory_space<vmem>>, vector<16xf32>,
      %mul3A_3921 = arith.constant 128 : i32
      %mul3A_3922 = arith.muli %add3A_3890, %mul3A_3921 : i32
      %add3A_3923 = arith.constant 32 : i32
      %add3A_3924 = arith.addi %mul3A_3922, %add3A_3923 : i32
      %get3A_3925 = arith.index_cast %add3A_3924 : i32 to index
      %get3A_3926 = tpu.vector_load %arg7[%get3A_3925] {strides = array<i32>} : memref<25600xf32, #tpu.memory_space<vmem>>, vector<16xf32>,
      %get3A_3927 = vector.shape_cast %get3A_3926 : vector<16xf32> to vector<16xf32>
      %add3A_3928 = arith.constant 32 : i32
      %add3A_3929 = arith.addi %mul3A_3894, %add3A_3928 : i32
      %swap3A_3930 = arith.index_cast %add3A_3929 : i32 to index
      %swap3A_3931 = tpu.vector_load %arg8[%swap3A_3930] {strides = array<i32>} : memref<512xf32, #tpu.memory_space<vmem>>, vector<16xf32>,
      %swap3A_3932 = vector.shape_cast %swap3A_3931 : vector<16xf32> to vector<16xf32>
      %swap3A_3933 = vector.shape_cast %get3A_3927 : vector<16xf32> to vector<16xf32>
      tpu.vector_store %arg8[%swap3A_3930], %swap3A_3933 {add = true, strides = array<i32>} : memref<512xf32, #tpu.memory_space<vmem>>, vector<16xf32>,
      %mul3A_3934 = arith.constant 128 : i32
      %mul3A_3935 = arith.muli %add3A_3890, %mul3A_3934 : i32
      %add3A_3936 = arith.constant 48 : i32
      %add3A_3937 = arith.addi %mul3A_3935, %add3A_3936 : i32
      %get3A_3938 = arith.index_cast %add3A_3937 : i32 to index
      %get3A_3939 = tpu.vector_load %arg7[%get3A_3938] {strides = array<i32>} : memref<25600xf32, #tpu.memory_space<vmem>>, vector<16xf32>,
      %get3A_3940 = vector.shape_cast %get3A_3939 : vector<16xf32> to vector<16xf32>
      %add3A_3941 = arith.constant 48 : i32
      %add3A_3942 = arith.addi %mul3A_3894, %add3A_3941 : i32
      %swap3A_3943 = arith.index_cast %add3A_3942 : i32 to index
      %swap3A_3944 = tpu.vector_load %arg8[%swap3A_3943] {strides = array<i32>} : memref<512xf32, #tpu.memory_space<vmem>>, vector<16xf32>,
      %swap3A_3945 = vector.shape_cast %swap3A_3944 : vector<16xf32> to vector<16xf32>
      %swap3A_3946 = vector.shape_cast %get3A_3940 : vector<16xf32> to vector<16xf32>
      tpu.vector_store %arg8[%swap3A_3943], %swap3A_3946 {add = true, strides = array<i32>} : memref<512xf32, #tpu.memory_space<vmem>>, vector<16xf32>,
      %mul3A_3947 = arith.constant 128 : i32
      %mul3A_3948 = arith.muli %add3A_3890, %mul3A_3947 : i32
      %add3A_3949 = arith.constant 64 : i32
      %add3A_3950 = arith.addi %mul3A_3948, %add3A_3949 : i32
      %get3A_3951 = arith.index_cast %add3A_3950 : i32 to index
      %get3A_3952 = tpu.vector_load %arg7[%get3A_3951] {strides = array<i32>} : memref<25600xf32, #tpu.memory_space<vmem>>, vector<16xf32>,
      %get3A_3953 = vector.shape_cast %get3A_3952 : vector<16xf32> to vector<16xf32>
      %add3A_3954 = arith.constant 64 : i32
      %add3A_3955 = arith.addi %mul3A_3894, %add3A_3954 : i32
      %swap3A_3956 = arith.index_cast %add3A_3955 : i32 to index
      %swap3A_3957 = tpu.vector_load %arg8[%swap3A_3956] {strides = array<i32>} : memref<512xf32, #tpu.memory_space<vmem>>, vector<16xf32>,
      %swap3A_3958 = vector.shape_cast %swap3A_3957 : vector<16xf32> to vector<16xf32>
      %swap3A_3959 = vector.shape_cast %get3A_3953 : vector<16xf32> to vector<16xf32>
      tpu.vector_store %arg8[%swap3A_3956], %swap3A_3959 {add = true, strides = array<i32>} : memref<512xf32, #tpu.memory_space<vmem>>, vector<16xf32>,
      %mul3A_3960 = arith.constant 128 : i32
      %mul3A_3961 = arith.muli %add3A_3890, %mul3A_3960 : i32
      %add3A_3962 = arith.constant 80 : i32
      %add3A_3963 = arith.addi %mul3A_3961, %add3A_3962 : i32
      %get3A_3964 = arith.index_cast %add3A_3963 : i32 to index
      %get3A_3965 = tpu.vector_load %arg7[%get3A_3964] {strides = array<i32>} : memref<25600xf32, #tpu.memory_space<vmem>>, vector<16xf32>,
      %get3A_3966 = vector.shape_cast %get3A_3965 : vector<16xf32> to vector<16xf32>
      %add3A_3967 = arith.constant 80 : i32
      %add3A_3968 = arith.addi %mul3A_3894, %add3A_3967 : i32
      %swap3A_3969 = arith.index_cast %add3A_3968 : i32 to index
      %swap3A_3970 = tpu.vector_load %arg8[%swap3A_3969] {strides = array<i32>} : memref<512xf32, #tpu.memory_space<vmem>>, vector<16xf32>,
      %swap3A_3971 = vector.shape_cast %swap3A_3970 : vector<16xf32> to vector<16xf32>
      %swap3A_3972 = vector.shape_cast %get3A_3966 : vector<16xf32> to vector<16xf32>
      tpu.vector_store %arg8[%swap3A_3969], %swap3A_3972 {add = true, strides = array<i32>} : memref<512xf32, #tpu.memory_space<vmem>>, vector<16xf32>,
      %mul3A_3973 = arith.constant 128 : i32
      %mul3A_3974 = arith.muli %add3A_3890, %mul3A_3973 : i32
      %add3A_3975 = arith.constant 96 : i32
      %add3A_3976 = arith.addi %mul3A_3974, %add3A_3975 : i32
      %get3A_3977 = arith.index_cast %add3A_3976 : i32 to index
      %get3A_3978 = tpu.vector_load %arg7[%get3A_3977] {strides = array<i32>} : memref<25600xf32, #tpu.memory_space<vmem>>, vector<16xf32>,
      %get3A_3979 = vector.shape_cast %get3A_3978 : vector<16xf32> to vector<16xf32>
      %add3A_3980 = arith.constant 96 : i32
      %add3A_3981 = arith.addi %mul3A_3894, %add3A_3980 : i32
      %swap3A_3982 = arith.index_cast %add3A_3981 : i32 to index
      %swap3A_3983 = tpu.vector_load %arg8[%swap3A_3982] {strides = array<i32>} : memref<512xf32, #tpu.memory_space<vmem>>, vector<16xf32>,
      %swap3A_3984 = vector.shape_cast %swap3A_3983 : vector<16xf32> to vector<16xf32>
      %swap3A_3985 = vector.shape_cast %get3A_3979 : vector<16xf32> to vector<16xf32>
      tpu.vector_store %arg8[%swap3A_3982], %swap3A_3985 {add = true, strides = array<i32>} : memref<512xf32, #tpu.memory_space<vmem>>, vector<16xf32>,
      %mul3A_3986 = arith.constant 128 : i32
      %mul3A_3987 = arith.muli %add3A_3890, %mul3A_3986 : i32
      %add3A_3988 = arith.constant 112 : i32
      %add3A_3989 = arith.addi %mul3A_3987, %add3A_3988 : i32
      %get3A_3990 = arith.index_cast %add3A_3989 : i32 to index
      %get3A_3991 = tpu.vector_load %arg7[%get3A_3990] {strides = array<i32>} : memref<25600xf32, #tpu.memory_space<vmem>>, vector<16xf32>,
      %get3A_3992 = vector.shape_cast %get3A_3991 : vector<16xf32> to vector<16xf32>
      %add3A_3993 = arith.constant 112 : i32
      %add3A_3994 = arith.addi %mul3A_3894, %add3A_3993 : i32
      %swap3A_3995 = arith.index_cast %add3A_3994 : i32 to index
      %swap3A_3996 = tpu.vector_load %arg8[%swap3A_3995] {strides = array<i32>} : memref<512xf32, #tpu.memory_space<vmem>>, vector<16xf32>,
      %swap3A_3997 = vector.shape_cast %swap3A_3996 : vector<16xf32> to vector<16xf32>
      %swap3A_3998 = vector.shape_cast %get3A_3992 : vector<16xf32> to vector<16xf32>
      tpu.vector_store %arg8[%swap3A_3995], %swap3A_3998 {add = true, strides = array<i32>} : memref<512xf32, #tpu.memory_space<vmem>>, vector<16xf32>,
      %mul3A_3999 = arith.constant 10 : i32
      %mul3A_4000 = arith.muli %add3A_3044, %mul3A_3999 : i32
      %add3A_4001 = arith.constant 7 : i32
      %add3A_4002 = arith.addi %mul3A_4000, %add3A_4001 : i32
      %and3A_4003 = arith.constant 3 : i32
      %and3A_4004 = arith.andi %add3A_4002, %and3A_4003 : i32
      %mul3A_4005 = arith.constant 128 : i32
      %mul3A_4006 = arith.muli %and3A_4004, %mul3A_4005 : i32
      %mul3A_4007 = arith.constant 128 : i32
      %mul3A_4008 = arith.muli %add3A_4002, %mul3A_4007 : i32
      %add3A_4009 = arith.constant 0 : i32
      %add3A_4010 = arith.addi %mul3A_4008, %add3A_4009 : i32
      %get3A_4011 = arith.index_cast %add3A_4010 : i32 to index
      %get3A_4012 = tpu.vector_load %arg7[%get3A_4011] {strides = array<i32>} : memref<25600xf32, #tpu.memory_space<vmem>>, vector<16xf32>,
      %get3A_4013 = vector.shape_cast %get3A_4012 : vector<16xf32> to vector<16xf32>
      %add3A_4014 = arith.constant 0 : i32
      %add3A_4015 = arith.addi %mul3A_4006, %add3A_4014 : i32
      %swap3A_4016 = arith.index_cast %add3A_4015 : i32 to index
      %swap3A_4017 = tpu.vector_load %arg8[%swap3A_4016] {strides = array<i32>} : memref<512xf32, #tpu.memory_space<vmem>>, vector<16xf32>,
      %swap3A_4018 = vector.shape_cast %swap3A_4017 : vector<16xf32> to vector<16xf32>
      %swap3A_4019 = vector.shape_cast %get3A_4013 : vector<16xf32> to vector<16xf32>
      tpu.vector_store %arg8[%swap3A_4016], %swap3A_4019 {add = true, strides = array<i32>} : memref<512xf32, #tpu.memory_space<vmem>>, vector<16xf32>,
      %mul3A_4020 = arith.constant 128 : i32
      %mul3A_4021 = arith.muli %add3A_4002, %mul3A_4020 : i32
      %add3A_4022 = arith.constant 16 : i32
      %add3A_4023 = arith.addi %mul3A_4021, %add3A_4022 : i32
      %get3A_4024 = arith.index_cast %add3A_4023 : i32 to index
      %get3A_4025 = tpu.vector_load %arg7[%get3A_4024] {strides = array<i32>} : memref<25600xf32, #tpu.memory_space<vmem>>, vector<16xf32>,
      %get3A_4026 = vector.shape_cast %get3A_4025 : vector<16xf32> to vector<16xf32>
      %add3A_4027 = arith.constant 16 : i32
      %add3A_4028 = arith.addi %mul3A_4006, %add3A_4027 : i32
      %swap3A_4029 = arith.index_cast %add3A_4028 : i32 to index
      %swap3A_4030 = tpu.vector_load %arg8[%swap3A_4029] {strides = array<i32>} : memref<512xf32, #tpu.memory_space<vmem>>, vector<16xf32>,
      %swap3A_4031 = vector.shape_cast %swap3A_4030 : vector<16xf32> to vector<16xf32>
      %swap3A_4032 = vector.shape_cast %get3A_4026 : vector<16xf32> to vector<16xf32>
      tpu.vector_store %arg8[%swap3A_4029], %swap3A_4032 {add = true, strides = array<i32>} : memref<512xf32, #tpu.memory_space<vmem>>, vector<16xf32>,
      %mul3A_4033 = arith.constant 128 : i32
      %mul3A_4034 = arith.muli %add3A_4002, %mul3A_4033 : i32
      %add3A_4035 = arith.constant 32 : i32
      %add3A_4036 = arith.addi %mul3A_4034, %add3A_4035 : i32
      %get3A_4037 = arith.index_cast %add3A_4036 : i32 to index
      %get3A_4038 = tpu.vector_load %arg7[%get3A_4037] {strides = array<i32>} : memref<25600xf32, #tpu.memory_space<vmem>>, vector<16xf32>,
      %get3A_4039 = vector.shape_cast %get3A_4038 : vector<16xf32> to vector<16xf32>
      %add3A_4040 = arith.constant 32 : i32
      %add3A_4041 = arith.addi %mul3A_4006, %add3A_4040 : i32
      %swap3A_4042 = arith.index_cast %add3A_4041 : i32 to index
      %swap3A_4043 = tpu.vector_load %arg8[%swap3A_4042] {strides = array<i32>} : memref<512xf32, #tpu.memory_space<vmem>>, vector<16xf32>,
      %swap3A_4044 = vector.shape_cast %swap3A_4043 : vector<16xf32> to vector<16xf32>
      %swap3A_4045 = vector.shape_cast %get3A_4039 : vector<16xf32> to vector<16xf32>
      tpu.vector_store %arg8[%swap3A_4042], %swap3A_4045 {add = true, strides = array<i32>} : memref<512xf32, #tpu.memory_space<vmem>>, vector<16xf32>,
      %mul3A_4046 = arith.constant 128 : i32
      %mul3A_4047 = arith.muli %add3A_4002, %mul3A_4046 : i32
      %add3A_4048 = arith.constant 48 : i32
      %add3A_4049 = arith.addi %mul3A_4047, %add3A_4048 : i32
      %get3A_4050 = arith.index_cast %add3A_4049 : i32 to index
      %get3A_4051 = tpu.vector_load %arg7[%get3A_4050] {strides = array<i32>} : memref<25600xf32, #tpu.memory_space<vmem>>, vector<16xf32>,
      %get3A_4052 = vector.shape_cast %get3A_4051 : vector<16xf32> to vector<16xf32>
      %add3A_4053 = arith.constant 48 : i32
      %add3A_4054 = arith.addi %mul3A_4006, %add3A_4053 : i32
      %swap3A_4055 = arith.index_cast %add3A_4054 : i32 to index
      %swap3A_4056 = tpu.vector_load %arg8[%swap3A_4055] {strides = array<i32>} : memref<512xf32, #tpu.memory_space<vmem>>, vector<16xf32>,
      %swap3A_4057 = vector.shape_cast %swap3A_4056 : vector<16xf32> to vector<16xf32>
      %swap3A_4058 = vector.shape_cast %get3A_4052 : vector<16xf32> to vector<16xf32>
      tpu.vector_store %arg8[%swap3A_4055], %swap3A_4058 {add = true, strides = array<i32>} : memref<512xf32, #tpu.memory_space<vmem>>, vector<16xf32>,
      %mul3A_4059 = arith.constant 128 : i32
      %mul3A_4060 = arith.muli %add3A_4002, %mul3A_4059 : i32
      %add3A_4061 = arith.constant 64 : i32
      %add3A_4062 = arith.addi %mul3A_4060, %add3A_4061 : i32
      %get3A_4063 = arith.index_cast %add3A_4062 : i32 to index
      %get3A_4064 = tpu.vector_load %arg7[%get3A_4063] {strides = array<i32>} : memref<25600xf32, #tpu.memory_space<vmem>>, vector<16xf32>,
      %get3A_4065 = vector.shape_cast %get3A_4064 : vector<16xf32> to vector<16xf32>
      %add3A_4066 = arith.constant 64 : i32
      %add3A_4067 = arith.addi %mul3A_4006, %add3A_4066 : i32
      %swap3A_4068 = arith.index_cast %add3A_4067 : i32 to index
      %swap3A_4069 = tpu.vector_load %arg8[%swap3A_4068] {strides = array<i32>} : memref<512xf32, #tpu.memory_space<vmem>>, vector<16xf32>,
      %swap3A_4070 = vector.shape_cast %swap3A_4069 : vector<16xf32> to vector<16xf32>
      %swap3A_4071 = vector.shape_cast %get3A_4065 : vector<16xf32> to vector<16xf32>
      tpu.vector_store %arg8[%swap3A_4068], %swap3A_4071 {add = true, strides = array<i32>} : memref<512xf32, #tpu.memory_space<vmem>>, vector<16xf32>,
      %mul3A_4072 = arith.constant 128 : i32
      %mul3A_4073 = arith.muli %add3A_4002, %mul3A_4072 : i32
      %add3A_4074 = arith.constant 80 : i32
      %add3A_4075 = arith.addi %mul3A_4073, %add3A_4074 : i32
      %get3A_4076 = arith.index_cast %add3A_4075 : i32 to index
      %get3A_4077 = tpu.vector_load %arg7[%get3A_4076] {strides = array<i32>} : memref<25600xf32, #tpu.memory_space<vmem>>, vector<16xf32>,
      %get3A_4078 = vector.shape_cast %get3A_4077 : vector<16xf32> to vector<16xf32>
      %add3A_4079 = arith.constant 80 : i32
      %add3A_4080 = arith.addi %mul3A_4006, %add3A_4079 : i32
      %swap3A_4081 = arith.index_cast %add3A_4080 : i32 to index
      %swap3A_4082 = tpu.vector_load %arg8[%swap3A_4081] {strides = array<i32>} : memref<512xf32, #tpu.memory_space<vmem>>, vector<16xf32>,
      %swap3A_4083 = vector.shape_cast %swap3A_4082 : vector<16xf32> to vector<16xf32>
      %swap3A_4084 = vector.shape_cast %get3A_4078 : vector<16xf32> to vector<16xf32>
      tpu.vector_store %arg8[%swap3A_4081], %swap3A_4084 {add = true, strides = array<i32>} : memref<512xf32, #tpu.memory_space<vmem>>, vector<16xf32>,
      %mul3A_4085 = arith.constant 128 : i32
      %mul3A_4086 = arith.muli %add3A_4002, %mul3A_4085 : i32
      %add3A_4087 = arith.constant 96 : i32
      %add3A_4088 = arith.addi %mul3A_4086, %add3A_4087 : i32
      %get3A_4089 = arith.index_cast %add3A_4088 : i32 to index
      %get3A_4090 = tpu.vector_load %arg7[%get3A_4089] {strides = array<i32>} : memref<25600xf32, #tpu.memory_space<vmem>>, vector<16xf32>,
      %get3A_4091 = vector.shape_cast %get3A_4090 : vector<16xf32> to vector<16xf32>
      %add3A_4092 = arith.constant 96 : i32
      %add3A_4093 = arith.addi %mul3A_4006, %add3A_4092 : i32
      %swap3A_4094 = arith.index_cast %add3A_4093 : i32 to index
      %swap3A_4095 = tpu.vector_load %arg8[%swap3A_4094] {strides = array<i32>} : memref<512xf32, #tpu.memory_space<vmem>>, vector<16xf32>,
      %swap3A_4096 = vector.shape_cast %swap3A_4095 : vector<16xf32> to vector<16xf32>
      %swap3A_4097 = vector.shape_cast %get3A_4091 : vector<16xf32> to vector<16xf32>
      tpu.vector_store %arg8[%swap3A_4094], %swap3A_4097 {add = true, strides = array<i32>} : memref<512xf32, #tpu.memory_space<vmem>>, vector<16xf32>,
      %mul3A_4098 = arith.constant 128 : i32
      %mul3A_4099 = arith.muli %add3A_4002, %mul3A_4098 : i32
      %add3A_4100 = arith.constant 112 : i32
      %add3A_4101 = arith.addi %mul3A_4099, %add3A_4100 : i32
      %get3A_4102 = arith.index_cast %add3A_4101 : i32 to index
      %get3A_4103 = tpu.vector_load %arg7[%get3A_4102] {strides = array<i32>} : memref<25600xf32, #tpu.memory_space<vmem>>, vector<16xf32>,
      %get3A_4104 = vector.shape_cast %get3A_4103 : vector<16xf32> to vector<16xf32>
      %add3A_4105 = arith.constant 112 : i32
      %add3A_4106 = arith.addi %mul3A_4006, %add3A_4105 : i32
      %swap3A_4107 = arith.index_cast %add3A_4106 : i32 to index
      %swap3A_4108 = tpu.vector_load %arg8[%swap3A_4107] {strides = array<i32>} : memref<512xf32, #tpu.memory_space<vmem>>, vector<16xf32>,
      %swap3A_4109 = vector.shape_cast %swap3A_4108 : vector<16xf32> to vector<16xf32>
      %swap3A_4110 = vector.shape_cast %get3A_4104 : vector<16xf32> to vector<16xf32>
      tpu.vector_store %arg8[%swap3A_4107], %swap3A_4110 {add = true, strides = array<i32>} : memref<512xf32, #tpu.memory_space<vmem>>, vector<16xf32>,
      %mul3A_4111 = arith.constant 10 : i32
      %mul3A_4112 = arith.muli %add3A_3044, %mul3A_4111 : i32
      %add3A_4113 = arith.constant 8 : i32
      %add3A_4114 = arith.addi %mul3A_4112, %add3A_4113 : i32
      %and3A_4115 = arith.constant 3 : i32
      %and3A_4116 = arith.andi %add3A_4114, %and3A_4115 : i32
      %mul3A_4117 = arith.constant 128 : i32
      %mul3A_4118 = arith.muli %and3A_4116, %mul3A_4117 : i32
      %mul3A_4119 = arith.constant 128 : i32
      %mul3A_4120 = arith.muli %add3A_4114, %mul3A_4119 : i32
      %add3A_4121 = arith.constant 0 : i32
      %add3A_4122 = arith.addi %mul3A_4120, %add3A_4121 : i32
      %get3A_4123 = arith.index_cast %add3A_4122 : i32 to index
      %get3A_4124 = tpu.vector_load %arg7[%get3A_4123] {strides = array<i32>} : memref<25600xf32, #tpu.memory_space<vmem>>, vector<16xf32>,
      %get3A_4125 = vector.shape_cast %get3A_4124 : vector<16xf32> to vector<16xf32>
      %add3A_4126 = arith.constant 0 : i32
      %add3A_4127 = arith.addi %mul3A_4118, %add3A_4126 : i32
      %swap3A_4128 = arith.index_cast %add3A_4127 : i32 to index
      %swap3A_4129 = tpu.vector_load %arg8[%swap3A_4128] {strides = array<i32>} : memref<512xf32, #tpu.memory_space<vmem>>, vector<16xf32>,
      %swap3A_4130 = vector.shape_cast %swap3A_4129 : vector<16xf32> to vector<16xf32>
      %swap3A_4131 = vector.shape_cast %get3A_4125 : vector<16xf32> to vector<16xf32>
      tpu.vector_store %arg8[%swap3A_4128], %swap3A_4131 {add = true, strides = array<i32>} : memref<512xf32, #tpu.memory_space<vmem>>, vector<16xf32>,
      %mul3A_4132 = arith.constant 128 : i32
      %mul3A_4133 = arith.muli %add3A_4114, %mul3A_4132 : i32
      %add3A_4134 = arith.constant 16 : i32
      %add3A_4135 = arith.addi %mul3A_4133, %add3A_4134 : i32
      %get3A_4136 = arith.index_cast %add3A_4135 : i32 to index
      %get3A_4137 = tpu.vector_load %arg7[%get3A_4136] {strides = array<i32>} : memref<25600xf32, #tpu.memory_space<vmem>>, vector<16xf32>,
      %get3A_4138 = vector.shape_cast %get3A_4137 : vector<16xf32> to vector<16xf32>
      %add3A_4139 = arith.constant 16 : i32
      %add3A_4140 = arith.addi %mul3A_4118, %add3A_4139 : i32
      %swap3A_4141 = arith.index_cast %add3A_4140 : i32 to index
      %swap3A_4142 = tpu.vector_load %arg8[%swap3A_4141] {strides = array<i32>} : memref<512xf32, #tpu.memory_space<vmem>>, vector<16xf32>,
      %swap3A_4143 = vector.shape_cast %swap3A_4142 : vector<16xf32> to vector<16xf32>
      %swap3A_4144 = vector.shape_cast %get3A_4138 : vector<16xf32> to vector<16xf32>
      tpu.vector_store %arg8[%swap3A_4141], %swap3A_4144 {add = true, strides = array<i32>} : memref<512xf32, #tpu.memory_space<vmem>>, vector<16xf32>,
      %mul3A_4145 = arith.constant 128 : i32
      %mul3A_4146 = arith.muli %add3A_4114, %mul3A_4145 : i32
      %add3A_4147 = arith.constant 32 : i32
      %add3A_4148 = arith.addi %mul3A_4146, %add3A_4147 : i32
      %get3A_4149 = arith.index_cast %add3A_4148 : i32 to index
      %get3A_4150 = tpu.vector_load %arg7[%get3A_4149] {strides = array<i32>} : memref<25600xf32, #tpu.memory_space<vmem>>, vector<16xf32>,
      %get3A_4151 = vector.shape_cast %get3A_4150 : vector<16xf32> to vector<16xf32>
      %add3A_4152 = arith.constant 32 : i32
      %add3A_4153 = arith.addi %mul3A_4118, %add3A_4152 : i32
      %swap3A_4154 = arith.index_cast %add3A_4153 : i32 to index
      %swap3A_4155 = tpu.vector_load %arg8[%swap3A_4154] {strides = array<i32>} : memref<512xf32, #tpu.memory_space<vmem>>, vector<16xf32>,
      %swap3A_4156 = vector.shape_cast %swap3A_4155 : vector<16xf32> to vector<16xf32>
      %swap3A_4157 = vector.shape_cast %get3A_4151 : vector<16xf32> to vector<16xf32>
      tpu.vector_store %arg8[%swap3A_4154], %swap3A_4157 {add = true, strides = array<i32>} : memref<512xf32, #tpu.memory_space<vmem>>, vector<16xf32>,
      %mul3A_4158 = arith.constant 128 : i32
      %mul3A_4159 = arith.muli %add3A_4114, %mul3A_4158 : i32
      %add3A_4160 = arith.constant 48 : i32
      %add3A_4161 = arith.addi %mul3A_4159, %add3A_4160 : i32
      %get3A_4162 = arith.index_cast %add3A_4161 : i32 to index
      %get3A_4163 = tpu.vector_load %arg7[%get3A_4162] {strides = array<i32>} : memref<25600xf32, #tpu.memory_space<vmem>>, vector<16xf32>,
      %get3A_4164 = vector.shape_cast %get3A_4163 : vector<16xf32> to vector<16xf32>
      %add3A_4165 = arith.constant 48 : i32
      %add3A_4166 = arith.addi %mul3A_4118, %add3A_4165 : i32
      %swap3A_4167 = arith.index_cast %add3A_4166 : i32 to index
      %swap3A_4168 = tpu.vector_load %arg8[%swap3A_4167] {strides = array<i32>} : memref<512xf32, #tpu.memory_space<vmem>>, vector<16xf32>,
      %swap3A_4169 = vector.shape_cast %swap3A_4168 : vector<16xf32> to vector<16xf32>
      %swap3A_4170 = vector.shape_cast %get3A_4164 : vector<16xf32> to vector<16xf32>
      tpu.vector_store %arg8[%swap3A_4167], %swap3A_4170 {add = true, strides = array<i32>} : memref<512xf32, #tpu.memory_space<vmem>>, vector<16xf32>,
      %mul3A_4171 = arith.constant 128 : i32
      %mul3A_4172 = arith.muli %add3A_4114, %mul3A_4171 : i32
      %add3A_4173 = arith.constant 64 : i32
      %add3A_4174 = arith.addi %mul3A_4172, %add3A_4173 : i32
      %get3A_4175 = arith.index_cast %add3A_4174 : i32 to index
      %get3A_4176 = tpu.vector_load %arg7[%get3A_4175] {strides = array<i32>} : memref<25600xf32, #tpu.memory_space<vmem>>, vector<16xf32>,
      %get3A_4177 = vector.shape_cast %get3A_4176 : vector<16xf32> to vector<16xf32>
      %add3A_4178 = arith.constant 64 : i32
      %add3A_4179 = arith.addi %mul3A_4118, %add3A_4178 : i32
      %swap3A_4180 = arith.index_cast %add3A_4179 : i32 to index
      %swap3A_4181 = tpu.vector_load %arg8[%swap3A_4180] {strides = array<i32>} : memref<512xf32, #tpu.memory_space<vmem>>, vector<16xf32>,
      %swap3A_4182 = vector.shape_cast %swap3A_4181 : vector<16xf32> to vector<16xf32>
      %swap3A_4183 = vector.shape_cast %get3A_4177 : vector<16xf32> to vector<16xf32>
      tpu.vector_store %arg8[%swap3A_4180], %swap3A_4183 {add = true, strides = array<i32>} : memref<512xf32, #tpu.memory_space<vmem>>, vector<16xf32>,
      %mul3A_4184 = arith.constant 128 : i32
      %mul3A_4185 = arith.muli %add3A_4114, %mul3A_4184 : i32
      %add3A_4186 = arith.constant 80 : i32
      %add3A_4187 = arith.addi %mul3A_4185, %add3A_4186 : i32
      %get3A_4188 = arith.index_cast %add3A_4187 : i32 to index
      %get3A_4189 = tpu.vector_load %arg7[%get3A_4188] {strides = array<i32>} : memref<25600xf32, #tpu.memory_space<vmem>>, vector<16xf32>,
      %get3A_4190 = vector.shape_cast %get3A_4189 : vector<16xf32> to vector<16xf32>
      %add3A_4191 = arith.constant 80 : i32
      %add3A_4192 = arith.addi %mul3A_4118, %add3A_4191 : i32
      %swap3A_4193 = arith.index_cast %add3A_4192 : i32 to index
      %swap3A_4194 = tpu.vector_load %arg8[%swap3A_4193] {strides = array<i32>} : memref<512xf32, #tpu.memory_space<vmem>>, vector<16xf32>,
      %swap3A_4195 = vector.shape_cast %swap3A_4194 : vector<16xf32> to vector<16xf32>
      %swap3A_4196 = vector.shape_cast %get3A_4190 : vector<16xf32> to vector<16xf32>
      tpu.vector_store %arg8[%swap3A_4193], %swap3A_4196 {add = true, strides = array<i32>} : memref<512xf32, #tpu.memory_space<vmem>>, vector<16xf32>,
      %mul3A_4197 = arith.constant 128 : i32
      %mul3A_4198 = arith.muli %add3A_4114, %mul3A_4197 : i32
      %add3A_4199 = arith.constant 96 : i32
      %add3A_4200 = arith.addi %mul3A_4198, %add3A_4199 : i32
      %get3A_4201 = arith.index_cast %add3A_4200 : i32 to index
      %get3A_4202 = tpu.vector_load %arg7[%get3A_4201] {strides = array<i32>} : memref<25600xf32, #tpu.memory_space<vmem>>, vector<16xf32>,
      %get3A_4203 = vector.shape_cast %get3A_4202 : vector<16xf32> to vector<16xf32>
      %add3A_4204 = arith.constant 96 : i32
      %add3A_4205 = arith.addi %mul3A_4118, %add3A_4204 : i32
      %swap3A_4206 = arith.index_cast %add3A_4205 : i32 to index
      %swap3A_4207 = tpu.vector_load %arg8[%swap3A_4206] {strides = array<i32>} : memref<512xf32, #tpu.memory_space<vmem>>, vector<16xf32>,
      %swap3A_4208 = vector.shape_cast %swap3A_4207 : vector<16xf32> to vector<16xf32>
      %swap3A_4209 = vector.shape_cast %get3A_4203 : vector<16xf32> to vector<16xf32>
      tpu.vector_store %arg8[%swap3A_4206], %swap3A_4209 {add = true, strides = array<i32>} : memref<512xf32, #tpu.memory_space<vmem>>, vector<16xf32>,
      %mul3A_4210 = arith.constant 128 : i32
      %mul3A_4211 = arith.muli %add3A_4114, %mul3A_4210 : i32
      %add3A_4212 = arith.constant 112 : i32
      %add3A_4213 = arith.addi %mul3A_4211, %add3A_4212 : i32
      %get3A_4214 = arith.index_cast %add3A_4213 : i32 to index
      %get3A_4215 = tpu.vector_load %arg7[%get3A_4214] {strides = array<i32>} : memref<25600xf32, #tpu.memory_space<vmem>>, vector<16xf32>,
      %get3A_4216 = vector.shape_cast %get3A_4215 : vector<16xf32> to vector<16xf32>
      %add3A_4217 = arith.constant 112 : i32
      %add3A_4218 = arith.addi %mul3A_4118, %add3A_4217 : i32
      %swap3A_4219 = arith.index_cast %add3A_4218 : i32 to index
      %swap3A_4220 = tpu.vector_load %arg8[%swap3A_4219] {strides = array<i32>} : memref<512xf32, #tpu.memory_space<vmem>>, vector<16xf32>,
      %swap3A_4221 = vector.shape_cast %swap3A_4220 : vector<16xf32> to vector<16xf32>
      %swap3A_4222 = vector.shape_cast %get3A_4216 : vector<16xf32> to vector<16xf32>
      tpu.vector_store %arg8[%swap3A_4219], %swap3A_4222 {add = true, strides = array<i32>} : memref<512xf32, #tpu.memory_space<vmem>>, vector<16xf32>,
      %mul3A_4223 = arith.constant 10 : i32
      %mul3A_4224 = arith.muli %add3A_3044, %mul3A_4223 : i32
      %add3A_4225 = arith.constant 9 : i32
      %add3A_4226 = arith.addi %mul3A_4224, %add3A_4225 : i32
      %and3A_4227 = arith.constant 3 : i32
      %and3A_4228 = arith.andi %add3A_4226, %and3A_4227 : i32
      %mul3A_4229 = arith.constant 128 : i32
      %mul3A_4230 = arith.muli %and3A_4228, %mul3A_4229 : i32
      %mul3A_4231 = arith.constant 128 : i32
      %mul3A_4232 = arith.muli %add3A_4226, %mul3A_4231 : i32
      %add3A_4233 = arith.constant 0 : i32
      %add3A_4234 = arith.addi %mul3A_4232, %add3A_4233 : i32
      %get3A_4235 = arith.index_cast %add3A_4234 : i32 to index
      %get3A_4236 = tpu.vector_load %arg7[%get3A_4235] {strides = array<i32>} : memref<25600xf32, #tpu.memory_space<vmem>>, vector<16xf32>,
      %get3A_4237 = vector.shape_cast %get3A_4236 : vector<16xf32> to vector<16xf32>
      %add3A_4238 = arith.constant 0 : i32
      %add3A_4239 = arith.addi %mul3A_4230, %add3A_4238 : i32
      %swap3A_4240 = arith.index_cast %add3A_4239 : i32 to index
      %swap3A_4241 = tpu.vector_load %arg8[%swap3A_4240] {strides = array<i32>} : memref<512xf32, #tpu.memory_space<vmem>>, vector<16xf32>,
      %swap3A_4242 = vector.shape_cast %swap3A_4241 : vector<16xf32> to vector<16xf32>
      %swap3A_4243 = vector.shape_cast %get3A_4237 : vector<16xf32> to vector<16xf32>
      tpu.vector_store %arg8[%swap3A_4240], %swap3A_4243 {add = true, strides = array<i32>} : memref<512xf32, #tpu.memory_space<vmem>>, vector<16xf32>,
      %mul3A_4244 = arith.constant 128 : i32
      %mul3A_4245 = arith.muli %add3A_4226, %mul3A_4244 : i32
      %add3A_4246 = arith.constant 16 : i32
      %add3A_4247 = arith.addi %mul3A_4245, %add3A_4246 : i32
      %get3A_4248 = arith.index_cast %add3A_4247 : i32 to index
      %get3A_4249 = tpu.vector_load %arg7[%get3A_4248] {strides = array<i32>} : memref<25600xf32, #tpu.memory_space<vmem>>, vector<16xf32>,
      %get3A_4250 = vector.shape_cast %get3A_4249 : vector<16xf32> to vector<16xf32>
      %add3A_4251 = arith.constant 16 : i32
      %add3A_4252 = arith.addi %mul3A_4230, %add3A_4251 : i32
      %swap3A_4253 = arith.index_cast %add3A_4252 : i32 to index
      %swap3A_4254 = tpu.vector_load %arg8[%swap3A_4253] {strides = array<i32>} : memref<512xf32, #tpu.memory_space<vmem>>, vector<16xf32>,
      %swap3A_4255 = vector.shape_cast %swap3A_4254 : vector<16xf32> to vector<16xf32>
      %swap3A_4256 = vector.shape_cast %get3A_4250 : vector<16xf32> to vector<16xf32>
      tpu.vector_store %arg8[%swap3A_4253], %swap3A_4256 {add = true, strides = array<i32>} : memref<512xf32, #tpu.memory_space<vmem>>, vector<16xf32>,
      %mul3A_4257 = arith.constant 128 : i32
      %mul3A_4258 = arith.muli %add3A_4226, %mul3A_4257 : i32
      %add3A_4259 = arith.constant 32 : i32
      %add3A_4260 = arith.addi %mul3A_4258, %add3A_4259 : i32
      %get3A_4261 = arith.index_cast %add3A_4260 : i32 to index
      %get3A_4262 = tpu.vector_load %arg7[%get3A_4261] {strides = array<i32>} : memref<25600xf32, #tpu.memory_space<vmem>>, vector<16xf32>,
      %get3A_4263 = vector.shape_cast %get3A_4262 : vector<16xf32> to vector<16xf32>
      %add3A_4264 = arith.constant 32 : i32
      %add3A_4265 = arith.addi %mul3A_4230, %add3A_4264 : i32
      %swap3A_4266 = arith.index_cast %add3A_4265 : i32 to index
      %swap3A_4267 = tpu.vector_load %arg8[%swap3A_4266] {strides = array<i32>} : memref<512xf32, #tpu.memory_space<vmem>>, vector<16xf32>,
      %swap3A_4268 = vector.shape_cast %swap3A_4267 : vector<16xf32> to vector<16xf32>
      %swap3A_4269 = vector.shape_cast %get3A_4263 : vector<16xf32> to vector<16xf32>
      tpu.vector_store %arg8[%swap3A_4266], %swap3A_4269 {add = true, strides = array<i32>} : memref<512xf32, #tpu.memory_space<vmem>>, vector<16xf32>,
      %mul3A_4270 = arith.constant 128 : i32
      %mul3A_4271 = arith.muli %add3A_4226, %mul3A_4270 : i32
      %add3A_4272 = arith.constant 48 : i32
      %add3A_4273 = arith.addi %mul3A_4271, %add3A_4272 : i32
      %get3A_4274 = arith.index_cast %add3A_4273 : i32 to index
      %get3A_4275 = tpu.vector_load %arg7[%get3A_4274] {strides = array<i32>} : memref<25600xf32, #tpu.memory_space<vmem>>, vector<16xf32>,
      %get3A_4276 = vector.shape_cast %get3A_4275 : vector<16xf32> to vector<16xf32>
      %add3A_4277 = arith.constant 48 : i32
      %add3A_4278 = arith.addi %mul3A_4230, %add3A_4277 : i32
      %swap3A_4279 = arith.index_cast %add3A_4278 : i32 to index
      %swap3A_4280 = tpu.vector_load %arg8[%swap3A_4279] {strides = array<i32>} : memref<512xf32, #tpu.memory_space<vmem>>, vector<16xf32>,
      %swap3A_4281 = vector.shape_cast %swap3A_4280 : vector<16xf32> to vector<16xf32>
      %swap3A_4282 = vector.shape_cast %get3A_4276 : vector<16xf32> to vector<16xf32>
      tpu.vector_store %arg8[%swap3A_4279], %swap3A_4282 {add = true, strides = array<i32>} : memref<512xf32, #tpu.memory_space<vmem>>, vector<16xf32>,
      %mul3A_4283 = arith.constant 128 : i32
      %mul3A_4284 = arith.muli %add3A_4226, %mul3A_4283 : i32
      %add3A_4285 = arith.constant 64 : i32
      %add3A_4286 = arith.addi %mul3A_4284, %add3A_4285 : i32
      %get3A_4287 = arith.index_cast %add3A_4286 : i32 to index
      %get3A_4288 = tpu.vector_load %arg7[%get3A_4287] {strides = array<i32>} : memref<25600xf32, #tpu.memory_space<vmem>>, vector<16xf32>,
      %get3A_4289 = vector.shape_cast %get3A_4288 : vector<16xf32> to vector<16xf32>
      %add3A_4290 = arith.constant 64 : i32
      %add3A_4291 = arith.addi %mul3A_4230, %add3A_4290 : i32
      %swap3A_4292 = arith.index_cast %add3A_4291 : i32 to index
      %swap3A_4293 = tpu.vector_load %arg8[%swap3A_4292] {strides = array<i32>} : memref<512xf32, #tpu.memory_space<vmem>>, vector<16xf32>,
      %swap3A_4294 = vector.shape_cast %swap3A_4293 : vector<16xf32> to vector<16xf32>
      %swap3A_4295 = vector.shape_cast %get3A_4289 : vector<16xf32> to vector<16xf32>
      tpu.vector_store %arg8[%swap3A_4292], %swap3A_4295 {add = true, strides = array<i32>} : memref<512xf32, #tpu.memory_space<vmem>>, vector<16xf32>,
      %mul3A_4296 = arith.constant 128 : i32
      %mul3A_4297 = arith.muli %add3A_4226, %mul3A_4296 : i32
      %add3A_4298 = arith.constant 80 : i32
      %add3A_4299 = arith.addi %mul3A_4297, %add3A_4298 : i32
      %get3A_4300 = arith.index_cast %add3A_4299 : i32 to index
      %get3A_4301 = tpu.vector_load %arg7[%get3A_4300] {strides = array<i32>} : memref<25600xf32, #tpu.memory_space<vmem>>, vector<16xf32>,
      %get3A_4302 = vector.shape_cast %get3A_4301 : vector<16xf32> to vector<16xf32>
      %add3A_4303 = arith.constant 80 : i32
      %add3A_4304 = arith.addi %mul3A_4230, %add3A_4303 : i32
      %swap3A_4305 = arith.index_cast %add3A_4304 : i32 to index
      %swap3A_4306 = tpu.vector_load %arg8[%swap3A_4305] {strides = array<i32>} : memref<512xf32, #tpu.memory_space<vmem>>, vector<16xf32>,
      %swap3A_4307 = vector.shape_cast %swap3A_4306 : vector<16xf32> to vector<16xf32>
      %swap3A_4308 = vector.shape_cast %get3A_4302 : vector<16xf32> to vector<16xf32>
      tpu.vector_store %arg8[%swap3A_4305], %swap3A_4308 {add = true, strides = array<i32>} : memref<512xf32, #tpu.memory_space<vmem>>, vector<16xf32>,
      %mul3A_4309 = arith.constant 128 : i32
      %mul3A_4310 = arith.muli %add3A_4226, %mul3A_4309 : i32
      %add3A_4311 = arith.constant 96 : i32
      %add3A_4312 = arith.addi %mul3A_4310, %add3A_4311 : i32
      %get3A_4313 = arith.index_cast %add3A_4312 : i32 to index
      %get3A_4314 = tpu.vector_load %arg7[%get3A_4313] {strides = array<i32>} : memref<25600xf32, #tpu.memory_space<vmem>>, vector<16xf32>,
      %get3A_4315 = vector.shape_cast %get3A_4314 : vector<16xf32> to vector<16xf32>
      %add3A_4316 = arith.constant 96 : i32
      %add3A_4317 = arith.addi %mul3A_4230, %add3A_4316 : i32
      %swap3A_4318 = arith.index_cast %add3A_4317 : i32 to index
      %swap3A_4319 = tpu.vector_load %arg8[%swap3A_4318] {strides = array<i32>} : memref<512xf32, #tpu.memory_space<vmem>>, vector<16xf32>,
      %swap3A_4320 = vector.shape_cast %swap3A_4319 : vector<16xf32> to vector<16xf32>
      %swap3A_4321 = vector.shape_cast %get3A_4315 : vector<16xf32> to vector<16xf32>
      tpu.vector_store %arg8[%swap3A_4318], %swap3A_4321 {add = true, strides = array<i32>} : memref<512xf32, #tpu.memory_space<vmem>>, vector<16xf32>,
      %mul3A_4322 = arith.constant 128 : i32
      %mul3A_4323 = arith.muli %add3A_4226, %mul3A_4322 : i32
      %add3A_4324 = arith.constant 112 : i32
      %add3A_4325 = arith.addi %mul3A_4323, %add3A_4324 : i32
      %get3A_4326 = arith.index_cast %add3A_4325 : i32 to index
      %get3A_4327 = tpu.vector_load %arg7[%get3A_4326] {strides = array<i32>} : memref<25600xf32, #tpu.memory_space<vmem>>, vector<16xf32>,
      %get3A_4328 = vector.shape_cast %get3A_4327 : vector<16xf32> to vector<16xf32>
      %add3A_4329 = arith.constant 112 : i32
      %add3A_4330 = arith.addi %mul3A_4230, %add3A_4329 : i32
      %swap3A_4331 = arith.index_cast %add3A_4330 : i32 to index
      %swap3A_4332 = tpu.vector_load %arg8[%swap3A_4331] {strides = array<i32>} : memref<512xf32, #tpu.memory_space<vmem>>, vector<16xf32>,
      %swap3A_4333 = vector.shape_cast %swap3A_4332 : vector<16xf32> to vector<16xf32>
      %swap3A_4334 = vector.shape_cast %get3A_4328 : vector<16xf32> to vector<16xf32>
      tpu.vector_store %arg8[%swap3A_4331], %swap3A_4334 {add = true, strides = array<i32>} : memref<512xf32, #tpu.memory_space<vmem>>, vector<16xf32>,
      %add3A_4335 = arith.constant 3 : i32
      %add3A_4336 = arith.addi %mul3A_1582, %add3A_4335 : i32
      %mul3A_4337 = arith.constant 10 : i32
      %mul3A_4338 = arith.muli %add3A_4336, %mul3A_4337 : i32
      %add3A_4339 = arith.constant 0 : i32
      %add3A_4340 = arith.addi %mul3A_4338, %add3A_4339 : i32
      %shift_right_arithmetic3A_4341 = arith.constant 2 : i32
      %shift_right_arithmetic3A_4342 = arith.shrsi %add3A_4340, %shift_right_arithmetic3A_4341 : i32
      %and3A_4343 = arith.constant 3 : i32
      %and3A_4344 = arith.andi %add3A_4340, %and3A_4343 : i32
      %mul3A_4345 = arith.constant 128 : i32
      %mul3A_4346 = arith.muli %and3A_4344, %mul3A_4345 : i32
      %mul3A_4347 = arith.constant 128 : i32
      %mul3A_4348 = arith.muli %add3A_4340, %mul3A_4347 : i32
      %dma_start3A_4349 = tpu.memref_slice %arg7[%mul3A_4348] : memref<25600xf32, #tpu.memory_space<vmem>> -> memref<128xf32, #tpu.memory_space<vmem>>
      %dma_start3A_4350 = tpu.memref_slice %arg6[%shift_right_arithmetic3A_4342, %mul3A_4346] : memref<50x512xi32, #tpu.memory_space<vmem>> -> memref<1x128xi32, #tpu.memory_space<vmem>>
      %dma_start3A_4351 = tpu.memref_squeeze %dma_start3A_4350 : memref<1x128xi32, #tpu.memory_space<vmem>> -> memref<128xi32, #tpu.memory_space<vmem>>
      %dma_start3A_4352 = arith.constant 0 : i32
      %dma_start3A_4353 = tpu.memref_slice %arg3[%dma_start3A_4352] : memref<1048576xf32, #tpu.memory_space<hbm>> -> memref<1048576xf32, #tpu.memory_space<hbm>>
      tpu.enqueue_indirect_dma source(%dma_start3A_4353 : memref<1048576xf32, #tpu.memory_space<hbm>>) target(%dma_start3A_4349 : memref<128xf32, #tpu.memory_space<vmem>>) offsets(%dma_start3A_4351 : memref<128xi32, #tpu.memory_space<vmem>>) semaphore(%arg11 : memref<!tpu.dma_semaphore, #tpu.memory_space<semaphore_mem>>)
      %mul3A_4354 = arith.constant 10 : i32
      %mul3A_4355 = arith.muli %add3A_4336, %mul3A_4354 : i32
      %add3A_4356 = arith.constant 1 : i32
      %add3A_4357 = arith.addi %mul3A_4355, %add3A_4356 : i32
      %shift_right_arithmetic3A_4358 = arith.constant 2 : i32
      %shift_right_arithmetic3A_4359 = arith.shrsi %add3A_4357, %shift_right_arithmetic3A_4358 : i32
      %and3A_4360 = arith.constant 3 : i32
      %and3A_4361 = arith.andi %add3A_4357, %and3A_4360 : i32
      %mul3A_4362 = arith.constant 128 : i32
      %mul3A_4363 = arith.muli %and3A_4361, %mul3A_4362 : i32
      %mul3A_4364 = arith.constant 128 : i32
      %mul3A_4365 = arith.muli %add3A_4357, %mul3A_4364 : i32
      %dma_start3A_4366 = tpu.memref_slice %arg7[%mul3A_4365] : memref<25600xf32, #tpu.memory_space<vmem>> -> memref<128xf32, #tpu.memory_space<vmem>>
      %dma_start3A_4367 = tpu.memref_slice %arg6[%shift_right_arithmetic3A_4359, %mul3A_4363] : memref<50x512xi32, #tpu.memory_space<vmem>> -> memref<1x128xi32, #tpu.memory_space<vmem>>
      %dma_start3A_4368 = tpu.memref_squeeze %dma_start3A_4367 : memref<1x128xi32, #tpu.memory_space<vmem>> -> memref<128xi32, #tpu.memory_space<vmem>>
      %dma_start3A_4369 = arith.constant 0 : i32
      %dma_start3A_4370 = tpu.memref_slice %arg3[%dma_start3A_4369] : memref<1048576xf32, #tpu.memory_space<hbm>> -> memref<1048576xf32, #tpu.memory_space<hbm>>
      tpu.enqueue_indirect_dma source(%dma_start3A_4370 : memref<1048576xf32, #tpu.memory_space<hbm>>) target(%dma_start3A_4366 : memref<128xf32, #tpu.memory_space<vmem>>) offsets(%dma_start3A_4368 : memref<128xi32, #tpu.memory_space<vmem>>) semaphore(%arg11 : memref<!tpu.dma_semaphore, #tpu.memory_space<semaphore_mem>>)
      %mul3A_4371 = arith.constant 10 : i32
      %mul3A_4372 = arith.muli %add3A_4336, %mul3A_4371 : i32
      %add3A_4373 = arith.constant 2 : i32
      %add3A_4374 = arith.addi %mul3A_4372, %add3A_4373 : i32
      %shift_right_arithmetic3A_4375 = arith.constant 2 : i32
      %shift_right_arithmetic3A_4376 = arith.shrsi %add3A_4374, %shift_right_arithmetic3A_4375 : i32
      %and3A_4377 = arith.constant 3 : i32
      %and3A_4378 = arith.andi %add3A_4374, %and3A_4377 : i32
      %mul3A_4379 = arith.constant 128 : i32
      %mul3A_4380 = arith.muli %and3A_4378, %mul3A_4379 : i32
      %mul3A_4381 = arith.constant 128 : i32
      %mul3A_4382 = arith.muli %add3A_4374, %mul3A_4381 : i32
      %dma_start3A_4383 = tpu.memref_slice %arg7[%mul3A_4382] : memref<25600xf32, #tpu.memory_space<vmem>> -> memref<128xf32, #tpu.memory_space<vmem>>
      %dma_start3A_4384 = tpu.memref_slice %arg6[%shift_right_arithmetic3A_4376, %mul3A_4380] : memref<50x512xi32, #tpu.memory_space<vmem>> -> memref<1x128xi32, #tpu.memory_space<vmem>>
      %dma_start3A_4385 = tpu.memref_squeeze %dma_start3A_4384 : memref<1x128xi32, #tpu.memory_space<vmem>> -> memref<128xi32, #tpu.memory_space<vmem>>
      %dma_start3A_4386 = arith.constant 0 : i32
      %dma_start3A_4387 = tpu.memref_slice %arg3[%dma_start3A_4386] : memref<1048576xf32, #tpu.memory_space<hbm>> -> memref<1048576xf32, #tpu.memory_space<hbm>>
      tpu.enqueue_indirect_dma source(%dma_start3A_4387 : memref<1048576xf32, #tpu.memory_space<hbm>>) target(%dma_start3A_4383 : memref<128xf32, #tpu.memory_space<vmem>>) offsets(%dma_start3A_4385 : memref<128xi32, #tpu.memory_space<vmem>>) semaphore(%arg11 : memref<!tpu.dma_semaphore, #tpu.memory_space<semaphore_mem>>)
      %mul3A_4388 = arith.constant 10 : i32
      %mul3A_4389 = arith.muli %add3A_4336, %mul3A_4388 : i32
      %add3A_4390 = arith.constant 3 : i32
      %add3A_4391 = arith.addi %mul3A_4389, %add3A_4390 : i32
      %shift_right_arithmetic3A_4392 = arith.constant 2 : i32
      %shift_right_arithmetic3A_4393 = arith.shrsi %add3A_4391, %shift_right_arithmetic3A_4392 : i32
      %and3A_4394 = arith.constant 3 : i32
      %and3A_4395 = arith.andi %add3A_4391, %and3A_4394 : i32
      %mul3A_4396 = arith.constant 128 : i32
      %mul3A_4397 = arith.muli %and3A_4395, %mul3A_4396 : i32
      %mul3A_4398 = arith.constant 128 : i32
      %mul3A_4399 = arith.muli %add3A_4391, %mul3A_4398 : i32
      %dma_start3A_4400 = tpu.memref_slice %arg7[%mul3A_4399] : memref<25600xf32, #tpu.memory_space<vmem>> -> memref<128xf32, #tpu.memory_space<vmem>>
      %dma_start3A_4401 = tpu.memref_slice %arg6[%shift_right_arithmetic3A_4393, %mul3A_4397] : memref<50x512xi32, #tpu.memory_space<vmem>> -> memref<1x128xi32, #tpu.memory_space<vmem>>
      %dma_start3A_4402 = tpu.memref_squeeze %dma_start3A_4401 : memref<1x128xi32, #tpu.memory_space<vmem>> -> memref<128xi32, #tpu.memory_space<vmem>>
      %dma_start3A_4403 = arith.constant 0 : i32
      %dma_start3A_4404 = tpu.memref_slice %arg3[%dma_start3A_4403] : memref<1048576xf32, #tpu.memory_space<hbm>> -> memref<1048576xf32, #tpu.memory_space<hbm>>
      tpu.enqueue_indirect_dma source(%dma_start3A_4404 : memref<1048576xf32, #tpu.memory_space<hbm>>) target(%dma_start3A_4400 : memref<128xf32, #tpu.memory_space<vmem>>) offsets(%dma_start3A_4402 : memref<128xi32, #tpu.memory_space<vmem>>) semaphore(%arg11 : memref<!tpu.dma_semaphore, #tpu.memory_space<semaphore_mem>>)
      %mul3A_4405 = arith.constant 10 : i32
      %mul3A_4406 = arith.muli %add3A_4336, %mul3A_4405 : i32
      %add3A_4407 = arith.constant 4 : i32
      %add3A_4408 = arith.addi %mul3A_4406, %add3A_4407 : i32
      %shift_right_arithmetic3A_4409 = arith.constant 2 : i32
      %shift_right_arithmetic3A_4410 = arith.shrsi %add3A_4408, %shift_right_arithmetic3A_4409 : i32
      %and3A_4411 = arith.constant 3 : i32
      %and3A_4412 = arith.andi %add3A_4408, %and3A_4411 : i32
      %mul3A_4413 = arith.constant 128 : i32
      %mul3A_4414 = arith.muli %and3A_4412, %mul3A_4413 : i32
      %mul3A_4415 = arith.constant 128 : i32
      %mul3A_4416 = arith.muli %add3A_4408, %mul3A_4415 : i32
      %dma_start3A_4417 = tpu.memref_slice %arg7[%mul3A_4416] : memref<25600xf32, #tpu.memory_space<vmem>> -> memref<128xf32, #tpu.memory_space<vmem>>
      %dma_start3A_4418 = tpu.memref_slice %arg6[%shift_right_arithmetic3A_4410, %mul3A_4414] : memref<50x512xi32, #tpu.memory_space<vmem>> -> memref<1x128xi32, #tpu.memory_space<vmem>>
      %dma_start3A_4419 = tpu.memref_squeeze %dma_start3A_4418 : memref<1x128xi32, #tpu.memory_space<vmem>> -> memref<128xi32, #tpu.memory_space<vmem>>
      %dma_start3A_4420 = arith.constant 0 : i32
      %dma_start3A_4421 = tpu.memref_slice %arg3[%dma_start3A_4420] : memref<1048576xf32, #tpu.memory_space<hbm>> -> memref<1048576xf32, #tpu.memory_space<hbm>>
      tpu.enqueue_indirect_dma source(%dma_start3A_4421 : memref<1048576xf32, #tpu.memory_space<hbm>>) target(%dma_start3A_4417 : memref<128xf32, #tpu.memory_space<vmem>>) offsets(%dma_start3A_4419 : memref<128xi32, #tpu.memory_space<vmem>>) semaphore(%arg11 : memref<!tpu.dma_semaphore, #tpu.memory_space<semaphore_mem>>)
      %mul3A_4422 = arith.constant 10 : i32
      %mul3A_4423 = arith.muli %add3A_4336, %mul3A_4422 : i32
      %add3A_4424 = arith.constant 5 : i32
      %add3A_4425 = arith.addi %mul3A_4423, %add3A_4424 : i32
      %shift_right_arithmetic3A_4426 = arith.constant 2 : i32
      %shift_right_arithmetic3A_4427 = arith.shrsi %add3A_4425, %shift_right_arithmetic3A_4426 : i32
      %and3A_4428 = arith.constant 3 : i32
      %and3A_4429 = arith.andi %add3A_4425, %and3A_4428 : i32
      %mul3A_4430 = arith.constant 128 : i32
      %mul3A_4431 = arith.muli %and3A_4429, %mul3A_4430 : i32
      %mul3A_4432 = arith.constant 128 : i32
      %mul3A_4433 = arith.muli %add3A_4425, %mul3A_4432 : i32
      %dma_start3A_4434 = tpu.memref_slice %arg7[%mul3A_4433] : memref<25600xf32, #tpu.memory_space<vmem>> -> memref<128xf32, #tpu.memory_space<vmem>>
      %dma_start3A_4435 = tpu.memref_slice %arg6[%shift_right_arithmetic3A_4427, %mul3A_4431] : memref<50x512xi32, #tpu.memory_space<vmem>> -> memref<1x128xi32, #tpu.memory_space<vmem>>
      %dma_start3A_4436 = tpu.memref_squeeze %dma_start3A_4435 : memref<1x128xi32, #tpu.memory_space<vmem>> -> memref<128xi32, #tpu.memory_space<vmem>>
      %dma_start3A_4437 = arith.constant 0 : i32
      %dma_start3A_4438 = tpu.memref_slice %arg3[%dma_start3A_4437] : memref<1048576xf32, #tpu.memory_space<hbm>> -> memref<1048576xf32, #tpu.memory_space<hbm>>
      tpu.enqueue_indirect_dma source(%dma_start3A_4438 : memref<1048576xf32, #tpu.memory_space<hbm>>) target(%dma_start3A_4434 : memref<128xf32, #tpu.memory_space<vmem>>) offsets(%dma_start3A_4436 : memref<128xi32, #tpu.memory_space<vmem>>) semaphore(%arg11 : memref<!tpu.dma_semaphore, #tpu.memory_space<semaphore_mem>>)
      %mul3A_4439 = arith.constant 10 : i32
      %mul3A_4440 = arith.muli %add3A_4336, %mul3A_4439 : i32
      %add3A_4441 = arith.constant 6 : i32
      %add3A_4442 = arith.addi %mul3A_4440, %add3A_4441 : i32
      %shift_right_arithmetic3A_4443 = arith.constant 2 : i32
      %shift_right_arithmetic3A_4444 = arith.shrsi %add3A_4442, %shift_right_arithmetic3A_4443 : i32
      %and3A_4445 = arith.constant 3 : i32
      %and3A_4446 = arith.andi %add3A_4442, %and3A_4445 : i32
      %mul3A_4447 = arith.constant 128 : i32
      %mul3A_4448 = arith.muli %and3A_4446, %mul3A_4447 : i32
      %mul3A_4449 = arith.constant 128 : i32
      %mul3A_4450 = arith.muli %add3A_4442, %mul3A_4449 : i32
      %dma_start3A_4451 = tpu.memref_slice %arg7[%mul3A_4450] : memref<25600xf32, #tpu.memory_space<vmem>> -> memref<128xf32, #tpu.memory_space<vmem>>
      %dma_start3A_4452 = tpu.memref_slice %arg6[%shift_right_arithmetic3A_4444, %mul3A_4448] : memref<50x512xi32, #tpu.memory_space<vmem>> -> memref<1x128xi32, #tpu.memory_space<vmem>>
      %dma_start3A_4453 = tpu.memref_squeeze %dma_start3A_4452 : memref<1x128xi32, #tpu.memory_space<vmem>> -> memref<128xi32, #tpu.memory_space<vmem>>
      %dma_start3A_4454 = arith.constant 0 : i32
      %dma_start3A_4455 = tpu.memref_slice %arg3[%dma_start3A_4454] : memref<1048576xf32, #tpu.memory_space<hbm>> -> memref<1048576xf32, #tpu.memory_space<hbm>>
      tpu.enqueue_indirect_dma source(%dma_start3A_4455 : memref<1048576xf32, #tpu.memory_space<hbm>>) target(%dma_start3A_4451 : memref<128xf32, #tpu.memory_space<vmem>>) offsets(%dma_start3A_4453 : memref<128xi32, #tpu.memory_space<vmem>>) semaphore(%arg11 : memref<!tpu.dma_semaphore, #tpu.memory_space<semaphore_mem>>)
      %mul3A_4456 = arith.constant 10 : i32
      %mul3A_4457 = arith.muli %add3A_4336, %mul3A_4456 : i32
      %add3A_4458 = arith.constant 7 : i32
      %add3A_4459 = arith.addi %mul3A_4457, %add3A_4458 : i32
      %shift_right_arithmetic3A_4460 = arith.constant 2 : i32
      %shift_right_arithmetic3A_4461 = arith.shrsi %add3A_4459, %shift_right_arithmetic3A_4460 : i32
      %and3A_4462 = arith.constant 3 : i32
      %and3A_4463 = arith.andi %add3A_4459, %and3A_4462 : i32
      %mul3A_4464 = arith.constant 128 : i32
      %mul3A_4465 = arith.muli %and3A_4463, %mul3A_4464 : i32
      %mul3A_4466 = arith.constant 128 : i32
      %mul3A_4467 = arith.muli %add3A_4459, %mul3A_4466 : i32
      %dma_start3A_4468 = tpu.memref_slice %arg7[%mul3A_4467] : memref<25600xf32, #tpu.memory_space<vmem>> -> memref<128xf32, #tpu.memory_space<vmem>>
      %dma_start3A_4469 = tpu.memref_slice %arg6[%shift_right_arithmetic3A_4461, %mul3A_4465] : memref<50x512xi32, #tpu.memory_space<vmem>> -> memref<1x128xi32, #tpu.memory_space<vmem>>
      %dma_start3A_4470 = tpu.memref_squeeze %dma_start3A_4469 : memref<1x128xi32, #tpu.memory_space<vmem>> -> memref<128xi32, #tpu.memory_space<vmem>>
      %dma_start3A_4471 = arith.constant 0 : i32
      %dma_start3A_4472 = tpu.memref_slice %arg3[%dma_start3A_4471] : memref<1048576xf32, #tpu.memory_space<hbm>> -> memref<1048576xf32, #tpu.memory_space<hbm>>
      tpu.enqueue_indirect_dma source(%dma_start3A_4472 : memref<1048576xf32, #tpu.memory_space<hbm>>) target(%dma_start3A_4468 : memref<128xf32, #tpu.memory_space<vmem>>) offsets(%dma_start3A_4470 : memref<128xi32, #tpu.memory_space<vmem>>) semaphore(%arg11 : memref<!tpu.dma_semaphore, #tpu.memory_space<semaphore_mem>>)
      %mul3A_4473 = arith.constant 10 : i32
      %mul3A_4474 = arith.muli %add3A_4336, %mul3A_4473 : i32
      %add3A_4475 = arith.constant 8 : i32
      %add3A_4476 = arith.addi %mul3A_4474, %add3A_4475 : i32
      %shift_right_arithmetic3A_4477 = arith.constant 2 : i32
      %shift_right_arithmetic3A_4478 = arith.shrsi %add3A_4476, %shift_right_arithmetic3A_4477 : i32
      %and3A_4479 = arith.constant 3 : i32
      %and3A_4480 = arith.andi %add3A_4476, %and3A_4479 : i32
      %mul3A_4481 = arith.constant 128 : i32
      %mul3A_4482 = arith.muli %and3A_4480, %mul3A_4481 : i32
      %mul3A_4483 = arith.constant 128 : i32
      %mul3A_4484 = arith.muli %add3A_4476, %mul3A_4483 : i32
      %dma_start3A_4485 = tpu.memref_slice %arg7[%mul3A_4484] : memref<25600xf32, #tpu.memory_space<vmem>> -> memref<128xf32, #tpu.memory_space<vmem>>
      %dma_start3A_4486 = tpu.memref_slice %arg6[%shift_right_arithmetic3A_4478, %mul3A_4482] : memref<50x512xi32, #tpu.memory_space<vmem>> -> memref<1x128xi32, #tpu.memory_space<vmem>>
      %dma_start3A_4487 = tpu.memref_squeeze %dma_start3A_4486 : memref<1x128xi32, #tpu.memory_space<vmem>> -> memref<128xi32, #tpu.memory_space<vmem>>
      %dma_start3A_4488 = arith.constant 0 : i32
      %dma_start3A_4489 = tpu.memref_slice %arg3[%dma_start3A_4488] : memref<1048576xf32, #tpu.memory_space<hbm>> -> memref<1048576xf32, #tpu.memory_space<hbm>>
      tpu.enqueue_indirect_dma source(%dma_start3A_4489 : memref<1048576xf32, #tpu.memory_space<hbm>>) target(%dma_start3A_4485 : memref<128xf32, #tpu.memory_space<vmem>>) offsets(%dma_start3A_4487 : memref<128xi32, #tpu.memory_space<vmem>>) semaphore(%arg11 : memref<!tpu.dma_semaphore, #tpu.memory_space<semaphore_mem>>)
      %mul3A_4490 = arith.constant 10 : i32
      %mul3A_4491 = arith.muli %add3A_4336, %mul3A_4490 : i32
      %add3A_4492 = arith.constant 9 : i32
      %add3A_4493 = arith.addi %mul3A_4491, %add3A_4492 : i32
      %shift_right_arithmetic3A_4494 = arith.constant 2 : i32
      %shift_right_arithmetic3A_4495 = arith.shrsi %add3A_4493, %shift_right_arithmetic3A_4494 : i32
      %and3A_4496 = arith.constant 3 : i32
      %and3A_4497 = arith.andi %add3A_4493, %and3A_4496 : i32
      %mul3A_4498 = arith.constant 128 : i32
      %mul3A_4499 = arith.muli %and3A_4497, %mul3A_4498 : i32
      %mul3A_4500 = arith.constant 128 : i32
      %mul3A_4501 = arith.muli %add3A_4493, %mul3A_4500 : i32
      %dma_start3A_4502 = tpu.memref_slice %arg7[%mul3A_4501] : memref<25600xf32, #tpu.memory_space<vmem>> -> memref<128xf32, #tpu.memory_space<vmem>>
      %dma_start3A_4503 = tpu.memref_slice %arg6[%shift_right_arithmetic3A_4495, %mul3A_4499] : memref<50x512xi32, #tpu.memory_space<vmem>> -> memref<1x128xi32, #tpu.memory_space<vmem>>
      %dma_start3A_4504 = tpu.memref_squeeze %dma_start3A_4503 : memref<1x128xi32, #tpu.memory_space<vmem>> -> memref<128xi32, #tpu.memory_space<vmem>>
      %dma_start3A_4505 = arith.constant 0 : i32
      %dma_start3A_4506 = tpu.memref_slice %arg3[%dma_start3A_4505] : memref<1048576xf32, #tpu.memory_space<hbm>> -> memref<1048576xf32, #tpu.memory_space<hbm>>
      tpu.enqueue_indirect_dma source(%dma_start3A_4506 : memref<1048576xf32, #tpu.memory_space<hbm>>) target(%dma_start3A_4502 : memref<128xf32, #tpu.memory_space<vmem>>) offsets(%dma_start3A_4504 : memref<128xi32, #tpu.memory_space<vmem>>) semaphore(%arg11 : memref<!tpu.dma_semaphore, #tpu.memory_space<semaphore_mem>>)
    }
    %scan3A_294 = arith.constant 9 : i32
    %dma_wait3A = arith.constant 45 : i32
    %dma_wait3A_295 = arith.constant 23040 : i32
    %dma_wait3A_296 = tpu.memref_slice %arg7[%dma_wait3A_295] : memref<25600xf32, #tpu.memory_space<vmem>> -> memref<128xf32, #tpu.memory_space<vmem>>
    %dma_wait3A_297 = arith.constant 0 : i32
    %dma_wait3A_298 = tpu.memref_slice %arg6[%dma_wait3A, %dma_wait3A_297] : memref<50x512xi32, #tpu.memory_space<vmem>> -> memref<1x128xi32, #tpu.memory_space<vmem>>
    %dma_wait3A_299 = tpu.memref_squeeze %dma_wait3A_298 : memref<1x128xi32, #tpu.memory_space<vmem>> -> memref<128xi32, #tpu.memory_space<vmem>>
    %dma_wait3A_300 = arith.constant 0 : i32
    %dma_wait3A_301 = tpu.memref_slice %arg3[%dma_wait3A_300] : memref<1048576xf32, #tpu.memory_space<hbm>> -> memref<1048576xf32, #tpu.memory_space<hbm>>
    tpu.wait_indirect_dma semaphore(%arg10 : memref<!tpu.dma_semaphore, #tpu.memory_space<semaphore_mem>>) src(%dma_wait3A_301 : memref<1048576xf32, #tpu.memory_space<hbm>>) dst(%dma_wait3A_296 : memref<128xf32, #tpu.memory_space<vmem>>)
    %dma_wait3A_302 = arith.constant 45 : i32
    %dma_wait3A_303 = arith.constant 23168 : i32
    %dma_wait3A_304 = tpu.memref_slice %arg7[%dma_wait3A_303] : memref<25600xf32, #tpu.memory_space<vmem>> -> memref<128xf32, #tpu.memory_space<vmem>>
    %dma_wait3A_305 = arith.constant 128 : i32
    %dma_wait3A_306 = tpu.memref_slice %arg6[%dma_wait3A_302, %dma_wait3A_305] : memref<50x512xi32, #tpu.memory_space<vmem>> -> memref<1x128xi32, #tpu.memory_space<vmem>>
    %dma_wait3A_307 = tpu.memref_squeeze %dma_wait3A_306 : memref<1x128xi32, #tpu.memory_space<vmem>> -> memref<128xi32, #tpu.memory_space<vmem>>
    %dma_wait3A_308 = arith.constant 0 : i32
    %dma_wait3A_309 = tpu.memref_slice %arg3[%dma_wait3A_308] : memref<1048576xf32, #tpu.memory_space<hbm>> -> memref<1048576xf32, #tpu.memory_space<hbm>>
    tpu.wait_indirect_dma semaphore(%arg10 : memref<!tpu.dma_semaphore, #tpu.memory_space<semaphore_mem>>) src(%dma_wait3A_309 : memref<1048576xf32, #tpu.memory_space<hbm>>) dst(%dma_wait3A_304 : memref<128xf32, #tpu.memory_space<vmem>>)
    %dma_wait3A_310 = arith.constant 45 : i32
    %dma_wait3A_311 = arith.constant 23296 : i32
    %dma_wait3A_312 = tpu.memref_slice %arg7[%dma_wait3A_311] : memref<25600xf32, #tpu.memory_space<vmem>> -> memref<128xf32, #tpu.memory_space<vmem>>
    %dma_wait3A_313 = arith.constant 256 : i32
    %dma_wait3A_314 = tpu.memref_slice %arg6[%dma_wait3A_310, %dma_wait3A_313] : memref<50x512xi32, #tpu.memory_space<vmem>> -> memref<1x128xi32, #tpu.memory_space<vmem>>
    %dma_wait3A_315 = tpu.memref_squeeze %dma_wait3A_314 : memref<1x128xi32, #tpu.memory_space<vmem>> -> memref<128xi32, #tpu.memory_space<vmem>>
    %dma_wait3A_316 = arith.constant 0 : i32
    %dma_wait3A_317 = tpu.memref_slice %arg3[%dma_wait3A_316] : memref<1048576xf32, #tpu.memory_space<hbm>> -> memref<1048576xf32, #tpu.memory_space<hbm>>
    tpu.wait_indirect_dma semaphore(%arg10 : memref<!tpu.dma_semaphore, #tpu.memory_space<semaphore_mem>>) src(%dma_wait3A_317 : memref<1048576xf32, #tpu.memory_space<hbm>>) dst(%dma_wait3A_312 : memref<128xf32, #tpu.memory_space<vmem>>)
    %dma_wait3A_318 = arith.constant 45 : i32
    %dma_wait3A_319 = arith.constant 23424 : i32
    %dma_wait3A_320 = tpu.memref_slice %arg7[%dma_wait3A_319] : memref<25600xf32, #tpu.memory_space<vmem>> -> memref<128xf32, #tpu.memory_space<vmem>>
    %dma_wait3A_321 = arith.constant 384 : i32
    %dma_wait3A_322 = tpu.memref_slice %arg6[%dma_wait3A_318, %dma_wait3A_321] : memref<50x512xi32, #tpu.memory_space<vmem>> -> memref<1x128xi32, #tpu.memory_space<vmem>>
    %dma_wait3A_323 = tpu.memref_squeeze %dma_wait3A_322 : memref<1x128xi32, #tpu.memory_space<vmem>> -> memref<128xi32, #tpu.memory_space<vmem>>
    %dma_wait3A_324 = arith.constant 0 : i32
    %dma_wait3A_325 = tpu.memref_slice %arg3[%dma_wait3A_324] : memref<1048576xf32, #tpu.memory_space<hbm>> -> memref<1048576xf32, #tpu.memory_space<hbm>>
    tpu.wait_indirect_dma semaphore(%arg10 : memref<!tpu.dma_semaphore, #tpu.memory_space<semaphore_mem>>) src(%dma_wait3A_325 : memref<1048576xf32, #tpu.memory_space<hbm>>) dst(%dma_wait3A_320 : memref<128xf32, #tpu.memory_space<vmem>>)
    %dma_wait3A_326 = arith.constant 46 : i32
    %dma_wait3A_327 = arith.constant 23552 : i32
    %dma_wait3A_328 = tpu.memref_slice %arg7[%dma_wait3A_327] : memref<25600xf32, #tpu.memory_space<vmem>> -> memref<128xf32, #tpu.memory_space<vmem>>
    %dma_wait3A_329 = arith.constant 0 : i32
    %dma_wait3A_330 = tpu.memref_slice %arg6[%dma_wait3A_326, %dma_wait3A_329] : memref<50x512xi32, #tpu.memory_space<vmem>> -> memref<1x128xi32, #tpu.memory_space<vmem>>
    %dma_wait3A_331 = tpu.memref_squeeze %dma_wait3A_330 : memref<1x128xi32, #tpu.memory_space<vmem>> -> memref<128xi32, #tpu.memory_space<vmem>>
    %dma_wait3A_332 = arith.constant 0 : i32
    %dma_wait3A_333 = tpu.memref_slice %arg3[%dma_wait3A_332] : memref<1048576xf32, #tpu.memory_space<hbm>> -> memref<1048576xf32, #tpu.memory_space<hbm>>
    tpu.wait_indirect_dma semaphore(%arg10 : memref<!tpu.dma_semaphore, #tpu.memory_space<semaphore_mem>>) src(%dma_wait3A_333 : memref<1048576xf32, #tpu.memory_space<hbm>>) dst(%dma_wait3A_328 : memref<128xf32, #tpu.memory_space<vmem>>)
    %dma_wait3A_334 = arith.constant 46 : i32
    %dma_wait3A_335 = arith.constant 23680 : i32
    %dma_wait3A_336 = tpu.memref_slice %arg7[%dma_wait3A_335] : memref<25600xf32, #tpu.memory_space<vmem>> -> memref<128xf32, #tpu.memory_space<vmem>>
    %dma_wait3A_337 = arith.constant 128 : i32
    %dma_wait3A_338 = tpu.memref_slice %arg6[%dma_wait3A_334, %dma_wait3A_337] : memref<50x512xi32, #tpu.memory_space<vmem>> -> memref<1x128xi32, #tpu.memory_space<vmem>>
    %dma_wait3A_339 = tpu.memref_squeeze %dma_wait3A_338 : memref<1x128xi32, #tpu.memory_space<vmem>> -> memref<128xi32, #tpu.memory_space<vmem>>
    %dma_wait3A_340 = arith.constant 0 : i32
    %dma_wait3A_341 = tpu.memref_slice %arg3[%dma_wait3A_340] : memref<1048576xf32, #tpu.memory_space<hbm>> -> memref<1048576xf32, #tpu.memory_space<hbm>>
    tpu.wait_indirect_dma semaphore(%arg10 : memref<!tpu.dma_semaphore, #tpu.memory_space<semaphore_mem>>) src(%dma_wait3A_341 : memref<1048576xf32, #tpu.memory_space<hbm>>) dst(%dma_wait3A_336 : memref<128xf32, #tpu.memory_space<vmem>>)
    %dma_wait3A_342 = arith.constant 46 : i32
    %dma_wait3A_343 = arith.constant 23808 : i32
    %dma_wait3A_344 = tpu.memref_slice %arg7[%dma_wait3A_343] : memref<25600xf32, #tpu.memory_space<vmem>> -> memref<128xf32, #tpu.memory_space<vmem>>
    %dma_wait3A_345 = arith.constant 256 : i32
    %dma_wait3A_346 = tpu.memref_slice %arg6[%dma_wait3A_342, %dma_wait3A_345] : memref<50x512xi32, #tpu.memory_space<vmem>> -> memref<1x128xi32, #tpu.memory_space<vmem>>
    %dma_wait3A_347 = tpu.memref_squeeze %dma_wait3A_346 : memref<1x128xi32, #tpu.memory_space<vmem>> -> memref<128xi32, #tpu.memory_space<vmem>>
    %dma_wait3A_348 = arith.constant 0 : i32
    %dma_wait3A_349 = tpu.memref_slice %arg3[%dma_wait3A_348] : memref<1048576xf32, #tpu.memory_space<hbm>> -> memref<1048576xf32, #tpu.memory_space<hbm>>
    tpu.wait_indirect_dma semaphore(%arg10 : memref<!tpu.dma_semaphore, #tpu.memory_space<semaphore_mem>>) src(%dma_wait3A_349 : memref<1048576xf32, #tpu.memory_space<hbm>>) dst(%dma_wait3A_344 : memref<128xf32, #tpu.memory_space<vmem>>)
    %dma_wait3A_350 = arith.constant 46 : i32
    %dma_wait3A_351 = arith.constant 23936 : i32
    %dma_wait3A_352 = tpu.memref_slice %arg7[%dma_wait3A_351] : memref<25600xf32, #tpu.memory_space<vmem>> -> memref<128xf32, #tpu.memory_space<vmem>>
    %dma_wait3A_353 = arith.constant 384 : i32
    %dma_wait3A_354 = tpu.memref_slice %arg6[%dma_wait3A_350, %dma_wait3A_353] : memref<50x512xi32, #tpu.memory_space<vmem>> -> memref<1x128xi32, #tpu.memory_space<vmem>>
    %dma_wait3A_355 = tpu.memref_squeeze %dma_wait3A_354 : memref<1x128xi32, #tpu.memory_space<vmem>> -> memref<128xi32, #tpu.memory_space<vmem>>
    %dma_wait3A_356 = arith.constant 0 : i32
    %dma_wait3A_357 = tpu.memref_slice %arg3[%dma_wait3A_356] : memref<1048576xf32, #tpu.memory_space<hbm>> -> memref<1048576xf32, #tpu.memory_space<hbm>>
    tpu.wait_indirect_dma semaphore(%arg10 : memref<!tpu.dma_semaphore, #tpu.memory_space<semaphore_mem>>) src(%dma_wait3A_357 : memref<1048576xf32, #tpu.memory_space<hbm>>) dst(%dma_wait3A_352 : memref<128xf32, #tpu.memory_space<vmem>>)
    %dma_wait3A_358 = arith.constant 47 : i32
    %dma_wait3A_359 = arith.constant 24064 : i32
    %dma_wait3A_360 = tpu.memref_slice %arg7[%dma_wait3A_359] : memref<25600xf32, #tpu.memory_space<vmem>> -> memref<128xf32, #tpu.memory_space<vmem>>
    %dma_wait3A_361 = arith.constant 0 : i32
    %dma_wait3A_362 = tpu.memref_slice %arg6[%dma_wait3A_358, %dma_wait3A_361] : memref<50x512xi32, #tpu.memory_space<vmem>> -> memref<1x128xi32, #tpu.memory_space<vmem>>
    %dma_wait3A_363 = tpu.memref_squeeze %dma_wait3A_362 : memref<1x128xi32, #tpu.memory_space<vmem>> -> memref<128xi32, #tpu.memory_space<vmem>>
    %dma_wait3A_364 = arith.constant 0 : i32
    %dma_wait3A_365 = tpu.memref_slice %arg3[%dma_wait3A_364] : memref<1048576xf32, #tpu.memory_space<hbm>> -> memref<1048576xf32, #tpu.memory_space<hbm>>
    tpu.wait_indirect_dma semaphore(%arg10 : memref<!tpu.dma_semaphore, #tpu.memory_space<semaphore_mem>>) src(%dma_wait3A_365 : memref<1048576xf32, #tpu.memory_space<hbm>>) dst(%dma_wait3A_360 : memref<128xf32, #tpu.memory_space<vmem>>)
    %dma_wait3A_366 = arith.constant 47 : i32
    %dma_wait3A_367 = arith.constant 24192 : i32
    %dma_wait3A_368 = tpu.memref_slice %arg7[%dma_wait3A_367] : memref<25600xf32, #tpu.memory_space<vmem>> -> memref<128xf32, #tpu.memory_space<vmem>>
    %dma_wait3A_369 = arith.constant 128 : i32
    %dma_wait3A_370 = tpu.memref_slice %arg6[%dma_wait3A_366, %dma_wait3A_369] : memref<50x512xi32, #tpu.memory_space<vmem>> -> memref<1x128xi32, #tpu.memory_space<vmem>>
    %dma_wait3A_371 = tpu.memref_squeeze %dma_wait3A_370 : memref<1x128xi32, #tpu.memory_space<vmem>> -> memref<128xi32, #tpu.memory_space<vmem>>
    %dma_wait3A_372 = arith.constant 0 : i32
    %dma_wait3A_373 = tpu.memref_slice %arg3[%dma_wait3A_372] : memref<1048576xf32, #tpu.memory_space<hbm>> -> memref<1048576xf32, #tpu.memory_space<hbm>>
    tpu.wait_indirect_dma semaphore(%arg10 : memref<!tpu.dma_semaphore, #tpu.memory_space<semaphore_mem>>) src(%dma_wait3A_373 : memref<1048576xf32, #tpu.memory_space<hbm>>) dst(%dma_wait3A_368 : memref<128xf32, #tpu.memory_space<vmem>>)
    %get3A_374 = arith.constant 23040 : index
    %get3A_375 = tpu.vector_load %arg7[%get3A_374] {strides = array<i32>} : memref<25600xf32, #tpu.memory_space<vmem>>, vector<16xf32>,
    %get3A_376 = vector.shape_cast %get3A_375 : vector<16xf32> to vector<16xf32>
    %swap3A_377 = arith.constant 0 : index
    %swap3A_378 = tpu.vector_load %arg8[%swap3A_377] {strides = array<i32>} : memref<512xf32, #tpu.memory_space<vmem>>, vector<16xf32>,
    %swap3A_379 = vector.shape_cast %swap3A_378 : vector<16xf32> to vector<16xf32>
    %swap3A_380 = vector.shape_cast %get3A_376 : vector<16xf32> to vector<16xf32>
    tpu.vector_store %arg8[%swap3A_377], %swap3A_380 {add = true, strides = array<i32>} : memref<512xf32, #tpu.memory_space<vmem>>, vector<16xf32>,
    %get3A_381 = arith.constant 23056 : index
    %get3A_382 = tpu.vector_load %arg7[%get3A_381] {strides = array<i32>} : memref<25600xf32, #tpu.memory_space<vmem>>, vector<16xf32>,
    %get3A_383 = vector.shape_cast %get3A_382 : vector<16xf32> to vector<16xf32>
    %swap3A_384 = arith.constant 16 : index
    %swap3A_385 = tpu.vector_load %arg8[%swap3A_384] {strides = array<i32>} : memref<512xf32, #tpu.memory_space<vmem>>, vector<16xf32>,
    %swap3A_386 = vector.shape_cast %swap3A_385 : vector<16xf32> to vector<16xf32>
    %swap3A_387 = vector.shape_cast %get3A_383 : vector<16xf32> to vector<16xf32>
    tpu.vector_store %arg8[%swap3A_384], %swap3A_387 {add = true, strides = array<i32>} : memref<512xf32, #tpu.memory_space<vmem>>, vector<16xf32>,
    %get3A_388 = arith.constant 23072 : index
    %get3A_389 = tpu.vector_load %arg7[%get3A_388] {strides = array<i32>} : memref<25600xf32, #tpu.memory_space<vmem>>, vector<16xf32>,
    %get3A_390 = vector.shape_cast %get3A_389 : vector<16xf32> to vector<16xf32>
    %swap3A_391 = arith.constant 32 : index
    %swap3A_392 = tpu.vector_load %arg8[%swap3A_391] {strides = array<i32>} : memref<512xf32, #tpu.memory_space<vmem>>, vector<16xf32>,
    %swap3A_393 = vector.shape_cast %swap3A_392 : vector<16xf32> to vector<16xf32>
    %swap3A_394 = vector.shape_cast %get3A_390 : vector<16xf32> to vector<16xf32>
    tpu.vector_store %arg8[%swap3A_391], %swap3A_394 {add = true, strides = array<i32>} : memref<512xf32, #tpu.memory_space<vmem>>, vector<16xf32>,
    %get3A_395 = arith.constant 23088 : index
    %get3A_396 = tpu.vector_load %arg7[%get3A_395] {strides = array<i32>} : memref<25600xf32, #tpu.memory_space<vmem>>, vector<16xf32>,
    %get3A_397 = vector.shape_cast %get3A_396 : vector<16xf32> to vector<16xf32>
    %swap3A_398 = arith.constant 48 : index
    %swap3A_399 = tpu.vector_load %arg8[%swap3A_398] {strides = array<i32>} : memref<512xf32, #tpu.memory_space<vmem>>, vector<16xf32>,
    %swap3A_400 = vector.shape_cast %swap3A_399 : vector<16xf32> to vector<16xf32>
    %swap3A_401 = vector.shape_cast %get3A_397 : vector<16xf32> to vector<16xf32>
    tpu.vector_store %arg8[%swap3A_398], %swap3A_401 {add = true, strides = array<i32>} : memref<512xf32, #tpu.memory_space<vmem>>, vector<16xf32>,
    %get3A_402 = arith.constant 23104 : index
    %get3A_403 = tpu.vector_load %arg7[%get3A_402] {strides = array<i32>} : memref<25600xf32, #tpu.memory_space<vmem>>, vector<16xf32>,
    %get3A_404 = vector.shape_cast %get3A_403 : vector<16xf32> to vector<16xf32>
    %swap3A_405 = arith.constant 64 : index
    %swap3A_406 = tpu.vector_load %arg8[%swap3A_405] {strides = array<i32>} : memref<512xf32, #tpu.memory_space<vmem>>, vector<16xf32>,
    %swap3A_407 = vector.shape_cast %swap3A_406 : vector<16xf32> to vector<16xf32>
    %swap3A_408 = vector.shape_cast %get3A_404 : vector<16xf32> to vector<16xf32>
    tpu.vector_store %arg8[%swap3A_405], %swap3A_408 {add = true, strides = array<i32>} : memref<512xf32, #tpu.memory_space<vmem>>, vector<16xf32>,
    %get3A_409 = arith.constant 23120 : index
    %get3A_410 = tpu.vector_load %arg7[%get3A_409] {strides = array<i32>} : memref<25600xf32, #tpu.memory_space<vmem>>, vector<16xf32>,
    %get3A_411 = vector.shape_cast %get3A_410 : vector<16xf32> to vector<16xf32>
    %swap3A_412 = arith.constant 80 : index
    %swap3A_413 = tpu.vector_load %arg8[%swap3A_412] {strides = array<i32>} : memref<512xf32, #tpu.memory_space<vmem>>, vector<16xf32>,
    %swap3A_414 = vector.shape_cast %swap3A_413 : vector<16xf32> to vector<16xf32>
    %swap3A_415 = vector.shape_cast %get3A_411 : vector<16xf32> to vector<16xf32>
    tpu.vector_store %arg8[%swap3A_412], %swap3A_415 {add = true, strides = array<i32>} : memref<512xf32, #tpu.memory_space<vmem>>, vector<16xf32>,
    %get3A_416 = arith.constant 23136 : index
    %get3A_417 = tpu.vector_load %arg7[%get3A_416] {strides = array<i32>} : memref<25600xf32, #tpu.memory_space<vmem>>, vector<16xf32>,
    %get3A_418 = vector.shape_cast %get3A_417 : vector<16xf32> to vector<16xf32>
    %swap3A_419 = arith.constant 96 : index
    %swap3A_420 = tpu.vector_load %arg8[%swap3A_419] {strides = array<i32>} : memref<512xf32, #tpu.memory_space<vmem>>, vector<16xf32>,
    %swap3A_421 = vector.shape_cast %swap3A_420 : vector<16xf32> to vector<16xf32>
    %swap3A_422 = vector.shape_cast %get3A_418 : vector<16xf32> to vector<16xf32>
    tpu.vector_store %arg8[%swap3A_419], %swap3A_422 {add = true, strides = array<i32>} : memref<512xf32, #tpu.memory_space<vmem>>, vector<16xf32>,
    %get3A_423 = arith.constant 23152 : index
    %get3A_424 = tpu.vector_load %arg7[%get3A_423] {strides = array<i32>} : memref<25600xf32, #tpu.memory_space<vmem>>, vector<16xf32>,
    %get3A_425 = vector.shape_cast %get3A_424 : vector<16xf32> to vector<16xf32>
    %swap3A_426 = arith.constant 112 : index
    %swap3A_427 = tpu.vector_load %arg8[%swap3A_426] {strides = array<i32>} : memref<512xf32, #tpu.memory_space<vmem>>, vector<16xf32>,
    %swap3A_428 = vector.shape_cast %swap3A_427 : vector<16xf32> to vector<16xf32>
    %swap3A_429 = vector.shape_cast %get3A_425 : vector<16xf32> to vector<16xf32>
    tpu.vector_store %arg8[%swap3A_426], %swap3A_429 {add = true, strides = array<i32>} : memref<512xf32, #tpu.memory_space<vmem>>, vector<16xf32>,
    %get3A_430 = arith.constant 23168 : index
    %get3A_431 = tpu.vector_load %arg7[%get3A_430] {strides = array<i32>} : memref<25600xf32, #tpu.memory_space<vmem>>, vector<16xf32>,
    %get3A_432 = vector.shape_cast %get3A_431 : vector<16xf32> to vector<16xf32>
    %swap3A_433 = arith.constant 128 : index
    %swap3A_434 = tpu.vector_load %arg8[%swap3A_433] {strides = array<i32>} : memref<512xf32, #tpu.memory_space<vmem>>, vector<16xf32>,
    %swap3A_435 = vector.shape_cast %swap3A_434 : vector<16xf32> to vector<16xf32>
    %swap3A_436 = vector.shape_cast %get3A_432 : vector<16xf32> to vector<16xf32>
    tpu.vector_store %arg8[%swap3A_433], %swap3A_436 {add = true, strides = array<i32>} : memref<512xf32, #tpu.memory_space<vmem>>, vector<16xf32>,
    %get3A_437 = arith.constant 23184 : index
    %get3A_438 = tpu.vector_load %arg7[%get3A_437] {strides = array<i32>} : memref<25600xf32, #tpu.memory_space<vmem>>, vector<16xf32>,
    %get3A_439 = vector.shape_cast %get3A_438 : vector<16xf32> to vector<16xf32>
    %swap3A_440 = arith.constant 144 : index
    %swap3A_441 = tpu.vector_load %arg8[%swap3A_440] {strides = array<i32>} : memref<512xf32, #tpu.memory_space<vmem>>, vector<16xf32>,
    %swap3A_442 = vector.shape_cast %swap3A_441 : vector<16xf32> to vector<16xf32>
    %swap3A_443 = vector.shape_cast %get3A_439 : vector<16xf32> to vector<16xf32>
    tpu.vector_store %arg8[%swap3A_440], %swap3A_443 {add = true, strides = array<i32>} : memref<512xf32, #tpu.memory_space<vmem>>, vector<16xf32>,
    %get3A_444 = arith.constant 23200 : index
    %get3A_445 = tpu.vector_load %arg7[%get3A_444] {strides = array<i32>} : memref<25600xf32, #tpu.memory_space<vmem>>, vector<16xf32>,
    %get3A_446 = vector.shape_cast %get3A_445 : vector<16xf32> to vector<16xf32>
    %swap3A_447 = arith.constant 160 : index
    %swap3A_448 = tpu.vector_load %arg8[%swap3A_447] {strides = array<i32>} : memref<512xf32, #tpu.memory_space<vmem>>, vector<16xf32>,
    %swap3A_449 = vector.shape_cast %swap3A_448 : vector<16xf32> to vector<16xf32>
    %swap3A_450 = vector.shape_cast %get3A_446 : vector<16xf32> to vector<16xf32>
    tpu.vector_store %arg8[%swap3A_447], %swap3A_450 {add = true, strides = array<i32>} : memref<512xf32, #tpu.memory_space<vmem>>, vector<16xf32>,
    %get3A_451 = arith.constant 23216 : index
    %get3A_452 = tpu.vector_load %arg7[%get3A_451] {strides = array<i32>} : memref<25600xf32, #tpu.memory_space<vmem>>, vector<16xf32>,
    %get3A_453 = vector.shape_cast %get3A_452 : vector<16xf32> to vector<16xf32>
    %swap3A_454 = arith.constant 176 : index
    %swap3A_455 = tpu.vector_load %arg8[%swap3A_454] {strides = array<i32>} : memref<512xf32, #tpu.memory_space<vmem>>, vector<16xf32>,
    %swap3A_456 = vector.shape_cast %swap3A_455 : vector<16xf32> to vector<16xf32>
    %swap3A_457 = vector.shape_cast %get3A_453 : vector<16xf32> to vector<16xf32>
    tpu.vector_store %arg8[%swap3A_454], %swap3A_457 {add = true, strides = array<i32>} : memref<512xf32, #tpu.memory_space<vmem>>, vector<16xf32>,
    %get3A_458 = arith.constant 23232 : index
    %get3A_459 = tpu.vector_load %arg7[%get3A_458] {strides = array<i32>} : memref<25600xf32, #tpu.memory_space<vmem>>, vector<16xf32>,
    %get3A_460 = vector.shape_cast %get3A_459 : vector<16xf32> to vector<16xf32>
    %swap3A_461 = arith.constant 192 : index
    %swap3A_462 = tpu.vector_load %arg8[%swap3A_461] {strides = array<i32>} : memref<512xf32, #tpu.memory_space<vmem>>, vector<16xf32>,
    %swap3A_463 = vector.shape_cast %swap3A_462 : vector<16xf32> to vector<16xf32>
    %swap3A_464 = vector.shape_cast %get3A_460 : vector<16xf32> to vector<16xf32>
    tpu.vector_store %arg8[%swap3A_461], %swap3A_464 {add = true, strides = array<i32>} : memref<512xf32, #tpu.memory_space<vmem>>, vector<16xf32>,
    %get3A_465 = arith.constant 23248 : index
    %get3A_466 = tpu.vector_load %arg7[%get3A_465] {strides = array<i32>} : memref<25600xf32, #tpu.memory_space<vmem>>, vector<16xf32>,
    %get3A_467 = vector.shape_cast %get3A_466 : vector<16xf32> to vector<16xf32>
    %swap3A_468 = arith.constant 208 : index
    %swap3A_469 = tpu.vector_load %arg8[%swap3A_468] {strides = array<i32>} : memref<512xf32, #tpu.memory_space<vmem>>, vector<16xf32>,
    %swap3A_470 = vector.shape_cast %swap3A_469 : vector<16xf32> to vector<16xf32>
    %swap3A_471 = vector.shape_cast %get3A_467 : vector<16xf32> to vector<16xf32>
    tpu.vector_store %arg8[%swap3A_468], %swap3A_471 {add = true, strides = array<i32>} : memref<512xf32, #tpu.memory_space<vmem>>, vector<16xf32>,
    %get3A_472 = arith.constant 23264 : index
    %get3A_473 = tpu.vector_load %arg7[%get3A_472] {strides = array<i32>} : memref<25600xf32, #tpu.memory_space<vmem>>, vector<16xf32>,
    %get3A_474 = vector.shape_cast %get3A_473 : vector<16xf32> to vector<16xf32>
    %swap3A_475 = arith.constant 224 : index
    %swap3A_476 = tpu.vector_load %arg8[%swap3A_475] {strides = array<i32>} : memref<512xf32, #tpu.memory_space<vmem>>, vector<16xf32>,
    %swap3A_477 = vector.shape_cast %swap3A_476 : vector<16xf32> to vector<16xf32>
    %swap3A_478 = vector.shape_cast %get3A_474 : vector<16xf32> to vector<16xf32>
    tpu.vector_store %arg8[%swap3A_475], %swap3A_478 {add = true, strides = array<i32>} : memref<512xf32, #tpu.memory_space<vmem>>, vector<16xf32>,
    %get3A_479 = arith.constant 23280 : index
    %get3A_480 = tpu.vector_load %arg7[%get3A_479] {strides = array<i32>} : memref<25600xf32, #tpu.memory_space<vmem>>, vector<16xf32>,
    %get3A_481 = vector.shape_cast %get3A_480 : vector<16xf32> to vector<16xf32>
    %swap3A_482 = arith.constant 240 : index
    %swap3A_483 = tpu.vector_load %arg8[%swap3A_482] {strides = array<i32>} : memref<512xf32, #tpu.memory_space<vmem>>, vector<16xf32>,
    %swap3A_484 = vector.shape_cast %swap3A_483 : vector<16xf32> to vector<16xf32>
    %swap3A_485 = vector.shape_cast %get3A_481 : vector<16xf32> to vector<16xf32>
    tpu.vector_store %arg8[%swap3A_482], %swap3A_485 {add = true, strides = array<i32>} : memref<512xf32, #tpu.memory_space<vmem>>, vector<16xf32>,
    %get3A_486 = arith.constant 23296 : index
    %get3A_487 = tpu.vector_load %arg7[%get3A_486] {strides = array<i32>} : memref<25600xf32, #tpu.memory_space<vmem>>, vector<16xf32>,
    %get3A_488 = vector.shape_cast %get3A_487 : vector<16xf32> to vector<16xf32>
    %swap3A_489 = arith.constant 256 : index
    %swap3A_490 = tpu.vector_load %arg8[%swap3A_489] {strides = array<i32>} : memref<512xf32, #tpu.memory_space<vmem>>, vector<16xf32>,
    %swap3A_491 = vector.shape_cast %swap3A_490 : vector<16xf32> to vector<16xf32>
    %swap3A_492 = vector.shape_cast %get3A_488 : vector<16xf32> to vector<16xf32>
    tpu.vector_store %arg8[%swap3A_489], %swap3A_492 {add = true, strides = array<i32>} : memref<512xf32, #tpu.memory_space<vmem>>, vector<16xf32>,
    %get3A_493 = arith.constant 23312 : index
    %get3A_494 = tpu.vector_load %arg7[%get3A_493] {strides = array<i32>} : memref<25600xf32, #tpu.memory_space<vmem>>, vector<16xf32>,
    %get3A_495 = vector.shape_cast %get3A_494 : vector<16xf32> to vector<16xf32>
    %swap3A_496 = arith.constant 272 : index
    %swap3A_497 = tpu.vector_load %arg8[%swap3A_496] {strides = array<i32>} : memref<512xf32, #tpu.memory_space<vmem>>, vector<16xf32>,
    %swap3A_498 = vector.shape_cast %swap3A_497 : vector<16xf32> to vector<16xf32>
    %swap3A_499 = vector.shape_cast %get3A_495 : vector<16xf32> to vector<16xf32>
    tpu.vector_store %arg8[%swap3A_496], %swap3A_499 {add = true, strides = array<i32>} : memref<512xf32, #tpu.memory_space<vmem>>, vector<16xf32>,
    %get3A_500 = arith.constant 23328 : index
    %get3A_501 = tpu.vector_load %arg7[%get3A_500] {strides = array<i32>} : memref<25600xf32, #tpu.memory_space<vmem>>, vector<16xf32>,
    %get3A_502 = vector.shape_cast %get3A_501 : vector<16xf32> to vector<16xf32>
    %swap3A_503 = arith.constant 288 : index
    %swap3A_504 = tpu.vector_load %arg8[%swap3A_503] {strides = array<i32>} : memref<512xf32, #tpu.memory_space<vmem>>, vector<16xf32>,
    %swap3A_505 = vector.shape_cast %swap3A_504 : vector<16xf32> to vector<16xf32>
    %swap3A_506 = vector.shape_cast %get3A_502 : vector<16xf32> to vector<16xf32>
    tpu.vector_store %arg8[%swap3A_503], %swap3A_506 {add = true, strides = array<i32>} : memref<512xf32, #tpu.memory_space<vmem>>, vector<16xf32>,
    %get3A_507 = arith.constant 23344 : index
    %get3A_508 = tpu.vector_load %arg7[%get3A_507] {strides = array<i32>} : memref<25600xf32, #tpu.memory_space<vmem>>, vector<16xf32>,
    %get3A_509 = vector.shape_cast %get3A_508 : vector<16xf32> to vector<16xf32>
    %swap3A_510 = arith.constant 304 : index
    %swap3A_511 = tpu.vector_load %arg8[%swap3A_510] {strides = array<i32>} : memref<512xf32, #tpu.memory_space<vmem>>, vector<16xf32>,
    %swap3A_512 = vector.shape_cast %swap3A_511 : vector<16xf32> to vector<16xf32>
    %swap3A_513 = vector.shape_cast %get3A_509 : vector<16xf32> to vector<16xf32>
    tpu.vector_store %arg8[%swap3A_510], %swap3A_513 {add = true, strides = array<i32>} : memref<512xf32, #tpu.memory_space<vmem>>, vector<16xf32>,
    %get3A_514 = arith.constant 23360 : index
    %get3A_515 = tpu.vector_load %arg7[%get3A_514] {strides = array<i32>} : memref<25600xf32, #tpu.memory_space<vmem>>, vector<16xf32>,
    %get3A_516 = vector.shape_cast %get3A_515 : vector<16xf32> to vector<16xf32>
    %swap3A_517 = arith.constant 320 : index
    %swap3A_518 = tpu.vector_load %arg8[%swap3A_517] {strides = array<i32>} : memref<512xf32, #tpu.memory_space<vmem>>, vector<16xf32>,
    %swap3A_519 = vector.shape_cast %swap3A_518 : vector<16xf32> to vector<16xf32>
    %swap3A_520 = vector.shape_cast %get3A_516 : vector<16xf32> to vector<16xf32>
    tpu.vector_store %arg8[%swap3A_517], %swap3A_520 {add = true, strides = array<i32>} : memref<512xf32, #tpu.memory_space<vmem>>, vector<16xf32>,
    %get3A_521 = arith.constant 23376 : index
    %get3A_522 = tpu.vector_load %arg7[%get3A_521] {strides = array<i32>} : memref<25600xf32, #tpu.memory_space<vmem>>, vector<16xf32>,
    %get3A_523 = vector.shape_cast %get3A_522 : vector<16xf32> to vector<16xf32>
    %swap3A_524 = arith.constant 336 : index
    %swap3A_525 = tpu.vector_load %arg8[%swap3A_524] {strides = array<i32>} : memref<512xf32, #tpu.memory_space<vmem>>, vector<16xf32>,
    %swap3A_526 = vector.shape_cast %swap3A_525 : vector<16xf32> to vector<16xf32>
    %swap3A_527 = vector.shape_cast %get3A_523 : vector<16xf32> to vector<16xf32>
    tpu.vector_store %arg8[%swap3A_524], %swap3A_527 {add = true, strides = array<i32>} : memref<512xf32, #tpu.memory_space<vmem>>, vector<16xf32>,
    %get3A_528 = arith.constant 23392 : index
    %get3A_529 = tpu.vector_load %arg7[%get3A_528] {strides = array<i32>} : memref<25600xf32, #tpu.memory_space<vmem>>, vector<16xf32>,
    %get3A_530 = vector.shape_cast %get3A_529 : vector<16xf32> to vector<16xf32>
    %swap3A_531 = arith.constant 352 : index
    %swap3A_532 = tpu.vector_load %arg8[%swap3A_531] {strides = array<i32>} : memref<512xf32, #tpu.memory_space<vmem>>, vector<16xf32>,
    %swap3A_533 = vector.shape_cast %swap3A_532 : vector<16xf32> to vector<16xf32>
    %swap3A_534 = vector.shape_cast %get3A_530 : vector<16xf32> to vector<16xf32>
    tpu.vector_store %arg8[%swap3A_531], %swap3A_534 {add = true, strides = array<i32>} : memref<512xf32, #tpu.memory_space<vmem>>, vector<16xf32>,
    %get3A_535 = arith.constant 23408 : index
    %get3A_536 = tpu.vector_load %arg7[%get3A_535] {strides = array<i32>} : memref<25600xf32, #tpu.memory_space<vmem>>, vector<16xf32>,
    %get3A_537 = vector.shape_cast %get3A_536 : vector<16xf32> to vector<16xf32>
    %swap3A_538 = arith.constant 368 : index
    %swap3A_539 = tpu.vector_load %arg8[%swap3A_538] {strides = array<i32>} : memref<512xf32, #tpu.memory_space<vmem>>, vector<16xf32>,
    %swap3A_540 = vector.shape_cast %swap3A_539 : vector<16xf32> to vector<16xf32>
    %swap3A_541 = vector.shape_cast %get3A_537 : vector<16xf32> to vector<16xf32>
    tpu.vector_store %arg8[%swap3A_538], %swap3A_541 {add = true, strides = array<i32>} : memref<512xf32, #tpu.memory_space<vmem>>, vector<16xf32>,
    %get3A_542 = arith.constant 23424 : index
    %get3A_543 = tpu.vector_load %arg7[%get3A_542] {strides = array<i32>} : memref<25600xf32, #tpu.memory_space<vmem>>, vector<16xf32>,
    %get3A_544 = vector.shape_cast %get3A_543 : vector<16xf32> to vector<16xf32>
    %swap3A_545 = arith.constant 384 : index
    %swap3A_546 = tpu.vector_load %arg8[%swap3A_545] {strides = array<i32>} : memref<512xf32, #tpu.memory_space<vmem>>, vector<16xf32>,
    %swap3A_547 = vector.shape_cast %swap3A_546 : vector<16xf32> to vector<16xf32>
    %swap3A_548 = vector.shape_cast %get3A_544 : vector<16xf32> to vector<16xf32>
    tpu.vector_store %arg8[%swap3A_545], %swap3A_548 {add = true, strides = array<i32>} : memref<512xf32, #tpu.memory_space<vmem>>, vector<16xf32>,
    %get3A_549 = arith.constant 23440 : index
    %get3A_550 = tpu.vector_load %arg7[%get3A_549] {strides = array<i32>} : memref<25600xf32, #tpu.memory_space<vmem>>, vector<16xf32>,
    %get3A_551 = vector.shape_cast %get3A_550 : vector<16xf32> to vector<16xf32>
    %swap3A_552 = arith.constant 400 : index
    %swap3A_553 = tpu.vector_load %arg8[%swap3A_552] {strides = array<i32>} : memref<512xf32, #tpu.memory_space<vmem>>, vector<16xf32>,
    %swap3A_554 = vector.shape_cast %swap3A_553 : vector<16xf32> to vector<16xf32>
    %swap3A_555 = vector.shape_cast %get3A_551 : vector<16xf32> to vector<16xf32>
    tpu.vector_store %arg8[%swap3A_552], %swap3A_555 {add = true, strides = array<i32>} : memref<512xf32, #tpu.memory_space<vmem>>, vector<16xf32>,
    %get3A_556 = arith.constant 23456 : index
    %get3A_557 = tpu.vector_load %arg7[%get3A_556] {strides = array<i32>} : memref<25600xf32, #tpu.memory_space<vmem>>, vector<16xf32>,
    %get3A_558 = vector.shape_cast %get3A_557 : vector<16xf32> to vector<16xf32>
    %swap3A_559 = arith.constant 416 : index
    %swap3A_560 = tpu.vector_load %arg8[%swap3A_559] {strides = array<i32>} : memref<512xf32, #tpu.memory_space<vmem>>, vector<16xf32>,
    %swap3A_561 = vector.shape_cast %swap3A_560 : vector<16xf32> to vector<16xf32>
    %swap3A_562 = vector.shape_cast %get3A_558 : vector<16xf32> to vector<16xf32>
    tpu.vector_store %arg8[%swap3A_559], %swap3A_562 {add = true, strides = array<i32>} : memref<512xf32, #tpu.memory_space<vmem>>, vector<16xf32>,
    %get3A_563 = arith.constant 23472 : index
    %get3A_564 = tpu.vector_load %arg7[%get3A_563] {strides = array<i32>} : memref<25600xf32, #tpu.memory_space<vmem>>, vector<16xf32>,
    %get3A_565 = vector.shape_cast %get3A_564 : vector<16xf32> to vector<16xf32>
    %swap3A_566 = arith.constant 432 : index
    %swap3A_567 = tpu.vector_load %arg8[%swap3A_566] {strides = array<i32>} : memref<512xf32, #tpu.memory_space<vmem>>, vector<16xf32>,
    %swap3A_568 = vector.shape_cast %swap3A_567 : vector<16xf32> to vector<16xf32>
    %swap3A_569 = vector.shape_cast %get3A_565 : vector<16xf32> to vector<16xf32>
    tpu.vector_store %arg8[%swap3A_566], %swap3A_569 {add = true, strides = array<i32>} : memref<512xf32, #tpu.memory_space<vmem>>, vector<16xf32>,
    %get3A_570 = arith.constant 23488 : index
    %get3A_571 = tpu.vector_load %arg7[%get3A_570] {strides = array<i32>} : memref<25600xf32, #tpu.memory_space<vmem>>, vector<16xf32>,
    %get3A_572 = vector.shape_cast %get3A_571 : vector<16xf32> to vector<16xf32>
    %swap3A_573 = arith.constant 448 : index
    %swap3A_574 = tpu.vector_load %arg8[%swap3A_573] {strides = array<i32>} : memref<512xf32, #tpu.memory_space<vmem>>, vector<16xf32>,
    %swap3A_575 = vector.shape_cast %swap3A_574 : vector<16xf32> to vector<16xf32>
    %swap3A_576 = vector.shape_cast %get3A_572 : vector<16xf32> to vector<16xf32>
    tpu.vector_store %arg8[%swap3A_573], %swap3A_576 {add = true, strides = array<i32>} : memref<512xf32, #tpu.memory_space<vmem>>, vector<16xf32>,
    %get3A_577 = arith.constant 23504 : index
    %get3A_578 = tpu.vector_load %arg7[%get3A_577] {strides = array<i32>} : memref<25600xf32, #tpu.memory_space<vmem>>, vector<16xf32>,
    %get3A_579 = vector.shape_cast %get3A_578 : vector<16xf32> to vector<16xf32>
    %swap3A_580 = arith.constant 464 : index
    %swap3A_581 = tpu.vector_load %arg8[%swap3A_580] {strides = array<i32>} : memref<512xf32, #tpu.memory_space<vmem>>, vector<16xf32>,
    %swap3A_582 = vector.shape_cast %swap3A_581 : vector<16xf32> to vector<16xf32>
    %swap3A_583 = vector.shape_cast %get3A_579 : vector<16xf32> to vector<16xf32>
    tpu.vector_store %arg8[%swap3A_580], %swap3A_583 {add = true, strides = array<i32>} : memref<512xf32, #tpu.memory_space<vmem>>, vector<16xf32>,
    %get3A_584 = arith.constant 23520 : index
    %get3A_585 = tpu.vector_load %arg7[%get3A_584] {strides = array<i32>} : memref<25600xf32, #tpu.memory_space<vmem>>, vector<16xf32>,
    %get3A_586 = vector.shape_cast %get3A_585 : vector<16xf32> to vector<16xf32>
    %swap3A_587 = arith.constant 480 : index
    %swap3A_588 = tpu.vector_load %arg8[%swap3A_587] {strides = array<i32>} : memref<512xf32, #tpu.memory_space<vmem>>, vector<16xf32>,
    %swap3A_589 = vector.shape_cast %swap3A_588 : vector<16xf32> to vector<16xf32>
    %swap3A_590 = vector.shape_cast %get3A_586 : vector<16xf32> to vector<16xf32>
    tpu.vector_store %arg8[%swap3A_587], %swap3A_590 {add = true, strides = array<i32>} : memref<512xf32, #tpu.memory_space<vmem>>, vector<16xf32>,
    %get3A_591 = arith.constant 23536 : index
    %get3A_592 = tpu.vector_load %arg7[%get3A_591] {strides = array<i32>} : memref<25600xf32, #tpu.memory_space<vmem>>, vector<16xf32>,
    %get3A_593 = vector.shape_cast %get3A_592 : vector<16xf32> to vector<16xf32>
    %swap3A_594 = arith.constant 496 : index
    %swap3A_595 = tpu.vector_load %arg8[%swap3A_594] {strides = array<i32>} : memref<512xf32, #tpu.memory_space<vmem>>, vector<16xf32>,
    %swap3A_596 = vector.shape_cast %swap3A_595 : vector<16xf32> to vector<16xf32>
    %swap3A_597 = vector.shape_cast %get3A_593 : vector<16xf32> to vector<16xf32>
    tpu.vector_store %arg8[%swap3A_594], %swap3A_597 {add = true, strides = array<i32>} : memref<512xf32, #tpu.memory_space<vmem>>, vector<16xf32>,
    %get3A_598 = arith.constant 23552 : index
    %get3A_599 = tpu.vector_load %arg7[%get3A_598] {strides = array<i32>} : memref<25600xf32, #tpu.memory_space<vmem>>, vector<16xf32>,
    %get3A_600 = vector.shape_cast %get3A_599 : vector<16xf32> to vector<16xf32>
    %swap3A_601 = arith.constant 0 : index
    %swap3A_602 = tpu.vector_load %arg8[%swap3A_601] {strides = array<i32>} : memref<512xf32, #tpu.memory_space<vmem>>, vector<16xf32>,
    %swap3A_603 = vector.shape_cast %swap3A_602 : vector<16xf32> to vector<16xf32>
    %swap3A_604 = vector.shape_cast %get3A_600 : vector<16xf32> to vector<16xf32>
    tpu.vector_store %arg8[%swap3A_601], %swap3A_604 {add = true, strides = array<i32>} : memref<512xf32, #tpu.memory_space<vmem>>, vector<16xf32>,
    %get3A_605 = arith.constant 23568 : index
    %get3A_606 = tpu.vector_load %arg7[%get3A_605] {strides = array<i32>} : memref<25600xf32, #tpu.memory_space<vmem>>, vector<16xf32>,
    %get3A_607 = vector.shape_cast %get3A_606 : vector<16xf32> to vector<16xf32>
    %swap3A_608 = arith.constant 16 : index
    %swap3A_609 = tpu.vector_load %arg8[%swap3A_608] {strides = array<i32>} : memref<512xf32, #tpu.memory_space<vmem>>, vector<16xf32>,
    %swap3A_610 = vector.shape_cast %swap3A_609 : vector<16xf32> to vector<16xf32>
    %swap3A_611 = vector.shape_cast %get3A_607 : vector<16xf32> to vector<16xf32>
    tpu.vector_store %arg8[%swap3A_608], %swap3A_611 {add = true, strides = array<i32>} : memref<512xf32, #tpu.memory_space<vmem>>, vector<16xf32>,
    %get3A_612 = arith.constant 23584 : index
    %get3A_613 = tpu.vector_load %arg7[%get3A_612] {strides = array<i32>} : memref<25600xf32, #tpu.memory_space<vmem>>, vector<16xf32>,
    %get3A_614 = vector.shape_cast %get3A_613 : vector<16xf32> to vector<16xf32>
    %swap3A_615 = arith.constant 32 : index
    %swap3A_616 = tpu.vector_load %arg8[%swap3A_615] {strides = array<i32>} : memref<512xf32, #tpu.memory_space<vmem>>, vector<16xf32>,
    %swap3A_617 = vector.shape_cast %swap3A_616 : vector<16xf32> to vector<16xf32>
    %swap3A_618 = vector.shape_cast %get3A_614 : vector<16xf32> to vector<16xf32>
    tpu.vector_store %arg8[%swap3A_615], %swap3A_618 {add = true, strides = array<i32>} : memref<512xf32, #tpu.memory_space<vmem>>, vector<16xf32>,
    %get3A_619 = arith.constant 23600 : index
    %get3A_620 = tpu.vector_load %arg7[%get3A_619] {strides = array<i32>} : memref<25600xf32, #tpu.memory_space<vmem>>, vector<16xf32>,
    %get3A_621 = vector.shape_cast %get3A_620 : vector<16xf32> to vector<16xf32>
    %swap3A_622 = arith.constant 48 : index
    %swap3A_623 = tpu.vector_load %arg8[%swap3A_622] {strides = array<i32>} : memref<512xf32, #tpu.memory_space<vmem>>, vector<16xf32>,
    %swap3A_624 = vector.shape_cast %swap3A_623 : vector<16xf32> to vector<16xf32>
    %swap3A_625 = vector.shape_cast %get3A_621 : vector<16xf32> to vector<16xf32>
    tpu.vector_store %arg8[%swap3A_622], %swap3A_625 {add = true, strides = array<i32>} : memref<512xf32, #tpu.memory_space<vmem>>, vector<16xf32>,
    %get3A_626 = arith.constant 23616 : index
    %get3A_627 = tpu.vector_load %arg7[%get3A_626] {strides = array<i32>} : memref<25600xf32, #tpu.memory_space<vmem>>, vector<16xf32>,
    %get3A_628 = vector.shape_cast %get3A_627 : vector<16xf32> to vector<16xf32>
    %swap3A_629 = arith.constant 64 : index
    %swap3A_630 = tpu.vector_load %arg8[%swap3A_629] {strides = array<i32>} : memref<512xf32, #tpu.memory_space<vmem>>, vector<16xf32>,
    %swap3A_631 = vector.shape_cast %swap3A_630 : vector<16xf32> to vector<16xf32>
    %swap3A_632 = vector.shape_cast %get3A_628 : vector<16xf32> to vector<16xf32>
    tpu.vector_store %arg8[%swap3A_629], %swap3A_632 {add = true, strides = array<i32>} : memref<512xf32, #tpu.memory_space<vmem>>, vector<16xf32>,
    %get3A_633 = arith.constant 23632 : index
    %get3A_634 = tpu.vector_load %arg7[%get3A_633] {strides = array<i32>} : memref<25600xf32, #tpu.memory_space<vmem>>, vector<16xf32>,
    %get3A_635 = vector.shape_cast %get3A_634 : vector<16xf32> to vector<16xf32>
    %swap3A_636 = arith.constant 80 : index
    %swap3A_637 = tpu.vector_load %arg8[%swap3A_636] {strides = array<i32>} : memref<512xf32, #tpu.memory_space<vmem>>, vector<16xf32>,
    %swap3A_638 = vector.shape_cast %swap3A_637 : vector<16xf32> to vector<16xf32>
    %swap3A_639 = vector.shape_cast %get3A_635 : vector<16xf32> to vector<16xf32>
    tpu.vector_store %arg8[%swap3A_636], %swap3A_639 {add = true, strides = array<i32>} : memref<512xf32, #tpu.memory_space<vmem>>, vector<16xf32>,
    %get3A_640 = arith.constant 23648 : index
    %get3A_641 = tpu.vector_load %arg7[%get3A_640] {strides = array<i32>} : memref<25600xf32, #tpu.memory_space<vmem>>, vector<16xf32>,
    %get3A_642 = vector.shape_cast %get3A_641 : vector<16xf32> to vector<16xf32>
    %swap3A_643 = arith.constant 96 : index
    %swap3A_644 = tpu.vector_load %arg8[%swap3A_643] {strides = array<i32>} : memref<512xf32, #tpu.memory_space<vmem>>, vector<16xf32>,
    %swap3A_645 = vector.shape_cast %swap3A_644 : vector<16xf32> to vector<16xf32>
    %swap3A_646 = vector.shape_cast %get3A_642 : vector<16xf32> to vector<16xf32>
    tpu.vector_store %arg8[%swap3A_643], %swap3A_646 {add = true, strides = array<i32>} : memref<512xf32, #tpu.memory_space<vmem>>, vector<16xf32>,
    %get3A_647 = arith.constant 23664 : index
    %get3A_648 = tpu.vector_load %arg7[%get3A_647] {strides = array<i32>} : memref<25600xf32, #tpu.memory_space<vmem>>, vector<16xf32>,
    %get3A_649 = vector.shape_cast %get3A_648 : vector<16xf32> to vector<16xf32>
    %swap3A_650 = arith.constant 112 : index
    %swap3A_651 = tpu.vector_load %arg8[%swap3A_650] {strides = array<i32>} : memref<512xf32, #tpu.memory_space<vmem>>, vector<16xf32>,
    %swap3A_652 = vector.shape_cast %swap3A_651 : vector<16xf32> to vector<16xf32>
    %swap3A_653 = vector.shape_cast %get3A_649 : vector<16xf32> to vector<16xf32>
    tpu.vector_store %arg8[%swap3A_650], %swap3A_653 {add = true, strides = array<i32>} : memref<512xf32, #tpu.memory_space<vmem>>, vector<16xf32>,
    %get3A_654 = arith.constant 23680 : index
    %get3A_655 = tpu.vector_load %arg7[%get3A_654] {strides = array<i32>} : memref<25600xf32, #tpu.memory_space<vmem>>, vector<16xf32>,
    %get3A_656 = vector.shape_cast %get3A_655 : vector<16xf32> to vector<16xf32>
    %swap3A_657 = arith.constant 128 : index
    %swap3A_658 = tpu.vector_load %arg8[%swap3A_657] {strides = array<i32>} : memref<512xf32, #tpu.memory_space<vmem>>, vector<16xf32>,
    %swap3A_659 = vector.shape_cast %swap3A_658 : vector<16xf32> to vector<16xf32>
    %swap3A_660 = vector.shape_cast %get3A_656 : vector<16xf32> to vector<16xf32>
    tpu.vector_store %arg8[%swap3A_657], %swap3A_660 {add = true, strides = array<i32>} : memref<512xf32, #tpu.memory_space<vmem>>, vector<16xf32>,
    %get3A_661 = arith.constant 23696 : index
    %get3A_662 = tpu.vector_load %arg7[%get3A_661] {strides = array<i32>} : memref<25600xf32, #tpu.memory_space<vmem>>, vector<16xf32>,
    %get3A_663 = vector.shape_cast %get3A_662 : vector<16xf32> to vector<16xf32>
    %swap3A_664 = arith.constant 144 : index
    %swap3A_665 = tpu.vector_load %arg8[%swap3A_664] {strides = array<i32>} : memref<512xf32, #tpu.memory_space<vmem>>, vector<16xf32>,
    %swap3A_666 = vector.shape_cast %swap3A_665 : vector<16xf32> to vector<16xf32>
    %swap3A_667 = vector.shape_cast %get3A_663 : vector<16xf32> to vector<16xf32>
    tpu.vector_store %arg8[%swap3A_664], %swap3A_667 {add = true, strides = array<i32>} : memref<512xf32, #tpu.memory_space<vmem>>, vector<16xf32>,
    %get3A_668 = arith.constant 23712 : index
    %get3A_669 = tpu.vector_load %arg7[%get3A_668] {strides = array<i32>} : memref<25600xf32, #tpu.memory_space<vmem>>, vector<16xf32>,
    %get3A_670 = vector.shape_cast %get3A_669 : vector<16xf32> to vector<16xf32>
    %swap3A_671 = arith.constant 160 : index
    %swap3A_672 = tpu.vector_load %arg8[%swap3A_671] {strides = array<i32>} : memref<512xf32, #tpu.memory_space<vmem>>, vector<16xf32>,
    %swap3A_673 = vector.shape_cast %swap3A_672 : vector<16xf32> to vector<16xf32>
    %swap3A_674 = vector.shape_cast %get3A_670 : vector<16xf32> to vector<16xf32>
    tpu.vector_store %arg8[%swap3A_671], %swap3A_674 {add = true, strides = array<i32>} : memref<512xf32, #tpu.memory_space<vmem>>, vector<16xf32>,
    %get3A_675 = arith.constant 23728 : index
    %get3A_676 = tpu.vector_load %arg7[%get3A_675] {strides = array<i32>} : memref<25600xf32, #tpu.memory_space<vmem>>, vector<16xf32>,
    %get3A_677 = vector.shape_cast %get3A_676 : vector<16xf32> to vector<16xf32>
    %swap3A_678 = arith.constant 176 : index
    %swap3A_679 = tpu.vector_load %arg8[%swap3A_678] {strides = array<i32>} : memref<512xf32, #tpu.memory_space<vmem>>, vector<16xf32>,
    %swap3A_680 = vector.shape_cast %swap3A_679 : vector<16xf32> to vector<16xf32>
    %swap3A_681 = vector.shape_cast %get3A_677 : vector<16xf32> to vector<16xf32>
    tpu.vector_store %arg8[%swap3A_678], %swap3A_681 {add = true, strides = array<i32>} : memref<512xf32, #tpu.memory_space<vmem>>, vector<16xf32>,
    %get3A_682 = arith.constant 23744 : index
    %get3A_683 = tpu.vector_load %arg7[%get3A_682] {strides = array<i32>} : memref<25600xf32, #tpu.memory_space<vmem>>, vector<16xf32>,
    %get3A_684 = vector.shape_cast %get3A_683 : vector<16xf32> to vector<16xf32>
    %swap3A_685 = arith.constant 192 : index
    %swap3A_686 = tpu.vector_load %arg8[%swap3A_685] {strides = array<i32>} : memref<512xf32, #tpu.memory_space<vmem>>, vector<16xf32>,
    %swap3A_687 = vector.shape_cast %swap3A_686 : vector<16xf32> to vector<16xf32>
    %swap3A_688 = vector.shape_cast %get3A_684 : vector<16xf32> to vector<16xf32>
    tpu.vector_store %arg8[%swap3A_685], %swap3A_688 {add = true, strides = array<i32>} : memref<512xf32, #tpu.memory_space<vmem>>, vector<16xf32>,
    %get3A_689 = arith.constant 23760 : index
    %get3A_690 = tpu.vector_load %arg7[%get3A_689] {strides = array<i32>} : memref<25600xf32, #tpu.memory_space<vmem>>, vector<16xf32>,
    %get3A_691 = vector.shape_cast %get3A_690 : vector<16xf32> to vector<16xf32>
    %swap3A_692 = arith.constant 208 : index
    %swap3A_693 = tpu.vector_load %arg8[%swap3A_692] {strides = array<i32>} : memref<512xf32, #tpu.memory_space<vmem>>, vector<16xf32>,
    %swap3A_694 = vector.shape_cast %swap3A_693 : vector<16xf32> to vector<16xf32>
    %swap3A_695 = vector.shape_cast %get3A_691 : vector<16xf32> to vector<16xf32>
    tpu.vector_store %arg8[%swap3A_692], %swap3A_695 {add = true, strides = array<i32>} : memref<512xf32, #tpu.memory_space<vmem>>, vector<16xf32>,
    %get3A_696 = arith.constant 23776 : index
    %get3A_697 = tpu.vector_load %arg7[%get3A_696] {strides = array<i32>} : memref<25600xf32, #tpu.memory_space<vmem>>, vector<16xf32>,
    %get3A_698 = vector.shape_cast %get3A_697 : vector<16xf32> to vector<16xf32>
    %swap3A_699 = arith.constant 224 : index
    %swap3A_700 = tpu.vector_load %arg8[%swap3A_699] {strides = array<i32>} : memref<512xf32, #tpu.memory_space<vmem>>, vector<16xf32>,
    %swap3A_701 = vector.shape_cast %swap3A_700 : vector<16xf32> to vector<16xf32>
    %swap3A_702 = vector.shape_cast %get3A_698 : vector<16xf32> to vector<16xf32>
    tpu.vector_store %arg8[%swap3A_699], %swap3A_702 {add = true, strides = array<i32>} : memref<512xf32, #tpu.memory_space<vmem>>, vector<16xf32>,
    %get3A_703 = arith.constant 23792 : index
    %get3A_704 = tpu.vector_load %arg7[%get3A_703] {strides = array<i32>} : memref<25600xf32, #tpu.memory_space<vmem>>, vector<16xf32>,
    %get3A_705 = vector.shape_cast %get3A_704 : vector<16xf32> to vector<16xf32>
    %swap3A_706 = arith.constant 240 : index
    %swap3A_707 = tpu.vector_load %arg8[%swap3A_706] {strides = array<i32>} : memref<512xf32, #tpu.memory_space<vmem>>, vector<16xf32>,
    %swap3A_708 = vector.shape_cast %swap3A_707 : vector<16xf32> to vector<16xf32>
    %swap3A_709 = vector.shape_cast %get3A_705 : vector<16xf32> to vector<16xf32>
    tpu.vector_store %arg8[%swap3A_706], %swap3A_709 {add = true, strides = array<i32>} : memref<512xf32, #tpu.memory_space<vmem>>, vector<16xf32>,
    %get3A_710 = arith.constant 23808 : index
    %get3A_711 = tpu.vector_load %arg7[%get3A_710] {strides = array<i32>} : memref<25600xf32, #tpu.memory_space<vmem>>, vector<16xf32>,
    %get3A_712 = vector.shape_cast %get3A_711 : vector<16xf32> to vector<16xf32>
    %swap3A_713 = arith.constant 256 : index
    %swap3A_714 = tpu.vector_load %arg8[%swap3A_713] {strides = array<i32>} : memref<512xf32, #tpu.memory_space<vmem>>, vector<16xf32>,
    %swap3A_715 = vector.shape_cast %swap3A_714 : vector<16xf32> to vector<16xf32>
    %swap3A_716 = vector.shape_cast %get3A_712 : vector<16xf32> to vector<16xf32>
    tpu.vector_store %arg8[%swap3A_713], %swap3A_716 {add = true, strides = array<i32>} : memref<512xf32, #tpu.memory_space<vmem>>, vector<16xf32>,
    %get3A_717 = arith.constant 23824 : index
    %get3A_718 = tpu.vector_load %arg7[%get3A_717] {strides = array<i32>} : memref<25600xf32, #tpu.memory_space<vmem>>, vector<16xf32>,
    %get3A_719 = vector.shape_cast %get3A_718 : vector<16xf32> to vector<16xf32>
    %swap3A_720 = arith.constant 272 : index
    %swap3A_721 = tpu.vector_load %arg8[%swap3A_720] {strides = array<i32>} : memref<512xf32, #tpu.memory_space<vmem>>, vector<16xf32>,
    %swap3A_722 = vector.shape_cast %swap3A_721 : vector<16xf32> to vector<16xf32>
    %swap3A_723 = vector.shape_cast %get3A_719 : vector<16xf32> to vector<16xf32>
    tpu.vector_store %arg8[%swap3A_720], %swap3A_723 {add = true, strides = array<i32>} : memref<512xf32, #tpu.memory_space<vmem>>, vector<16xf32>,
    %get3A_724 = arith.constant 23840 : index
    %get3A_725 = tpu.vector_load %arg7[%get3A_724] {strides = array<i32>} : memref<25600xf32, #tpu.memory_space<vmem>>, vector<16xf32>,
    %get3A_726 = vector.shape_cast %get3A_725 : vector<16xf32> to vector<16xf32>
    %swap3A_727 = arith.constant 288 : index
    %swap3A_728 = tpu.vector_load %arg8[%swap3A_727] {strides = array<i32>} : memref<512xf32, #tpu.memory_space<vmem>>, vector<16xf32>,
    %swap3A_729 = vector.shape_cast %swap3A_728 : vector<16xf32> to vector<16xf32>
    %swap3A_730 = vector.shape_cast %get3A_726 : vector<16xf32> to vector<16xf32>
    tpu.vector_store %arg8[%swap3A_727], %swap3A_730 {add = true, strides = array<i32>} : memref<512xf32, #tpu.memory_space<vmem>>, vector<16xf32>,
    %get3A_731 = arith.constant 23856 : index
    %get3A_732 = tpu.vector_load %arg7[%get3A_731] {strides = array<i32>} : memref<25600xf32, #tpu.memory_space<vmem>>, vector<16xf32>,
    %get3A_733 = vector.shape_cast %get3A_732 : vector<16xf32> to vector<16xf32>
    %swap3A_734 = arith.constant 304 : index
    %swap3A_735 = tpu.vector_load %arg8[%swap3A_734] {strides = array<i32>} : memref<512xf32, #tpu.memory_space<vmem>>, vector<16xf32>,
    %swap3A_736 = vector.shape_cast %swap3A_735 : vector<16xf32> to vector<16xf32>
    %swap3A_737 = vector.shape_cast %get3A_733 : vector<16xf32> to vector<16xf32>
    tpu.vector_store %arg8[%swap3A_734], %swap3A_737 {add = true, strides = array<i32>} : memref<512xf32, #tpu.memory_space<vmem>>, vector<16xf32>,
    %get3A_738 = arith.constant 23872 : index
    %get3A_739 = tpu.vector_load %arg7[%get3A_738] {strides = array<i32>} : memref<25600xf32, #tpu.memory_space<vmem>>, vector<16xf32>,
    %get3A_740 = vector.shape_cast %get3A_739 : vector<16xf32> to vector<16xf32>
    %swap3A_741 = arith.constant 320 : index
    %swap3A_742 = tpu.vector_load %arg8[%swap3A_741] {strides = array<i32>} : memref<512xf32, #tpu.memory_space<vmem>>, vector<16xf32>,
    %swap3A_743 = vector.shape_cast %swap3A_742 : vector<16xf32> to vector<16xf32>
    %swap3A_744 = vector.shape_cast %get3A_740 : vector<16xf32> to vector<16xf32>
    tpu.vector_store %arg8[%swap3A_741], %swap3A_744 {add = true, strides = array<i32>} : memref<512xf32, #tpu.memory_space<vmem>>, vector<16xf32>,
    %get3A_745 = arith.constant 23888 : index
    %get3A_746 = tpu.vector_load %arg7[%get3A_745] {strides = array<i32>} : memref<25600xf32, #tpu.memory_space<vmem>>, vector<16xf32>,
    %get3A_747 = vector.shape_cast %get3A_746 : vector<16xf32> to vector<16xf32>
    %swap3A_748 = arith.constant 336 : index
    %swap3A_749 = tpu.vector_load %arg8[%swap3A_748] {strides = array<i32>} : memref<512xf32, #tpu.memory_space<vmem>>, vector<16xf32>,
    %swap3A_750 = vector.shape_cast %swap3A_749 : vector<16xf32> to vector<16xf32>
    %swap3A_751 = vector.shape_cast %get3A_747 : vector<16xf32> to vector<16xf32>
    tpu.vector_store %arg8[%swap3A_748], %swap3A_751 {add = true, strides = array<i32>} : memref<512xf32, #tpu.memory_space<vmem>>, vector<16xf32>,
    %get3A_752 = arith.constant 23904 : index
    %get3A_753 = tpu.vector_load %arg7[%get3A_752] {strides = array<i32>} : memref<25600xf32, #tpu.memory_space<vmem>>, vector<16xf32>,
    %get3A_754 = vector.shape_cast %get3A_753 : vector<16xf32> to vector<16xf32>
    %swap3A_755 = arith.constant 352 : index
    %swap3A_756 = tpu.vector_load %arg8[%swap3A_755] {strides = array<i32>} : memref<512xf32, #tpu.memory_space<vmem>>, vector<16xf32>,
    %swap3A_757 = vector.shape_cast %swap3A_756 : vector<16xf32> to vector<16xf32>
    %swap3A_758 = vector.shape_cast %get3A_754 : vector<16xf32> to vector<16xf32>
    tpu.vector_store %arg8[%swap3A_755], %swap3A_758 {add = true, strides = array<i32>} : memref<512xf32, #tpu.memory_space<vmem>>, vector<16xf32>,
    %get3A_759 = arith.constant 23920 : index
    %get3A_760 = tpu.vector_load %arg7[%get3A_759] {strides = array<i32>} : memref<25600xf32, #tpu.memory_space<vmem>>, vector<16xf32>,
    %get3A_761 = vector.shape_cast %get3A_760 : vector<16xf32> to vector<16xf32>
    %swap3A_762 = arith.constant 368 : index
    %swap3A_763 = tpu.vector_load %arg8[%swap3A_762] {strides = array<i32>} : memref<512xf32, #tpu.memory_space<vmem>>, vector<16xf32>,
    %swap3A_764 = vector.shape_cast %swap3A_763 : vector<16xf32> to vector<16xf32>
    %swap3A_765 = vector.shape_cast %get3A_761 : vector<16xf32> to vector<16xf32>
    tpu.vector_store %arg8[%swap3A_762], %swap3A_765 {add = true, strides = array<i32>} : memref<512xf32, #tpu.memory_space<vmem>>, vector<16xf32>,
    %get3A_766 = arith.constant 23936 : index
    %get3A_767 = tpu.vector_load %arg7[%get3A_766] {strides = array<i32>} : memref<25600xf32, #tpu.memory_space<vmem>>, vector<16xf32>,
    %get3A_768 = vector.shape_cast %get3A_767 : vector<16xf32> to vector<16xf32>
    %swap3A_769 = arith.constant 384 : index
    %swap3A_770 = tpu.vector_load %arg8[%swap3A_769] {strides = array<i32>} : memref<512xf32, #tpu.memory_space<vmem>>, vector<16xf32>,
    %swap3A_771 = vector.shape_cast %swap3A_770 : vector<16xf32> to vector<16xf32>
    %swap3A_772 = vector.shape_cast %get3A_768 : vector<16xf32> to vector<16xf32>
    tpu.vector_store %arg8[%swap3A_769], %swap3A_772 {add = true, strides = array<i32>} : memref<512xf32, #tpu.memory_space<vmem>>, vector<16xf32>,
    %get3A_773 = arith.constant 23952 : index
    %get3A_774 = tpu.vector_load %arg7[%get3A_773] {strides = array<i32>} : memref<25600xf32, #tpu.memory_space<vmem>>, vector<16xf32>,
    %get3A_775 = vector.shape_cast %get3A_774 : vector<16xf32> to vector<16xf32>
    %swap3A_776 = arith.constant 400 : index
    %swap3A_777 = tpu.vector_load %arg8[%swap3A_776] {strides = array<i32>} : memref<512xf32, #tpu.memory_space<vmem>>, vector<16xf32>,
    %swap3A_778 = vector.shape_cast %swap3A_777 : vector<16xf32> to vector<16xf32>
    %swap3A_779 = vector.shape_cast %get3A_775 : vector<16xf32> to vector<16xf32>
    tpu.vector_store %arg8[%swap3A_776], %swap3A_779 {add = true, strides = array<i32>} : memref<512xf32, #tpu.memory_space<vmem>>, vector<16xf32>,
    %get3A_780 = arith.constant 23968 : index
    %get3A_781 = tpu.vector_load %arg7[%get3A_780] {strides = array<i32>} : memref<25600xf32, #tpu.memory_space<vmem>>, vector<16xf32>,
    %get3A_782 = vector.shape_cast %get3A_781 : vector<16xf32> to vector<16xf32>
    %swap3A_783 = arith.constant 416 : index
    %swap3A_784 = tpu.vector_load %arg8[%swap3A_783] {strides = array<i32>} : memref<512xf32, #tpu.memory_space<vmem>>, vector<16xf32>,
    %swap3A_785 = vector.shape_cast %swap3A_784 : vector<16xf32> to vector<16xf32>
    %swap3A_786 = vector.shape_cast %get3A_782 : vector<16xf32> to vector<16xf32>
    tpu.vector_store %arg8[%swap3A_783], %swap3A_786 {add = true, strides = array<i32>} : memref<512xf32, #tpu.memory_space<vmem>>, vector<16xf32>,
    %get3A_787 = arith.constant 23984 : index
    %get3A_788 = tpu.vector_load %arg7[%get3A_787] {strides = array<i32>} : memref<25600xf32, #tpu.memory_space<vmem>>, vector<16xf32>,
    %get3A_789 = vector.shape_cast %get3A_788 : vector<16xf32> to vector<16xf32>
    %swap3A_790 = arith.constant 432 : index
    %swap3A_791 = tpu.vector_load %arg8[%swap3A_790] {strides = array<i32>} : memref<512xf32, #tpu.memory_space<vmem>>, vector<16xf32>,
    %swap3A_792 = vector.shape_cast %swap3A_791 : vector<16xf32> to vector<16xf32>
    %swap3A_793 = vector.shape_cast %get3A_789 : vector<16xf32> to vector<16xf32>
    tpu.vector_store %arg8[%swap3A_790], %swap3A_793 {add = true, strides = array<i32>} : memref<512xf32, #tpu.memory_space<vmem>>, vector<16xf32>,
    %get3A_794 = arith.constant 24000 : index
    %get3A_795 = tpu.vector_load %arg7[%get3A_794] {strides = array<i32>} : memref<25600xf32, #tpu.memory_space<vmem>>, vector<16xf32>,
    %get3A_796 = vector.shape_cast %get3A_795 : vector<16xf32> to vector<16xf32>
    %swap3A_797 = arith.constant 448 : index
    %swap3A_798 = tpu.vector_load %arg8[%swap3A_797] {strides = array<i32>} : memref<512xf32, #tpu.memory_space<vmem>>, vector<16xf32>,
    %swap3A_799 = vector.shape_cast %swap3A_798 : vector<16xf32> to vector<16xf32>
    %swap3A_800 = vector.shape_cast %get3A_796 : vector<16xf32> to vector<16xf32>
    tpu.vector_store %arg8[%swap3A_797], %swap3A_800 {add = true, strides = array<i32>} : memref<512xf32, #tpu.memory_space<vmem>>, vector<16xf32>,
    %get3A_801 = arith.constant 24016 : index
    %get3A_802 = tpu.vector_load %arg7[%get3A_801] {strides = array<i32>} : memref<25600xf32, #tpu.memory_space<vmem>>, vector<16xf32>,
    %get3A_803 = vector.shape_cast %get3A_802 : vector<16xf32> to vector<16xf32>
    %swap3A_804 = arith.constant 464 : index
    %swap3A_805 = tpu.vector_load %arg8[%swap3A_804] {strides = array<i32>} : memref<512xf32, #tpu.memory_space<vmem>>, vector<16xf32>,
    %swap3A_806 = vector.shape_cast %swap3A_805 : vector<16xf32> to vector<16xf32>
    %swap3A_807 = vector.shape_cast %get3A_803 : vector<16xf32> to vector<16xf32>
    tpu.vector_store %arg8[%swap3A_804], %swap3A_807 {add = true, strides = array<i32>} : memref<512xf32, #tpu.memory_space<vmem>>, vector<16xf32>,
    %get3A_808 = arith.constant 24032 : index
    %get3A_809 = tpu.vector_load %arg7[%get3A_808] {strides = array<i32>} : memref<25600xf32, #tpu.memory_space<vmem>>, vector<16xf32>,
    %get3A_810 = vector.shape_cast %get3A_809 : vector<16xf32> to vector<16xf32>
    %swap3A_811 = arith.constant 480 : index
    %swap3A_812 = tpu.vector_load %arg8[%swap3A_811] {strides = array<i32>} : memref<512xf32, #tpu.memory_space<vmem>>, vector<16xf32>,
    %swap3A_813 = vector.shape_cast %swap3A_812 : vector<16xf32> to vector<16xf32>
    %swap3A_814 = vector.shape_cast %get3A_810 : vector<16xf32> to vector<16xf32>
    tpu.vector_store %arg8[%swap3A_811], %swap3A_814 {add = true, strides = array<i32>} : memref<512xf32, #tpu.memory_space<vmem>>, vector<16xf32>,
    %get3A_815 = arith.constant 24048 : index
    %get3A_816 = tpu.vector_load %arg7[%get3A_815] {strides = array<i32>} : memref<25600xf32, #tpu.memory_space<vmem>>, vector<16xf32>,
    %get3A_817 = vector.shape_cast %get3A_816 : vector<16xf32> to vector<16xf32>
    %swap3A_818 = arith.constant 496 : index
    %swap3A_819 = tpu.vector_load %arg8[%swap3A_818] {strides = array<i32>} : memref<512xf32, #tpu.memory_space<vmem>>, vector<16xf32>,
    %swap3A_820 = vector.shape_cast %swap3A_819 : vector<16xf32> to vector<16xf32>
    %swap3A_821 = vector.shape_cast %get3A_817 : vector<16xf32> to vector<16xf32>
    tpu.vector_store %arg8[%swap3A_818], %swap3A_821 {add = true, strides = array<i32>} : memref<512xf32, #tpu.memory_space<vmem>>, vector<16xf32>,
    %get3A_822 = arith.constant 24064 : index
    %get3A_823 = tpu.vector_load %arg7[%get3A_822] {strides = array<i32>} : memref<25600xf32, #tpu.memory_space<vmem>>, vector<16xf32>,
    %get3A_824 = vector.shape_cast %get3A_823 : vector<16xf32> to vector<16xf32>
    %swap3A_825 = arith.constant 0 : index
    %swap3A_826 = tpu.vector_load %arg8[%swap3A_825] {strides = array<i32>} : memref<512xf32, #tpu.memory_space<vmem>>, vector<16xf32>,
    %swap3A_827 = vector.shape_cast %swap3A_826 : vector<16xf32> to vector<16xf32>
    %swap3A_828 = vector.shape_cast %get3A_824 : vector<16xf32> to vector<16xf32>
    tpu.vector_store %arg8[%swap3A_825], %swap3A_828 {add = true, strides = array<i32>} : memref<512xf32, #tpu.memory_space<vmem>>, vector<16xf32>,
    %get3A_829 = arith.constant 24080 : index
    %get3A_830 = tpu.vector_load %arg7[%get3A_829] {strides = array<i32>} : memref<25600xf32, #tpu.memory_space<vmem>>, vector<16xf32>,
    %get3A_831 = vector.shape_cast %get3A_830 : vector<16xf32> to vector<16xf32>
    %swap3A_832 = arith.constant 16 : index
    %swap3A_833 = tpu.vector_load %arg8[%swap3A_832] {strides = array<i32>} : memref<512xf32, #tpu.memory_space<vmem>>, vector<16xf32>,
    %swap3A_834 = vector.shape_cast %swap3A_833 : vector<16xf32> to vector<16xf32>
    %swap3A_835 = vector.shape_cast %get3A_831 : vector<16xf32> to vector<16xf32>
    tpu.vector_store %arg8[%swap3A_832], %swap3A_835 {add = true, strides = array<i32>} : memref<512xf32, #tpu.memory_space<vmem>>, vector<16xf32>,
    %get3A_836 = arith.constant 24096 : index
    %get3A_837 = tpu.vector_load %arg7[%get3A_836] {strides = array<i32>} : memref<25600xf32, #tpu.memory_space<vmem>>, vector<16xf32>,
    %get3A_838 = vector.shape_cast %get3A_837 : vector<16xf32> to vector<16xf32>
    %swap3A_839 = arith.constant 32 : index
    %swap3A_840 = tpu.vector_load %arg8[%swap3A_839] {strides = array<i32>} : memref<512xf32, #tpu.memory_space<vmem>>, vector<16xf32>,
    %swap3A_841 = vector.shape_cast %swap3A_840 : vector<16xf32> to vector<16xf32>
    %swap3A_842 = vector.shape_cast %get3A_838 : vector<16xf32> to vector<16xf32>
    tpu.vector_store %arg8[%swap3A_839], %swap3A_842 {add = true, strides = array<i32>} : memref<512xf32, #tpu.memory_space<vmem>>, vector<16xf32>,
    %get3A_843 = arith.constant 24112 : index
    %get3A_844 = tpu.vector_load %arg7[%get3A_843] {strides = array<i32>} : memref<25600xf32, #tpu.memory_space<vmem>>, vector<16xf32>,
    %get3A_845 = vector.shape_cast %get3A_844 : vector<16xf32> to vector<16xf32>
    %swap3A_846 = arith.constant 48 : index
    %swap3A_847 = tpu.vector_load %arg8[%swap3A_846] {strides = array<i32>} : memref<512xf32, #tpu.memory_space<vmem>>, vector<16xf32>,
    %swap3A_848 = vector.shape_cast %swap3A_847 : vector<16xf32> to vector<16xf32>
    %swap3A_849 = vector.shape_cast %get3A_845 : vector<16xf32> to vector<16xf32>
    tpu.vector_store %arg8[%swap3A_846], %swap3A_849 {add = true, strides = array<i32>} : memref<512xf32, #tpu.memory_space<vmem>>, vector<16xf32>,
    %get3A_850 = arith.constant 24128 : index
    %get3A_851 = tpu.vector_load %arg7[%get3A_850] {strides = array<i32>} : memref<25600xf32, #tpu.memory_space<vmem>>, vector<16xf32>,
    %get3A_852 = vector.shape_cast %get3A_851 : vector<16xf32> to vector<16xf32>
    %swap3A_853 = arith.constant 64 : index
    %swap3A_854 = tpu.vector_load %arg8[%swap3A_853] {strides = array<i32>} : memref<512xf32, #tpu.memory_space<vmem>>, vector<16xf32>,
    %swap3A_855 = vector.shape_cast %swap3A_854 : vector<16xf32> to vector<16xf32>
    %swap3A_856 = vector.shape_cast %get3A_852 : vector<16xf32> to vector<16xf32>
    tpu.vector_store %arg8[%swap3A_853], %swap3A_856 {add = true, strides = array<i32>} : memref<512xf32, #tpu.memory_space<vmem>>, vector<16xf32>,
    %get3A_857 = arith.constant 24144 : index
    %get3A_858 = tpu.vector_load %arg7[%get3A_857] {strides = array<i32>} : memref<25600xf32, #tpu.memory_space<vmem>>, vector<16xf32>,
    %get3A_859 = vector.shape_cast %get3A_858 : vector<16xf32> to vector<16xf32>
    %swap3A_860 = arith.constant 80 : index
    %swap3A_861 = tpu.vector_load %arg8[%swap3A_860] {strides = array<i32>} : memref<512xf32, #tpu.memory_space<vmem>>, vector<16xf32>,
    %swap3A_862 = vector.shape_cast %swap3A_861 : vector<16xf32> to vector<16xf32>
    %swap3A_863 = vector.shape_cast %get3A_859 : vector<16xf32> to vector<16xf32>
    tpu.vector_store %arg8[%swap3A_860], %swap3A_863 {add = true, strides = array<i32>} : memref<512xf32, #tpu.memory_space<vmem>>, vector<16xf32>,
    %get3A_864 = arith.constant 24160 : index
    %get3A_865 = tpu.vector_load %arg7[%get3A_864] {strides = array<i32>} : memref<25600xf32, #tpu.memory_space<vmem>>, vector<16xf32>,
    %get3A_866 = vector.shape_cast %get3A_865 : vector<16xf32> to vector<16xf32>
    %swap3A_867 = arith.constant 96 : index
    %swap3A_868 = tpu.vector_load %arg8[%swap3A_867] {strides = array<i32>} : memref<512xf32, #tpu.memory_space<vmem>>, vector<16xf32>,
    %swap3A_869 = vector.shape_cast %swap3A_868 : vector<16xf32> to vector<16xf32>
    %swap3A_870 = vector.shape_cast %get3A_866 : vector<16xf32> to vector<16xf32>
    tpu.vector_store %arg8[%swap3A_867], %swap3A_870 {add = true, strides = array<i32>} : memref<512xf32, #tpu.memory_space<vmem>>, vector<16xf32>,
    %get3A_871 = arith.constant 24176 : index
    %get3A_872 = tpu.vector_load %arg7[%get3A_871] {strides = array<i32>} : memref<25600xf32, #tpu.memory_space<vmem>>, vector<16xf32>,
    %get3A_873 = vector.shape_cast %get3A_872 : vector<16xf32> to vector<16xf32>
    %swap3A_874 = arith.constant 112 : index
    %swap3A_875 = tpu.vector_load %arg8[%swap3A_874] {strides = array<i32>} : memref<512xf32, #tpu.memory_space<vmem>>, vector<16xf32>,
    %swap3A_876 = vector.shape_cast %swap3A_875 : vector<16xf32> to vector<16xf32>
    %swap3A_877 = vector.shape_cast %get3A_873 : vector<16xf32> to vector<16xf32>
    tpu.vector_store %arg8[%swap3A_874], %swap3A_877 {add = true, strides = array<i32>} : memref<512xf32, #tpu.memory_space<vmem>>, vector<16xf32>,
    %get3A_878 = arith.constant 24192 : index
    %get3A_879 = tpu.vector_load %arg7[%get3A_878] {strides = array<i32>} : memref<25600xf32, #tpu.memory_space<vmem>>, vector<16xf32>,
    %get3A_880 = vector.shape_cast %get3A_879 : vector<16xf32> to vector<16xf32>
    %swap3A_881 = arith.constant 128 : index
    %swap3A_882 = tpu.vector_load %arg8[%swap3A_881] {strides = array<i32>} : memref<512xf32, #tpu.memory_space<vmem>>, vector<16xf32>,
    %swap3A_883 = vector.shape_cast %swap3A_882 : vector<16xf32> to vector<16xf32>
    %swap3A_884 = vector.shape_cast %get3A_880 : vector<16xf32> to vector<16xf32>
    tpu.vector_store %arg8[%swap3A_881], %swap3A_884 {add = true, strides = array<i32>} : memref<512xf32, #tpu.memory_space<vmem>>, vector<16xf32>,
    %get3A_885 = arith.constant 24208 : index
    %get3A_886 = tpu.vector_load %arg7[%get3A_885] {strides = array<i32>} : memref<25600xf32, #tpu.memory_space<vmem>>, vector<16xf32>,
    %get3A_887 = vector.shape_cast %get3A_886 : vector<16xf32> to vector<16xf32>
    %swap3A_888 = arith.constant 144 : index
    %swap3A_889 = tpu.vector_load %arg8[%swap3A_888] {strides = array<i32>} : memref<512xf32, #tpu.memory_space<vmem>>, vector<16xf32>,
    %swap3A_890 = vector.shape_cast %swap3A_889 : vector<16xf32> to vector<16xf32>
    %swap3A_891 = vector.shape_cast %get3A_887 : vector<16xf32> to vector<16xf32>
    tpu.vector_store %arg8[%swap3A_888], %swap3A_891 {add = true, strides = array<i32>} : memref<512xf32, #tpu.memory_space<vmem>>, vector<16xf32>,
    %get3A_892 = arith.constant 24224 : index
    %get3A_893 = tpu.vector_load %arg7[%get3A_892] {strides = array<i32>} : memref<25600xf32, #tpu.memory_space<vmem>>, vector<16xf32>,
    %get3A_894 = vector.shape_cast %get3A_893 : vector<16xf32> to vector<16xf32>
    %swap3A_895 = arith.constant 160 : index
    %swap3A_896 = tpu.vector_load %arg8[%swap3A_895] {strides = array<i32>} : memref<512xf32, #tpu.memory_space<vmem>>, vector<16xf32>,
    %swap3A_897 = vector.shape_cast %swap3A_896 : vector<16xf32> to vector<16xf32>
    %swap3A_898 = vector.shape_cast %get3A_894 : vector<16xf32> to vector<16xf32>
    tpu.vector_store %arg8[%swap3A_895], %swap3A_898 {add = true, strides = array<i32>} : memref<512xf32, #tpu.memory_space<vmem>>, vector<16xf32>,
    %get3A_899 = arith.constant 24240 : index
    %get3A_900 = tpu.vector_load %arg7[%get3A_899] {strides = array<i32>} : memref<25600xf32, #tpu.memory_space<vmem>>, vector<16xf32>,
    %get3A_901 = vector.shape_cast %get3A_900 : vector<16xf32> to vector<16xf32>
    %swap3A_902 = arith.constant 176 : index
    %swap3A_903 = tpu.vector_load %arg8[%swap3A_902] {strides = array<i32>} : memref<512xf32, #tpu.memory_space<vmem>>, vector<16xf32>,
    %swap3A_904 = vector.shape_cast %swap3A_903 : vector<16xf32> to vector<16xf32>
    %swap3A_905 = vector.shape_cast %get3A_901 : vector<16xf32> to vector<16xf32>
    tpu.vector_store %arg8[%swap3A_902], %swap3A_905 {add = true, strides = array<i32>} : memref<512xf32, #tpu.memory_space<vmem>>, vector<16xf32>,
    %get3A_906 = arith.constant 24256 : index
    %get3A_907 = tpu.vector_load %arg7[%get3A_906] {strides = array<i32>} : memref<25600xf32, #tpu.memory_space<vmem>>, vector<16xf32>,
    %get3A_908 = vector.shape_cast %get3A_907 : vector<16xf32> to vector<16xf32>
    %swap3A_909 = arith.constant 192 : index
    %swap3A_910 = tpu.vector_load %arg8[%swap3A_909] {strides = array<i32>} : memref<512xf32, #tpu.memory_space<vmem>>, vector<16xf32>,
    %swap3A_911 = vector.shape_cast %swap3A_910 : vector<16xf32> to vector<16xf32>
    %swap3A_912 = vector.shape_cast %get3A_908 : vector<16xf32> to vector<16xf32>
    tpu.vector_store %arg8[%swap3A_909], %swap3A_912 {add = true, strides = array<i32>} : memref<512xf32, #tpu.memory_space<vmem>>, vector<16xf32>,
    %get3A_913 = arith.constant 24272 : index
    %get3A_914 = tpu.vector_load %arg7[%get3A_913] {strides = array<i32>} : memref<25600xf32, #tpu.memory_space<vmem>>, vector<16xf32>,
    %get3A_915 = vector.shape_cast %get3A_914 : vector<16xf32> to vector<16xf32>
    %swap3A_916 = arith.constant 208 : index
    %swap3A_917 = tpu.vector_load %arg8[%swap3A_916] {strides = array<i32>} : memref<512xf32, #tpu.memory_space<vmem>>, vector<16xf32>,
    %swap3A_918 = vector.shape_cast %swap3A_917 : vector<16xf32> to vector<16xf32>
    %swap3A_919 = vector.shape_cast %get3A_915 : vector<16xf32> to vector<16xf32>
    tpu.vector_store %arg8[%swap3A_916], %swap3A_919 {add = true, strides = array<i32>} : memref<512xf32, #tpu.memory_space<vmem>>, vector<16xf32>,
    %get3A_920 = arith.constant 24288 : index
    %get3A_921 = tpu.vector_load %arg7[%get3A_920] {strides = array<i32>} : memref<25600xf32, #tpu.memory_space<vmem>>, vector<16xf32>,
    %get3A_922 = vector.shape_cast %get3A_921 : vector<16xf32> to vector<16xf32>
    %swap3A_923 = arith.constant 224 : index
    %swap3A_924 = tpu.vector_load %arg8[%swap3A_923] {strides = array<i32>} : memref<512xf32, #tpu.memory_space<vmem>>, vector<16xf32>,
    %swap3A_925 = vector.shape_cast %swap3A_924 : vector<16xf32> to vector<16xf32>
    %swap3A_926 = vector.shape_cast %get3A_922 : vector<16xf32> to vector<16xf32>
    tpu.vector_store %arg8[%swap3A_923], %swap3A_926 {add = true, strides = array<i32>} : memref<512xf32, #tpu.memory_space<vmem>>, vector<16xf32>,
    %get3A_927 = arith.constant 24304 : index
    %get3A_928 = tpu.vector_load %arg7[%get3A_927] {strides = array<i32>} : memref<25600xf32, #tpu.memory_space<vmem>>, vector<16xf32>,
    %get3A_929 = vector.shape_cast %get3A_928 : vector<16xf32> to vector<16xf32>
    %swap3A_930 = arith.constant 240 : index
    %swap3A_931 = tpu.vector_load %arg8[%swap3A_930] {strides = array<i32>} : memref<512xf32, #tpu.memory_space<vmem>>, vector<16xf32>,
    %swap3A_932 = vector.shape_cast %swap3A_931 : vector<16xf32> to vector<16xf32>
    %swap3A_933 = vector.shape_cast %get3A_929 : vector<16xf32> to vector<16xf32>
    tpu.vector_store %arg8[%swap3A_930], %swap3A_933 {add = true, strides = array<i32>} : memref<512xf32, #tpu.memory_space<vmem>>, vector<16xf32>,
    %dma_wait3A_934 = arith.constant 47 : i32
    %dma_wait3A_935 = arith.constant 24320 : i32
    %dma_wait3A_936 = tpu.memref_slice %arg7[%dma_wait3A_935] : memref<25600xf32, #tpu.memory_space<vmem>> -> memref<128xf32, #tpu.memory_space<vmem>>
    %dma_wait3A_937 = arith.constant 256 : i32
    %dma_wait3A_938 = tpu.memref_slice %arg6[%dma_wait3A_934, %dma_wait3A_937] : memref<50x512xi32, #tpu.memory_space<vmem>> -> memref<1x128xi32, #tpu.memory_space<vmem>>
    %dma_wait3A_939 = tpu.memref_squeeze %dma_wait3A_938 : memref<1x128xi32, #tpu.memory_space<vmem>> -> memref<128xi32, #tpu.memory_space<vmem>>
    %dma_wait3A_940 = arith.constant 0 : i32
    %dma_wait3A_941 = tpu.memref_slice %arg3[%dma_wait3A_940] : memref<1048576xf32, #tpu.memory_space<hbm>> -> memref<1048576xf32, #tpu.memory_space<hbm>>
    tpu.wait_indirect_dma semaphore(%arg11 : memref<!tpu.dma_semaphore, #tpu.memory_space<semaphore_mem>>) src(%dma_wait3A_941 : memref<1048576xf32, #tpu.memory_space<hbm>>) dst(%dma_wait3A_936 : memref<128xf32, #tpu.memory_space<vmem>>)
    %dma_wait3A_942 = arith.constant 47 : i32
    %dma_wait3A_943 = arith.constant 24448 : i32
    %dma_wait3A_944 = tpu.memref_slice %arg7[%dma_wait3A_943] : memref<25600xf32, #tpu.memory_space<vmem>> -> memref<128xf32, #tpu.memory_space<vmem>>
    %dma_wait3A_945 = arith.constant 384 : i32
    %dma_wait3A_946 = tpu.memref_slice %arg6[%dma_wait3A_942, %dma_wait3A_945] : memref<50x512xi32, #tpu.memory_space<vmem>> -> memref<1x128xi32, #tpu.memory_space<vmem>>
    %dma_wait3A_947 = tpu.memref_squeeze %dma_wait3A_946 : memref<1x128xi32, #tpu.memory_space<vmem>> -> memref<128xi32, #tpu.memory_space<vmem>>
    %dma_wait3A_948 = arith.constant 0 : i32
    %dma_wait3A_949 = tpu.memref_slice %arg3[%dma_wait3A_948] : memref<1048576xf32, #tpu.memory_space<hbm>> -> memref<1048576xf32, #tpu.memory_space<hbm>>
    tpu.wait_indirect_dma semaphore(%arg11 : memref<!tpu.dma_semaphore, #tpu.memory_space<semaphore_mem>>) src(%dma_wait3A_949 : memref<1048576xf32, #tpu.memory_space<hbm>>) dst(%dma_wait3A_944 : memref<128xf32, #tpu.memory_space<vmem>>)
    %dma_wait3A_950 = arith.constant 48 : i32
    %dma_wait3A_951 = arith.constant 24576 : i32
    %dma_wait3A_952 = tpu.memref_slice %arg7[%dma_wait3A_951] : memref<25600xf32, #tpu.memory_space<vmem>> -> memref<128xf32, #tpu.memory_space<vmem>>
    %dma_wait3A_953 = arith.constant 0 : i32
    %dma_wait3A_954 = tpu.memref_slice %arg6[%dma_wait3A_950, %dma_wait3A_953] : memref<50x512xi32, #tpu.memory_space<vmem>> -> memref<1x128xi32, #tpu.memory_space<vmem>>
    %dma_wait3A_955 = tpu.memref_squeeze %dma_wait3A_954 : memref<1x128xi32, #tpu.memory_space<vmem>> -> memref<128xi32, #tpu.memory_space<vmem>>
    %dma_wait3A_956 = arith.constant 0 : i32
    %dma_wait3A_957 = tpu.memref_slice %arg3[%dma_wait3A_956] : memref<1048576xf32, #tpu.memory_space<hbm>> -> memref<1048576xf32, #tpu.memory_space<hbm>>
    tpu.wait_indirect_dma semaphore(%arg11 : memref<!tpu.dma_semaphore, #tpu.memory_space<semaphore_mem>>) src(%dma_wait3A_957 : memref<1048576xf32, #tpu.memory_space<hbm>>) dst(%dma_wait3A_952 : memref<128xf32, #tpu.memory_space<vmem>>)
    %dma_wait3A_958 = arith.constant 48 : i32
    %dma_wait3A_959 = arith.constant 24704 : i32
    %dma_wait3A_960 = tpu.memref_slice %arg7[%dma_wait3A_959] : memref<25600xf32, #tpu.memory_space<vmem>> -> memref<128xf32, #tpu.memory_space<vmem>>
    %dma_wait3A_961 = arith.constant 128 : i32
    %dma_wait3A_962 = tpu.memref_slice %arg6[%dma_wait3A_958, %dma_wait3A_961] : memref<50x512xi32, #tpu.memory_space<vmem>> -> memref<1x128xi32, #tpu.memory_space<vmem>>
    %dma_wait3A_963 = tpu.memref_squeeze %dma_wait3A_962 : memref<1x128xi32, #tpu.memory_space<vmem>> -> memref<128xi32, #tpu.memory_space<vmem>>
    %dma_wait3A_964 = arith.constant 0 : i32
    %dma_wait3A_965 = tpu.memref_slice %arg3[%dma_wait3A_964] : memref<1048576xf32, #tpu.memory_space<hbm>> -> memref<1048576xf32, #tpu.memory_space<hbm>>
    tpu.wait_indirect_dma semaphore(%arg11 : memref<!tpu.dma_semaphore, #tpu.memory_space<semaphore_mem>>) src(%dma_wait3A_965 : memref<1048576xf32, #tpu.memory_space<hbm>>) dst(%dma_wait3A_960 : memref<128xf32, #tpu.memory_space<vmem>>)
    %dma_wait3A_966 = arith.constant 48 : i32
    %dma_wait3A_967 = arith.constant 24832 : i32
    %dma_wait3A_968 = tpu.memref_slice %arg7[%dma_wait3A_967] : memref<25600xf32, #tpu.memory_space<vmem>> -> memref<128xf32, #tpu.memory_space<vmem>>
    %dma_wait3A_969 = arith.constant 256 : i32
    %dma_wait3A_970 = tpu.memref_slice %arg6[%dma_wait3A_966, %dma_wait3A_969] : memref<50x512xi32, #tpu.memory_space<vmem>> -> memref<1x128xi32, #tpu.memory_space<vmem>>
    %dma_wait3A_971 = tpu.memref_squeeze %dma_wait3A_970 : memref<1x128xi32, #tpu.memory_space<vmem>> -> memref<128xi32, #tpu.memory_space<vmem>>
    %dma_wait3A_972 = arith.constant 0 : i32
    %dma_wait3A_973 = tpu.memref_slice %arg3[%dma_wait3A_972] : memref<1048576xf32, #tpu.memory_space<hbm>> -> memref<1048576xf32, #tpu.memory_space<hbm>>
    tpu.wait_indirect_dma semaphore(%arg11 : memref<!tpu.dma_semaphore, #tpu.memory_space<semaphore_mem>>) src(%dma_wait3A_973 : memref<1048576xf32, #tpu.memory_space<hbm>>) dst(%dma_wait3A_968 : memref<128xf32, #tpu.memory_space<vmem>>)
    %dma_wait3A_974 = arith.constant 48 : i32
    %dma_wait3A_975 = arith.constant 24960 : i32
    %dma_wait3A_976 = tpu.memref_slice %arg7[%dma_wait3A_975] : memref<25600xf32, #tpu.memory_space<vmem>> -> memref<128xf32, #tpu.memory_space<vmem>>
    %dma_wait3A_977 = arith.constant 384 : i32
    %dma_wait3A_978 = tpu.memref_slice %arg6[%dma_wait3A_974, %dma_wait3A_977] : memref<50x512xi32, #tpu.memory_space<vmem>> -> memref<1x128xi32, #tpu.memory_space<vmem>>
    %dma_wait3A_979 = tpu.memref_squeeze %dma_wait3A_978 : memref<1x128xi32, #tpu.memory_space<vmem>> -> memref<128xi32, #tpu.memory_space<vmem>>
    %dma_wait3A_980 = arith.constant 0 : i32
    %dma_wait3A_981 = tpu.memref_slice %arg3[%dma_wait3A_980] : memref<1048576xf32, #tpu.memory_space<hbm>> -> memref<1048576xf32, #tpu.memory_space<hbm>>
    tpu.wait_indirect_dma semaphore(%arg11 : memref<!tpu.dma_semaphore, #tpu.memory_space<semaphore_mem>>) src(%dma_wait3A_981 : memref<1048576xf32, #tpu.memory_space<hbm>>) dst(%dma_wait3A_976 : memref<128xf32, #tpu.memory_space<vmem>>)
    %dma_wait3A_982 = arith.constant 49 : i32
    %dma_wait3A_983 = arith.constant 25088 : i32
    %dma_wait3A_984 = tpu.memref_slice %arg7[%dma_wait3A_983] : memref<25600xf32, #tpu.memory_space<vmem>> -> memref<128xf32, #tpu.memory_space<vmem>>
    %dma_wait3A_985 = arith.constant 0 : i32
    %dma_wait3A_986 = tpu.memref_slice %arg6[%dma_wait3A_982, %dma_wait3A_985] : memref<50x512xi32, #tpu.memory_space<vmem>> -> memref<1x128xi32, #tpu.memory_space<vmem>>
    %dma_wait3A_987 = tpu.memref_squeeze %dma_wait3A_986 : memref<1x128xi32, #tpu.memory_space<vmem>> -> memref<128xi32, #tpu.memory_space<vmem>>
    %dma_wait3A_988 = arith.constant 0 : i32
    %dma_wait3A_989 = tpu.memref_slice %arg3[%dma_wait3A_988] : memref<1048576xf32, #tpu.memory_space<hbm>> -> memref<1048576xf32, #tpu.memory_space<hbm>>
    tpu.wait_indirect_dma semaphore(%arg11 : memref<!tpu.dma_semaphore, #tpu.memory_space<semaphore_mem>>) src(%dma_wait3A_989 : memref<1048576xf32, #tpu.memory_space<hbm>>) dst(%dma_wait3A_984 : memref<128xf32, #tpu.memory_space<vmem>>)
    %dma_wait3A_990 = arith.constant 49 : i32
    %dma_wait3A_991 = arith.constant 25216 : i32
    %dma_wait3A_992 = tpu.memref_slice %arg7[%dma_wait3A_991] : memref<25600xf32, #tpu.memory_space<vmem>> -> memref<128xf32, #tpu.memory_space<vmem>>
    %dma_wait3A_993 = arith.constant 128 : i32
    %dma_wait3A_994 = tpu.memref_slice %arg6[%dma_wait3A_990, %dma_wait3A_993] : memref<50x512xi32, #tpu.memory_space<vmem>> -> memref<1x128xi32, #tpu.memory_space<vmem>>
    %dma_wait3A_995 = tpu.memref_squeeze %dma_wait3A_994 : memref<1x128xi32, #tpu.memory_space<vmem>> -> memref<128xi32, #tpu.memory_space<vmem>>
    %dma_wait3A_996 = arith.constant 0 : i32
    %dma_wait3A_997 = tpu.memref_slice %arg3[%dma_wait3A_996] : memref<1048576xf32, #tpu.memory_space<hbm>> -> memref<1048576xf32, #tpu.memory_space<hbm>>
    tpu.wait_indirect_dma semaphore(%arg11 : memref<!tpu.dma_semaphore, #tpu.memory_space<semaphore_mem>>) src(%dma_wait3A_997 : memref<1048576xf32, #tpu.memory_space<hbm>>) dst(%dma_wait3A_992 : memref<128xf32, #tpu.memory_space<vmem>>)
    %dma_wait3A_998 = arith.constant 49 : i32
    %dma_wait3A_999 = arith.constant 25344 : i32
    %dma_wait3A_1000 = tpu.memref_slice %arg7[%dma_wait3A_999] : memref<25600xf32, #tpu.memory_space<vmem>> -> memref<128xf32, #tpu.memory_space<vmem>>
    %dma_wait3A_1001 = arith.constant 256 : i32
    %dma_wait3A_1002 = tpu.memref_slice %arg6[%dma_wait3A_998, %dma_wait3A_1001] : memref<50x512xi32, #tpu.memory_space<vmem>> -> memref<1x128xi32, #tpu.memory_space<vmem>>
    %dma_wait3A_1003 = tpu.memref_squeeze %dma_wait3A_1002 : memref<1x128xi32, #tpu.memory_space<vmem>> -> memref<128xi32, #tpu.memory_space<vmem>>
    %dma_wait3A_1004 = arith.constant 0 : i32
    %dma_wait3A_1005 = tpu.memref_slice %arg3[%dma_wait3A_1004] : memref<1048576xf32, #tpu.memory_space<hbm>> -> memref<1048576xf32, #tpu.memory_space<hbm>>
    tpu.wait_indirect_dma semaphore(%arg11 : memref<!tpu.dma_semaphore, #tpu.memory_space<semaphore_mem>>) src(%dma_wait3A_1005 : memref<1048576xf32, #tpu.memory_space<hbm>>) dst(%dma_wait3A_1000 : memref<128xf32, #tpu.memory_space<vmem>>)
    %dma_wait3A_1006 = arith.constant 49 : i32
    %dma_wait3A_1007 = arith.constant 25472 : i32
    %dma_wait3A_1008 = tpu.memref_slice %arg7[%dma_wait3A_1007] : memref<25600xf32, #tpu.memory_space<vmem>> -> memref<128xf32, #tpu.memory_space<vmem>>
    %dma_wait3A_1009 = arith.constant 384 : i32
    %dma_wait3A_1010 = tpu.memref_slice %arg6[%dma_wait3A_1006, %dma_wait3A_1009] : memref<50x512xi32, #tpu.memory_space<vmem>> -> memref<1x128xi32, #tpu.memory_space<vmem>>
    %dma_wait3A_1011 = tpu.memref_squeeze %dma_wait3A_1010 : memref<1x128xi32, #tpu.memory_space<vmem>> -> memref<128xi32, #tpu.memory_space<vmem>>
    %dma_wait3A_1012 = arith.constant 0 : i32
    %dma_wait3A_1013 = tpu.memref_slice %arg3[%dma_wait3A_1012] : memref<1048576xf32, #tpu.memory_space<hbm>> -> memref<1048576xf32, #tpu.memory_space<hbm>>
    tpu.wait_indirect_dma semaphore(%arg11 : memref<!tpu.dma_semaphore, #tpu.memory_space<semaphore_mem>>) src(%dma_wait3A_1013 : memref<1048576xf32, #tpu.memory_space<hbm>>) dst(%dma_wait3A_1008 : memref<128xf32, #tpu.memory_space<vmem>>)
    %get3A_1014 = arith.constant 24320 : index
    %get3A_1015 = tpu.vector_load %arg7[%get3A_1014] {strides = array<i32>} : memref<25600xf32, #tpu.memory_space<vmem>>, vector<16xf32>,
    %get3A_1016 = vector.shape_cast %get3A_1015 : vector<16xf32> to vector<16xf32>
    %swap3A_1017 = arith.constant 256 : index
    %swap3A_1018 = tpu.vector_load %arg8[%swap3A_1017] {strides = array<i32>} : memref<512xf32, #tpu.memory_space<vmem>>, vector<16xf32>,
    %swap3A_1019 = vector.shape_cast %swap3A_1018 : vector<16xf32> to vector<16xf32>
    %swap3A_1020 = vector.shape_cast %get3A_1016 : vector<16xf32> to vector<16xf32>
    tpu.vector_store %arg8[%swap3A_1017], %swap3A_1020 {add = true, strides = array<i32>} : memref<512xf32, #tpu.memory_space<vmem>>, vector<16xf32>,
    %get3A_1021 = arith.constant 24336 : index
    %get3A_1022 = tpu.vector_load %arg7[%get3A_1021] {strides = array<i32>} : memref<25600xf32, #tpu.memory_space<vmem>>, vector<16xf32>,
    %get3A_1023 = vector.shape_cast %get3A_1022 : vector<16xf32> to vector<16xf32>
    %swap3A_1024 = arith.constant 272 : index
    %swap3A_1025 = tpu.vector_load %arg8[%swap3A_1024] {strides = array<i32>} : memref<512xf32, #tpu.memory_space<vmem>>, vector<16xf32>,
    %swap3A_1026 = vector.shape_cast %swap3A_1025 : vector<16xf32> to vector<16xf32>
    %swap3A_1027 = vector.shape_cast %get3A_1023 : vector<16xf32> to vector<16xf32>
    tpu.vector_store %arg8[%swap3A_1024], %swap3A_1027 {add = true, strides = array<i32>} : memref<512xf32, #tpu.memory_space<vmem>>, vector<16xf32>,
    %get3A_1028 = arith.constant 24352 : index
    %get3A_1029 = tpu.vector_load %arg7[%get3A_1028] {strides = array<i32>} : memref<25600xf32, #tpu.memory_space<vmem>>, vector<16xf32>,
    %get3A_1030 = vector.shape_cast %get3A_1029 : vector<16xf32> to vector<16xf32>
    %swap3A_1031 = arith.constant 288 : index
    %swap3A_1032 = tpu.vector_load %arg8[%swap3A_1031] {strides = array<i32>} : memref<512xf32, #tpu.memory_space<vmem>>, vector<16xf32>,
    %swap3A_1033 = vector.shape_cast %swap3A_1032 : vector<16xf32> to vector<16xf32>
    %swap3A_1034 = vector.shape_cast %get3A_1030 : vector<16xf32> to vector<16xf32>
    tpu.vector_store %arg8[%swap3A_1031], %swap3A_1034 {add = true, strides = array<i32>} : memref<512xf32, #tpu.memory_space<vmem>>, vector<16xf32>,
    %get3A_1035 = arith.constant 24368 : index
    %get3A_1036 = tpu.vector_load %arg7[%get3A_1035] {strides = array<i32>} : memref<25600xf32, #tpu.memory_space<vmem>>, vector<16xf32>,
    %get3A_1037 = vector.shape_cast %get3A_1036 : vector<16xf32> to vector<16xf32>
    %swap3A_1038 = arith.constant 304 : index
    %swap3A_1039 = tpu.vector_load %arg8[%swap3A_1038] {strides = array<i32>} : memref<512xf32, #tpu.memory_space<vmem>>, vector<16xf32>,
    %swap3A_1040 = vector.shape_cast %swap3A_1039 : vector<16xf32> to vector<16xf32>
    %swap3A_1041 = vector.shape_cast %get3A_1037 : vector<16xf32> to vector<16xf32>
    tpu.vector_store %arg8[%swap3A_1038], %swap3A_1041 {add = true, strides = array<i32>} : memref<512xf32, #tpu.memory_space<vmem>>, vector<16xf32>,
    %get3A_1042 = arith.constant 24384 : index
    %get3A_1043 = tpu.vector_load %arg7[%get3A_1042] {strides = array<i32>} : memref<25600xf32, #tpu.memory_space<vmem>>, vector<16xf32>,
    %get3A_1044 = vector.shape_cast %get3A_1043 : vector<16xf32> to vector<16xf32>
    %swap3A_1045 = arith.constant 320 : index
    %swap3A_1046 = tpu.vector_load %arg8[%swap3A_1045] {strides = array<i32>} : memref<512xf32, #tpu.memory_space<vmem>>, vector<16xf32>,
    %swap3A_1047 = vector.shape_cast %swap3A_1046 : vector<16xf32> to vector<16xf32>
    %swap3A_1048 = vector.shape_cast %get3A_1044 : vector<16xf32> to vector<16xf32>
    tpu.vector_store %arg8[%swap3A_1045], %swap3A_1048 {add = true, strides = array<i32>} : memref<512xf32, #tpu.memory_space<vmem>>, vector<16xf32>,
    %get3A_1049 = arith.constant 24400 : index
    %get3A_1050 = tpu.vector_load %arg7[%get3A_1049] {strides = array<i32>} : memref<25600xf32, #tpu.memory_space<vmem>>, vector<16xf32>,
    %get3A_1051 = vector.shape_cast %get3A_1050 : vector<16xf32> to vector<16xf32>
    %swap3A_1052 = arith.constant 336 : index
    %swap3A_1053 = tpu.vector_load %arg8[%swap3A_1052] {strides = array<i32>} : memref<512xf32, #tpu.memory_space<vmem>>, vector<16xf32>,
    %swap3A_1054 = vector.shape_cast %swap3A_1053 : vector<16xf32> to vector<16xf32>
    %swap3A_1055 = vector.shape_cast %get3A_1051 : vector<16xf32> to vector<16xf32>
    tpu.vector_store %arg8[%swap3A_1052], %swap3A_1055 {add = true, strides = array<i32>} : memref<512xf32, #tpu.memory_space<vmem>>, vector<16xf32>,
    %get3A_1056 = arith.constant 24416 : index
    %get3A_1057 = tpu.vector_load %arg7[%get3A_1056] {strides = array<i32>} : memref<25600xf32, #tpu.memory_space<vmem>>, vector<16xf32>,
    %get3A_1058 = vector.shape_cast %get3A_1057 : vector<16xf32> to vector<16xf32>
    %swap3A_1059 = arith.constant 352 : index
    %swap3A_1060 = tpu.vector_load %arg8[%swap3A_1059] {strides = array<i32>} : memref<512xf32, #tpu.memory_space<vmem>>, vector<16xf32>,
    %swap3A_1061 = vector.shape_cast %swap3A_1060 : vector<16xf32> to vector<16xf32>
    %swap3A_1062 = vector.shape_cast %get3A_1058 : vector<16xf32> to vector<16xf32>
    tpu.vector_store %arg8[%swap3A_1059], %swap3A_1062 {add = true, strides = array<i32>} : memref<512xf32, #tpu.memory_space<vmem>>, vector<16xf32>,
    %get3A_1063 = arith.constant 24432 : index
    %get3A_1064 = tpu.vector_load %arg7[%get3A_1063] {strides = array<i32>} : memref<25600xf32, #tpu.memory_space<vmem>>, vector<16xf32>,
    %get3A_1065 = vector.shape_cast %get3A_1064 : vector<16xf32> to vector<16xf32>
    %swap3A_1066 = arith.constant 368 : index
    %swap3A_1067 = tpu.vector_load %arg8[%swap3A_1066] {strides = array<i32>} : memref<512xf32, #tpu.memory_space<vmem>>, vector<16xf32>,
    %swap3A_1068 = vector.shape_cast %swap3A_1067 : vector<16xf32> to vector<16xf32>
    %swap3A_1069 = vector.shape_cast %get3A_1065 : vector<16xf32> to vector<16xf32>
    tpu.vector_store %arg8[%swap3A_1066], %swap3A_1069 {add = true, strides = array<i32>} : memref<512xf32, #tpu.memory_space<vmem>>, vector<16xf32>,
    %get3A_1070 = arith.constant 24448 : index
    %get3A_1071 = tpu.vector_load %arg7[%get3A_1070] {strides = array<i32>} : memref<25600xf32, #tpu.memory_space<vmem>>, vector<16xf32>,
    %get3A_1072 = vector.shape_cast %get3A_1071 : vector<16xf32> to vector<16xf32>
    %swap3A_1073 = arith.constant 384 : index
    %swap3A_1074 = tpu.vector_load %arg8[%swap3A_1073] {strides = array<i32>} : memref<512xf32, #tpu.memory_space<vmem>>, vector<16xf32>,
    %swap3A_1075 = vector.shape_cast %swap3A_1074 : vector<16xf32> to vector<16xf32>
    %swap3A_1076 = vector.shape_cast %get3A_1072 : vector<16xf32> to vector<16xf32>
    tpu.vector_store %arg8[%swap3A_1073], %swap3A_1076 {add = true, strides = array<i32>} : memref<512xf32, #tpu.memory_space<vmem>>, vector<16xf32>,
    %get3A_1077 = arith.constant 24464 : index
    %get3A_1078 = tpu.vector_load %arg7[%get3A_1077] {strides = array<i32>} : memref<25600xf32, #tpu.memory_space<vmem>>, vector<16xf32>,
    %get3A_1079 = vector.shape_cast %get3A_1078 : vector<16xf32> to vector<16xf32>
    %swap3A_1080 = arith.constant 400 : index
    %swap3A_1081 = tpu.vector_load %arg8[%swap3A_1080] {strides = array<i32>} : memref<512xf32, #tpu.memory_space<vmem>>, vector<16xf32>,
    %swap3A_1082 = vector.shape_cast %swap3A_1081 : vector<16xf32> to vector<16xf32>
    %swap3A_1083 = vector.shape_cast %get3A_1079 : vector<16xf32> to vector<16xf32>
    tpu.vector_store %arg8[%swap3A_1080], %swap3A_1083 {add = true, strides = array<i32>} : memref<512xf32, #tpu.memory_space<vmem>>, vector<16xf32>,
    %get3A_1084 = arith.constant 24480 : index
    %get3A_1085 = tpu.vector_load %arg7[%get3A_1084] {strides = array<i32>} : memref<25600xf32, #tpu.memory_space<vmem>>, vector<16xf32>,
    %get3A_1086 = vector.shape_cast %get3A_1085 : vector<16xf32> to vector<16xf32>
    %swap3A_1087 = arith.constant 416 : index
    %swap3A_1088 = tpu.vector_load %arg8[%swap3A_1087] {strides = array<i32>} : memref<512xf32, #tpu.memory_space<vmem>>, vector<16xf32>,
    %swap3A_1089 = vector.shape_cast %swap3A_1088 : vector<16xf32> to vector<16xf32>
    %swap3A_1090 = vector.shape_cast %get3A_1086 : vector<16xf32> to vector<16xf32>
    tpu.vector_store %arg8[%swap3A_1087], %swap3A_1090 {add = true, strides = array<i32>} : memref<512xf32, #tpu.memory_space<vmem>>, vector<16xf32>,
    %get3A_1091 = arith.constant 24496 : index
    %get3A_1092 = tpu.vector_load %arg7[%get3A_1091] {strides = array<i32>} : memref<25600xf32, #tpu.memory_space<vmem>>, vector<16xf32>,
    %get3A_1093 = vector.shape_cast %get3A_1092 : vector<16xf32> to vector<16xf32>
    %swap3A_1094 = arith.constant 432 : index
    %swap3A_1095 = tpu.vector_load %arg8[%swap3A_1094] {strides = array<i32>} : memref<512xf32, #tpu.memory_space<vmem>>, vector<16xf32>,
    %swap3A_1096 = vector.shape_cast %swap3A_1095 : vector<16xf32> to vector<16xf32>
    %swap3A_1097 = vector.shape_cast %get3A_1093 : vector<16xf32> to vector<16xf32>
    tpu.vector_store %arg8[%swap3A_1094], %swap3A_1097 {add = true, strides = array<i32>} : memref<512xf32, #tpu.memory_space<vmem>>, vector<16xf32>,
    %get3A_1098 = arith.constant 24512 : index
    %get3A_1099 = tpu.vector_load %arg7[%get3A_1098] {strides = array<i32>} : memref<25600xf32, #tpu.memory_space<vmem>>, vector<16xf32>,
    %get3A_1100 = vector.shape_cast %get3A_1099 : vector<16xf32> to vector<16xf32>
    %swap3A_1101 = arith.constant 448 : index
    %swap3A_1102 = tpu.vector_load %arg8[%swap3A_1101] {strides = array<i32>} : memref<512xf32, #tpu.memory_space<vmem>>, vector<16xf32>,
    %swap3A_1103 = vector.shape_cast %swap3A_1102 : vector<16xf32> to vector<16xf32>
    %swap3A_1104 = vector.shape_cast %get3A_1100 : vector<16xf32> to vector<16xf32>
    tpu.vector_store %arg8[%swap3A_1101], %swap3A_1104 {add = true, strides = array<i32>} : memref<512xf32, #tpu.memory_space<vmem>>, vector<16xf32>,
    %get3A_1105 = arith.constant 24528 : index
    %get3A_1106 = tpu.vector_load %arg7[%get3A_1105] {strides = array<i32>} : memref<25600xf32, #tpu.memory_space<vmem>>, vector<16xf32>,
    %get3A_1107 = vector.shape_cast %get3A_1106 : vector<16xf32> to vector<16xf32>
    %swap3A_1108 = arith.constant 464 : index
    %swap3A_1109 = tpu.vector_load %arg8[%swap3A_1108] {strides = array<i32>} : memref<512xf32, #tpu.memory_space<vmem>>, vector<16xf32>,
    %swap3A_1110 = vector.shape_cast %swap3A_1109 : vector<16xf32> to vector<16xf32>
    %swap3A_1111 = vector.shape_cast %get3A_1107 : vector<16xf32> to vector<16xf32>
    tpu.vector_store %arg8[%swap3A_1108], %swap3A_1111 {add = true, strides = array<i32>} : memref<512xf32, #tpu.memory_space<vmem>>, vector<16xf32>,
    %get3A_1112 = arith.constant 24544 : index
    %get3A_1113 = tpu.vector_load %arg7[%get3A_1112] {strides = array<i32>} : memref<25600xf32, #tpu.memory_space<vmem>>, vector<16xf32>,
    %get3A_1114 = vector.shape_cast %get3A_1113 : vector<16xf32> to vector<16xf32>
    %swap3A_1115 = arith.constant 480 : index
    %swap3A_1116 = tpu.vector_load %arg8[%swap3A_1115] {strides = array<i32>} : memref<512xf32, #tpu.memory_space<vmem>>, vector<16xf32>,
    %swap3A_1117 = vector.shape_cast %swap3A_1116 : vector<16xf32> to vector<16xf32>
    %swap3A_1118 = vector.shape_cast %get3A_1114 : vector<16xf32> to vector<16xf32>
    tpu.vector_store %arg8[%swap3A_1115], %swap3A_1118 {add = true, strides = array<i32>} : memref<512xf32, #tpu.memory_space<vmem>>, vector<16xf32>,
    %get3A_1119 = arith.constant 24560 : index
    %get3A_1120 = tpu.vector_load %arg7[%get3A_1119] {strides = array<i32>} : memref<25600xf32, #tpu.memory_space<vmem>>, vector<16xf32>,
    %get3A_1121 = vector.shape_cast %get3A_1120 : vector<16xf32> to vector<16xf32>
    %swap3A_1122 = arith.constant 496 : index
    %swap3A_1123 = tpu.vector_load %arg8[%swap3A_1122] {strides = array<i32>} : memref<512xf32, #tpu.memory_space<vmem>>, vector<16xf32>,
    %swap3A_1124 = vector.shape_cast %swap3A_1123 : vector<16xf32> to vector<16xf32>
    %swap3A_1125 = vector.shape_cast %get3A_1121 : vector<16xf32> to vector<16xf32>
    tpu.vector_store %arg8[%swap3A_1122], %swap3A_1125 {add = true, strides = array<i32>} : memref<512xf32, #tpu.memory_space<vmem>>, vector<16xf32>,
    %get3A_1126 = arith.constant 24576 : index
    %get3A_1127 = tpu.vector_load %arg7[%get3A_1126] {strides = array<i32>} : memref<25600xf32, #tpu.memory_space<vmem>>, vector<16xf32>,
    %get3A_1128 = vector.shape_cast %get3A_1127 : vector<16xf32> to vector<16xf32>
    %swap3A_1129 = arith.constant 0 : index
    %swap3A_1130 = tpu.vector_load %arg8[%swap3A_1129] {strides = array<i32>} : memref<512xf32, #tpu.memory_space<vmem>>, vector<16xf32>,
    %swap3A_1131 = vector.shape_cast %swap3A_1130 : vector<16xf32> to vector<16xf32>
    %swap3A_1132 = vector.shape_cast %get3A_1128 : vector<16xf32> to vector<16xf32>
    tpu.vector_store %arg8[%swap3A_1129], %swap3A_1132 {add = true, strides = array<i32>} : memref<512xf32, #tpu.memory_space<vmem>>, vector<16xf32>,
    %get3A_1133 = arith.constant 24592 : index
    %get3A_1134 = tpu.vector_load %arg7[%get3A_1133] {strides = array<i32>} : memref<25600xf32, #tpu.memory_space<vmem>>, vector<16xf32>,
    %get3A_1135 = vector.shape_cast %get3A_1134 : vector<16xf32> to vector<16xf32>
    %swap3A_1136 = arith.constant 16 : index
    %swap3A_1137 = tpu.vector_load %arg8[%swap3A_1136] {strides = array<i32>} : memref<512xf32, #tpu.memory_space<vmem>>, vector<16xf32>,
    %swap3A_1138 = vector.shape_cast %swap3A_1137 : vector<16xf32> to vector<16xf32>
    %swap3A_1139 = vector.shape_cast %get3A_1135 : vector<16xf32> to vector<16xf32>
    tpu.vector_store %arg8[%swap3A_1136], %swap3A_1139 {add = true, strides = array<i32>} : memref<512xf32, #tpu.memory_space<vmem>>, vector<16xf32>,
    %get3A_1140 = arith.constant 24608 : index
    %get3A_1141 = tpu.vector_load %arg7[%get3A_1140] {strides = array<i32>} : memref<25600xf32, #tpu.memory_space<vmem>>, vector<16xf32>,
    %get3A_1142 = vector.shape_cast %get3A_1141 : vector<16xf32> to vector<16xf32>
    %swap3A_1143 = arith.constant 32 : index
    %swap3A_1144 = tpu.vector_load %arg8[%swap3A_1143] {strides = array<i32>} : memref<512xf32, #tpu.memory_space<vmem>>, vector<16xf32>,
    %swap3A_1145 = vector.shape_cast %swap3A_1144 : vector<16xf32> to vector<16xf32>
    %swap3A_1146 = vector.shape_cast %get3A_1142 : vector<16xf32> to vector<16xf32>
    tpu.vector_store %arg8[%swap3A_1143], %swap3A_1146 {add = true, strides = array<i32>} : memref<512xf32, #tpu.memory_space<vmem>>, vector<16xf32>,
    %get3A_1147 = arith.constant 24624 : index
    %get3A_1148 = tpu.vector_load %arg7[%get3A_1147] {strides = array<i32>} : memref<25600xf32, #tpu.memory_space<vmem>>, vector<16xf32>,
    %get3A_1149 = vector.shape_cast %get3A_1148 : vector<16xf32> to vector<16xf32>
    %swap3A_1150 = arith.constant 48 : index
    %swap3A_1151 = tpu.vector_load %arg8[%swap3A_1150] {strides = array<i32>} : memref<512xf32, #tpu.memory_space<vmem>>, vector<16xf32>,
    %swap3A_1152 = vector.shape_cast %swap3A_1151 : vector<16xf32> to vector<16xf32>
    %swap3A_1153 = vector.shape_cast %get3A_1149 : vector<16xf32> to vector<16xf32>
    tpu.vector_store %arg8[%swap3A_1150], %swap3A_1153 {add = true, strides = array<i32>} : memref<512xf32, #tpu.memory_space<vmem>>, vector<16xf32>,
    %get3A_1154 = arith.constant 24640 : index
    %get3A_1155 = tpu.vector_load %arg7[%get3A_1154] {strides = array<i32>} : memref<25600xf32, #tpu.memory_space<vmem>>, vector<16xf32>,
    %get3A_1156 = vector.shape_cast %get3A_1155 : vector<16xf32> to vector<16xf32>
    %swap3A_1157 = arith.constant 64 : index
    %swap3A_1158 = tpu.vector_load %arg8[%swap3A_1157] {strides = array<i32>} : memref<512xf32, #tpu.memory_space<vmem>>, vector<16xf32>,
    %swap3A_1159 = vector.shape_cast %swap3A_1158 : vector<16xf32> to vector<16xf32>
    %swap3A_1160 = vector.shape_cast %get3A_1156 : vector<16xf32> to vector<16xf32>
    tpu.vector_store %arg8[%swap3A_1157], %swap3A_1160 {add = true, strides = array<i32>} : memref<512xf32, #tpu.memory_space<vmem>>, vector<16xf32>,
    %get3A_1161 = arith.constant 24656 : index
    %get3A_1162 = tpu.vector_load %arg7[%get3A_1161] {strides = array<i32>} : memref<25600xf32, #tpu.memory_space<vmem>>, vector<16xf32>,
    %get3A_1163 = vector.shape_cast %get3A_1162 : vector<16xf32> to vector<16xf32>
    %swap3A_1164 = arith.constant 80 : index
    %swap3A_1165 = tpu.vector_load %arg8[%swap3A_1164] {strides = array<i32>} : memref<512xf32, #tpu.memory_space<vmem>>, vector<16xf32>,
    %swap3A_1166 = vector.shape_cast %swap3A_1165 : vector<16xf32> to vector<16xf32>
    %swap3A_1167 = vector.shape_cast %get3A_1163 : vector<16xf32> to vector<16xf32>
    tpu.vector_store %arg8[%swap3A_1164], %swap3A_1167 {add = true, strides = array<i32>} : memref<512xf32, #tpu.memory_space<vmem>>, vector<16xf32>,
    %get3A_1168 = arith.constant 24672 : index
    %get3A_1169 = tpu.vector_load %arg7[%get3A_1168] {strides = array<i32>} : memref<25600xf32, #tpu.memory_space<vmem>>, vector<16xf32>,
    %get3A_1170 = vector.shape_cast %get3A_1169 : vector<16xf32> to vector<16xf32>
    %swap3A_1171 = arith.constant 96 : index
    %swap3A_1172 = tpu.vector_load %arg8[%swap3A_1171] {strides = array<i32>} : memref<512xf32, #tpu.memory_space<vmem>>, vector<16xf32>,
    %swap3A_1173 = vector.shape_cast %swap3A_1172 : vector<16xf32> to vector<16xf32>
    %swap3A_1174 = vector.shape_cast %get3A_1170 : vector<16xf32> to vector<16xf32>
    tpu.vector_store %arg8[%swap3A_1171], %swap3A_1174 {add = true, strides = array<i32>} : memref<512xf32, #tpu.memory_space<vmem>>, vector<16xf32>,
    %get3A_1175 = arith.constant 24688 : index
    %get3A_1176 = tpu.vector_load %arg7[%get3A_1175] {strides = array<i32>} : memref<25600xf32, #tpu.memory_space<vmem>>, vector<16xf32>,
    %get3A_1177 = vector.shape_cast %get3A_1176 : vector<16xf32> to vector<16xf32>
    %swap3A_1178 = arith.constant 112 : index
    %swap3A_1179 = tpu.vector_load %arg8[%swap3A_1178] {strides = array<i32>} : memref<512xf32, #tpu.memory_space<vmem>>, vector<16xf32>,
    %swap3A_1180 = vector.shape_cast %swap3A_1179 : vector<16xf32> to vector<16xf32>
    %swap3A_1181 = vector.shape_cast %get3A_1177 : vector<16xf32> to vector<16xf32>
    tpu.vector_store %arg8[%swap3A_1178], %swap3A_1181 {add = true, strides = array<i32>} : memref<512xf32, #tpu.memory_space<vmem>>, vector<16xf32>,
    %get3A_1182 = arith.constant 24704 : index
    %get3A_1183 = tpu.vector_load %arg7[%get3A_1182] {strides = array<i32>} : memref<25600xf32, #tpu.memory_space<vmem>>, vector<16xf32>,
    %get3A_1184 = vector.shape_cast %get3A_1183 : vector<16xf32> to vector<16xf32>
    %swap3A_1185 = arith.constant 128 : index
    %swap3A_1186 = tpu.vector_load %arg8[%swap3A_1185] {strides = array<i32>} : memref<512xf32, #tpu.memory_space<vmem>>, vector<16xf32>,
    %swap3A_1187 = vector.shape_cast %swap3A_1186 : vector<16xf32> to vector<16xf32>
    %swap3A_1188 = vector.shape_cast %get3A_1184 : vector<16xf32> to vector<16xf32>
    tpu.vector_store %arg8[%swap3A_1185], %swap3A_1188 {add = true, strides = array<i32>} : memref<512xf32, #tpu.memory_space<vmem>>, vector<16xf32>,
    %get3A_1189 = arith.constant 24720 : index
    %get3A_1190 = tpu.vector_load %arg7[%get3A_1189] {strides = array<i32>} : memref<25600xf32, #tpu.memory_space<vmem>>, vector<16xf32>,
    %get3A_1191 = vector.shape_cast %get3A_1190 : vector<16xf32> to vector<16xf32>
    %swap3A_1192 = arith.constant 144 : index
    %swap3A_1193 = tpu.vector_load %arg8[%swap3A_1192] {strides = array<i32>} : memref<512xf32, #tpu.memory_space<vmem>>, vector<16xf32>,
    %swap3A_1194 = vector.shape_cast %swap3A_1193 : vector<16xf32> to vector<16xf32>
    %swap3A_1195 = vector.shape_cast %get3A_1191 : vector<16xf32> to vector<16xf32>
    tpu.vector_store %arg8[%swap3A_1192], %swap3A_1195 {add = true, strides = array<i32>} : memref<512xf32, #tpu.memory_space<vmem>>, vector<16xf32>,
    %get3A_1196 = arith.constant 24736 : index
    %get3A_1197 = tpu.vector_load %arg7[%get3A_1196] {strides = array<i32>} : memref<25600xf32, #tpu.memory_space<vmem>>, vector<16xf32>,
    %get3A_1198 = vector.shape_cast %get3A_1197 : vector<16xf32> to vector<16xf32>
    %swap3A_1199 = arith.constant 160 : index
    %swap3A_1200 = tpu.vector_load %arg8[%swap3A_1199] {strides = array<i32>} : memref<512xf32, #tpu.memory_space<vmem>>, vector<16xf32>,
    %swap3A_1201 = vector.shape_cast %swap3A_1200 : vector<16xf32> to vector<16xf32>
    %swap3A_1202 = vector.shape_cast %get3A_1198 : vector<16xf32> to vector<16xf32>
    tpu.vector_store %arg8[%swap3A_1199], %swap3A_1202 {add = true, strides = array<i32>} : memref<512xf32, #tpu.memory_space<vmem>>, vector<16xf32>,
    %get3A_1203 = arith.constant 24752 : index
    %get3A_1204 = tpu.vector_load %arg7[%get3A_1203] {strides = array<i32>} : memref<25600xf32, #tpu.memory_space<vmem>>, vector<16xf32>,
    %get3A_1205 = vector.shape_cast %get3A_1204 : vector<16xf32> to vector<16xf32>
    %swap3A_1206 = arith.constant 176 : index
    %swap3A_1207 = tpu.vector_load %arg8[%swap3A_1206] {strides = array<i32>} : memref<512xf32, #tpu.memory_space<vmem>>, vector<16xf32>,
    %swap3A_1208 = vector.shape_cast %swap3A_1207 : vector<16xf32> to vector<16xf32>
    %swap3A_1209 = vector.shape_cast %get3A_1205 : vector<16xf32> to vector<16xf32>
    tpu.vector_store %arg8[%swap3A_1206], %swap3A_1209 {add = true, strides = array<i32>} : memref<512xf32, #tpu.memory_space<vmem>>, vector<16xf32>,
    %get3A_1210 = arith.constant 24768 : index
    %get3A_1211 = tpu.vector_load %arg7[%get3A_1210] {strides = array<i32>} : memref<25600xf32, #tpu.memory_space<vmem>>, vector<16xf32>,
    %get3A_1212 = vector.shape_cast %get3A_1211 : vector<16xf32> to vector<16xf32>
    %swap3A_1213 = arith.constant 192 : index
    %swap3A_1214 = tpu.vector_load %arg8[%swap3A_1213] {strides = array<i32>} : memref<512xf32, #tpu.memory_space<vmem>>, vector<16xf32>,
    %swap3A_1215 = vector.shape_cast %swap3A_1214 : vector<16xf32> to vector<16xf32>
    %swap3A_1216 = vector.shape_cast %get3A_1212 : vector<16xf32> to vector<16xf32>
    tpu.vector_store %arg8[%swap3A_1213], %swap3A_1216 {add = true, strides = array<i32>} : memref<512xf32, #tpu.memory_space<vmem>>, vector<16xf32>,
    %get3A_1217 = arith.constant 24784 : index
    %get3A_1218 = tpu.vector_load %arg7[%get3A_1217] {strides = array<i32>} : memref<25600xf32, #tpu.memory_space<vmem>>, vector<16xf32>,
    %get3A_1219 = vector.shape_cast %get3A_1218 : vector<16xf32> to vector<16xf32>
    %swap3A_1220 = arith.constant 208 : index
    %swap3A_1221 = tpu.vector_load %arg8[%swap3A_1220] {strides = array<i32>} : memref<512xf32, #tpu.memory_space<vmem>>, vector<16xf32>,
    %swap3A_1222 = vector.shape_cast %swap3A_1221 : vector<16xf32> to vector<16xf32>
    %swap3A_1223 = vector.shape_cast %get3A_1219 : vector<16xf32> to vector<16xf32>
    tpu.vector_store %arg8[%swap3A_1220], %swap3A_1223 {add = true, strides = array<i32>} : memref<512xf32, #tpu.memory_space<vmem>>, vector<16xf32>,
    %get3A_1224 = arith.constant 24800 : index
    %get3A_1225 = tpu.vector_load %arg7[%get3A_1224] {strides = array<i32>} : memref<25600xf32, #tpu.memory_space<vmem>>, vector<16xf32>,
    %get3A_1226 = vector.shape_cast %get3A_1225 : vector<16xf32> to vector<16xf32>
    %swap3A_1227 = arith.constant 224 : index
    %swap3A_1228 = tpu.vector_load %arg8[%swap3A_1227] {strides = array<i32>} : memref<512xf32, #tpu.memory_space<vmem>>, vector<16xf32>,
    %swap3A_1229 = vector.shape_cast %swap3A_1228 : vector<16xf32> to vector<16xf32>
    %swap3A_1230 = vector.shape_cast %get3A_1226 : vector<16xf32> to vector<16xf32>
    tpu.vector_store %arg8[%swap3A_1227], %swap3A_1230 {add = true, strides = array<i32>} : memref<512xf32, #tpu.memory_space<vmem>>, vector<16xf32>,
    %get3A_1231 = arith.constant 24816 : index
    %get3A_1232 = tpu.vector_load %arg7[%get3A_1231] {strides = array<i32>} : memref<25600xf32, #tpu.memory_space<vmem>>, vector<16xf32>,
    %get3A_1233 = vector.shape_cast %get3A_1232 : vector<16xf32> to vector<16xf32>
    %swap3A_1234 = arith.constant 240 : index
    %swap3A_1235 = tpu.vector_load %arg8[%swap3A_1234] {strides = array<i32>} : memref<512xf32, #tpu.memory_space<vmem>>, vector<16xf32>,
    %swap3A_1236 = vector.shape_cast %swap3A_1235 : vector<16xf32> to vector<16xf32>
    %swap3A_1237 = vector.shape_cast %get3A_1233 : vector<16xf32> to vector<16xf32>
    tpu.vector_store %arg8[%swap3A_1234], %swap3A_1237 {add = true, strides = array<i32>} : memref<512xf32, #tpu.memory_space<vmem>>, vector<16xf32>,
    %get3A_1238 = arith.constant 24832 : index
    %get3A_1239 = tpu.vector_load %arg7[%get3A_1238] {strides = array<i32>} : memref<25600xf32, #tpu.memory_space<vmem>>, vector<16xf32>,
    %get3A_1240 = vector.shape_cast %get3A_1239 : vector<16xf32> to vector<16xf32>
    %swap3A_1241 = arith.constant 256 : index
    %swap3A_1242 = tpu.vector_load %arg8[%swap3A_1241] {strides = array<i32>} : memref<512xf32, #tpu.memory_space<vmem>>, vector<16xf32>,
    %swap3A_1243 = vector.shape_cast %swap3A_1242 : vector<16xf32> to vector<16xf32>
    %swap3A_1244 = vector.shape_cast %get3A_1240 : vector<16xf32> to vector<16xf32>
    tpu.vector_store %arg8[%swap3A_1241], %swap3A_1244 {add = true, strides = array<i32>} : memref<512xf32, #tpu.memory_space<vmem>>, vector<16xf32>,
    %get3A_1245 = arith.constant 24848 : index
    %get3A_1246 = tpu.vector_load %arg7[%get3A_1245] {strides = array<i32>} : memref<25600xf32, #tpu.memory_space<vmem>>, vector<16xf32>,
    %get3A_1247 = vector.shape_cast %get3A_1246 : vector<16xf32> to vector<16xf32>
    %swap3A_1248 = arith.constant 272 : index
    %swap3A_1249 = tpu.vector_load %arg8[%swap3A_1248] {strides = array<i32>} : memref<512xf32, #tpu.memory_space<vmem>>, vector<16xf32>,
    %swap3A_1250 = vector.shape_cast %swap3A_1249 : vector<16xf32> to vector<16xf32>
    %swap3A_1251 = vector.shape_cast %get3A_1247 : vector<16xf32> to vector<16xf32>
    tpu.vector_store %arg8[%swap3A_1248], %swap3A_1251 {add = true, strides = array<i32>} : memref<512xf32, #tpu.memory_space<vmem>>, vector<16xf32>,
    %get3A_1252 = arith.constant 24864 : index
    %get3A_1253 = tpu.vector_load %arg7[%get3A_1252] {strides = array<i32>} : memref<25600xf32, #tpu.memory_space<vmem>>, vector<16xf32>,
    %get3A_1254 = vector.shape_cast %get3A_1253 : vector<16xf32> to vector<16xf32>
    %swap3A_1255 = arith.constant 288 : index
    %swap3A_1256 = tpu.vector_load %arg8[%swap3A_1255] {strides = array<i32>} : memref<512xf32, #tpu.memory_space<vmem>>, vector<16xf32>,
    %swap3A_1257 = vector.shape_cast %swap3A_1256 : vector<16xf32> to vector<16xf32>
    %swap3A_1258 = vector.shape_cast %get3A_1254 : vector<16xf32> to vector<16xf32>
    tpu.vector_store %arg8[%swap3A_1255], %swap3A_1258 {add = true, strides = array<i32>} : memref<512xf32, #tpu.memory_space<vmem>>, vector<16xf32>,
    %get3A_1259 = arith.constant 24880 : index
    %get3A_1260 = tpu.vector_load %arg7[%get3A_1259] {strides = array<i32>} : memref<25600xf32, #tpu.memory_space<vmem>>, vector<16xf32>,
    %get3A_1261 = vector.shape_cast %get3A_1260 : vector<16xf32> to vector<16xf32>
    %swap3A_1262 = arith.constant 304 : index
    %swap3A_1263 = tpu.vector_load %arg8[%swap3A_1262] {strides = array<i32>} : memref<512xf32, #tpu.memory_space<vmem>>, vector<16xf32>,
    %swap3A_1264 = vector.shape_cast %swap3A_1263 : vector<16xf32> to vector<16xf32>
    %swap3A_1265 = vector.shape_cast %get3A_1261 : vector<16xf32> to vector<16xf32>
    tpu.vector_store %arg8[%swap3A_1262], %swap3A_1265 {add = true, strides = array<i32>} : memref<512xf32, #tpu.memory_space<vmem>>, vector<16xf32>,
    %get3A_1266 = arith.constant 24896 : index
    %get3A_1267 = tpu.vector_load %arg7[%get3A_1266] {strides = array<i32>} : memref<25600xf32, #tpu.memory_space<vmem>>, vector<16xf32>,
    %get3A_1268 = vector.shape_cast %get3A_1267 : vector<16xf32> to vector<16xf32>
    %swap3A_1269 = arith.constant 320 : index
    %swap3A_1270 = tpu.vector_load %arg8[%swap3A_1269] {strides = array<i32>} : memref<512xf32, #tpu.memory_space<vmem>>, vector<16xf32>,
    %swap3A_1271 = vector.shape_cast %swap3A_1270 : vector<16xf32> to vector<16xf32>
    %swap3A_1272 = vector.shape_cast %get3A_1268 : vector<16xf32> to vector<16xf32>
    tpu.vector_store %arg8[%swap3A_1269], %swap3A_1272 {add = true, strides = array<i32>} : memref<512xf32, #tpu.memory_space<vmem>>, vector<16xf32>,
    %get3A_1273 = arith.constant 24912 : index
    %get3A_1274 = tpu.vector_load %arg7[%get3A_1273] {strides = array<i32>} : memref<25600xf32, #tpu.memory_space<vmem>>, vector<16xf32>,
    %get3A_1275 = vector.shape_cast %get3A_1274 : vector<16xf32> to vector<16xf32>
    %swap3A_1276 = arith.constant 336 : index
    %swap3A_1277 = tpu.vector_load %arg8[%swap3A_1276] {strides = array<i32>} : memref<512xf32, #tpu.memory_space<vmem>>, vector<16xf32>,
    %swap3A_1278 = vector.shape_cast %swap3A_1277 : vector<16xf32> to vector<16xf32>
    %swap3A_1279 = vector.shape_cast %get3A_1275 : vector<16xf32> to vector<16xf32>
    tpu.vector_store %arg8[%swap3A_1276], %swap3A_1279 {add = true, strides = array<i32>} : memref<512xf32, #tpu.memory_space<vmem>>, vector<16xf32>,
    %get3A_1280 = arith.constant 24928 : index
    %get3A_1281 = tpu.vector_load %arg7[%get3A_1280] {strides = array<i32>} : memref<25600xf32, #tpu.memory_space<vmem>>, vector<16xf32>,
    %get3A_1282 = vector.shape_cast %get3A_1281 : vector<16xf32> to vector<16xf32>
    %swap3A_1283 = arith.constant 352 : index
    %swap3A_1284 = tpu.vector_load %arg8[%swap3A_1283] {strides = array<i32>} : memref<512xf32, #tpu.memory_space<vmem>>, vector<16xf32>,
    %swap3A_1285 = vector.shape_cast %swap3A_1284 : vector<16xf32> to vector<16xf32>
    %swap3A_1286 = vector.shape_cast %get3A_1282 : vector<16xf32> to vector<16xf32>
    tpu.vector_store %arg8[%swap3A_1283], %swap3A_1286 {add = true, strides = array<i32>} : memref<512xf32, #tpu.memory_space<vmem>>, vector<16xf32>,
    %get3A_1287 = arith.constant 24944 : index
    %get3A_1288 = tpu.vector_load %arg7[%get3A_1287] {strides = array<i32>} : memref<25600xf32, #tpu.memory_space<vmem>>, vector<16xf32>,
    %get3A_1289 = vector.shape_cast %get3A_1288 : vector<16xf32> to vector<16xf32>
    %swap3A_1290 = arith.constant 368 : index
    %swap3A_1291 = tpu.vector_load %arg8[%swap3A_1290] {strides = array<i32>} : memref<512xf32, #tpu.memory_space<vmem>>, vector<16xf32>,
    %swap3A_1292 = vector.shape_cast %swap3A_1291 : vector<16xf32> to vector<16xf32>
    %swap3A_1293 = vector.shape_cast %get3A_1289 : vector<16xf32> to vector<16xf32>
    tpu.vector_store %arg8[%swap3A_1290], %swap3A_1293 {add = true, strides = array<i32>} : memref<512xf32, #tpu.memory_space<vmem>>, vector<16xf32>,
    %get3A_1294 = arith.constant 24960 : index
    %get3A_1295 = tpu.vector_load %arg7[%get3A_1294] {strides = array<i32>} : memref<25600xf32, #tpu.memory_space<vmem>>, vector<16xf32>,
    %get3A_1296 = vector.shape_cast %get3A_1295 : vector<16xf32> to vector<16xf32>
    %swap3A_1297 = arith.constant 384 : index
    %swap3A_1298 = tpu.vector_load %arg8[%swap3A_1297] {strides = array<i32>} : memref<512xf32, #tpu.memory_space<vmem>>, vector<16xf32>,
    %swap3A_1299 = vector.shape_cast %swap3A_1298 : vector<16xf32> to vector<16xf32>
    %swap3A_1300 = vector.shape_cast %get3A_1296 : vector<16xf32> to vector<16xf32>
    tpu.vector_store %arg8[%swap3A_1297], %swap3A_1300 {add = true, strides = array<i32>} : memref<512xf32, #tpu.memory_space<vmem>>, vector<16xf32>,
    %get3A_1301 = arith.constant 24976 : index
    %get3A_1302 = tpu.vector_load %arg7[%get3A_1301] {strides = array<i32>} : memref<25600xf32, #tpu.memory_space<vmem>>, vector<16xf32>,
    %get3A_1303 = vector.shape_cast %get3A_1302 : vector<16xf32> to vector<16xf32>
    %swap3A_1304 = arith.constant 400 : index
    %swap3A_1305 = tpu.vector_load %arg8[%swap3A_1304] {strides = array<i32>} : memref<512xf32, #tpu.memory_space<vmem>>, vector<16xf32>,
    %swap3A_1306 = vector.shape_cast %swap3A_1305 : vector<16xf32> to vector<16xf32>
    %swap3A_1307 = vector.shape_cast %get3A_1303 : vector<16xf32> to vector<16xf32>
    tpu.vector_store %arg8[%swap3A_1304], %swap3A_1307 {add = true, strides = array<i32>} : memref<512xf32, #tpu.memory_space<vmem>>, vector<16xf32>,
    %get3A_1308 = arith.constant 24992 : index
    %get3A_1309 = tpu.vector_load %arg7[%get3A_1308] {strides = array<i32>} : memref<25600xf32, #tpu.memory_space<vmem>>, vector<16xf32>,
    %get3A_1310 = vector.shape_cast %get3A_1309 : vector<16xf32> to vector<16xf32>
    %swap3A_1311 = arith.constant 416 : index
    %swap3A_1312 = tpu.vector_load %arg8[%swap3A_1311] {strides = array<i32>} : memref<512xf32, #tpu.memory_space<vmem>>, vector<16xf32>,
    %swap3A_1313 = vector.shape_cast %swap3A_1312 : vector<16xf32> to vector<16xf32>
    %swap3A_1314 = vector.shape_cast %get3A_1310 : vector<16xf32> to vector<16xf32>
    tpu.vector_store %arg8[%swap3A_1311], %swap3A_1314 {add = true, strides = array<i32>} : memref<512xf32, #tpu.memory_space<vmem>>, vector<16xf32>,
    %get3A_1315 = arith.constant 25008 : index
    %get3A_1316 = tpu.vector_load %arg7[%get3A_1315] {strides = array<i32>} : memref<25600xf32, #tpu.memory_space<vmem>>, vector<16xf32>,
    %get3A_1317 = vector.shape_cast %get3A_1316 : vector<16xf32> to vector<16xf32>
    %swap3A_1318 = arith.constant 432 : index
    %swap3A_1319 = tpu.vector_load %arg8[%swap3A_1318] {strides = array<i32>} : memref<512xf32, #tpu.memory_space<vmem>>, vector<16xf32>,
    %swap3A_1320 = vector.shape_cast %swap3A_1319 : vector<16xf32> to vector<16xf32>
    %swap3A_1321 = vector.shape_cast %get3A_1317 : vector<16xf32> to vector<16xf32>
    tpu.vector_store %arg8[%swap3A_1318], %swap3A_1321 {add = true, strides = array<i32>} : memref<512xf32, #tpu.memory_space<vmem>>, vector<16xf32>,
    %get3A_1322 = arith.constant 25024 : index
    %get3A_1323 = tpu.vector_load %arg7[%get3A_1322] {strides = array<i32>} : memref<25600xf32, #tpu.memory_space<vmem>>, vector<16xf32>,
    %get3A_1324 = vector.shape_cast %get3A_1323 : vector<16xf32> to vector<16xf32>
    %swap3A_1325 = arith.constant 448 : index
    %swap3A_1326 = tpu.vector_load %arg8[%swap3A_1325] {strides = array<i32>} : memref<512xf32, #tpu.memory_space<vmem>>, vector<16xf32>,
    %swap3A_1327 = vector.shape_cast %swap3A_1326 : vector<16xf32> to vector<16xf32>
    %swap3A_1328 = vector.shape_cast %get3A_1324 : vector<16xf32> to vector<16xf32>
    tpu.vector_store %arg8[%swap3A_1325], %swap3A_1328 {add = true, strides = array<i32>} : memref<512xf32, #tpu.memory_space<vmem>>, vector<16xf32>,
    %get3A_1329 = arith.constant 25040 : index
    %get3A_1330 = tpu.vector_load %arg7[%get3A_1329] {strides = array<i32>} : memref<25600xf32, #tpu.memory_space<vmem>>, vector<16xf32>,
    %get3A_1331 = vector.shape_cast %get3A_1330 : vector<16xf32> to vector<16xf32>
    %swap3A_1332 = arith.constant 464 : index
    %swap3A_1333 = tpu.vector_load %arg8[%swap3A_1332] {strides = array<i32>} : memref<512xf32, #tpu.memory_space<vmem>>, vector<16xf32>,
    %swap3A_1334 = vector.shape_cast %swap3A_1333 : vector<16xf32> to vector<16xf32>
    %swap3A_1335 = vector.shape_cast %get3A_1331 : vector<16xf32> to vector<16xf32>
    tpu.vector_store %arg8[%swap3A_1332], %swap3A_1335 {add = true, strides = array<i32>} : memref<512xf32, #tpu.memory_space<vmem>>, vector<16xf32>,
    %get3A_1336 = arith.constant 25056 : index
    %get3A_1337 = tpu.vector_load %arg7[%get3A_1336] {strides = array<i32>} : memref<25600xf32, #tpu.memory_space<vmem>>, vector<16xf32>,
    %get3A_1338 = vector.shape_cast %get3A_1337 : vector<16xf32> to vector<16xf32>
    %swap3A_1339 = arith.constant 480 : index
    %swap3A_1340 = tpu.vector_load %arg8[%swap3A_1339] {strides = array<i32>} : memref<512xf32, #tpu.memory_space<vmem>>, vector<16xf32>,
    %swap3A_1341 = vector.shape_cast %swap3A_1340 : vector<16xf32> to vector<16xf32>
    %swap3A_1342 = vector.shape_cast %get3A_1338 : vector<16xf32> to vector<16xf32>
    tpu.vector_store %arg8[%swap3A_1339], %swap3A_1342 {add = true, strides = array<i32>} : memref<512xf32, #tpu.memory_space<vmem>>, vector<16xf32>,
    %get3A_1343 = arith.constant 25072 : index
    %get3A_1344 = tpu.vector_load %arg7[%get3A_1343] {strides = array<i32>} : memref<25600xf32, #tpu.memory_space<vmem>>, vector<16xf32>,
    %get3A_1345 = vector.shape_cast %get3A_1344 : vector<16xf32> to vector<16xf32>
    %swap3A_1346 = arith.constant 496 : index
    %swap3A_1347 = tpu.vector_load %arg8[%swap3A_1346] {strides = array<i32>} : memref<512xf32, #tpu.memory_space<vmem>>, vector<16xf32>,
    %swap3A_1348 = vector.shape_cast %swap3A_1347 : vector<16xf32> to vector<16xf32>
    %swap3A_1349 = vector.shape_cast %get3A_1345 : vector<16xf32> to vector<16xf32>
    tpu.vector_store %arg8[%swap3A_1346], %swap3A_1349 {add = true, strides = array<i32>} : memref<512xf32, #tpu.memory_space<vmem>>, vector<16xf32>,
    %get3A_1350 = arith.constant 25088 : index
    %get3A_1351 = tpu.vector_load %arg7[%get3A_1350] {strides = array<i32>} : memref<25600xf32, #tpu.memory_space<vmem>>, vector<16xf32>,
    %get3A_1352 = vector.shape_cast %get3A_1351 : vector<16xf32> to vector<16xf32>
    %swap3A_1353 = arith.constant 0 : index
    %swap3A_1354 = tpu.vector_load %arg8[%swap3A_1353] {strides = array<i32>} : memref<512xf32, #tpu.memory_space<vmem>>, vector<16xf32>,
    %swap3A_1355 = vector.shape_cast %swap3A_1354 : vector<16xf32> to vector<16xf32>
    %swap3A_1356 = vector.shape_cast %get3A_1352 : vector<16xf32> to vector<16xf32>
    tpu.vector_store %arg8[%swap3A_1353], %swap3A_1356 {add = true, strides = array<i32>} : memref<512xf32, #tpu.memory_space<vmem>>, vector<16xf32>,
    %get3A_1357 = arith.constant 25104 : index
    %get3A_1358 = tpu.vector_load %arg7[%get3A_1357] {strides = array<i32>} : memref<25600xf32, #tpu.memory_space<vmem>>, vector<16xf32>,
    %get3A_1359 = vector.shape_cast %get3A_1358 : vector<16xf32> to vector<16xf32>
    %swap3A_1360 = arith.constant 16 : index
    %swap3A_1361 = tpu.vector_load %arg8[%swap3A_1360] {strides = array<i32>} : memref<512xf32, #tpu.memory_space<vmem>>, vector<16xf32>,
    %swap3A_1362 = vector.shape_cast %swap3A_1361 : vector<16xf32> to vector<16xf32>
    %swap3A_1363 = vector.shape_cast %get3A_1359 : vector<16xf32> to vector<16xf32>
    tpu.vector_store %arg8[%swap3A_1360], %swap3A_1363 {add = true, strides = array<i32>} : memref<512xf32, #tpu.memory_space<vmem>>, vector<16xf32>,
    %get3A_1364 = arith.constant 25120 : index
    %get3A_1365 = tpu.vector_load %arg7[%get3A_1364] {strides = array<i32>} : memref<25600xf32, #tpu.memory_space<vmem>>, vector<16xf32>,
    %get3A_1366 = vector.shape_cast %get3A_1365 : vector<16xf32> to vector<16xf32>
    %swap3A_1367 = arith.constant 32 : index
    %swap3A_1368 = tpu.vector_load %arg8[%swap3A_1367] {strides = array<i32>} : memref<512xf32, #tpu.memory_space<vmem>>, vector<16xf32>,
    %swap3A_1369 = vector.shape_cast %swap3A_1368 : vector<16xf32> to vector<16xf32>
    %swap3A_1370 = vector.shape_cast %get3A_1366 : vector<16xf32> to vector<16xf32>
    tpu.vector_store %arg8[%swap3A_1367], %swap3A_1370 {add = true, strides = array<i32>} : memref<512xf32, #tpu.memory_space<vmem>>, vector<16xf32>,
    %get3A_1371 = arith.constant 25136 : index
    %get3A_1372 = tpu.vector_load %arg7[%get3A_1371] {strides = array<i32>} : memref<25600xf32, #tpu.memory_space<vmem>>, vector<16xf32>,
    %get3A_1373 = vector.shape_cast %get3A_1372 : vector<16xf32> to vector<16xf32>
    %swap3A_1374 = arith.constant 48 : index
    %swap3A_1375 = tpu.vector_load %arg8[%swap3A_1374] {strides = array<i32>} : memref<512xf32, #tpu.memory_space<vmem>>, vector<16xf32>,
    %swap3A_1376 = vector.shape_cast %swap3A_1375 : vector<16xf32> to vector<16xf32>
    %swap3A_1377 = vector.shape_cast %get3A_1373 : vector<16xf32> to vector<16xf32>
    tpu.vector_store %arg8[%swap3A_1374], %swap3A_1377 {add = true, strides = array<i32>} : memref<512xf32, #tpu.memory_space<vmem>>, vector<16xf32>,
    %get3A_1378 = arith.constant 25152 : index
    %get3A_1379 = tpu.vector_load %arg7[%get3A_1378] {strides = array<i32>} : memref<25600xf32, #tpu.memory_space<vmem>>, vector<16xf32>,
    %get3A_1380 = vector.shape_cast %get3A_1379 : vector<16xf32> to vector<16xf32>
    %swap3A_1381 = arith.constant 64 : index
    %swap3A_1382 = tpu.vector_load %arg8[%swap3A_1381] {strides = array<i32>} : memref<512xf32, #tpu.memory_space<vmem>>, vector<16xf32>,
    %swap3A_1383 = vector.shape_cast %swap3A_1382 : vector<16xf32> to vector<16xf32>
    %swap3A_1384 = vector.shape_cast %get3A_1380 : vector<16xf32> to vector<16xf32>
    tpu.vector_store %arg8[%swap3A_1381], %swap3A_1384 {add = true, strides = array<i32>} : memref<512xf32, #tpu.memory_space<vmem>>, vector<16xf32>,
    %get3A_1385 = arith.constant 25168 : index
    %get3A_1386 = tpu.vector_load %arg7[%get3A_1385] {strides = array<i32>} : memref<25600xf32, #tpu.memory_space<vmem>>, vector<16xf32>,
    %get3A_1387 = vector.shape_cast %get3A_1386 : vector<16xf32> to vector<16xf32>
    %swap3A_1388 = arith.constant 80 : index
    %swap3A_1389 = tpu.vector_load %arg8[%swap3A_1388] {strides = array<i32>} : memref<512xf32, #tpu.memory_space<vmem>>, vector<16xf32>,
    %swap3A_1390 = vector.shape_cast %swap3A_1389 : vector<16xf32> to vector<16xf32>
    %swap3A_1391 = vector.shape_cast %get3A_1387 : vector<16xf32> to vector<16xf32>
    tpu.vector_store %arg8[%swap3A_1388], %swap3A_1391 {add = true, strides = array<i32>} : memref<512xf32, #tpu.memory_space<vmem>>, vector<16xf32>,
    %get3A_1392 = arith.constant 25184 : index
    %get3A_1393 = tpu.vector_load %arg7[%get3A_1392] {strides = array<i32>} : memref<25600xf32, #tpu.memory_space<vmem>>, vector<16xf32>,
    %get3A_1394 = vector.shape_cast %get3A_1393 : vector<16xf32> to vector<16xf32>
    %swap3A_1395 = arith.constant 96 : index
    %swap3A_1396 = tpu.vector_load %arg8[%swap3A_1395] {strides = array<i32>} : memref<512xf32, #tpu.memory_space<vmem>>, vector<16xf32>,
    %swap3A_1397 = vector.shape_cast %swap3A_1396 : vector<16xf32> to vector<16xf32>
    %swap3A_1398 = vector.shape_cast %get3A_1394 : vector<16xf32> to vector<16xf32>
    tpu.vector_store %arg8[%swap3A_1395], %swap3A_1398 {add = true, strides = array<i32>} : memref<512xf32, #tpu.memory_space<vmem>>, vector<16xf32>,
    %get3A_1399 = arith.constant 25200 : index
    %get3A_1400 = tpu.vector_load %arg7[%get3A_1399] {strides = array<i32>} : memref<25600xf32, #tpu.memory_space<vmem>>, vector<16xf32>,
    %get3A_1401 = vector.shape_cast %get3A_1400 : vector<16xf32> to vector<16xf32>
    %swap3A_1402 = arith.constant 112 : index
    %swap3A_1403 = tpu.vector_load %arg8[%swap3A_1402] {strides = array<i32>} : memref<512xf32, #tpu.memory_space<vmem>>, vector<16xf32>,
    %swap3A_1404 = vector.shape_cast %swap3A_1403 : vector<16xf32> to vector<16xf32>
    %swap3A_1405 = vector.shape_cast %get3A_1401 : vector<16xf32> to vector<16xf32>
    tpu.vector_store %arg8[%swap3A_1402], %swap3A_1405 {add = true, strides = array<i32>} : memref<512xf32, #tpu.memory_space<vmem>>, vector<16xf32>,
    %get3A_1406 = arith.constant 25216 : index
    %get3A_1407 = tpu.vector_load %arg7[%get3A_1406] {strides = array<i32>} : memref<25600xf32, #tpu.memory_space<vmem>>, vector<16xf32>,
    %get3A_1408 = vector.shape_cast %get3A_1407 : vector<16xf32> to vector<16xf32>
    %swap3A_1409 = arith.constant 128 : index
    %swap3A_1410 = tpu.vector_load %arg8[%swap3A_1409] {strides = array<i32>} : memref<512xf32, #tpu.memory_space<vmem>>, vector<16xf32>,
    %swap3A_1411 = vector.shape_cast %swap3A_1410 : vector<16xf32> to vector<16xf32>
    %swap3A_1412 = vector.shape_cast %get3A_1408 : vector<16xf32> to vector<16xf32>
    tpu.vector_store %arg8[%swap3A_1409], %swap3A_1412 {add = true, strides = array<i32>} : memref<512xf32, #tpu.memory_space<vmem>>, vector<16xf32>,
    %get3A_1413 = arith.constant 25232 : index
    %get3A_1414 = tpu.vector_load %arg7[%get3A_1413] {strides = array<i32>} : memref<25600xf32, #tpu.memory_space<vmem>>, vector<16xf32>,
    %get3A_1415 = vector.shape_cast %get3A_1414 : vector<16xf32> to vector<16xf32>
    %swap3A_1416 = arith.constant 144 : index
    %swap3A_1417 = tpu.vector_load %arg8[%swap3A_1416] {strides = array<i32>} : memref<512xf32, #tpu.memory_space<vmem>>, vector<16xf32>,
    %swap3A_1418 = vector.shape_cast %swap3A_1417 : vector<16xf32> to vector<16xf32>
    %swap3A_1419 = vector.shape_cast %get3A_1415 : vector<16xf32> to vector<16xf32>
    tpu.vector_store %arg8[%swap3A_1416], %swap3A_1419 {add = true, strides = array<i32>} : memref<512xf32, #tpu.memory_space<vmem>>, vector<16xf32>,
    %get3A_1420 = arith.constant 25248 : index
    %get3A_1421 = tpu.vector_load %arg7[%get3A_1420] {strides = array<i32>} : memref<25600xf32, #tpu.memory_space<vmem>>, vector<16xf32>,
    %get3A_1422 = vector.shape_cast %get3A_1421 : vector<16xf32> to vector<16xf32>
    %swap3A_1423 = arith.constant 160 : index
    %swap3A_1424 = tpu.vector_load %arg8[%swap3A_1423] {strides = array<i32>} : memref<512xf32, #tpu.memory_space<vmem>>, vector<16xf32>,
    %swap3A_1425 = vector.shape_cast %swap3A_1424 : vector<16xf32> to vector<16xf32>
    %swap3A_1426 = vector.shape_cast %get3A_1422 : vector<16xf32> to vector<16xf32>
    tpu.vector_store %arg8[%swap3A_1423], %swap3A_1426 {add = true, strides = array<i32>} : memref<512xf32, #tpu.memory_space<vmem>>, vector<16xf32>,
    %get3A_1427 = arith.constant 25264 : index
    %get3A_1428 = tpu.vector_load %arg7[%get3A_1427] {strides = array<i32>} : memref<25600xf32, #tpu.memory_space<vmem>>, vector<16xf32>,
    %get3A_1429 = vector.shape_cast %get3A_1428 : vector<16xf32> to vector<16xf32>
    %swap3A_1430 = arith.constant 176 : index
    %swap3A_1431 = tpu.vector_load %arg8[%swap3A_1430] {strides = array<i32>} : memref<512xf32, #tpu.memory_space<vmem>>, vector<16xf32>,
    %swap3A_1432 = vector.shape_cast %swap3A_1431 : vector<16xf32> to vector<16xf32>
    %swap3A_1433 = vector.shape_cast %get3A_1429 : vector<16xf32> to vector<16xf32>
    tpu.vector_store %arg8[%swap3A_1430], %swap3A_1433 {add = true, strides = array<i32>} : memref<512xf32, #tpu.memory_space<vmem>>, vector<16xf32>,
    %get3A_1434 = arith.constant 25280 : index
    %get3A_1435 = tpu.vector_load %arg7[%get3A_1434] {strides = array<i32>} : memref<25600xf32, #tpu.memory_space<vmem>>, vector<16xf32>,
    %get3A_1436 = vector.shape_cast %get3A_1435 : vector<16xf32> to vector<16xf32>
    %swap3A_1437 = arith.constant 192 : index
    %swap3A_1438 = tpu.vector_load %arg8[%swap3A_1437] {strides = array<i32>} : memref<512xf32, #tpu.memory_space<vmem>>, vector<16xf32>,
    %swap3A_1439 = vector.shape_cast %swap3A_1438 : vector<16xf32> to vector<16xf32>
    %swap3A_1440 = vector.shape_cast %get3A_1436 : vector<16xf32> to vector<16xf32>
    tpu.vector_store %arg8[%swap3A_1437], %swap3A_1440 {add = true, strides = array<i32>} : memref<512xf32, #tpu.memory_space<vmem>>, vector<16xf32>,
    %get3A_1441 = arith.constant 25296 : index
    %get3A_1442 = tpu.vector_load %arg7[%get3A_1441] {strides = array<i32>} : memref<25600xf32, #tpu.memory_space<vmem>>, vector<16xf32>,
    %get3A_1443 = vector.shape_cast %get3A_1442 : vector<16xf32> to vector<16xf32>
    %swap3A_1444 = arith.constant 208 : index
    %swap3A_1445 = tpu.vector_load %arg8[%swap3A_1444] {strides = array<i32>} : memref<512xf32, #tpu.memory_space<vmem>>, vector<16xf32>,
    %swap3A_1446 = vector.shape_cast %swap3A_1445 : vector<16xf32> to vector<16xf32>
    %swap3A_1447 = vector.shape_cast %get3A_1443 : vector<16xf32> to vector<16xf32>
    tpu.vector_store %arg8[%swap3A_1444], %swap3A_1447 {add = true, strides = array<i32>} : memref<512xf32, #tpu.memory_space<vmem>>, vector<16xf32>,
    %get3A_1448 = arith.constant 25312 : index
    %get3A_1449 = tpu.vector_load %arg7[%get3A_1448] {strides = array<i32>} : memref<25600xf32, #tpu.memory_space<vmem>>, vector<16xf32>,
    %get3A_1450 = vector.shape_cast %get3A_1449 : vector<16xf32> to vector<16xf32>
    %swap3A_1451 = arith.constant 224 : index
    %swap3A_1452 = tpu.vector_load %arg8[%swap3A_1451] {strides = array<i32>} : memref<512xf32, #tpu.memory_space<vmem>>, vector<16xf32>,
    %swap3A_1453 = vector.shape_cast %swap3A_1452 : vector<16xf32> to vector<16xf32>
    %swap3A_1454 = vector.shape_cast %get3A_1450 : vector<16xf32> to vector<16xf32>
    tpu.vector_store %arg8[%swap3A_1451], %swap3A_1454 {add = true, strides = array<i32>} : memref<512xf32, #tpu.memory_space<vmem>>, vector<16xf32>,
    %get3A_1455 = arith.constant 25328 : index
    %get3A_1456 = tpu.vector_load %arg7[%get3A_1455] {strides = array<i32>} : memref<25600xf32, #tpu.memory_space<vmem>>, vector<16xf32>,
    %get3A_1457 = vector.shape_cast %get3A_1456 : vector<16xf32> to vector<16xf32>
    %swap3A_1458 = arith.constant 240 : index
    %swap3A_1459 = tpu.vector_load %arg8[%swap3A_1458] {strides = array<i32>} : memref<512xf32, #tpu.memory_space<vmem>>, vector<16xf32>,
    %swap3A_1460 = vector.shape_cast %swap3A_1459 : vector<16xf32> to vector<16xf32>
    %swap3A_1461 = vector.shape_cast %get3A_1457 : vector<16xf32> to vector<16xf32>
    tpu.vector_store %arg8[%swap3A_1458], %swap3A_1461 {add = true, strides = array<i32>} : memref<512xf32, #tpu.memory_space<vmem>>, vector<16xf32>,
    %get3A_1462 = arith.constant 25344 : index
    %get3A_1463 = tpu.vector_load %arg7[%get3A_1462] {strides = array<i32>} : memref<25600xf32, #tpu.memory_space<vmem>>, vector<16xf32>,
    %get3A_1464 = vector.shape_cast %get3A_1463 : vector<16xf32> to vector<16xf32>
    %swap3A_1465 = arith.constant 256 : index
    %swap3A_1466 = tpu.vector_load %arg8[%swap3A_1465] {strides = array<i32>} : memref<512xf32, #tpu.memory_space<vmem>>, vector<16xf32>,
    %swap3A_1467 = vector.shape_cast %swap3A_1466 : vector<16xf32> to vector<16xf32>
    %swap3A_1468 = vector.shape_cast %get3A_1464 : vector<16xf32> to vector<16xf32>
    tpu.vector_store %arg8[%swap3A_1465], %swap3A_1468 {add = true, strides = array<i32>} : memref<512xf32, #tpu.memory_space<vmem>>, vector<16xf32>,
    %get3A_1469 = arith.constant 25360 : index
    %get3A_1470 = tpu.vector_load %arg7[%get3A_1469] {strides = array<i32>} : memref<25600xf32, #tpu.memory_space<vmem>>, vector<16xf32>,
    %get3A_1471 = vector.shape_cast %get3A_1470 : vector<16xf32> to vector<16xf32>
    %swap3A_1472 = arith.constant 272 : index
    %swap3A_1473 = tpu.vector_load %arg8[%swap3A_1472] {strides = array<i32>} : memref<512xf32, #tpu.memory_space<vmem>>, vector<16xf32>,
    %swap3A_1474 = vector.shape_cast %swap3A_1473 : vector<16xf32> to vector<16xf32>
    %swap3A_1475 = vector.shape_cast %get3A_1471 : vector<16xf32> to vector<16xf32>
    tpu.vector_store %arg8[%swap3A_1472], %swap3A_1475 {add = true, strides = array<i32>} : memref<512xf32, #tpu.memory_space<vmem>>, vector<16xf32>,
    %get3A_1476 = arith.constant 25376 : index
    %get3A_1477 = tpu.vector_load %arg7[%get3A_1476] {strides = array<i32>} : memref<25600xf32, #tpu.memory_space<vmem>>, vector<16xf32>,
    %get3A_1478 = vector.shape_cast %get3A_1477 : vector<16xf32> to vector<16xf32>
    %swap3A_1479 = arith.constant 288 : index
    %swap3A_1480 = tpu.vector_load %arg8[%swap3A_1479] {strides = array<i32>} : memref<512xf32, #tpu.memory_space<vmem>>, vector<16xf32>,
    %swap3A_1481 = vector.shape_cast %swap3A_1480 : vector<16xf32> to vector<16xf32>
    %swap3A_1482 = vector.shape_cast %get3A_1478 : vector<16xf32> to vector<16xf32>
    tpu.vector_store %arg8[%swap3A_1479], %swap3A_1482 {add = true, strides = array<i32>} : memref<512xf32, #tpu.memory_space<vmem>>, vector<16xf32>,
    %get3A_1483 = arith.constant 25392 : index
    %get3A_1484 = tpu.vector_load %arg7[%get3A_1483] {strides = array<i32>} : memref<25600xf32, #tpu.memory_space<vmem>>, vector<16xf32>,
    %get3A_1485 = vector.shape_cast %get3A_1484 : vector<16xf32> to vector<16xf32>
    %swap3A_1486 = arith.constant 304 : index
    %swap3A_1487 = tpu.vector_load %arg8[%swap3A_1486] {strides = array<i32>} : memref<512xf32, #tpu.memory_space<vmem>>, vector<16xf32>,
    %swap3A_1488 = vector.shape_cast %swap3A_1487 : vector<16xf32> to vector<16xf32>
    %swap3A_1489 = vector.shape_cast %get3A_1485 : vector<16xf32> to vector<16xf32>
    tpu.vector_store %arg8[%swap3A_1486], %swap3A_1489 {add = true, strides = array<i32>} : memref<512xf32, #tpu.memory_space<vmem>>, vector<16xf32>,
    %get3A_1490 = arith.constant 25408 : index
    %get3A_1491 = tpu.vector_load %arg7[%get3A_1490] {strides = array<i32>} : memref<25600xf32, #tpu.memory_space<vmem>>, vector<16xf32>,
    %get3A_1492 = vector.shape_cast %get3A_1491 : vector<16xf32> to vector<16xf32>
    %swap3A_1493 = arith.constant 320 : index
    %swap3A_1494 = tpu.vector_load %arg8[%swap3A_1493] {strides = array<i32>} : memref<512xf32, #tpu.memory_space<vmem>>, vector<16xf32>,
    %swap3A_1495 = vector.shape_cast %swap3A_1494 : vector<16xf32> to vector<16xf32>
    %swap3A_1496 = vector.shape_cast %get3A_1492 : vector<16xf32> to vector<16xf32>
    tpu.vector_store %arg8[%swap3A_1493], %swap3A_1496 {add = true, strides = array<i32>} : memref<512xf32, #tpu.memory_space<vmem>>, vector<16xf32>,
    %get3A_1497 = arith.constant 25424 : index
    %get3A_1498 = tpu.vector_load %arg7[%get3A_1497] {strides = array<i32>} : memref<25600xf32, #tpu.memory_space<vmem>>, vector<16xf32>,
    %get3A_1499 = vector.shape_cast %get3A_1498 : vector<16xf32> to vector<16xf32>
    %swap3A_1500 = arith.constant 336 : index
    %swap3A_1501 = tpu.vector_load %arg8[%swap3A_1500] {strides = array<i32>} : memref<512xf32, #tpu.memory_space<vmem>>, vector<16xf32>,
    %swap3A_1502 = vector.shape_cast %swap3A_1501 : vector<16xf32> to vector<16xf32>
    %swap3A_1503 = vector.shape_cast %get3A_1499 : vector<16xf32> to vector<16xf32>
    tpu.vector_store %arg8[%swap3A_1500], %swap3A_1503 {add = true, strides = array<i32>} : memref<512xf32, #tpu.memory_space<vmem>>, vector<16xf32>,
    %get3A_1504 = arith.constant 25440 : index
    %get3A_1505 = tpu.vector_load %arg7[%get3A_1504] {strides = array<i32>} : memref<25600xf32, #tpu.memory_space<vmem>>, vector<16xf32>,
    %get3A_1506 = vector.shape_cast %get3A_1505 : vector<16xf32> to vector<16xf32>
    %swap3A_1507 = arith.constant 352 : index
    %swap3A_1508 = tpu.vector_load %arg8[%swap3A_1507] {strides = array<i32>} : memref<512xf32, #tpu.memory_space<vmem>>, vector<16xf32>,
    %swap3A_1509 = vector.shape_cast %swap3A_1508 : vector<16xf32> to vector<16xf32>
    %swap3A_1510 = vector.shape_cast %get3A_1506 : vector<16xf32> to vector<16xf32>
    tpu.vector_store %arg8[%swap3A_1507], %swap3A_1510 {add = true, strides = array<i32>} : memref<512xf32, #tpu.memory_space<vmem>>, vector<16xf32>,
    %get3A_1511 = arith.constant 25456 : index
    %get3A_1512 = tpu.vector_load %arg7[%get3A_1511] {strides = array<i32>} : memref<25600xf32, #tpu.memory_space<vmem>>, vector<16xf32>,
    %get3A_1513 = vector.shape_cast %get3A_1512 : vector<16xf32> to vector<16xf32>
    %swap3A_1514 = arith.constant 368 : index
    %swap3A_1515 = tpu.vector_load %arg8[%swap3A_1514] {strides = array<i32>} : memref<512xf32, #tpu.memory_space<vmem>>, vector<16xf32>,
    %swap3A_1516 = vector.shape_cast %swap3A_1515 : vector<16xf32> to vector<16xf32>
    %swap3A_1517 = vector.shape_cast %get3A_1513 : vector<16xf32> to vector<16xf32>
    tpu.vector_store %arg8[%swap3A_1514], %swap3A_1517 {add = true, strides = array<i32>} : memref<512xf32, #tpu.memory_space<vmem>>, vector<16xf32>,
    %get3A_1518 = arith.constant 25472 : index
    %get3A_1519 = tpu.vector_load %arg7[%get3A_1518] {strides = array<i32>} : memref<25600xf32, #tpu.memory_space<vmem>>, vector<16xf32>,
    %get3A_1520 = vector.shape_cast %get3A_1519 : vector<16xf32> to vector<16xf32>
    %swap3A_1521 = arith.constant 384 : index
    %swap3A_1522 = tpu.vector_load %arg8[%swap3A_1521] {strides = array<i32>} : memref<512xf32, #tpu.memory_space<vmem>>, vector<16xf32>,
    %swap3A_1523 = vector.shape_cast %swap3A_1522 : vector<16xf32> to vector<16xf32>
    %swap3A_1524 = vector.shape_cast %get3A_1520 : vector<16xf32> to vector<16xf32>
    tpu.vector_store %arg8[%swap3A_1521], %swap3A_1524 {add = true, strides = array<i32>} : memref<512xf32, #tpu.memory_space<vmem>>, vector<16xf32>,
    %get3A_1525 = arith.constant 25488 : index
    %get3A_1526 = tpu.vector_load %arg7[%get3A_1525] {strides = array<i32>} : memref<25600xf32, #tpu.memory_space<vmem>>, vector<16xf32>,
    %get3A_1527 = vector.shape_cast %get3A_1526 : vector<16xf32> to vector<16xf32>
    %swap3A_1528 = arith.constant 400 : index
    %swap3A_1529 = tpu.vector_load %arg8[%swap3A_1528] {strides = array<i32>} : memref<512xf32, #tpu.memory_space<vmem>>, vector<16xf32>,
    %swap3A_1530 = vector.shape_cast %swap3A_1529 : vector<16xf32> to vector<16xf32>
    %swap3A_1531 = vector.shape_cast %get3A_1527 : vector<16xf32> to vector<16xf32>
    tpu.vector_store %arg8[%swap3A_1528], %swap3A_1531 {add = true, strides = array<i32>} : memref<512xf32, #tpu.memory_space<vmem>>, vector<16xf32>,
    %get3A_1532 = arith.constant 25504 : index
    %get3A_1533 = tpu.vector_load %arg7[%get3A_1532] {strides = array<i32>} : memref<25600xf32, #tpu.memory_space<vmem>>, vector<16xf32>,
    %get3A_1534 = vector.shape_cast %get3A_1533 : vector<16xf32> to vector<16xf32>
    %swap3A_1535 = arith.constant 416 : index
    %swap3A_1536 = tpu.vector_load %arg8[%swap3A_1535] {strides = array<i32>} : memref<512xf32, #tpu.memory_space<vmem>>, vector<16xf32>,
    %swap3A_1537 = vector.shape_cast %swap3A_1536 : vector<16xf32> to vector<16xf32>
    %swap3A_1538 = vector.shape_cast %get3A_1534 : vector<16xf32> to vector<16xf32>
    tpu.vector_store %arg8[%swap3A_1535], %swap3A_1538 {add = true, strides = array<i32>} : memref<512xf32, #tpu.memory_space<vmem>>, vector<16xf32>,
    %get3A_1539 = arith.constant 25520 : index
    %get3A_1540 = tpu.vector_load %arg7[%get3A_1539] {strides = array<i32>} : memref<25600xf32, #tpu.memory_space<vmem>>, vector<16xf32>,
    %get3A_1541 = vector.shape_cast %get3A_1540 : vector<16xf32> to vector<16xf32>
    %swap3A_1542 = arith.constant 432 : index
    %swap3A_1543 = tpu.vector_load %arg8[%swap3A_1542] {strides = array<i32>} : memref<512xf32, #tpu.memory_space<vmem>>, vector<16xf32>,
    %swap3A_1544 = vector.shape_cast %swap3A_1543 : vector<16xf32> to vector<16xf32>
    %swap3A_1545 = vector.shape_cast %get3A_1541 : vector<16xf32> to vector<16xf32>
    tpu.vector_store %arg8[%swap3A_1542], %swap3A_1545 {add = true, strides = array<i32>} : memref<512xf32, #tpu.memory_space<vmem>>, vector<16xf32>,
    %get3A_1546 = arith.constant 25536 : index
    %get3A_1547 = tpu.vector_load %arg7[%get3A_1546] {strides = array<i32>} : memref<25600xf32, #tpu.memory_space<vmem>>, vector<16xf32>,
    %get3A_1548 = vector.shape_cast %get3A_1547 : vector<16xf32> to vector<16xf32>
    %swap3A_1549 = arith.constant 448 : index
    %swap3A_1550 = tpu.vector_load %arg8[%swap3A_1549] {strides = array<i32>} : memref<512xf32, #tpu.memory_space<vmem>>, vector<16xf32>,
    %swap3A_1551 = vector.shape_cast %swap3A_1550 : vector<16xf32> to vector<16xf32>
    %swap3A_1552 = vector.shape_cast %get3A_1548 : vector<16xf32> to vector<16xf32>
    tpu.vector_store %arg8[%swap3A_1549], %swap3A_1552 {add = true, strides = array<i32>} : memref<512xf32, #tpu.memory_space<vmem>>, vector<16xf32>,
    %get3A_1553 = arith.constant 25552 : index
    %get3A_1554 = tpu.vector_load %arg7[%get3A_1553] {strides = array<i32>} : memref<25600xf32, #tpu.memory_space<vmem>>, vector<16xf32>,
    %get3A_1555 = vector.shape_cast %get3A_1554 : vector<16xf32> to vector<16xf32>
    %swap3A_1556 = arith.constant 464 : index
    %swap3A_1557 = tpu.vector_load %arg8[%swap3A_1556] {strides = array<i32>} : memref<512xf32, #tpu.memory_space<vmem>>, vector<16xf32>,
    %swap3A_1558 = vector.shape_cast %swap3A_1557 : vector<16xf32> to vector<16xf32>
    %swap3A_1559 = vector.shape_cast %get3A_1555 : vector<16xf32> to vector<16xf32>
    tpu.vector_store %arg8[%swap3A_1556], %swap3A_1559 {add = true, strides = array<i32>} : memref<512xf32, #tpu.memory_space<vmem>>, vector<16xf32>,
    %get3A_1560 = arith.constant 25568 : index
    %get3A_1561 = tpu.vector_load %arg7[%get3A_1560] {strides = array<i32>} : memref<25600xf32, #tpu.memory_space<vmem>>, vector<16xf32>,
    %get3A_1562 = vector.shape_cast %get3A_1561 : vector<16xf32> to vector<16xf32>
    %swap3A_1563 = arith.constant 480 : index
    %swap3A_1564 = tpu.vector_load %arg8[%swap3A_1563] {strides = array<i32>} : memref<512xf32, #tpu.memory_space<vmem>>, vector<16xf32>,
    %swap3A_1565 = vector.shape_cast %swap3A_1564 : vector<16xf32> to vector<16xf32>
    %swap3A_1566 = vector.shape_cast %get3A_1562 : vector<16xf32> to vector<16xf32>
    tpu.vector_store %arg8[%swap3A_1563], %swap3A_1566 {add = true, strides = array<i32>} : memref<512xf32, #tpu.memory_space<vmem>>, vector<16xf32>,
    %get3A_1567 = arith.constant 25584 : index
    %get3A_1568 = tpu.vector_load %arg7[%get3A_1567] {strides = array<i32>} : memref<25600xf32, #tpu.memory_space<vmem>>, vector<16xf32>,
    %get3A_1569 = vector.shape_cast %get3A_1568 : vector<16xf32> to vector<16xf32>
    %swap3A_1570 = arith.constant 496 : index
    %swap3A_1571 = tpu.vector_load %arg8[%swap3A_1570] {strides = array<i32>} : memref<512xf32, #tpu.memory_space<vmem>>, vector<16xf32>,
    %swap3A_1572 = vector.shape_cast %swap3A_1571 : vector<16xf32> to vector<16xf32>
    %swap3A_1573 = vector.shape_cast %get3A_1569 : vector<16xf32> to vector<16xf32>
    tpu.vector_store %arg8[%swap3A_1570], %swap3A_1573 {add = true, strides = array<i32>} : memref<512xf32, #tpu.memory_space<vmem>>, vector<16xf32>,
    %mul3A_1574 = arith.constant 512 : i32
    %mul3A_1575 = arith.muli %add3A, %mul3A_1574 : i32
    "tpu.region"() ({
      %run_scoped3A = tpu.sem_alloc : memref<!tpu.dma_semaphore, #tpu.memory_space<semaphore_mem>>
      %dma_start3A_1576 = tpu.memref_slice %arg5[%mul3A_1575] : memref<16384xf32, #tpu.memory_space<hbm>> -> memref<512xf32, #tpu.memory_space<hbm>>
      %dma_start3A_1577 = tpu.memref_slice %arg5[%mul3A_1575] : memref<16384xf32, #tpu.memory_space<hbm>> -> memref<512xf32, #tpu.memory_space<hbm>>
      tpu.enqueue_dma source(%arg8 : memref<512xf32, #tpu.memory_space<vmem>>) target(%dma_start3A_1577 : memref<512xf32, #tpu.memory_space<hbm>>) target_semaphore(%run_scoped3A : memref<!tpu.dma_semaphore, #tpu.memory_space<semaphore_mem>>)
      %dma_wait3A_1578 = tpu.memref_slice %arg5[%mul3A_1575] : memref<16384xf32, #tpu.memory_space<hbm>> -> memref<512xf32, #tpu.memory_space<hbm>>
      %dma_wait3A_1579 = tpu.memref_slice %arg5[%mul3A_1575] : memref<16384xf32, #tpu.memory_space<hbm>> -> memref<512xf32, #tpu.memory_space<hbm>>
      tpu.wait_dma2 semaphore(%run_scoped3A : memref<!tpu.dma_semaphore, #tpu.memory_space<semaphore_mem>>) src(%arg8 : memref<512xf32, #tpu.memory_space<vmem>>) dst(%dma_wait3A_1579 : memref<512xf32, #tpu.memory_space<hbm>>)
      tpu.yield
    }) : () -> ()
    return
  }
}

module attributes {stable_mosaic.version = 14 : i64} {
  func.func @_matvec_body(%arg0: i32, %arg1: memref<1x32xf32, #tpu.memory_space<vmem>>, %arg2: memref<32x65536xf32, #tpu.memory_space<vmem>>, %arg3: memref<65536xf32, #tpu.memory_space<vmem>>) attributes {dimension_semantics = [#tpu.dimension_semantics<arbitrary>], iteration_bounds = array<i64: 16>, scalar_prefetch = 0 : i64, scratch_operands = 0 : i64, tpu.core_type = #tpu.core_type<tc>, window_params = [{pipeline_mode = #tpu.pipeline_mode<synchronous>, transform_indices = @transform_0, window_bounds = array<i64: 1, 32>}, {transform_indices = @transform_1, window_bounds = array<i64: 32, 65536>}, {transform_indices = @transform_2, window_bounds = array<i64: 65536>}]} {
    %get3A = arith.constant 0 : index
    %get3A_0 = arith.constant 0 : index
    %get3A_1 = vector.load %arg1[%get3A, %get3A_0] : memref<1x32xf32, #tpu.memory_space<vmem>>, vector<1x32xf32>
    %get3A_2 = arith.constant 0 : index
    %get3A_3 = arith.constant 0 : index
    %get3A_4 = vector.load %arg2[%get3A_2, %get3A_3] : memref<32x65536xf32, #tpu.memory_space<vmem>>, vector<32x65536xf32>
    %dot_general3A = arith.constant dense<0.000000e+00> : vector<1x65536xf32>
    %dot_general3A_5 = tpu.matmul %get3A_1, %get3A_4, %dot_general3A {dimension_numbers = #tpu.dot_dimension_numbers<[1], [0], [0], [1], [0, 0, 1, 1], [], []>, transpose_lhs_hint = false} : vector<1x32xf32>, vector<32x65536xf32>, vector<1x65536xf32> -> vector<1x65536xf32>
    %squeeze3A = vector.shape_cast %dot_general3A_5 : vector<1x65536xf32> to vector<65536xf32>
    %swap3A = arith.constant 0 : index
    %swap3A_6 = vector.load %arg3[%swap3A] : memref<65536xf32, #tpu.memory_space<vmem>>, vector<65536xf32>
    tpu.vector_store %arg3[%swap3A], %squeeze3A {strides = array<i32>} : memref<65536xf32, #tpu.memory_space<vmem>>, vector<65536xf32>,
    return
  }
  func.func @transform_0(%arg0: i32) -> (i32, i32) {
    %c0_i32 = arith.constant 0 : i32
    %c0_i32_0 = arith.constant 0 : i32
    %c0_i32_1 = arith.constant 0 : i32
    return %c0_i32, %c0_i32_0 : i32, i32
  }
  func.func @transform_1(%arg0: i32) -> (i32, i32) {
    %c0_i32 = arith.constant 0 : i32
    %c0_i32_0 = arith.constant 0 : i32
    return %c0_i32, %arg0 : i32, i32
  }
  func.func @transform_2(%arg0: i32) -> i32 {
    %c0_i32 = arith.constant 0 : i32
    return %arg0 : i32
  }
}

</mosaic_0001>

<sc_bundles>
// kernel: kernel.4.cloned.1.call-start
scs
__scs_entry_jumppad:
0x0: {  	(pc) =	sbr.rel $0x88, $3  }
0x1: {  	(tag) =	ssettag $0x0;
	lr =	simm.s32 $0x1  }
0x2: {  	[smem:$0x3F9D] =	sst lr;
	_ =	strace $0xD0000000  }
0x3: {  	_ = 	snop  }
0x4: {  	_ = 	snop  }
0x5: {  	_ = 	snop  }
0x6: {  	_ = 	snop  }
0x7: {  	_ = 	snop  }
__scs_overlays_trampoline_lowered:
0x8: {  	[smem:$0x3FAC] =	sst s0  }
0x9: {  	[smem:$0x3FAD] =	sst s1  }
0xa: {  	[smem:$0x3FAE] =	sst s2  }
0xb: {  	[smem:$0x3FAF] =	sst s3  }
0xc: {  	[smem:$0x3FB0] =	sst s4  }
0xd: {  	[smem:$0x3FB1] =	sst s5  }
0xe: {  	[smem:$0x3FB2] =	sst s6  }
0xf: {  	[smem:$0x3FB3] =	sst s7  }
0x10: {  	[smem:$0x3FB4] =	sst s8  }
0x11: {  	[smem:$0x3FB5] =	sst s9;
	s0 =	simm.s32 @!p0 $0x0  }
0x12: {  	s1 =	sld [smem:$0x3F9B];
	s0 =	simm.s32 @p0 $0x1  }
0x13: {  	[smem:$0x3FB6] =	sst s0;
	s0 =	simm.s32 @!p1 $0x0  }
0x14: {  	s2 =	sld [smem:$0x3F9A];
	s0 =	simm.s32 @p1 $0x1  }
0x15: {  	[smem:$0x3FB7] =	sst s0;
	s0 =	simm.s32 @!p2 $0x0  }
0x16: {  	s3 =	sld [smem:$0x3FDB];
	s0 =	simm.s32 @p2 $0x1  }
0x17: {  	s4 =	simm.s32 $0x1BF5;
	[smem:$0x3FB9] =	sst s0  }
0x18: {  	s0 =	sld [smem:$0x3F9C];
	_ =	swait.ge [sflag:s4], $0x0  }
0x19: {  	s7 =	sld [smem:$0x3F9D]  }
0x1a: {  	s8 =	sadd.s32 $0xFFFFE003, lr  }
0x1b: {  	s9 =	sadd.s32 $0xFFFFFEF7, lr;
	s5 =	simm.s32 $0xFFFFFFFF;
	p2 =	slt.u32 s8, $0xFFFFF086  }
0x1c: {  	p1 =	slt.u32 s9, $0xF7A;
	s5 =	simm.s32 @!p2 $0x0  }
0x1d: {  	s5 =	simm.s32 @p1 $0x1;
	p0 =	seq.s32 s7, s2  }
0x1e: {  	s7 =	smul.u32 @!p0 $0xF7A, s2;
	p2 =	seq.s32 @!p0 s5, $0x0  }
0x1f: {  	s9 =	smul.u32 $0xF7A, s1;
	s8 =	simm.s32 @!p0 $0x1BF5;
	p2 =	por !p2, p0  }
0x20: {  	[sflag:s8] =	ssyncset.s32 @!p0 $0xFFFFF086;
	s6 =	sadd.s32 @!p0 s3, s7;
	s7 =	simm.s32 @!p0 $0x108  }
0x21: {  	s3 =	sadd.s32 s3, s9;
	s6 =	sadd.s32 @!p0 $0x88, s6;
	s7 =	simm.s32 @p2 $0x1082  }
0x22: {  	[simem:s7], [sflag:s8] =	dma.local @!p0 [hbm:s6], $0xF7A  }
0x23: {  	s9 =	sor.u32 $0xD0000000, s2;
	s6 =	simm.s32 $0x108;
	_ =	swait.ge @!p0 [sflag:s8], $0x0  }
0x24: {  	s3 =	sadd.s32 $0x88, s3;
	s6 =	simm.s32 @!p1 $0x1082;
	[sflag:s4] =	ssyncset.s32 $0xFFFFF086  }
0x25: {  	[simem:s6], [sflag:s4] =	dma.local [hbm:s3], $0xF7A  }
0x26: {  	[smem:$0x3F9D] =	sst s1;
	(tag) =	ssettag s2;
	_ =	strace s9  }
0x27: {  	s1 =	sld [smem:$0x3FAD]  }
0x28: {  	s2 =	sld [smem:$0x3FAE]  }
0x29: {  	s4 =	sld [smem:$0x3FB0]  }
0x2a: {  	p0 =	seq.s32 s5, $0x0;
	s5 =	sld [smem:$0x3FB1]  }
0x2b: {  	s6 =	sld [smem:$0x3FB2]  }
0x2c: {  	s7 =	sld [smem:$0x3FB3]  }
0x2d: {  	s3 =	simm.s32 $0x108;
	s8 =	sld [smem:$0x3FB4]  }
0x2e: {  	s3 =	simm.s32 @!p0 $0x1082;
	s9 =	sld [smem:$0x3FB5]  }
0x2f: {  	lr =	sadd.s32 s0, s3;
	s0 =	sld [smem:$0x3FAC]  }
0x30: {  	s3 =	sld [smem:$0x3FAF]  }
0x31: {  	[smem:$0x3FB8] =	sst s10  }
0x32: {  	s10 =	sld [smem:$0x3FB6];
	_ =	sdelay $0x3  }
0x33: {  	p0 =	seq.s32 s10, $0x1;
	s10 =	sld [smem:$0x3FB8];
	_ =	sdelay $0x3  }
0x34: {  	[smem:$0x3FB8] =	sst s10  }
0x35: {  	s10 =	sld [smem:$0x3FB7];
	_ =	sdelay $0x3  }
0x36: {  	p1 =	seq.s32 s10, $0x1;
	s10 =	sld [smem:$0x3FB8];
	_ =	sdelay $0x3  }
0x37: {  	[smem:$0x3FB8] =	sst s10  }
0x38: {  	s10 =	sld [smem:$0x3FB9]  }
0x39: {  	_ = 	snop;
	(pc) =	sbr.ind lr, $3  }
0x3a: {  	_ = 	snop  }
0x3b: {  	_ = 	snop  }
0x3c: {  	p2 =	seq.s32 s10, $0x1;
	s10 =	sld [smem:$0x3FB8]  }
0x3d: {  	_ =	shalt  }
0x3e: {  	_ =	shalt  }
0x3f: {  	_ =	shalt  }
0x40: {  	_ =	shalt  }
0x41: {  	_ =	shalt  }
0x42: {  	_ =	shalt  }
0x43: {  	_ =	shalt  }
0x44: {  	_ =	shalt  }
0x45: {  	_ =	shalt  }
0x46: {  	_ =	shalt  }
0x47: {  	_ =	shalt  }
0x48: {  	_ =	shalt  }
0x49: {  	_ =	shalt  }
0x4a: {  	_ =	shalt  }
0x4b: {  	_ =	shalt  }
0x4c: {  	_ =	shalt  }
0x4d: {  	_ =	shalt  }
0x4e: {  	_ =	shalt  }
0x4f: {  	_ =	shalt  }
0x50: {  	_ =	shalt  }
0x51: {  	_ =	shalt  }
0x52: {  	_ =	shalt  }
0x53: {  	_ =	shalt  }
0x54: {  	_ =	shalt  }
0x55: {  	_ =	shalt  }
0x56: {  	_ =	shalt  }
0x57: {  	_ =	shalt  }
0x58: {  	_ =	shalt  }
0x59: {  	_ =	shalt  }
0x5a: {  	_ =	shalt  }
0x5b: {  	_ =	shalt  }
0x5c: {  	_ =	shalt  }
0x5d: {  	_ =	shalt  }
0x5e: {  	_ =	shalt  }
0x5f: {  	_ =	shalt  }
0x60: {  	_ =	shalt  }
0x61: {  	_ =	shalt  }
0x62: {  	_ =	shalt  }
0x63: {  	_ =	shalt  }
0x64: {  	_ =	shalt  }
0x65: {  	_ =	shalt  }
0x66: {  	_ =	shalt  }
0x67: {  	_ =	shalt  }
0x68: {  	_ =	shalt  }
0x69: {  	_ =	shalt  }
0x6a: {  	_ =	shalt  }
0x6b: {  	_ =	shalt  }
0x6c: {  	_ =	shalt  }
0x6d: {  	_ =	shalt  }
0x6e: {  	_ =	shalt  }
0x6f: {  	_ =	shalt  }
0x70: {  	_ =	shalt  }
0x71: {  	_ =	shalt  }
0x72: {  	_ =	shalt  }
0x73: {  	_ =	shalt  }
0x74: {  	_ =	shalt  }
0x75: {  	_ =	shalt  }
0x76: {  	_ =	shalt  }
0x77: {  	_ =	shalt  }
0x78: {  	_ =	shalt  }
0x79: {  	_ =	shalt  }
0x7a: {  	_ =	shalt  }
0x7b: {  	_ =	shalt  }
0x7c: {  	_ =	shalt  }
0x7d: {  	_ =	shalt  }
0x7e: {  	_ =	shalt  }
0x7f: {  	_ =	shalt  }
0x80: {  	_ =	shalt  }
0x81: {  	_ =	shalt  }
0x82: {  	_ =	shalt  }
0x83: {  	_ =	shalt  }
0x84: {  	_ =	shalt  }
0x85: {  	_ =	shalt  }
0x86: {  	_ =	shalt  }
0x87: {  	_ =	shalt  }
.Lfunc_end0:
.L_simem_size_0:
called_computation_lowered:
.L_overlay_start_0:
0x88: {  	s2 =	sld [smem:$0x3FD9]  }
0x89: {  	s3 =	sld [smem:$0x3FFE];
	_ =	sdelay $0x1  }
0x8a: {  	s1 =	srdreg.scid  }
0x8b: {  	s0 =	sand.u32 $0x1, s1  }
0x8c: {  	s17 =	sshll.u32 s0, $0xA;
	s2 =	sadd.s32 s3, s2  }
0x8d: {  	s2 =	sadd.s32 s2, s17  }
0x8e: {  	[smem:$0x3FC4] =	sst s2  }
0x8f: {  	_ = 	snop  }
0x90: {  	s2 =	sld [smem:$0x3FC9]  }
0x91: {  	s18 =	sld [smem:$0x3FD0];
	(tm) =	ssettm $0x1  }
0x92: {  	s4 =	sld [smem:$0x3FFB];
	_ =	sdelay $0x3  }
0x93: {  	_ =	strace s4  }
0x94: {  	s4 =	sld [smem:$0x3FFC];
	_ =	sdelay $0x3  }
0x95: {  	_ =	strace s4  }
0x96: {  	s4 =	sld [smem:$0x3FFD];
	_ =	sdelay $0x3  }
0x97: {  	_ =	strace s4  }
0x98: {  	_ =	strace $0x8FFFFFFF  }
0x99: {  	s19 =	sld [smem:$0x3FDB];
	_ =	sdelay $0x1  }
0x9a: {  	s5 =	simm.s32 $_scs_section_size  }
0x9b: {  	s6 =	simm.s32 $_size__tile_overlayer_lowered;
	s7 =	simm.s32 $_tile_overlayer_lowered  }
0x9c: {  	s22 =	simm.s32 $0x1BFF;
	s21 =	sshll.u32 s7, $0x1;
	s4 =	sadd.s32 s5, s19  }
0x9d: {  	s8 =	simm.s32 $0x0;
	s20 =	sshll.u32 s6, $0x1;
	s6 =	sadd.s32 s21, s4  }
0x9e: {  	[timem:s8], [sflag:s22] =	dma.local [hbm:s6], s20  }
0x9f: {  	_ =	swait.ge [sflag:s22], s20  }
0xa0: {  	s5 =	ssub.s32 $0x0, s20;
	[sflag:s22] =	ssyncset.done $0x0  }
0xa1: {  	[sflag:s22] =	ssyncadd.s32 s5;
	_ =	sdelay $0x1  }
0xa2: {  	s23 =	simm.s32 $0x1B8B  }
0xa3: {  	_ =	swait.ge [sflag:s23], $0x1  }
0xa4: {  	[sflag:s23] =	ssyncset.done $0x0  }
0xa5: {  	s25 =	simm.s32 $0x1B8E;
	s24 =	sld [smem:$0x3FFE];
	[sflag:s23] =	ssyncadd.s32 $0xFFFFFFFF  }
0xa6: {  	s26 =	simm.s32 $execute0_lowered;
	[smem:$0x3FD2] =	sst s25  }
0xa7: {  	s6 =	sshll.u32 s26, $0x1;
	_ =	strace $0x80000046;
	[dreg:$0x1] =	wrdreg $0xFFFFFFFF  }
0xa8: {  	s28 =	simm.s32 $_size_execute0_lowered;
	s4 =	sadd.s32 s4, s6;
	[dreg:$0x0] =	wrdreg $0x0  }
0xa9: {  	s6 =	sshll.u32 s28, $0x1;
	[dreg:$0x2] =	wrdreg s4  }
0xaa: {  	[dreg:$0x3] =	wrdreg s6  }
0xab: {  	[dreg:$0x4] =	wrdreg $0xC0  }
0xac: {  	_ =	task [dreg:s8], $0x5FFFF  }
0xad: {  	[dreg:$0x1] =	wrdreg $0xFFFFFFFF  }
0xae: {  	[dreg:$0x0] =	wrdreg $0x60  }
0xaf: {  	[dreg:$0x2] =	wrdreg s2  }
0xb0: {  	[dreg:$0x3] =	wrdreg s24  }
0xb1: {  	[dreg:$0x4] =	wrdreg s18  }
0xb2: {  	[dreg:$0x5] =	wrdreg $0x9  }
0xb3: {  	_ =	task.clear_ibuf [dreg:s8], $0x6FFFF;
	_ =	strace $0x90000046  }
0xb4: {  	s29 =	simm.s32 $0x9;
	_ =	strace $0x80000048  }
0xb5: {  	_ =	swait.ge [sflag:s29], $0x1  }
0xb6: {  	[sflag:s29] =	ssyncadd.s32 $0xFFFFFFFF  }
0xb7: {  	_ =	strace $0x90000048  }
0xb8: {  	_ =	sfence  }
0xb9: {  	s30 =	sld [smem:$0x0];
	_ =	sdelay $0x2  }
0xba: {  	s31 =	sshll.u32 s1, $0xD;
	s1 =	sshrl.u32 s1, $0x2  }
0xbb: {  	s3 =	sand.u32 $0x4000, s31;
	s1 =	sadd.s32 s1, s30  }
0xbc: {  	s0 =	sor.u32 s3, s0;
	s1 =	sshll.u32 s1, $0x11  }
0xbd: {  	s0 =	sor.u32 s1, s0  }
0xbe: {  	s0 =	sadd.s32 $0x8F2B, s0  }
0xbf: {  	[sflag:s0] =	ssyncadd.remote.s32 $0x1  }
0xc0: {  	_ =	sfence.sel $0xFFFF  }
0xc1: {  	[dreg:$0x0] =	wrdreg $0xFFFFFFFF;
	(pc) =	sbr.abs _section_cstart, $3  }
0xc2: {  	[dreg:$0x1] =	wrdreg $0xFFFFFFFF  }
0xc3: {  	_ =	task.clear_ibuf [dreg:s8], $0x2FFFF;
	_ =	strace $0x9FFFFFFF  }
0xc4: {  	(tm) =	ssettm $0x7FFFFFFF  }
0xc5: {  	_ =	shalt  }
tec
execute0_lowered:
.L_overlay_start_1:
0x0: {  	(tag) =	ssettag $0x1  }
0x1: {  	s0 =	rddreg [dreg:$0x0]  }
0x2: {  	s1 =	rddreg [dreg:$0x1]  }
0x3: {  	s2 =	rddreg [dreg:$0x2]  }
0x4: {  	s11 =	simm.s32 $0x0;
	s3 =	srdreg.scid;
	s5 =	stileid.u32  }
0x5: {  	s16 =	simm.s32 $0x3;
	s31 =	simm.s32 $0x1;
	[smem:$0x7FF] =	sst s11  }
0x6: {  	s3 =	sand.u32 $0x1, s3;
	s5 =	sshll.u32 s5, $0xA;
	_ =	strace $0x80000047  }
0x7: {  	s4 =	ssub.s32 $0x2, s3;
	s6 =	sshll.u32 s3, $0x9;
	s3 =	sadd.s32 $0x600, s1  }
0x8: {  	s1 =	sadd.s32 $0x20600, s1;
	s7 =	sshrl.u32 s4, $0x1;
	s5 =	sor.u32 s6, s5  }
0x9: {  	[dreg:$0x4] =	wrdreg s1;
	s28 =	sshrl.u32 s5, $0x3;
	s0 =	sadd.s32 s0, s5  }
0xa: {  	s26 =	ssub.s32 s4, s7;
	[dreg:$0x5] =	wrdreg s0;
	s29 =	sadd.s32 s2, s28  }
0xb: {  	s9 =	simm.s32 $0x2;
	s30 =	smax.u32 s26, $0x1;
	[dreg:$0x6] =	wrdreg s29  }
0xc: {  	s1 =	simm.s32 $0x80;
	s0 =	simm.s32 $0x0;
	[dreg:$0x7] =	wrdreg s30  }
.LBB2_1:
0xd: {  	[dreg:$0x8] =	wrdreg s0  }
0xe: {  	s13 =	rddreg [dreg:$0x5];
	s14 =	simm.s32 $0x1000;
	s15 =	simm.s32 $0x20000  }
0xf: {  	[tilespmem:s11], [sflag:$0x3] =	stream.strided.gather [hbm4b:s13+s14], $0x7000, s15, s14, $0x38;
	[tilespmem:$0xD680] =	vst v63  }
0x10: {  	_ =	swait.ge [sflag:s16], $0x7000  }
0x11: {  	[sflag:s16] =	ssyncset.done $0x0  }
0x12: {  	s15 =	simm.s32 $0xD600;
	s14 =	rddreg [dreg:$0x4];
	[sflag:s16] =	ssyncadd.s32 $0xFFFF9000  }
0x13: {  	[tilespmem:s15], [sflag:$0x3] =	stream.linear.gather [hbm4b:s14+s11], $0x80, $0x38;
	[tilespmem:$0xD680] =	vst v63  }
0x14: {  	_ =	swait.ge [sflag:s16], $0x80  }
0x15: {  	[sflag:s16] =	ssyncset.done $0x0  }
0x16: {  	[sflag:s16] =	ssyncadd.s32 $0xFFFFFF80  }
0x17: {  	v0 =	vld [tilespmem:$0xD600];
	_ =	sdelay $0x4  }
0x18: {  	[tilespmem:$0xD400] =	vst v0  }
0x19: {  	[tilespmem:$0xD410] =	vst v0  }
0x1a: {  	[tilespmem:$0xD420] =	vst v0  }
0x1b: {  	[tilespmem:$0xD430] =	vst v0  }
0x1c: {  	[tilespmem:$0xD440] =	vst v0  }
0x1d: {  	[tilespmem:$0xD450] =	vst v0  }
0x1e: {  	[tilespmem:$0xD460] =	vst v0  }
0x1f: {  	[tilespmem:$0xD470] =	vst v0  }
0x20: {  	[tilespmem:$0xD480] =	vst v0  }
0x21: {  	[tilespmem:$0xD490] =	vst v0  }
0x22: {  	[tilespmem:$0xD4A0] =	vst v0  }
0x23: {  	[tilespmem:$0xD4B0] =	vst v0  }
0x24: {  	[tilespmem:$0xD4C0] =	vst v0  }
0x25: {  	[tilespmem:$0xD4D0] =	vst v0  }
0x26: {  	[tilespmem:$0xD4E0] =	vst v0  }
0x27: {  	[tilespmem:$0xD4F0] =	vst v0  }
0x28: {  	[tilespmem:$0xD500] =	vst v0  }
0x29: {  	[tilespmem:$0xD510] =	vst v0  }
0x2a: {  	[tilespmem:$0xD520] =	vst v0  }
0x2b: {  	[tilespmem:$0xD530] =	vst v0  }
0x2c: {  	[tilespmem:$0xD540] =	vst v0  }
0x2d: {  	[tilespmem:$0xD550] =	vst v0  }
0x2e: {  	[tilespmem:$0xD560] =	vst v0  }
0x2f: {  	[tilespmem:$0xD570] =	vst v0  }
0x30: {  	[tilespmem:$0xD580] =	vst v0  }
0x31: {  	[tilespmem:$0xD590] =	vst v0  }
0x32: {  	[tilespmem:$0xD5A0] =	vst v0  }
0x33: {  	[tilespmem:$0xD5B0] =	vst v0  }
0x34: {  	[tilespmem:$0xD5C0] =	vst v0  }
0x35: {  	[tilespmem:$0xD5D0] =	vst v0  }
0x36: {  	[tilespmem:$0xD5E0] =	vst v0  }
0x37: {  	s17 =	simm.s32 $0x7000;
	[tilespmem:$0xD5F0] =	vst v0  }
0x38: {  	[tilespmem:s17], [sflag:$0x1] =	stream.indirect.gather [hbm4b:s3+s1], $0x1, s11, s1, $0xb8;
	[tilespmem:$0xD680] =	vst v63  }
0x39: {  	s18 =	simm.s32 $0x400;
	s19 =	simm.s32 $0x7080  }
0x3a: {  	[tilespmem:s19], [sflag:$0x1] =	stream.indirect.gather [hbm4b:s3+s1], $0x1, s18, s1, $0xb8;
	[tilespmem:$0xD680] =	vst v63  }
0x3b: {  	s20 =	simm.s32 $0x800;
	s21 =	simm.s32 $0x7100  }
0x3c: {  	[tilespmem:s21], [sflag:$0x1] =	stream.indirect.gather [hbm4b:s3+s1], $0x1, s20, s1, $0xb8;
	[tilespmem:$0xD680] =	vst v63  }
0x3d: {  	s22 =	simm.s32 $0xC00;
	s23 =	simm.s32 $0x7180  }
0x3e: {  	[tilespmem:s23], [sflag:$0x1] =	stream.indirect.gather [hbm4b:s3+s1], $0x1, s22, s1, $0xb8;
	[tilespmem:$0xD680] =	vst v63  }
0x3f: {  	s24 =	simm.s32 $0x7200  }
0x40: {  	[tilespmem:s24], [sflag:$0x1] =	stream.indirect.gather [hbm4b:s3+s1], $0x1, s1, s1, $0xb8;
	[tilespmem:$0xD680] =	vst v63  }
0x41: {  	s25 =	simm.s32 $0x480;
	s26 =	simm.s32 $0x7280  }
0x42: {  	[tilespmem:s26], [sflag:$0x1] =	stream.indirect.gather [hbm4b:s3+s1], $0x1, s25, s1, $0xb8;
	[tilespmem:$0xD680] =	vst v63  }
0x43: {  	s28 =	simm.s32 $0x880;
	s29 =	simm.s32 $0x7300  }
0x44: {  	[tilespmem:s29], [sflag:$0x1] =	stream.indirect.gather [hbm4b:s3+s1], $0x1, s28, s1, $0xb8;
	[tilespmem:$0xD680] =	vst v63  }
0x45: {  	s30 =	simm.s32 $0xC80;
	s0 =	simm.s32 $0x7380  }
0x46: {  	[tilespmem:s0], [sflag:$0x1] =	stream.indirect.gather [hbm4b:s3+s1], $0x1, s30, s1, $0xb8;
	[tilespmem:$0xD680] =	vst v63  }
0x47: {  	s2 =	simm.s32 $0x100;
	s4 =	simm.s32 $0x7400  }
0x48: {  	[tilespmem:s4], [sflag:$0x1] =	stream.indirect.gather [hbm4b:s3+s1], $0x1, s2, s1, $0xb8;
	[tilespmem:$0xD680] =	vst v63  }
0x49: {  	s5 =	simm.s32 $0x500;
	s6 =	simm.s32 $0x7480  }
0x4a: {  	[tilespmem:s6], [sflag:$0x1] =	stream.indirect.gather [hbm4b:s3+s1], $0x1, s5, s1, $0xb8;
	[tilespmem:$0xD680] =	vst v63  }
0x4b: {  	s7 =	simm.s32 $0x900;
	s8 =	simm.s32 $0x7500  }
0x4c: {  	[tilespmem:s8], [sflag:$0x2] =	stream.indirect.gather [hbm4b:s3+s1], $0x1, s7, s1, $0xb8;
	[tilespmem:$0xD680] =	vst v63  }
0x4d: {  	s10 =	simm.s32 $0xD00;
	s12 =	simm.s32 $0x7580  }
0x4e: {  	[tilespmem:s12], [sflag:$0x2] =	stream.indirect.gather [hbm4b:s3+s1], $0x1, s10, s1, $0xb8;
	[tilespmem:$0xD680] =	vst v63  }
0x4f: {  	s14 =	simm.s32 $0x180;
	s15 =	simm.s32 $0x7600  }
0x50: {  	[tilespmem:s15], [sflag:$0x2] =	stream.indirect.gather [hbm4b:s3+s1], $0x1, s14, s1, $0xb8;
	[tilespmem:$0xD680] =	vst v63  }
0x51: {  	s16 =	simm.s32 $0x580;
	s17 =	simm.s32 $0x7680  }
0x52: {  	[tilespmem:s17], [sflag:$0x2] =	stream.indirect.gather [hbm4b:s3+s1], $0x1, s16, s1, $0xb8;
	[tilespmem:$0xD680] =	vst v63  }
0x53: {  	s18 =	simm.s32 $0x980;
	s19 =	simm.s32 $0x7700  }
0x54: {  	[tilespmem:s19], [sflag:$0x2] =	stream.indirect.gather [hbm4b:s3+s1], $0x1, s18, s1, $0xb8;
	[tilespmem:$0xD680] =	vst v63  }
0x55: {  	s20 =	simm.s32 $0xD80;
	s21 =	simm.s32 $0x7780  }
0x56: {  	[tilespmem:s21], [sflag:$0x2] =	stream.indirect.gather [hbm4b:s3+s1], $0x1, s20, s1, $0xb8;
	[tilespmem:$0xD680] =	vst v63  }
0x57: {  	s22 =	simm.s32 $0x200;
	s23 =	simm.s32 $0x7800  }
0x58: {  	[tilespmem:s23], [sflag:$0x2] =	stream.indirect.gather [hbm4b:s3+s1], $0x1, s22, s1, $0xb8;
	[tilespmem:$0xD680] =	vst v63  }
0x59: {  	s24 =	simm.s32 $0x600;
	s25 =	simm.s32 $0x7880  }
0x5a: {  	[tilespmem:s25], [sflag:$0x2] =	stream.indirect.gather [hbm4b:s3+s1], $0x1, s24, s1, $0xb8;
	[tilespmem:$0xD680] =	vst v63  }
0x5b: {  	s11 =	simm.s32 $0x0;
	s26 =	simm.s32 $0xA00;
	s28 =	simm.s32 $0x7900  }
0x5c: {  	[tilespmem:s28], [sflag:$0x2] =	stream.indirect.gather [hbm4b:s3+s1], $0x1, s26, s1, $0xb8;
	[tilespmem:$0xD680] =	vst v63  }
0x5d: {  	s29 =	simm.s32 $0xE00;
	s30 =	simm.s32 $0x7980;
	s19 =	simm.s32 $0x80  }
0x5e: {  	[tilespmem:s30], [sflag:$0x2] =	stream.indirect.gather [hbm4b:s3+s1], $0x1, s29, s1, $0xb8;
	[tilespmem:$0xD680] =	vst v63  }
.LBB2_2:
0x5f: {  	_ =	swait.ge [sflag:s31], $0x80  }
0x60: {  	[sflag:s31] =	ssyncset.done $0x0  }
0x61: {  	[sflag:s31] =	ssyncadd.s32 $0xFFFFFF80  }
0x62: {  	_ =	swait.ge [sflag:s31], $0x80  }
0x63: {  	[sflag:s31] =	ssyncset.done $0x0  }
0x64: {  	[sflag:s31] =	ssyncadd.s32 $0xFFFFFF80  }
0x65: {  	_ =	swait.ge [sflag:s31], $0x80  }
0x66: {  	[sflag:s31] =	ssyncset.done $0x0  }
0x67: {  	[sflag:s31] =	ssyncadd.s32 $0xFFFFFF80  }
0x68: {  	_ =	swait.ge [sflag:s31], $0x80  }
0x69: {  	[sflag:s31] =	ssyncset.done $0x0  }
0x6a: {  	[sflag:s31] =	ssyncadd.s32 $0xFFFFFF80  }
0x6b: {  	_ =	swait.ge [sflag:s31], $0x80  }
0x6c: {  	[sflag:s31] =	ssyncset.done $0x0  }
0x6d: {  	[sflag:s31] =	ssyncadd.s32 $0xFFFFFF80  }
0x6e: {  	_ =	swait.ge [sflag:s31], $0x80  }
0x6f: {  	[sflag:s31] =	ssyncset.done $0x0  }
0x70: {  	[sflag:s31] =	ssyncadd.s32 $0xFFFFFF80  }
0x71: {  	_ =	swait.ge [sflag:s31], $0x80  }
0x72: {  	[sflag:s31] =	ssyncset.done $0x0  }
0x73: {  	[sflag:s31] =	ssyncadd.s32 $0xFFFFFF80  }
0x74: {  	_ =	swait.ge [sflag:s31], $0x80  }
0x75: {  	[sflag:s31] =	ssyncset.done $0x0  }
0x76: {  	[sflag:s31] =	ssyncadd.s32 $0xFFFFFF80  }
0x77: {  	_ =	swait.ge [sflag:s31], $0x80  }
0x78: {  	[sflag:s31] =	ssyncset.done $0x0  }
0x79: {  	[sflag:s31] =	ssyncadd.s32 $0xFFFFFF80  }
0x7a: {  	s0 =	smul.u32 $0x2800, s11;
	_ =	swait.ge [sflag:s31], $0x80  }
0x7b: {  	[sflag:s31] =	ssyncset.done $0x0  }
0x7c: {  	s13 =	sshra.s32 s0, $0x2;
	[sflag:s31] =	ssyncadd.s32 $0xFFFFFF80  }
0x7d: {  	v0 =	vld [tilespmem:s13+$0x7000];
	_ =	sdelay $0x3  }
0x7e: {  	s12 =	simm.s32 $0xD400  }
0x7f: {  	[tilespmem:s12+$0x0] =	vst.add.f32.msk $0xffff, v0  }
0x80: {  	v0 =	vld [tilespmem:s13+$0x7010];
	_ =	sdelay $0x3  }
0x81: {  	s30 =	simm.s32 $0xD410  }
0x82: {  	[tilespmem:s30+$0x0] =	vst.add.f32.msk $0xffff, v0  }
0x83: {  	v0 =	vld [tilespmem:s13+$0x7020];
	_ =	sdelay $0x3  }
0x84: {  	s1 =	simm.s32 $0xD420  }
0x85: {  	[tilespmem:s1+$0x0] =	vst.add.f32.msk $0xffff, v0  }
0x86: {  	v0 =	vld [tilespmem:s13+$0x7030];
	_ =	sdelay $0x3  }
0x87: {  	s2 =	simm.s32 $0xD430  }
0x88: {  	[tilespmem:s2+$0x0] =	vst.add.f32.msk $0xffff, v0  }
0x89: {  	v0 =	vld [tilespmem:s13+$0x7040];
	_ =	sdelay $0x3  }
0x8a: {  	s4 =	simm.s32 $0xD440  }
0x8b: {  	[tilespmem:s4+$0x0] =	vst.add.f32.msk $0xffff, v0  }
0x8c: {  	v0 =	vld [tilespmem:s13+$0x7050];
	_ =	sdelay $0x3  }
0x8d: {  	s6 =	simm.s32 $0xD450  }
0x8e: {  	[tilespmem:s6+$0x0] =	vst.add.f32.msk $0xffff, v0  }
0x8f: {  	v0 =	vld [tilespmem:s13+$0x7060];
	_ =	sdelay $0x3  }
0x90: {  	s7 =	simm.s32 $0xD460  }
0x91: {  	[tilespmem:s7+$0x0] =	vst.add.f32.msk $0xffff, v0  }
0x92: {  	v0 =	vld [tilespmem:s13+$0x7070];
	_ =	sdelay $0x3  }
0x93: {  	s8 =	simm.s32 $0xD470  }
0x94: {  	[tilespmem:s8+$0x0] =	vst.add.f32.msk $0xffff, v0  }
0x95: {  	v0 =	vld [tilespmem:s13+$0x7080];
	_ =	sdelay $0x3  }
0x96: {  	s10 =	simm.s32 $0xD480  }
0x97: {  	[tilespmem:s10+$0x0] =	vst.add.f32.msk $0xffff, v0  }
0x98: {  	v0 =	vld [tilespmem:s13+$0x7090];
	_ =	sdelay $0x3  }
0x99: {  	s14 =	simm.s32 $0xD490  }
0x9a: {  	[tilespmem:s14+$0x0] =	vst.add.f32.msk $0xffff, v0  }
0x9b: {  	v0 =	vld [tilespmem:s13+$0x70A0];
	_ =	sdelay $0x3  }
0x9c: {  	s15 =	simm.s32 $0xD4A0  }
0x9d: {  	[tilespmem:s15+$0x0] =	vst.add.f32.msk $0xffff, v0  }
0x9e: {  	v0 =	vld [tilespmem:s13+$0x70B0];
	_ =	sdelay $0x3  }
0x9f: {  	s18 =	simm.s32 $0xD4B0  }
0xa0: {  	[tilespmem:s18+$0x0] =	vst.add.f32.msk $0xffff, v0  }
0xa1: {  	v0 =	vld [tilespmem:s13+$0x70C0];
	_ =	sdelay $0x3  }
0xa2: {  	s20 =	simm.s32 $0xD4C0  }
0xa3: {  	[tilespmem:s20+$0x0] =	vst.add.f32.msk $0xffff, v0  }
0xa4: {  	v0 =	vld [tilespmem:s13+$0x70D0];
	_ =	sdelay $0x3  }
0xa5: {  	s21 =	simm.s32 $0xD4D0  }
0xa6: {  	[tilespmem:s21+$0x0] =	vst.add.f32.msk $0xffff, v0  }
0xa7: {  	v0 =	vld [tilespmem:s13+$0x70E0];
	_ =	sdelay $0x3  }
0xa8: {  	s24 =	simm.s32 $0xD4E0  }
0xa9: {  	[tilespmem:s24+$0x0] =	vst.add.f32.msk $0xffff, v0  }
0xaa: {  	v0 =	vld [tilespmem:s13+$0x70F0];
	_ =	sdelay $0x3  }
0xab: {  	s25 =	simm.s32 $0xD4F0  }
0xac: {  	[tilespmem:s25+$0x0] =	vst.add.f32.msk $0xffff, v0  }
0xad: {  	v0 =	vld [tilespmem:s13+$0x7100];
	_ =	sdelay $0x3  }
0xae: {  	s26 =	simm.s32 $0xD500  }
0xaf: {  	[tilespmem:s26+$0x0] =	vst.add.f32.msk $0xffff, v0  }
0xb0: {  	v0 =	vld [tilespmem:s13+$0x7110];
	_ =	sdelay $0x3  }
0xb1: {  	s28 =	simm.s32 $0xD510  }
0xb2: {  	[tilespmem:s28+$0x0] =	vst.add.f32.msk $0xffff, v0  }
0xb3: {  	v0 =	vld [tilespmem:s13+$0x7120];
	_ =	sdelay $0x3  }
0xb4: {  	s29 =	simm.s32 $0xD520  }
0xb5: {  	[tilespmem:s29+$0x0] =	vst.add.f32.msk $0xffff, v0  }
0xb6: {  	v0 =	vld [tilespmem:s13+$0x7130];
	_ =	sdelay $0x3  }
0xb7: {  	s30 =	simm.s32 $0xD530  }
0xb8: {  	[tilespmem:s30+$0x0] =	vst.add.f32.msk $0xffff, v0  }
0xb9: {  	v0 =	vld [tilespmem:s13+$0x7140];
	_ =	sdelay $0x3  }
0xba: {  	s1 =	simm.s32 $0xD540  }
0xbb: {  	[tilespmem:s1+$0x0] =	vst.add.f32.msk $0xffff, v0  }
0xbc: {  	v0 =	vld [tilespmem:s13+$0x7150];
	_ =	sdelay $0x3  }
0xbd: {  	s2 =	simm.s32 $0xD550  }
0xbe: {  	[tilespmem:s2+$0x0] =	vst.add.f32.msk $0xffff, v0  }
0xbf: {  	v0 =	vld [tilespmem:s13+$0x7160];
	_ =	sdelay $0x3  }
0xc0: {  	s4 =	simm.s32 $0xD560  }
0xc1: {  	[tilespmem:s4+$0x0] =	vst.add.f32.msk $0xffff, v0  }
0xc2: {  	v0 =	vld [tilespmem:s13+$0x7170];
	_ =	sdelay $0x3  }
0xc3: {  	s6 =	simm.s32 $0xD570  }
0xc4: {  	[tilespmem:s6+$0x0] =	vst.add.f32.msk $0xffff, v0  }
0xc5: {  	v0 =	vld [tilespmem:s13+$0x7180];
	_ =	sdelay $0x3  }
0xc6: {  	s7 =	simm.s32 $0xD580  }
0xc7: {  	[tilespmem:s7+$0x0] =	vst.add.f32.msk $0xffff, v0  }
0xc8: {  	v0 =	vld [tilespmem:s13+$0x7190];
	_ =	sdelay $0x3  }
0xc9: {  	s14 =	simm.s32 $0xD590  }
0xca: {  	[tilespmem:s14+$0x0] =	vst.add.f32.msk $0xffff, v0  }
0xcb: {  	v0 =	vld [tilespmem:s13+$0x71A0];
	_ =	sdelay $0x3  }
0xcc: {  	s18 =	simm.s32 $0xD5A0  }
0xcd: {  	[tilespmem:s18+$0x0] =	vst.add.f32.msk $0xffff, v0  }
0xce: {  	v0 =	vld [tilespmem:s13+$0x71B0];
	_ =	sdelay $0x3  }
0xcf: {  	s29 =	simm.s32 $0xD5B0  }
0xd0: {  	[tilespmem:s29+$0x0] =	vst.add.f32.msk $0xffff, v0  }
0xd1: {  	v0 =	vld [tilespmem:s13+$0x71C0];
	_ =	sdelay $0x3  }
0xd2: {  	s4 =	simm.s32 $0xD5C0  }
0xd3: {  	[tilespmem:s4+$0x0] =	vst.add.f32.msk $0xffff, v0  }
0xd4: {  	v0 =	vld [tilespmem:s13+$0x71D0];
	_ =	sdelay $0x3  }
0xd5: {  	s6 =	simm.s32 $0xD5D0  }
0xd6: {  	[tilespmem:s6+$0x0] =	vst.add.f32.msk $0xffff, v0  }
0xd7: {  	v0 =	vld [tilespmem:s13+$0x71E0];
	_ =	sdelay $0x3  }
0xd8: {  	s14 =	simm.s32 $0xD5E0  }
0xd9: {  	[tilespmem:s14+$0x0] =	vst.add.f32.msk $0xffff, v0  }
0xda: {  	v0 =	vld [tilespmem:s13+$0x71F0];
	_ =	sdelay $0x3  }
0xdb: {  	s14 =	simm.s32 $0xD5F0  }
0xdc: {  	[tilespmem:s14+$0x0] =	vst.add.f32.msk $0xffff, v0  }
0xdd: {  	v0 =	vld [tilespmem:s13+$0x7200];
	_ =	sdelay $0x4  }
0xde: {  	[tilespmem:s12+$0x0] =	vst.add.f32.msk $0xffff, v0  }
0xdf: {  	v0 =	vld [tilespmem:s13+$0x7210];
	_ =	sdelay $0x3  }
0xe0: {  	[dreg:$0x9] =	wrdreg s0;
	s0 =	simm.s32 $0xD410  }
0xe1: {  	[tilespmem:s0+$0x0] =	vst.add.f32.msk $0xffff, v0  }
0xe2: {  	v0 =	vld [tilespmem:s13+$0x7220];
	_ =	sdelay $0x3  }
0xe3: {  	s31 =	simm.s32 $0xD420  }
0xe4: {  	[tilespmem:s31+$0x0] =	vst.add.f32.msk $0xffff, v0  }
0xe5: {  	v0 =	vld [tilespmem:s13+$0x7230];
	_ =	sdelay $0x3  }
0xe6: {  	s5 =	simm.s32 $0xD430  }
0xe7: {  	[tilespmem:s5+$0x0] =	vst.add.f32.msk $0xffff, v0  }
0xe8: {  	v0 =	vld [tilespmem:s13+$0x7240];
	_ =	sdelay $0x3  }
0xe9: {  	s23 =	simm.s32 $0xD440  }
0xea: {  	[tilespmem:s23+$0x0] =	vst.add.f32.msk $0xffff, v0  }
0xeb: {  	v0 =	vld [tilespmem:s13+$0x7250];
	_ =	sdelay $0x3  }
0xec: {  	s17 =	simm.s32 $0xD450  }
0xed: {  	[tilespmem:s17+$0x0] =	vst.add.f32.msk $0xffff, v0  }
0xee: {  	v0 =	vld [tilespmem:s13+$0x7260];
	_ =	sdelay $0x3  }
0xef: {  	s16 =	simm.s32 $0xD460  }
0xf0: {  	[tilespmem:s16+$0x0] =	vst.add.f32.msk $0xffff, v0  }
0xf1: {  	v0 =	vld [tilespmem:s13+$0x7270];
	_ =	sdelay $0x3  }
0xf2: {  	s0 =	simm.s32 $0xD470  }
0xf3: {  	[tilespmem:s0+$0x0] =	vst.add.f32.msk $0xffff, v0  }
0xf4: {  	v0 =	vld [tilespmem:s13+$0x7280];
	_ =	sdelay $0x3  }
0xf5: {  	s17 =	simm.s32 $0xD480  }
0xf6: {  	[tilespmem:s17+$0x0] =	vst.add.f32.msk $0xffff, v0  }
0xf7: {  	v0 =	vld [tilespmem:s13+$0x7290];
	_ =	sdelay $0x3  }
0xf8: {  	s16 =	simm.s32 $0xD490  }
0xf9: {  	[tilespmem:s16+$0x0] =	vst.add.f32.msk $0xffff, v0  }
0xfa: {  	v0 =	vld [tilespmem:s13+$0x72A0];
	_ =	sdelay $0x3  }
0xfb: {  	s15 =	simm.s32 $0xD4A0  }
0xfc: {  	[tilespmem:s15+$0x0] =	vst.add.f32.msk $0xffff, v0  }
0xfd: {  	v0 =	vld [tilespmem:s13+$0x72B0];
	_ =	sdelay $0x3  }
0xfe: {  	s22 =	simm.s32 $0xD4B0  }
0xff: {  	[tilespmem:s22+$0x0] =	vst.add.f32.msk $0xffff, v0  }
0x100: {  	v0 =	vld [tilespmem:s13+$0x72C0];
	_ =	sdelay $0x3  }
0x101: {  	s15 =	simm.s32 $0xD4C0  }
0x102: {  	[tilespmem:s15+$0x0] =	vst.add.f32.msk $0xffff, v0  }
0x103: {  	v0 =	vld [tilespmem:s13+$0x72D0];
	_ =	sdelay $0x3  }
0x104: {  	s22 =	simm.s32 $0xD4D0  }
0x105: {  	[tilespmem:s22+$0x0] =	vst.add.f32.msk $0xffff, v0  }
0x106: {  	v0 =	vld [tilespmem:s13+$0x72E0];
	_ =	sdelay $0x3  }
0x107: {  	s23 =	simm.s32 $0xD4E0  }
0x108: {  	[tilespmem:s23+$0x0] =	vst.add.f32.msk $0xffff, v0  }
0x109: {  	v0 =	vld [tilespmem:s13+$0x72F0];
	_ =	sdelay $0x3  }
0x10a: {  	s21 =	simm.s32 $0xD4F0  }
0x10b: {  	[tilespmem:s21+$0x0] =	vst.add.f32.msk $0xffff, v0  }
0x10c: {  	v0 =	vld [tilespmem:s13+$0x7300];
	_ =	sdelay $0x3  }
0x10d: {  	s25 =	simm.s32 $0xD500  }
0x10e: {  	[tilespmem:s25+$0x0] =	vst.add.f32.msk $0xffff, v0  }
0x10f: {  	v0 =	vld [tilespmem:s13+$0x7310];
	_ =	sdelay $0x3  }
0x110: {  	s26 =	simm.s32 $0xD510  }
0x111: {  	[tilespmem:s26+$0x0] =	vst.add.f32.msk $0xffff, v0  }
0x112: {  	v0 =	vld [tilespmem:s13+$0x7320];
	_ =	sdelay $0x3  }
0x113: {  	s28 =	simm.s32 $0xD520  }
0x114: {  	[tilespmem:s28+$0x0] =	vst.add.f32.msk $0xffff, v0  }
0x115: {  	v0 =	vld [tilespmem:s13+$0x7330];
	_ =	sdelay $0x3  }
0x116: {  	s24 =	simm.s32 $0xD530  }
0x117: {  	[tilespmem:s24+$0x0] =	vst.add.f32.msk $0xffff, v0  }
0x118: {  	v0 =	vld [tilespmem:s13+$0x7340];
	_ =	sdelay $0x3  }
0x119: {  	s30 =	simm.s32 $0xD540  }
0x11a: {  	[tilespmem:s30+$0x0] =	vst.add.f32.msk $0xffff, v0  }
0x11b: {  	v0 =	vld [tilespmem:s13+$0x7350];
	_ =	sdelay $0x3  }
0x11c: {  	s2 =	simm.s32 $0xD550  }
0x11d: {  	[tilespmem:s2+$0x0] =	vst.add.f32.msk $0xffff, v0  }
0x11e: {  	v0 =	vld [tilespmem:s13+$0x7360];
	_ =	sdelay $0x3  }
0x11f: {  	s8 =	simm.s32 $0xD560  }
0x120: {  	[tilespmem:s8+$0x0] =	vst.add.f32.msk $0xffff, v0  }
0x121: {  	v0 =	vld [tilespmem:s13+$0x7370];
	_ =	sdelay $0x3  }
0x122: {  	s10 =	simm.s32 $0xD570  }
0x123: {  	[tilespmem:s10+$0x0] =	vst.add.f32.msk $0xffff, v0  }
0x124: {  	v0 =	vld [tilespmem:s13+$0x7380];
	_ =	sdelay $0x3  }
0x125: {  	s1 =	simm.s32 $0xD580  }
0x126: {  	[tilespmem:s1+$0x0] =	vst.add.f32.msk $0xffff, v0  }
0x127: {  	v0 =	vld [tilespmem:s13+$0x7390];
	_ =	sdelay $0x3  }
0x128: {  	s20 =	simm.s32 $0xD590  }
0x129: {  	[tilespmem:s20+$0x0] =	vst.add.f32.msk $0xffff, v0  }
0x12a: {  	v0 =	vld [tilespmem:s13+$0x73A0];
	_ =	sdelay $0x3  }
0x12b: {  	s7 =	simm.s32 $0xD5A0  }
0x12c: {  	[tilespmem:s7+$0x0] =	vst.add.f32.msk $0xffff, v0  }
0x12d: {  	v0 =	vld [tilespmem:s13+$0x73B0];
	_ =	sdelay $0x3  }
0x12e: {  	s29 =	simm.s32 $0xD5B0  }
0x12f: {  	[tilespmem:s29+$0x0] =	vst.add.f32.msk $0xffff, v0  }
0x130: {  	v0 =	vld [tilespmem:s13+$0x73C0];
	_ =	sdelay $0x3  }
0x131: {  	s4 =	simm.s32 $0xD5C0  }
0x132: {  	[tilespmem:s4+$0x0] =	vst.add.f32.msk $0xffff, v0  }
0x133: {  	v0 =	vld [tilespmem:s13+$0x73D0];
	_ =	sdelay $0x3  }
0x134: {  	s18 =	simm.s32 $0xD5D0  }
0x135: {  	[tilespmem:s18+$0x0] =	vst.add.f32.msk $0xffff, v0  }
0x136: {  	v0 =	vld [tilespmem:s13+$0x73E0];
	_ =	sdelay $0x3  }
0x137: {  	s6 =	simm.s32 $0xD5E0  }
0x138: {  	[tilespmem:s6+$0x0] =	vst.add.f32.msk $0xffff, v0  }
0x139: {  	v0 =	vld [tilespmem:s13+$0x73F0];
	_ =	sdelay $0x3  }
0x13a: {  	s14 =	simm.s32 $0xD5F0  }
0x13b: {  	[tilespmem:s14+$0x0] =	vst.add.f32.msk $0xffff, v0  }
0x13c: {  	v0 =	vld [tilespmem:s13+$0x7400];
	_ =	sdelay $0x4  }
0x13d: {  	[tilespmem:s12+$0x0] =	vst.add.f32.msk $0xffff, v0  }
0x13e: {  	v0 =	vld [tilespmem:s13+$0x7410];
	_ =	sdelay $0x3  }
0x13f: {  	s28 =	simm.s32 $0xD410  }
0x140: {  	[tilespmem:s28+$0x0] =	vst.add.f32.msk $0xffff, v0  }
0x141: {  	v0 =	vld [tilespmem:s13+$0x7420];
	_ =	sdelay $0x3  }
0x142: {  	s29 =	simm.s32 $0xD420  }
0x143: {  	[tilespmem:s29+$0x0] =	vst.add.f32.msk $0xffff, v0  }
0x144: {  	v0 =	vld [tilespmem:s13+$0x7430];
	_ =	sdelay $0x3  }
0x145: {  	s31 =	simm.s32 $0xD430  }
0x146: {  	[tilespmem:s31+$0x0] =	vst.add.f32.msk $0xffff, v0  }
0x147: {  	v0 =	vld [tilespmem:s13+$0x7440];
	_ =	sdelay $0x3  }
0x148: {  	s30 =	simm.s32 $0xD440  }
0x149: {  	[tilespmem:s30+$0x0] =	vst.add.f32.msk $0xffff, v0  }
0x14a: {  	v0 =	vld [tilespmem:s13+$0x7450];
	_ =	sdelay $0x3  }
0x14b: {  	s2 =	simm.s32 $0xD450  }
0x14c: {  	[tilespmem:s2+$0x0] =	vst.add.f32.msk $0xffff, v0  }
0x14d: {  	v0 =	vld [tilespmem:s13+$0x7460];
	_ =	sdelay $0x3  }
0x14e: {  	s4 =	simm.s32 $0xD460  }
0x14f: {  	[tilespmem:s4+$0x0] =	vst.add.f32.msk $0xffff, v0  }
0x150: {  	v0 =	vld [tilespmem:s13+$0x7470];
	_ =	sdelay $0x4  }
0x151: {  	[tilespmem:s0+$0x0] =	vst.add.f32.msk $0xffff, v0  }
0x152: {  	v0 =	vld [tilespmem:s13+$0x7480];
	_ =	sdelay $0x4  }
0x153: {  	[tilespmem:s17+$0x0] =	vst.add.f32.msk $0xffff, v0  }
0x154: {  	v0 =	vld [tilespmem:s13+$0x7490];
	_ =	sdelay $0x4  }
0x155: {  	[tilespmem:s16+$0x0] =	vst.add.f32.msk $0xffff, v0  }
0x156: {  	v0 =	vld [tilespmem:s13+$0x74A0];
	_ =	sdelay $0x3  }
0x157: {  	s5 =	simm.s32 $0xD4A0  }
0x158: {  	[tilespmem:s5+$0x0] =	vst.add.f32.msk $0xffff, v0  }
0x159: {  	v0 =	vld [tilespmem:s13+$0x74B0];
	_ =	sdelay $0x3  }
0x15a: {  	s5 =	simm.s32 $0xD4B0  }
0x15b: {  	[tilespmem:s5+$0x0] =	vst.add.f32.msk $0xffff, v0  }
0x15c: {  	v0 =	vld [tilespmem:s13+$0x74C0];
	_ =	sdelay $0x4  }
0x15d: {  	[tilespmem:s15+$0x0] =	vst.add.f32.msk $0xffff, v0  }
0x15e: {  	v0 =	vld [tilespmem:s13+$0x74D0];
	_ =	sdelay $0x4  }
0x15f: {  	[tilespmem:s22+$0x0] =	vst.add.f32.msk $0xffff, v0  }
0x160: {  	v0 =	vld [tilespmem:s13+$0x74E0];
	_ =	sdelay $0x3  }
0x161: {  	s6 =	sshll.u32 s11, $0x1  }
0x162: {  	s14 =	sadd.s32 $0x2, s6;
	[tilespmem:s23+$0x0] =	vst.add.f32.msk $0xffff, v0  }
0x163: {  	s7 =	smul.u32 $0x1400, s14;
	v0 =	vld [tilespmem:s13+$0x74F0]  }
0x164: {  	s8 =	smul.u32 $0x500, s14  }
0x165: {  	s10 =	smul.u32 $0x140, s14  }
0x166: {  	s21 =	simm.s32 $0xD4F0  }
0x167: {  	s17 =	sand.u32 $0x380, s10;
	s16 =	sand.u32 $0x1F000, s8;
	s15 =	sshra.s32 s7, $0x2  }
0x168: {  	s16 =	sor.u32 s17, s16;
	s12 =	sadd.s32 $0x7000, s15;
	[tilespmem:s21+$0x0] =	vst.add.f32.msk $0xffff, v0  }
0x169: {  	[tilespmem:s12], [sflag:$0x1] =	stream.indirect.gather [hbm4b:s3+s19], $0x1, s16, s19, $0xb8;
	[tilespmem:$0xD680] =	vst v63  }
0x16a: {  	s20 =	sadd.s32 $0x7080, s15;
	s21 =	sor.u32 $0x400, s16  }
0x16b: {  	[tilespmem:s20], [sflag:$0x1] =	stream.indirect.gather [hbm4b:s3+s19], $0x1, s21, s19, $0xb8;
	[tilespmem:$0xD680] =	vst v63  }
0x16c: {  	s14 =	smul.u32 $0xA, s14;
	s22 =	sadd.s32 $0x7100, s15;
	s23 =	sor.u32 $0x800, s16  }
0x16d: {  	[tilespmem:s22], [sflag:$0x1] =	stream.indirect.gather [hbm4b:s3+s19], $0x1, s23, s19, $0xb8;
	[tilespmem:$0xD680] =	vst v63  }
0x16e: {  	s28 =	sadd.s32 $0x4, s14;
	s15 =	sadd.s32 $0x7180, s15;
	s16 =	sor.u32 $0xC00, s16  }
0x16f: {  	[tilespmem:s15], [sflag:$0x1] =	stream.indirect.gather [hbm4b:s3+s19], $0x1, s16, s19, $0xb8;
	[tilespmem:$0xD680] =	vst v63  }
0x170: {  	s29 =	sshll.u32 s28, $0x7;
	s15 =	sshll.u32 s28, $0x5  }
0x171: {  	s30 =	sand.u32 $0x3FFFFE00, s29;
	s16 =	sand.u32 $0x7FFFF000, s29;
	s15 =	sand.u32 $0x380, s15  }
0x172: {  	s1 =	sadd.s32 $0x5, s14;
	s17 =	sadd.s32 $0x7000, s30;
	s15 =	sor.u32 s15, s16  }
0x173: {  	[tilespmem:s17], [sflag:$0x1] =	stream.indirect.gather [hbm4b:s3+s19], $0x1, s15, s19, $0xb8;
	[tilespmem:$0xD680] =	vst v63  }
0x174: {  	s2 =	sshll.u32 s1, $0x7;
	s15 =	sshll.u32 s1, $0x5  }
0x175: {  	s4 =	sand.u32 $0x7FFFF000, s2;
	s15 =	sand.u32 $0x380, s15  }
0x176: {  	s16 =	sand.u32 $0x3FFFFE80, s2;
	s15 =	sor.u32 s15, s4  }
0x177: {  	s5 =	sadd.s32 $0x6, s14;
	s16 =	sadd.s32 $0x7000, s16;
	s15 =	sor.u32 $0x400, s15  }
0x178: {  	[tilespmem:s16], [sflag:$0x1] =	stream.indirect.gather [hbm4b:s3+s19], $0x1, s15, s19, $0xb8;
	[tilespmem:$0xD680] =	vst v63  }
0x179: {  	s6 =	sshll.u32 s5, $0x7;
	s15 =	sshll.u32 s5, $0x5  }
0x17a: {  	s7 =	sand.u32 $0x7FFFF000, s6;
	s15 =	sand.u32 $0x380, s15  }
0x17b: {  	s8 =	sadd.s32 $0x7, s14;
	s16 =	sand.u32 $0x3FFFFF00, s6;
	s15 =	sor.u32 s15, s7  }
0x17c: {  	s10 =	sshll.u32 s8, $0x7;
	s16 =	sadd.s32 $0x7000, s16;
	s15 =	sor.u32 $0x800, s15  }
0x17d: {  	[tilespmem:s16], [sflag:$0x1] =	stream.indirect.gather [hbm4b:s3+s19], $0x1, s15, s19, $0xb8;
	[tilespmem:$0xD680] =	vst v63  }
0x17e: {  	s12 =	sand.u32 $0x7FFFF000, s10;
	s15 =	sshll.u32 s8, $0x5  }
0x17f: {  	s17 =	sadd.s32 $0x8, s14;
	s14 =	sadd.s32 $0x9, s14;
	s15 =	sand.u32 $0x380, s15  }
0x180: {  	s18 =	sshll.u32 s17, $0x7;
	s16 =	sand.u32 $0x3FFFFF80, s10;
	s15 =	sor.u32 s15, s12  }
0x181: {  	s22 =	sshll.u32 s14, $0x7;
	s16 =	sadd.s32 $0x7000, s16;
	s15 =	sor.u32 $0xC00, s15  }
0x182: {  	[tilespmem:s16], [sflag:$0x1] =	stream.indirect.gather [hbm4b:s3+s19], $0x1, s15, s19, $0xb8;
	[tilespmem:$0xD680] =	vst v63  }
0x183: {  	s14 =	sshll.u32 s14, $0x5;
	s20 =	sand.u32 $0x3FFFFE00, s18;
	s15 =	sshll.u32 s17, $0x5  }
0x184: {  	s23 =	sand.u32 $0x7FFFF000, s22;
	s16 =	sand.u32 $0x7FFFF000, s18;
	s15 =	sand.u32 $0x380, s15  }
0x185: {  	s14 =	sand.u32 $0x380, s14;
	s21 =	sadd.s32 $0x7000, s20;
	s15 =	sor.u32 s15, s16  }
0x186: {  	[tilespmem:s21], [sflag:$0x1] =	stream.indirect.gather [hbm4b:s3+s19], $0x1, s15, s19, $0xb8;
	[tilespmem:$0xD680] =	vst v63  }
0x187: {  	s14 =	sor.u32 s14, s23;
	s15 =	sand.u32 $0x3FFFFE80, s22  }
0x188: {  	s14 =	sor.u32 $0x400, s14;
	s15 =	sadd.s32 $0x7000, s15  }
0x189: {  	[tilespmem:s15], [sflag:$0x1] =	stream.indirect.gather [hbm4b:s3+s19], $0x1, s14, s19, $0xb8;
	[tilespmem:$0xD680] =	vst v63  }
0x18a: {  	_ =	swait.ge [sflag:s9], $0x80  }
0x18b: {  	[sflag:s9] =	ssyncset.done $0x0  }
0x18c: {  	[sflag:s9] =	ssyncadd.s32 $0xFFFFFF80  }
0x18d: {  	_ =	swait.ge [sflag:s9], $0x80  }
0x18e: {  	[sflag:s9] =	ssyncset.done $0x0  }
0x18f: {  	[sflag:s9] =	ssyncadd.s32 $0xFFFFFF80  }
0x190: {  	_ =	swait.ge [sflag:s9], $0x80  }
0x191: {  	[sflag:s9] =	ssyncset.done $0x0  }
0x192: {  	[sflag:s9] =	ssyncadd.s32 $0xFFFFFF80  }
0x193: {  	_ =	swait.ge [sflag:s9], $0x80  }
0x194: {  	[sflag:s9] =	ssyncset.done $0x0  }
0x195: {  	[sflag:s9] =	ssyncadd.s32 $0xFFFFFF80  }
0x196: {  	_ =	swait.ge [sflag:s9], $0x80  }
0x197: {  	[sflag:s9] =	ssyncset.done $0x0  }
0x198: {  	[sflag:s9] =	ssyncadd.s32 $0xFFFFFF80  }
0x199: {  	_ =	swait.ge [sflag:s9], $0x80  }
0x19a: {  	[sflag:s9] =	ssyncset.done $0x0  }
0x19b: {  	[sflag:s9] =	ssyncadd.s32 $0xFFFFFF80  }
0x19c: {  	_ =	swait.ge [sflag:s9], $0x80  }
0x19d: {  	[sflag:s9] =	ssyncset.done $0x0  }
0x19e: {  	[sflag:s9] =	ssyncadd.s32 $0xFFFFFF80  }
0x19f: {  	_ =	swait.ge [sflag:s9], $0x80  }
0x1a0: {  	[sflag:s9] =	ssyncset.done $0x0  }
0x1a1: {  	[sflag:s9] =	ssyncadd.s32 $0xFFFFFF80  }
0x1a2: {  	_ =	swait.ge [sflag:s9], $0x80  }
0x1a3: {  	[sflag:s9] =	ssyncset.done $0x0  }
0x1a4: {  	[sflag:s9] =	ssyncadd.s32 $0xFFFFFF80  }
0x1a5: {  	_ =	swait.ge [sflag:s9], $0x80  }
0x1a6: {  	[sflag:s9] =	ssyncset.done $0x0  }
0x1a7: {  	[sflag:s9] =	ssyncadd.s32 $0xFFFFFF80  }
0x1a8: {  	v63 =	vld [tilespmem:s13+$0x7500];
	_ =	sdelay $0x3  }
0x1a9: {  	s8 =	simm.s32 $0xD500  }
0x1aa: {  	[tilespmem:s8+$0x0] =	vst.add.f32.msk $0xffff, v63  }
0x1ab: {  	v0 =	vld [tilespmem:s13+$0x7510];
	_ =	sdelay $0x3  }
0x1ac: {  	s10 =	simm.s32 $0xD510  }
0x1ad: {  	[tilespmem:s10+$0x0] =	vst.add.f32.msk $0xffff, v0  }
0x1ae: {  	v0 =	vld [tilespmem:s13+$0x7520];
	_ =	sdelay $0x3  }
0x1af: {  	s25 =	simm.s32 $0xD520  }
0x1b0: {  	[tilespmem:s25+$0x0] =	vst.add.f32.msk $0xffff, v0  }
0x1b1: {  	v0 =	vld [tilespmem:s13+$0x7530];
	_ =	sdelay $0x3  }
0x1b2: {  	s26 =	simm.s32 $0xD530  }
0x1b3: {  	[tilespmem:s26+$0x0] =	vst.add.f32.msk $0xffff, v0  }
0x1b4: {  	v0 =	vld [tilespmem:s13+$0x7540];
	_ =	sdelay $0x3  }
0x1b5: {  	s28 =	simm.s32 $0xD540  }
0x1b6: {  	[tilespmem:s28+$0x0] =	vst.add.f32.msk $0xffff, v0  }
0x1b7: {  	v0 =	vld [tilespmem:s13+$0x7550];
	_ =	sdelay $0x3  }
0x1b8: {  	s12 =	simm.s32 $0xD550  }
0x1b9: {  	[tilespmem:s12+$0x0] =	vst.add.f32.msk $0xffff, v0  }
0x1ba: {  	v0 =	vld [tilespmem:s13+$0x7560];
	_ =	sdelay $0x3  }
0x1bb: {  	s7 =	simm.s32 $0xD560  }
0x1bc: {  	[tilespmem:s7+$0x0] =	vst.add.f32.msk $0xffff, v0  }
0x1bd: {  	v0 =	vld [tilespmem:s13+$0x7570];
	_ =	sdelay $0x3  }
0x1be: {  	s16 =	simm.s32 $0xD570  }
0x1bf: {  	[tilespmem:s16+$0x0] =	vst.add.f32.msk $0xffff, v0  }
0x1c0: {  	v0 =	vld [tilespmem:s13+$0x7580];
	_ =	sdelay $0x3  }
0x1c1: {  	s17 =	simm.s32 $0xD580  }
0x1c2: {  	[tilespmem:s17+$0x0] =	vst.add.f32.msk $0xffff, v0  }
0x1c3: {  	v0 =	vld [tilespmem:s13+$0x7590];
	_ =	sdelay $0x3  }
0x1c4: {  	s18 =	simm.s32 $0xD590  }
0x1c5: {  	[tilespmem:s18+$0x0] =	vst.add.f32.msk $0xffff, v0  }
0x1c6: {  	v0 =	vld [tilespmem:s13+$0x75A0];
	_ =	sdelay $0x3  }
0x1c7: {  	s6 =	simm.s32 $0xD5A0  }
0x1c8: {  	[tilespmem:s6+$0x0] =	vst.add.f32.msk $0xffff, v0  }
0x1c9: {  	v0 =	vld [tilespmem:s13+$0x75B0];
	_ =	sdelay $0x3  }
0x1ca: {  	s20 =	simm.s32 $0xD5B0  }
0x1cb: {  	[tilespmem:s20+$0x0] =	vst.add.f32.msk $0xffff, v0  }
0x1cc: {  	v0 =	vld [tilespmem:s13+$0x75C0];
	_ =	sdelay $0x3  }
0x1cd: {  	s29 =	simm.s32 $0xD5C0  }
0x1ce: {  	[tilespmem:s29+$0x0] =	vst.add.f32.msk $0xffff, v0  }
0x1cf: {  	v0 =	vld [tilespmem:s13+$0x75D0];
	_ =	sdelay $0x3  }
0x1d0: {  	s5 =	simm.s32 $0xD5D0  }
0x1d1: {  	[tilespmem:s5+$0x0] =	vst.add.f32.msk $0xffff, v0  }
0x1d2: {  	v0 =	vld [tilespmem:s13+$0x75E0];
	_ =	sdelay $0x3  }
0x1d3: {  	s15 =	simm.s32 $0xD5E0  }
0x1d4: {  	[tilespmem:s15+$0x0] =	vst.add.f32.msk $0xffff, v0  }
0x1d5: {  	v0 =	vld [tilespmem:s13+$0x75F0];
	_ =	sdelay $0x3  }
0x1d6: {  	s14 =	simm.s32 $0xD5F0  }
0x1d7: {  	[tilespmem:s14+$0x0] =	vst.add.f32.msk $0xffff, v0  }
0x1d8: {  	v0 =	vld [tilespmem:s13+$0x7600];
	_ =	sdelay $0x3  }
0x1d9: {  	s24 =	simm.s32 $0xD400  }
0x1da: {  	[tilespmem:s24+$0x0] =	vst.add.f32.msk $0xffff, v0  }
0x1db: {  	v0 =	vld [tilespmem:s13+$0x7610];
	_ =	sdelay $0x3  }
0x1dc: {  	s4 =	simm.s32 $0xD410  }
0x1dd: {  	[tilespmem:s4+$0x0] =	vst.add.f32.msk $0xffff, v0  }
0x1de: {  	v0 =	vld [tilespmem:s13+$0x7620];
	_ =	sdelay $0x3  }
0x1df: {  	s2 =	simm.s32 $0xD420  }
0x1e0: {  	[tilespmem:s2+$0x0] =	vst.add.f32.msk $0xffff, v0  }
0x1e1: {  	v0 =	vld [tilespmem:s13+$0x7630];
	_ =	sdelay $0x3  }
0x1e2: {  	s1 =	simm.s32 $0xD430  }
0x1e3: {  	[tilespmem:s1+$0x0] =	vst.add.f32.msk $0xffff, v0  }
0x1e4: {  	v0 =	vld [tilespmem:s13+$0x7640];
	_ =	sdelay $0x3  }
0x1e5: {  	s24 =	simm.s32 $0xD440  }
0x1e6: {  	[tilespmem:s24+$0x0] =	vst.add.f32.msk $0xffff, v0  }
0x1e7: {  	v0 =	vld [tilespmem:s13+$0x7650];
	_ =	sdelay $0x3  }
0x1e8: {  	s30 =	simm.s32 $0xD450  }
0x1e9: {  	[tilespmem:s30+$0x0] =	vst.add.f32.msk $0xffff, v0  }
0x1ea: {  	v0 =	vld [tilespmem:s13+$0x7660];
	_ =	sdelay $0x3  }
0x1eb: {  	s23 =	simm.s32 $0xD460  }
0x1ec: {  	[tilespmem:s23+$0x0] =	vst.add.f32.msk $0xffff, v0  }
0x1ed: {  	v0 =	vld [tilespmem:s13+$0x7670];
	_ =	sdelay $0x3  }
0x1ee: {  	s31 =	simm.s32 $0xD470  }
0x1ef: {  	[tilespmem:s31+$0x0] =	vst.add.f32.msk $0xffff, v0  }
0x1f0: {  	v0 =	vld [tilespmem:s13+$0x7680];
	_ =	sdelay $0x3  }
0x1f1: {  	s30 =	simm.s32 $0xD480  }
0x1f2: {  	[tilespmem:s30+$0x0] =	vst.add.f32.msk $0xffff, v0  }
0x1f3: {  	v0 =	vld [tilespmem:s13+$0x7690];
	_ =	sdelay $0x3  }
0x1f4: {  	s24 =	simm.s32 $0xD490  }
0x1f5: {  	[tilespmem:s24+$0x0] =	vst.add.f32.msk $0xffff, v0  }
0x1f6: {  	v0 =	vld [tilespmem:s13+$0x76A0];
	_ =	sdelay $0x3  }
0x1f7: {  	s21 =	simm.s32 $0xD4A0  }
0x1f8: {  	[tilespmem:s21+$0x0] =	vst.add.f32.msk $0xffff, v0  }
0x1f9: {  	v0 =	vld [tilespmem:s13+$0x76B0];
	_ =	sdelay $0x3  }
0x1fa: {  	s0 =	simm.s32 $0xD4B0  }
0x1fb: {  	[tilespmem:s0+$0x0] =	vst.add.f32.msk $0xffff, v0  }
0x1fc: {  	v0 =	vld [tilespmem:s13+$0x76C0];
	_ =	sdelay $0x3  }
0x1fd: {  	s9 =	simm.s32 $0xD4C0  }
0x1fe: {  	[tilespmem:s9+$0x0] =	vst.add.f32.msk $0xffff, v0  }
0x1ff: {  	v0 =	vld [tilespmem:s13+$0x76D0];
	_ =	sdelay $0x3  }
0x200: {  	s22 =	simm.s32 $0xD4D0  }
0x201: {  	[tilespmem:s22+$0x0] =	vst.add.f32.msk $0xffff, v0  }
0x202: {  	v0 =	vld [tilespmem:s13+$0x76E0];
	_ =	sdelay $0x3  }
0x203: {  	s0 =	simm.s32 $0xD4E0  }
0x204: {  	[tilespmem:s0+$0x0] =	vst.add.f32.msk $0xffff, v0  }
0x205: {  	v0 =	vld [tilespmem:s13+$0x76F0];
	_ =	sdelay $0x3  }
0x206: {  	s0 =	simm.s32 $0xD4F0  }
0x207: {  	[tilespmem:s0+$0x0] =	vst.add.f32.msk $0xffff, v0  }
0x208: {  	v0 =	vld [tilespmem:s13+$0x7700];
	_ =	sdelay $0x4  }
0x209: {  	[tilespmem:s8+$0x0] =	vst.add.f32.msk $0xffff, v0  }
0x20a: {  	v0 =	vld [tilespmem:s13+$0x7710];
	_ =	sdelay $0x4  }
0x20b: {  	[tilespmem:s10+$0x0] =	vst.add.f32.msk $0xffff, v0  }
0x20c: {  	v0 =	vld [tilespmem:s13+$0x7720];
	_ =	sdelay $0x4  }
0x20d: {  	[tilespmem:s25+$0x0] =	vst.add.f32.msk $0xffff, v0  }
0x20e: {  	v0 =	vld [tilespmem:s13+$0x7730];
	_ =	sdelay $0x4  }
0x20f: {  	[tilespmem:s26+$0x0] =	vst.add.f32.msk $0xffff, v0  }
0x210: {  	v0 =	vld [tilespmem:s13+$0x7740];
	_ =	sdelay $0x4  }
0x211: {  	[tilespmem:s28+$0x0] =	vst.add.f32.msk $0xffff, v0  }
0x212: {  	v0 =	vld [tilespmem:s13+$0x7750];
	_ =	sdelay $0x4  }
0x213: {  	[tilespmem:s12+$0x0] =	vst.add.f32.msk $0xffff, v0  }
0x214: {  	v0 =	vld [tilespmem:s13+$0x7760];
	_ =	sdelay $0x4  }
0x215: {  	[tilespmem:s7+$0x0] =	vst.add.f32.msk $0xffff, v0  }
0x216: {  	v0 =	vld [tilespmem:s13+$0x7770];
	_ =	sdelay $0x4  }
0x217: {  	[tilespmem:s16+$0x0] =	vst.add.f32.msk $0xffff, v0  }
0x218: {  	v0 =	vld [tilespmem:s13+$0x7780];
	_ =	sdelay $0x4  }
0x219: {  	[tilespmem:s17+$0x0] =	vst.add.f32.msk $0xffff, v0  }
0x21a: {  	v0 =	vld [tilespmem:s13+$0x7790];
	_ =	sdelay $0x4  }
0x21b: {  	[tilespmem:s18+$0x0] =	vst.add.f32.msk $0xffff, v0  }
0x21c: {  	v0 =	vld [tilespmem:s13+$0x77A0];
	_ =	sdelay $0x4  }
0x21d: {  	[tilespmem:s6+$0x0] =	vst.add.f32.msk $0xffff, v0  }
0x21e: {  	v0 =	vld [tilespmem:s13+$0x77B0];
	_ =	sdelay $0x4  }
0x21f: {  	[tilespmem:s20+$0x0] =	vst.add.f32.msk $0xffff, v0  }
0x220: {  	v0 =	vld [tilespmem:s13+$0x77C0];
	_ =	sdelay $0x4  }
0x221: {  	[tilespmem:s29+$0x0] =	vst.add.f32.msk $0xffff, v0  }
0x222: {  	v0 =	vld [tilespmem:s13+$0x77D0];
	_ =	sdelay $0x4  }
0x223: {  	[tilespmem:s5+$0x0] =	vst.add.f32.msk $0xffff, v0  }
0x224: {  	v0 =	vld [tilespmem:s13+$0x77E0];
	_ =	sdelay $0x4  }
0x225: {  	[tilespmem:s15+$0x0] =	vst.add.f32.msk $0xffff, v0  }
0x226: {  	v0 =	vld [tilespmem:s13+$0x77F0];
	_ =	sdelay $0x4  }
0x227: {  	[tilespmem:s14+$0x0] =	vst.add.f32.msk $0xffff, v0  }
0x228: {  	v0 =	vld [tilespmem:s13+$0x7800];
	_ =	sdelay $0x3  }
0x229: {  	s15 =	simm.s32 $0xD400  }
0x22a: {  	[tilespmem:s15+$0x0] =	vst.add.f32.msk $0xffff, v0  }
0x22b: {  	v0 =	vld [tilespmem:s13+$0x7810];
	_ =	sdelay $0x4  }
0x22c: {  	[tilespmem:s4+$0x0] =	vst.add.f32.msk $0xffff, v0  }
0x22d: {  	v0 =	vld [tilespmem:s13+$0x7820];
	_ =	sdelay $0x4  }
0x22e: {  	[tilespmem:s2+$0x0] =	vst.add.f32.msk $0xffff, v0  }
0x22f: {  	v0 =	vld [tilespmem:s13+$0x7830];
	_ =	sdelay $0x4  }
0x230: {  	[tilespmem:s1+$0x0] =	vst.add.f32.msk $0xffff, v0  }
0x231: {  	v0 =	vld [tilespmem:s13+$0x7840];
	_ =	sdelay $0x3  }
0x232: {  	s2 =	simm.s32 $0xD440  }
0x233: {  	[tilespmem:s2+$0x0] =	vst.add.f32.msk $0xffff, v0  }
0x234: {  	v0 =	vld [tilespmem:s13+$0x7850];
	_ =	sdelay $0x3  }
0x235: {  	s4 =	simm.s32 $0xD450  }
0x236: {  	[tilespmem:s4+$0x0] =	vst.add.f32.msk $0xffff, v0  }
0x237: {  	v0 =	vld [tilespmem:s13+$0x7860];
	_ =	sdelay $0x4  }
0x238: {  	[tilespmem:s23+$0x0] =	vst.add.f32.msk $0xffff, v0  }
0x239: {  	v0 =	vld [tilespmem:s13+$0x7870];
	_ =	sdelay $0x4  }
0x23a: {  	[tilespmem:s31+$0x0] =	vst.add.f32.msk $0xffff, v0  }
0x23b: {  	v0 =	vld [tilespmem:s13+$0x7880];
	_ =	sdelay $0x4  }
0x23c: {  	[tilespmem:s30+$0x0] =	vst.add.f32.msk $0xffff, v0  }
0x23d: {  	v0 =	vld [tilespmem:s13+$0x7890];
	_ =	sdelay $0x4  }
0x23e: {  	[tilespmem:s24+$0x0] =	vst.add.f32.msk $0xffff, v0  }
0x23f: {  	v0 =	vld [tilespmem:s13+$0x78A0];
	_ =	sdelay $0x4  }
0x240: {  	[tilespmem:s21+$0x0] =	vst.add.f32.msk $0xffff, v0  }
0x241: {  	v0 =	vld [tilespmem:s13+$0x78B0];
	_ =	sdelay $0x3  }
0x242: {  	s14 =	simm.s32 $0xD4B0  }
0x243: {  	[tilespmem:s14+$0x0] =	vst.add.f32.msk $0xffff, v0  }
0x244: {  	v0 =	vld [tilespmem:s13+$0x78C0];
	_ =	sdelay $0x4  }
0x245: {  	[tilespmem:s9+$0x0] =	vst.add.f32.msk $0xffff, v0  }
0x246: {  	v0 =	vld [tilespmem:s13+$0x78D0];
	_ =	sdelay $0x4  }
0x247: {  	[tilespmem:s22+$0x0] =	vst.add.f32.msk $0xffff, v0  }
0x248: {  	v0 =	vld [tilespmem:s13+$0x78E0];
	_ =	sdelay $0x3  }
0x249: {  	s15 =	simm.s32 $0xD4E0  }
0x24a: {  	[tilespmem:s15+$0x0] =	vst.add.f32.msk $0xffff, v0  }
0x24b: {  	v0 =	vld [tilespmem:s13+$0x78F0];
	_ =	sdelay $0x3  }
0x24c: {  	s21 =	simm.s32 $0xD4F0  }
0x24d: {  	[tilespmem:s21+$0x0] =	vst.add.f32.msk $0xffff, v0  }
0x24e: {  	v0 =	vld [tilespmem:s13+$0x7900];
	_ =	sdelay $0x3  }
0x24f: {  	s22 =	simm.s32 $0xD500  }
0x250: {  	[tilespmem:s22+$0x0] =	vst.add.f32.msk $0xffff, v0  }
0x251: {  	v0 =	vld [tilespmem:s13+$0x7910];
	_ =	sdelay $0x3  }
0x252: {  	s23 =	simm.s32 $0xD510  }
0x253: {  	[tilespmem:s23+$0x0] =	vst.add.f32.msk $0xffff, v0  }
0x254: {  	v0 =	vld [tilespmem:s13+$0x7920];
	_ =	sdelay $0x3  }
0x255: {  	s25 =	simm.s32 $0xD520  }
0x256: {  	[tilespmem:s25+$0x0] =	vst.add.f32.msk $0xffff, v0  }
0x257: {  	v0 =	vld [tilespmem:s13+$0x7930];
	_ =	sdelay $0x3  }
0x258: {  	s26 =	simm.s32 $0xD530  }
0x259: {  	[tilespmem:s26+$0x0] =	vst.add.f32.msk $0xffff, v0  }
0x25a: {  	v0 =	vld [tilespmem:s13+$0x7940];
	_ =	sdelay $0x3  }
0x25b: {  	s28 =	simm.s32 $0xD540  }
0x25c: {  	[tilespmem:s28+$0x0] =	vst.add.f32.msk $0xffff, v0  }
0x25d: {  	v0 =	vld [tilespmem:s13+$0x7950];
	_ =	sdelay $0x3  }
0x25e: {  	s12 =	simm.s32 $0xD550  }
0x25f: {  	[tilespmem:s12+$0x0] =	vst.add.f32.msk $0xffff, v0  }
0x260: {  	v0 =	vld [tilespmem:s13+$0x7960];
	_ =	sdelay $0x3  }
0x261: {  	s8 =	simm.s32 $0xD560  }
0x262: {  	[tilespmem:s8+$0x0] =	vst.add.f32.msk $0xffff, v0  }
0x263: {  	v0 =	vld [tilespmem:s13+$0x7970];
	_ =	sdelay $0x3  }
0x264: {  	s10 =	simm.s32 $0xD570  }
0x265: {  	[tilespmem:s10+$0x0] =	vst.add.f32.msk $0xffff, v0  }
0x266: {  	v0 =	vld [tilespmem:s13+$0x7980];
	_ =	sdelay $0x3  }
0x267: {  	s16 =	simm.s32 $0xD580  }
0x268: {  	[tilespmem:s16+$0x0] =	vst.add.f32.msk $0xffff, v0  }
0x269: {  	v0 =	vld [tilespmem:s13+$0x7990];
	_ =	sdelay $0x3  }
0x26a: {  	s18 =	simm.s32 $0xD590  }
0x26b: {  	[tilespmem:s18+$0x0] =	vst.add.f32.msk $0xffff, v0  }
0x26c: {  	v0 =	vld [tilespmem:s13+$0x79A0];
	_ =	sdelay $0x3  }
0x26d: {  	s7 =	simm.s32 $0xD5A0  }
0x26e: {  	[tilespmem:s7+$0x0] =	vst.add.f32.msk $0xffff, v0  }
0x26f: {  	v0 =	vld [tilespmem:s13+$0x79B0];
	_ =	sdelay $0x3  }
0x270: {  	s20 =	simm.s32 $0xD5B0  }
0x271: {  	[tilespmem:s20+$0x0] =	vst.add.f32.msk $0xffff, v0  }
0x272: {  	v0 =	vld [tilespmem:s13+$0x79C0];
	_ =	sdelay $0x3  }
0x273: {  	s29 =	simm.s32 $0xD5C0  }
0x274: {  	[tilespmem:s29+$0x0] =	vst.add.f32.msk $0xffff, v0  }
0x275: {  	v0 =	vld [tilespmem:s13+$0x79D0];
	_ =	sdelay $0x3  }
0x276: {  	s5 =	simm.s32 $0xD5D0  }
0x277: {  	[tilespmem:s5+$0x0] =	vst.add.f32.msk $0xffff, v0  }
0x278: {  	v0 =	vld [tilespmem:s13+$0x79E0];
	_ =	sdelay $0x3  }
0x279: {  	s6 =	simm.s32 $0xD5E0  }
0x27a: {  	s14 =	smul.u32 $0x14, s11;
	[tilespmem:s6+$0x0] =	vst.add.f32.msk $0xffff, v0  }
0x27b: {  	v0 =	vld [tilespmem:s13+$0x79F0]  }
0x27c: {  	s24 =	sadd.s32 $0x1E, s14  }
0x27d: {  	s25 =	sshll.u32 s24, $0x7;
	s26 =	rddreg [dreg:$0x9];
	s13 =	sshll.u32 s24, $0x5  }
0x27e: {  	s15 =	sand.u32 $0x7FFFF000, s25;
	s28 =	sadd.s32 $0x3C00, s26;
	s13 =	sand.u32 $0x380, s13  }
0x27f: {  	s17 =	simm.s32 $0xD5F0;
	s16 =	sshra.s32 s28, $0x2;
	s13 =	sor.u32 s13, s15  }
0x280: {  	s29 =	sadd.s32 $0x7000, s16;
	s30 =	sor.u32 $0x800, s13;
	[tilespmem:s17+$0x0] =	vst.add.f32.msk $0xffff, v0  }
0x281: {  	[tilespmem:s29], [sflag:$0x2] =	stream.indirect.gather [hbm4b:s3+s19], $0x1, s30, s19, $0xb8;
	[tilespmem:$0xD680] =	vst v63  }
0x282: {  	s1 =	sadd.s32 $0x20, s14;
	s0 =	sadd.s32 $0x7080, s16;
	s13 =	sor.u32 $0xC00, s13  }
0x283: {  	[tilespmem:s0], [sflag:$0x2] =	stream.indirect.gather [hbm4b:s3+s19], $0x1, s13, s19, $0xb8;
	[tilespmem:$0xD680] =	vst v63  }
0x284: {  	s2 =	sshll.u32 s1, $0x7;
	s13 =	sshll.u32 s1, $0x5  }
0x285: {  	s4 =	sand.u32 $0x3FFFFE00, s2;
	s15 =	sand.u32 $0x7FFFF000, s2;
	s13 =	sand.u32 $0x380, s13  }
0x286: {  	s16 =	sadd.s32 $0x7000, s4;
	s5 =	sadd.s32 $0x21, s14;
	s13 =	sor.u32 s13, s15  }
0x287: {  	[tilespmem:s16], [sflag:$0x2] =	stream.indirect.gather [hbm4b:s3+s19], $0x1, s13, s19, $0xb8;
	[tilespmem:$0xD680] =	vst v63  }
0x288: {  	s6 =	sshll.u32 s5, $0x7;
	s13 =	sshll.u32 s5, $0x5  }
0x289: {  	s7 =	sand.u32 $0x7FFFF000, s6;
	s13 =	sand.u32 $0x380, s13  }
0x28a: {  	s15 =	sand.u32 $0x3FFFFE80, s6;
	s13 =	sor.u32 s13, s7  }
0x28b: {  	s8 =	sadd.s32 $0x22, s14;
	s15 =	sadd.s32 $0x7000, s15;
	s13 =	sor.u32 $0x400, s13  }
0x28c: {  	[tilespmem:s15], [sflag:$0x2] =	stream.indirect.gather [hbm4b:s3+s19], $0x1, s13, s19, $0xb8;
	[tilespmem:$0xD680] =	vst v63  }
0x28d: {  	s10 =	sshll.u32 s8, $0x7;
	s13 =	sshll.u32 s8, $0x5  }
0x28e: {  	s12 =	sand.u32 $0x7FFFF000, s10;
	s13 =	sand.u32 $0x380, s13  }
0x28f: {  	s15 =	sand.u32 $0x3FFFFF00, s10;
	s13 =	sor.u32 s13, s12  }
0x290: {  	s15 =	sadd.s32 $0x7000, s15;
	s13 =	sor.u32 $0x800, s13  }
0x291: {  	[tilespmem:s15], [sflag:$0x2] =	stream.indirect.gather [hbm4b:s3+s19], $0x1, s13, s19, $0xb8;
	[tilespmem:$0xD680] =	vst v63  }
0x292: {  	s15 =	sadd.s32 $0x23, s14  }
0x293: {  	s16 =	sshll.u32 s15, $0x7;
	s13 =	sshll.u32 s15, $0x5  }
0x294: {  	s17 =	sand.u32 $0x7FFFF000, s16;
	s13 =	sand.u32 $0x380, s13  }
0x295: {  	s15 =	sand.u32 $0x3FFFFF80, s16;
	s13 =	sor.u32 s13, s17  }
0x296: {  	s18 =	sadd.s32 $0x24, s14;
	s15 =	sadd.s32 $0x7000, s15;
	s13 =	sor.u32 $0xC00, s13  }
0x297: {  	[tilespmem:s15], [sflag:$0x2] =	stream.indirect.gather [hbm4b:s3+s19], $0x1, s13, s19, $0xb8;
	[tilespmem:$0xD680] =	vst v63  }
0x298: {  	s20 =	sshll.u32 s18, $0x7;
	s13 =	sshll.u32 s18, $0x5  }
0x299: {  	s21 =	sand.u32 $0x3FFFFE00, s20;
	s15 =	sand.u32 $0x7FFFF000, s20;
	s13 =	sand.u32 $0x380, s13  }
0x29a: {  	s22 =	sadd.s32 $0x25, s14;
	s16 =	sadd.s32 $0x7000, s21;
	s13 =	sor.u32 s13, s15  }
0x29b: {  	[tilespmem:s16], [sflag:$0x2] =	stream.indirect.gather [hbm4b:s3+s19], $0x1, s13, s19, $0xb8;
	[tilespmem:$0xD680] =	vst v63  }
0x29c: {  	s23 =	sshll.u32 s22, $0x7;
	s13 =	sshll.u32 s22, $0x5  }
0x29d: {  	s24 =	sand.u32 $0x7FFFF000, s23;
	s13 =	sand.u32 $0x380, s13  }
0x29e: {  	s15 =	sand.u32 $0x3FFFFE80, s23;
	s13 =	sor.u32 s13, s24  }
0x29f: {  	s25 =	sadd.s32 $0x26, s14;
	s15 =	sadd.s32 $0x7000, s15;
	s13 =	sor.u32 $0x400, s13  }
0x2a0: {  	[tilespmem:s15], [sflag:$0x2] =	stream.indirect.gather [hbm4b:s3+s19], $0x1, s13, s19, $0xb8;
	[tilespmem:$0xD680] =	vst v63  }
0x2a1: {  	s26 =	sshll.u32 s25, $0x7;
	s13 =	sshll.u32 s25, $0x5  }
0x2a2: {  	s28 =	sand.u32 $0x7FFFF000, s26;
	s13 =	sand.u32 $0x380, s13  }
0x2a3: {  	p0 =	sne.s32 s11, $0x8;
	s15 =	sand.u32 $0x3FFFFF00, s26;
	s13 =	sor.u32 s13, s28  }
0x2a4: {  	s29 =	sadd.s32 $0x27, s14;
	s15 =	sadd.s32 $0x7000, s15;
	s13 =	sor.u32 $0x800, s13  }
0x2a5: {  	[tilespmem:s15], [sflag:$0x2] =	stream.indirect.gather [hbm4b:s3+s19], $0x1, s13, s19, $0xb8;
	[tilespmem:$0xD680] =	vst v63  }
.Ltmp0:
0x2a6: {  	s14 =	sshll.u32 s29, $0x7;
	s13 =	sshll.u32 s29, $0x5;
	(pc) =	sbr.rel @p0 .LBB2_2-.Ltmp0, $4  }
0x2a7: {  	s31 =	simm.s32 $0x1;
	s30 =	sand.u32 $0x7FFFF000, s14;
	s13 =	sand.u32 $0x380, s13  }
0x2a8: {  	s11 =	sadd.s32 $0x1, s11;
	s14 =	sand.u32 $0x3FFFFF80, s14;
	s13 =	sor.u32 s13, s30  }
0x2a9: {  	s9 =	simm.s32 $0x2;
	s14 =	sadd.s32 $0x7000, s14;
	s13 =	sor.u32 $0xC00, s13  }
0x2aa: {  	[tilespmem:s14], [sflag:$0x2] =	stream.indirect.gather [hbm4b:s3+s19], $0x1, s13, s19, $0xb8;
	[tilespmem:$0xD680] =	vst v63  }
0x2ab: {  	_ =	swait.ge [sflag:s31], $0x80  }
0x2ac: {  	[sflag:s31] =	ssyncset.done $0x0  }
0x2ad: {  	[sflag:s31] =	ssyncadd.s32 $0xFFFFFF80  }
0x2ae: {  	_ =	swait.ge [sflag:s31], $0x80  }
0x2af: {  	[sflag:s31] =	ssyncset.done $0x0  }
0x2b0: {  	[sflag:s31] =	ssyncadd.s32 $0xFFFFFF80  }
0x2b1: {  	_ =	swait.ge [sflag:s31], $0x80  }
0x2b2: {  	[sflag:s31] =	ssyncset.done $0x0  }
0x2b3: {  	[sflag:s31] =	ssyncadd.s32 $0xFFFFFF80  }
0x2b4: {  	_ =	swait.ge [sflag:s31], $0x80  }
0x2b5: {  	[sflag:s31] =	ssyncset.done $0x0  }
0x2b6: {  	[sflag:s31] =	ssyncadd.s32 $0xFFFFFF80  }
0x2b7: {  	_ =	swait.ge [sflag:s31], $0x80  }
0x2b8: {  	[sflag:s31] =	ssyncset.done $0x0  }
0x2b9: {  	[sflag:s31] =	ssyncadd.s32 $0xFFFFFF80  }
0x2ba: {  	_ =	swait.ge [sflag:s31], $0x80  }
0x2bb: {  	[sflag:s31] =	ssyncset.done $0x0  }
0x2bc: {  	[sflag:s31] =	ssyncadd.s32 $0xFFFFFF80  }
0x2bd: {  	_ =	swait.ge [sflag:s31], $0x80  }
0x2be: {  	[sflag:s31] =	ssyncset.done $0x0  }
0x2bf: {  	[sflag:s31] =	ssyncadd.s32 $0xFFFFFF80  }
0x2c0: {  	_ =	swait.ge [sflag:s31], $0x80  }
0x2c1: {  	[sflag:s31] =	ssyncset.done $0x0  }
0x2c2: {  	[sflag:s31] =	ssyncadd.s32 $0xFFFFFF80  }
0x2c3: {  	_ =	swait.ge [sflag:s31], $0x80  }
0x2c4: {  	[sflag:s31] =	ssyncset.done $0x0  }
0x2c5: {  	[sflag:s31] =	ssyncadd.s32 $0xFFFFFF80  }
0x2c6: {  	_ =	swait.ge [sflag:s31], $0x80  }
0x2c7: {  	[sflag:s31] =	ssyncset.done $0x0  }
0x2c8: {  	[sflag:s31] =	ssyncadd.s32 $0xFFFFFF80  }
0x2c9: {  	v0 =	vld [tilespmem:$0xCA00];
	_ =	sdelay $0x3  }
0x2ca: {  	s0 =	simm.s32 $0xD400  }
0x2cb: {  	[tilespmem:s0+$0x0] =	vst.add.f32.msk $0xffff, v0  }
0x2cc: {  	v0 =	vld [tilespmem:$0xCA10];
	_ =	sdelay $0x3  }
0x2cd: {  	s4 =	simm.s32 $0xD410  }
0x2ce: {  	[tilespmem:s4+$0x0] =	vst.add.f32.msk $0xffff, v0  }
0x2cf: {  	v0 =	vld [tilespmem:$0xCA20];
	_ =	sdelay $0x3  }
0x2d0: {  	s5 =	simm.s32 $0xD420  }
0x2d1: {  	[tilespmem:s5+$0x0] =	vst.add.f32.msk $0xffff, v0  }
0x2d2: {  	v0 =	vld [tilespmem:$0xCA30];
	_ =	sdelay $0x3  }
0x2d3: {  	s6 =	simm.s32 $0xD430  }
0x2d4: {  	[tilespmem:s6+$0x0] =	vst.add.f32.msk $0xffff, v0  }
0x2d5: {  	v0 =	vld [tilespmem:$0xCA40];
	_ =	sdelay $0x3  }
0x2d6: {  	s7 =	simm.s32 $0xD440  }
0x2d7: {  	[tilespmem:s7+$0x0] =	vst.add.f32.msk $0xffff, v0  }
0x2d8: {  	v0 =	vld [tilespmem:$0xCA50];
	_ =	sdelay $0x3  }
0x2d9: {  	s8 =	simm.s32 $0xD450  }
0x2da: {  	[tilespmem:s8+$0x0] =	vst.add.f32.msk $0xffff, v0  }
0x2db: {  	v0 =	vld [tilespmem:$0xCA60];
	_ =	sdelay $0x3  }
0x2dc: {  	s10 =	simm.s32 $0xD460  }
0x2dd: {  	[tilespmem:s10+$0x0] =	vst.add.f32.msk $0xffff, v0  }
0x2de: {  	v0 =	vld [tilespmem:$0xCA70];
	_ =	sdelay $0x3  }
0x2df: {  	s11 =	simm.s32 $0xD470  }
0x2e0: {  	[tilespmem:s11+$0x0] =	vst.add.f32.msk $0xffff, v0  }
0x2e1: {  	v0 =	vld [tilespmem:$0xCA80];
	_ =	sdelay $0x3  }
0x2e2: {  	s12 =	simm.s32 $0xD480  }
0x2e3: {  	[tilespmem:s12+$0x0] =	vst.add.f32.msk $0xffff, v0  }
0x2e4: {  	v0 =	vld [tilespmem:$0xCA90];
	_ =	sdelay $0x3  }
0x2e5: {  	s13 =	simm.s32 $0xD490  }
0x2e6: {  	[tilespmem:s13+$0x0] =	vst.add.f32.msk $0xffff, v0  }
0x2e7: {  	v0 =	vld [tilespmem:$0xCAA0];
	_ =	sdelay $0x3  }
0x2e8: {  	s14 =	simm.s32 $0xD4A0  }
0x2e9: {  	[tilespmem:s14+$0x0] =	vst.add.f32.msk $0xffff, v0  }
0x2ea: {  	v0 =	vld [tilespmem:$0xCAB0];
	_ =	sdelay $0x3  }
0x2eb: {  	s15 =	simm.s32 $0xD4B0  }
0x2ec: {  	[tilespmem:s15+$0x0] =	vst.add.f32.msk $0xffff, v0  }
0x2ed: {  	v0 =	vld [tilespmem:$0xCAC0];
	_ =	sdelay $0x3  }
0x2ee: {  	s16 =	simm.s32 $0xD4C0  }
0x2ef: {  	[tilespmem:s16+$0x0] =	vst.add.f32.msk $0xffff, v0  }
0x2f0: {  	v0 =	vld [tilespmem:$0xCAD0];
	_ =	sdelay $0x3  }
0x2f1: {  	s17 =	simm.s32 $0xD4D0  }
0x2f2: {  	[tilespmem:s17+$0x0] =	vst.add.f32.msk $0xffff, v0  }
0x2f3: {  	v0 =	vld [tilespmem:$0xCAE0];
	_ =	sdelay $0x3  }
0x2f4: {  	s18 =	simm.s32 $0xD4E0  }
0x2f5: {  	[tilespmem:s18+$0x0] =	vst.add.f32.msk $0xffff, v0  }
0x2f6: {  	v0 =	vld [tilespmem:$0xCAF0];
	_ =	sdelay $0x3  }
0x2f7: {  	s19 =	simm.s32 $0xD4F0  }
0x2f8: {  	[tilespmem:s19+$0x0] =	vst.add.f32.msk $0xffff, v0  }
0x2f9: {  	v0 =	vld [tilespmem:$0xCB00];
	_ =	sdelay $0x3  }
0x2fa: {  	s20 =	simm.s32 $0xD500  }
0x2fb: {  	[tilespmem:s20+$0x0] =	vst.add.f32.msk $0xffff, v0  }
0x2fc: {  	v0 =	vld [tilespmem:$0xCB10];
	_ =	sdelay $0x3  }
0x2fd: {  	s21 =	simm.s32 $0xD510  }
0x2fe: {  	[tilespmem:s21+$0x0] =	vst.add.f32.msk $0xffff, v0  }
0x2ff: {  	v0 =	vld [tilespmem:$0xCB20];
	_ =	sdelay $0x3  }
0x300: {  	s22 =	simm.s32 $0xD520  }
0x301: {  	[tilespmem:s22+$0x0] =	vst.add.f32.msk $0xffff, v0  }
0x302: {  	v0 =	vld [tilespmem:$0xCB30];
	_ =	sdelay $0x3  }
0x303: {  	s23 =	simm.s32 $0xD530  }
0x304: {  	[tilespmem:s23+$0x0] =	vst.add.f32.msk $0xffff, v0  }
0x305: {  	v0 =	vld [tilespmem:$0xCB40];
	_ =	sdelay $0x3  }
0x306: {  	s24 =	simm.s32 $0xD540  }
0x307: {  	[tilespmem:s24+$0x0] =	vst.add.f32.msk $0xffff, v0  }
0x308: {  	v0 =	vld [tilespmem:$0xCB50];
	_ =	sdelay $0x3  }
0x309: {  	s25 =	simm.s32 $0xD550  }
0x30a: {  	[tilespmem:s25+$0x0] =	vst.add.f32.msk $0xffff, v0  }
0x30b: {  	v0 =	vld [tilespmem:$0xCB60];
	_ =	sdelay $0x3  }
0x30c: {  	s26 =	simm.s32 $0xD560  }
0x30d: {  	[tilespmem:s26+$0x0] =	vst.add.f32.msk $0xffff, v0  }
0x30e: {  	v0 =	vld [tilespmem:$0xCB70];
	_ =	sdelay $0x3  }
0x30f: {  	s30 =	simm.s32 $0xD570  }
0x310: {  	[tilespmem:s30+$0x0] =	vst.add.f32.msk $0xffff, v0  }
0x311: {  	v0 =	vld [tilespmem:$0xCB80];
	_ =	sdelay $0x3  }
0x312: {  	s2 =	simm.s32 $0xD580  }
0x313: {  	[tilespmem:s2+$0x0] =	vst.add.f32.msk $0xffff, v0  }
0x314: {  	v0 =	vld [tilespmem:$0xCB90];
	_ =	sdelay $0x3  }
0x315: {  	s10 =	simm.s32 $0xD590  }
0x316: {  	[tilespmem:s10+$0x0] =	vst.add.f32.msk $0xffff, v0  }
0x317: {  	v0 =	vld [tilespmem:$0xCBA0];
	_ =	sdelay $0x3  }
0x318: {  	s11 =	simm.s32 $0xD5A0  }
0x319: {  	[tilespmem:s11+$0x0] =	vst.add.f32.msk $0xffff, v0  }
0x31a: {  	v0 =	vld [tilespmem:$0xCBB0];
	_ =	sdelay $0x3  }
0x31b: {  	s12 =	simm.s32 $0xD5B0  }
0x31c: {  	[tilespmem:s12+$0x0] =	vst.add.f32.msk $0xffff, v0  }
0x31d: {  	v0 =	vld [tilespmem:$0xCBC0];
	_ =	sdelay $0x3  }
0x31e: {  	s13 =	simm.s32 $0xD5C0  }
0x31f: {  	[tilespmem:s13+$0x0] =	vst.add.f32.msk $0xffff, v0  }
0x320: {  	v0 =	vld [tilespmem:$0xCBD0];
	_ =	sdelay $0x3  }
0x321: {  	s21 =	simm.s32 $0xD5D0  }
0x322: {  	[tilespmem:s21+$0x0] =	vst.add.f32.msk $0xffff, v0  }
0x323: {  	v0 =	vld [tilespmem:$0xCBE0];
	_ =	sdelay $0x3  }
0x324: {  	s23 =	simm.s32 $0xD5E0  }
0x325: {  	[tilespmem:s23+$0x0] =	vst.add.f32.msk $0xffff, v0  }
0x326: {  	v0 =	vld [tilespmem:$0xCBF0];
	_ =	sdelay $0x3  }
0x327: {  	s25 =	simm.s32 $0xD5F0  }
0x328: {  	[tilespmem:s25+$0x0] =	vst.add.f32.msk $0xffff, v0  }
0x329: {  	v0 =	vld [tilespmem:$0xCC00];
	_ =	sdelay $0x3  }
0x32a: {  	s0 =	simm.s32 $0xD400  }
0x32b: {  	[tilespmem:s0+$0x0] =	vst.add.f32.msk $0xffff, v0  }
0x32c: {  	v0 =	vld [tilespmem:$0xCC10];
	_ =	sdelay $0x3  }
0x32d: {  	s2 =	simm.s32 $0xD410  }
0x32e: {  	[tilespmem:s2+$0x0] =	vst.add.f32.msk $0xffff, v0  }
0x32f: {  	v0 =	vld [tilespmem:$0xCC20];
	_ =	sdelay $0x3  }
0x330: {  	s1 =	simm.s32 $0xD420  }
0x331: {  	[tilespmem:s1+$0x0] =	vst.add.f32.msk $0xffff, v0  }
0x332: {  	v0 =	vld [tilespmem:$0xCC30];
	_ =	sdelay $0x3  }
0x333: {  	s1 =	simm.s32 $0xD430  }
0x334: {  	[tilespmem:s1+$0x0] =	vst.add.f32.msk $0xffff, v0  }
0x335: {  	v0 =	vld [tilespmem:$0xCC40];
	_ =	sdelay $0x3  }
0x336: {  	s4 =	simm.s32 $0xD440  }
0x337: {  	[tilespmem:s4+$0x0] =	vst.add.f32.msk $0xffff, v0  }
0x338: {  	v0 =	vld [tilespmem:$0xCC50];
	_ =	sdelay $0x3  }
0x339: {  	s29 =	simm.s32 $0xD450  }
0x33a: {  	[tilespmem:s29+$0x0] =	vst.add.f32.msk $0xffff, v0  }
0x33b: {  	v0 =	vld [tilespmem:$0xCC60];
	_ =	sdelay $0x3  }
0x33c: {  	s7 =	simm.s32 $0xD460  }
0x33d: {  	[tilespmem:s7+$0x0] =	vst.add.f32.msk $0xffff, v0  }
0x33e: {  	v0 =	vld [tilespmem:$0xCC70];
	_ =	sdelay $0x3  }
0x33f: {  	s28 =	simm.s32 $0xD470  }
0x340: {  	[tilespmem:s28+$0x0] =	vst.add.f32.msk $0xffff, v0  }
0x341: {  	v0 =	vld [tilespmem:$0xCC80];
	_ =	sdelay $0x3  }
0x342: {  	s8 =	simm.s32 $0xD480  }
0x343: {  	[tilespmem:s8+$0x0] =	vst.add.f32.msk $0xffff, v0  }
0x344: {  	v0 =	vld [tilespmem:$0xCC90];
	_ =	sdelay $0x3  }
0x345: {  	s8 =	simm.s32 $0xD490  }
0x346: {  	[tilespmem:s8+$0x0] =	vst.add.f32.msk $0xffff, v0  }
0x347: {  	v0 =	vld [tilespmem:$0xCCA0];
	_ =	sdelay $0x3  }
0x348: {  	s5 =	simm.s32 $0xD4A0  }
0x349: {  	[tilespmem:s5+$0x0] =	vst.add.f32.msk $0xffff, v0  }
0x34a: {  	v0 =	vld [tilespmem:$0xCCB0];
	_ =	sdelay $0x3  }
0x34b: {  	s7 =	simm.s32 $0xD4B0  }
0x34c: {  	[tilespmem:s7+$0x0] =	vst.add.f32.msk $0xffff, v0  }
0x34d: {  	v0 =	vld [tilespmem:$0xCCC0];
	_ =	sdelay $0x3  }
0x34e: {  	s6 =	simm.s32 $0xD4C0  }
0x34f: {  	[tilespmem:s6+$0x0] =	vst.add.f32.msk $0xffff, v0  }
0x350: {  	v0 =	vld [tilespmem:$0xCCD0];
	_ =	sdelay $0x3  }
0x351: {  	s4 =	simm.s32 $0xD4D0  }
0x352: {  	[tilespmem:s4+$0x0] =	vst.add.f32.msk $0xffff, v0  }
0x353: {  	v0 =	vld [tilespmem:$0xCCE0];
	_ =	sdelay $0x3  }
0x354: {  	s5 =	simm.s32 $0xD4E0  }
0x355: {  	[tilespmem:s5+$0x0] =	vst.add.f32.msk $0xffff, v0  }
0x356: {  	v0 =	vld [tilespmem:$0xCCF0];
	_ =	sdelay $0x3  }
0x357: {  	s6 =	simm.s32 $0xD4F0  }
0x358: {  	[tilespmem:s6+$0x0] =	vst.add.f32.msk $0xffff, v0  }
0x359: {  	v0 =	vld [tilespmem:$0xCD00];
	_ =	sdelay $0x3  }
0x35a: {  	s14 =	simm.s32 $0xD500  }
0x35b: {  	[tilespmem:s14+$0x0] =	vst.add.f32.msk $0xffff, v0  }
0x35c: {  	v0 =	vld [tilespmem:$0xCD10];
	_ =	sdelay $0x3  }
0x35d: {  	s19 =	simm.s32 $0xD510  }
0x35e: {  	[tilespmem:s19+$0x0] =	vst.add.f32.msk $0xffff, v0  }
0x35f: {  	v0 =	vld [tilespmem:$0xCD20];
	_ =	sdelay $0x3  }
0x360: {  	s18 =	simm.s32 $0xD520  }
0x361: {  	[tilespmem:s18+$0x0] =	vst.add.f32.msk $0xffff, v0  }
0x362: {  	v0 =	vld [tilespmem:$0xCD30];
	_ =	sdelay $0x3  }
0x363: {  	s17 =	simm.s32 $0xD530  }
0x364: {  	[tilespmem:s17+$0x0] =	vst.add.f32.msk $0xffff, v0  }
0x365: {  	v0 =	vld [tilespmem:$0xCD40];
	_ =	sdelay $0x3  }
0x366: {  	s16 =	simm.s32 $0xD540  }
0x367: {  	[tilespmem:s16+$0x0] =	vst.add.f32.msk $0xffff, v0  }
0x368: {  	v0 =	vld [tilespmem:$0xCD50];
	_ =	sdelay $0x3  }
0x369: {  	s15 =	simm.s32 $0xD550  }
0x36a: {  	[tilespmem:s15+$0x0] =	vst.add.f32.msk $0xffff, v0  }
0x36b: {  	v0 =	vld [tilespmem:$0xCD60];
	_ =	sdelay $0x3  }
0x36c: {  	s24 =	simm.s32 $0xD560  }
0x36d: {  	[tilespmem:s24+$0x0] =	vst.add.f32.msk $0xffff, v0  }
0x36e: {  	v0 =	vld [tilespmem:$0xCD70];
	_ =	sdelay $0x3  }
0x36f: {  	s26 =	simm.s32 $0xD570  }
0x370: {  	[tilespmem:s26+$0x0] =	vst.add.f32.msk $0xffff, v0  }
0x371: {  	v0 =	vld [tilespmem:$0xCD80];
	_ =	sdelay $0x3  }
0x372: {  	s20 =	simm.s32 $0xD580  }
0x373: {  	[tilespmem:s20+$0x0] =	vst.add.f32.msk $0xffff, v0  }
0x374: {  	v0 =	vld [tilespmem:$0xCD90];
	_ =	sdelay $0x3  }
0x375: {  	s10 =	simm.s32 $0xD590  }
0x376: {  	[tilespmem:s10+$0x0] =	vst.add.f32.msk $0xffff, v0  }
0x377: {  	v0 =	vld [tilespmem:$0xCDA0];
	_ =	sdelay $0x3  }
0x378: {  	s22 =	simm.s32 $0xD5A0  }
0x379: {  	[tilespmem:s22+$0x0] =	vst.add.f32.msk $0xffff, v0  }
0x37a: {  	v0 =	vld [tilespmem:$0xCDB0];
	_ =	sdelay $0x3  }
0x37b: {  	s12 =	simm.s32 $0xD5B0  }
0x37c: {  	[tilespmem:s12+$0x0] =	vst.add.f32.msk $0xffff, v0  }
0x37d: {  	v0 =	vld [tilespmem:$0xCDC0];
	_ =	sdelay $0x3  }
0x37e: {  	s13 =	simm.s32 $0xD5C0  }
0x37f: {  	[tilespmem:s13+$0x0] =	vst.add.f32.msk $0xffff, v0  }
0x380: {  	v0 =	vld [tilespmem:$0xCDD0];
	_ =	sdelay $0x3  }
0x381: {  	s26 =	simm.s32 $0xD5D0  }
0x382: {  	[tilespmem:s26+$0x0] =	vst.add.f32.msk $0xffff, v0  }
0x383: {  	v0 =	vld [tilespmem:$0xCDE0];
	_ =	sdelay $0x3  }
0x384: {  	s21 =	simm.s32 $0xD5E0  }
0x385: {  	[tilespmem:s21+$0x0] =	vst.add.f32.msk $0xffff, v0  }
0x386: {  	v0 =	vld [tilespmem:$0xCDF0];
	_ =	sdelay $0x3  }
0x387: {  	s11 =	simm.s32 $0xD5F0  }
0x388: {  	[tilespmem:s11+$0x0] =	vst.add.f32.msk $0xffff, v0  }
0x389: {  	v0 =	vld [tilespmem:$0xCE00];
	_ =	sdelay $0x4  }
0x38a: {  	[tilespmem:s0+$0x0] =	vst.add.f32.msk $0xffff, v0  }
0x38b: {  	v0 =	vld [tilespmem:$0xCE10];
	_ =	sdelay $0x4  }
0x38c: {  	[tilespmem:s2+$0x0] =	vst.add.f32.msk $0xffff, v0  }
0x38d: {  	v0 =	vld [tilespmem:$0xCE20];
	_ =	sdelay $0x3  }
0x38e: {  	s25 =	simm.s32 $0xD420  }
0x38f: {  	[tilespmem:s25+$0x0] =	vst.add.f32.msk $0xffff, v0  }
0x390: {  	v0 =	vld [tilespmem:$0xCE30];
	_ =	sdelay $0x4  }
0x391: {  	[tilespmem:s1+$0x0] =	vst.add.f32.msk $0xffff, v0  }
0x392: {  	v0 =	vld [tilespmem:$0xCE40];
	_ =	sdelay $0x3  }
0x393: {  	s23 =	simm.s32 $0xD440  }
0x394: {  	[tilespmem:s23+$0x0] =	vst.add.f32.msk $0xffff, v0  }
0x395: {  	v0 =	vld [tilespmem:$0xCE50];
	_ =	sdelay $0x3  }
0x396: {  	s1 =	simm.s32 $0xD450  }
0x397: {  	[tilespmem:s1+$0x0] =	vst.add.f32.msk $0xffff, v0  }
0x398: {  	v0 =	vld [tilespmem:$0xCE60];
	_ =	sdelay $0x3  }
0x399: {  	s30 =	simm.s32 $0xD460  }
0x39a: {  	[tilespmem:s30+$0x0] =	vst.add.f32.msk $0xffff, v0  }
0x39b: {  	v0 =	vld [tilespmem:$0xCE70];
	_ =	sdelay $0x3  }
0x39c: {  	s25 =	simm.s32 $0xD470  }
0x39d: {  	[tilespmem:s25+$0x0] =	vst.add.f32.msk $0xffff, v0  }
0x39e: {  	v0 =	vld [tilespmem:$0xCE80];
	_ =	sdelay $0x3  }
0x39f: {  	s30 =	simm.s32 $0xD480  }
0x3a0: {  	[tilespmem:s30+$0x0] =	vst.add.f32.msk $0xffff, v0  }
0x3a1: {  	v0 =	vld [tilespmem:$0xCE90];
	_ =	sdelay $0x4  }
0x3a2: {  	[tilespmem:s8+$0x0] =	vst.add.f32.msk $0xffff, v0  }
0x3a3: {  	v0 =	vld [tilespmem:$0xCEA0];
	_ =	sdelay $0x3  }
0x3a4: {  	s28 =	simm.s32 $0xD4A0  }
0x3a5: {  	[tilespmem:s28+$0x0] =	vst.add.f32.msk $0xffff, v0  }
0x3a6: {  	v0 =	vld [tilespmem:$0xCEB0];
	_ =	sdelay $0x4  }
0x3a7: {  	[tilespmem:s7+$0x0] =	vst.add.f32.msk $0xffff, v0  }
0x3a8: {  	v0 =	vld [tilespmem:$0xCEC0];
	_ =	sdelay $0x3  }
0x3a9: {  	s29 =	simm.s32 $0xD4C0  }
0x3aa: {  	[tilespmem:s29+$0x0] =	vst.add.f32.msk $0xffff, v0  }
0x3ab: {  	v0 =	vld [tilespmem:$0xCED0];
	_ =	sdelay $0x4  }
0x3ac: {  	[tilespmem:s4+$0x0] =	vst.add.f32.msk $0xffff, v0  }
0x3ad: {  	v0 =	vld [tilespmem:$0xCEE0];
	_ =	sdelay $0x4  }
0x3ae: {  	[tilespmem:s5+$0x0] =	vst.add.f32.msk $0xffff, v0  }
0x3af: {  	v0 =	vld [tilespmem:$0xCEF0];
	_ =	sdelay $0x4  }
0x3b0: {  	[tilespmem:s6+$0x0] =	vst.add.f32.msk $0xffff, v0  }
0x3b1: {  	_ =	swait.ge [sflag:s9], $0x80  }
0x3b2: {  	[sflag:s9] =	ssyncset.done $0x0  }
0x3b3: {  	[sflag:s9] =	ssyncadd.s32 $0xFFFFFF80  }
0x3b4: {  	_ =	swait.ge [sflag:s9], $0x80  }
0x3b5: {  	[sflag:s9] =	ssyncset.done $0x0  }
0x3b6: {  	[sflag:s9] =	ssyncadd.s32 $0xFFFFFF80  }
0x3b7: {  	_ =	swait.ge [sflag:s9], $0x80  }
0x3b8: {  	[sflag:s9] =	ssyncset.done $0x0  }
0x3b9: {  	[sflag:s9] =	ssyncadd.s32 $0xFFFFFF80  }
0x3ba: {  	_ =	swait.ge [sflag:s9], $0x80  }
0x3bb: {  	[sflag:s9] =	ssyncset.done $0x0  }
0x3bc: {  	[sflag:s9] =	ssyncadd.s32 $0xFFFFFF80  }
0x3bd: {  	_ =	swait.ge [sflag:s9], $0x80  }
0x3be: {  	[sflag:s9] =	ssyncset.done $0x0  }
0x3bf: {  	[sflag:s9] =	ssyncadd.s32 $0xFFFFFF80  }
0x3c0: {  	_ =	swait.ge [sflag:s9], $0x80  }
0x3c1: {  	[sflag:s9] =	ssyncset.done $0x0  }
0x3c2: {  	[sflag:s9] =	ssyncadd.s32 $0xFFFFFF80  }
0x3c3: {  	_ =	swait.ge [sflag:s9], $0x80  }
0x3c4: {  	[sflag:s9] =	ssyncset.done $0x0  }
0x3c5: {  	[sflag:s9] =	ssyncadd.s32 $0xFFFFFF80  }
0x3c6: {  	_ =	swait.ge [sflag:s9], $0x80  }
0x3c7: {  	[sflag:s9] =	ssyncset.done $0x0  }
0x3c8: {  	[sflag:s9] =	ssyncadd.s32 $0xFFFFFF80  }
0x3c9: {  	_ =	swait.ge [sflag:s9], $0x80  }
0x3ca: {  	[sflag:s9] =	ssyncset.done $0x0  }
0x3cb: {  	[sflag:s9] =	ssyncadd.s32 $0xFFFFFF80  }
0x3cc: {  	_ =	swait.ge [sflag:s9], $0x80  }
0x3cd: {  	[sflag:s9] =	ssyncset.done $0x0  }
0x3ce: {  	[sflag:s9] =	ssyncadd.s32 $0xFFFFFF80  }
0x3cf: {  	v63 =	vld [tilespmem:$0xCF00];
	_ =	sdelay $0x3  }
0x3d0: {  	s14 =	simm.s32 $0xD500  }
0x3d1: {  	[tilespmem:s14+$0x0] =	vst.add.f32.msk $0xffff, v63  }
0x3d2: {  	v0 =	vld [tilespmem:$0xCF10];
	_ =	sdelay $0x3  }
0x3d3: {  	s14 =	simm.s32 $0xD510  }
0x3d4: {  	[tilespmem:s14+$0x0] =	vst.add.f32.msk $0xffff, v0  }
0x3d5: {  	v0 =	vld [tilespmem:$0xCF20];
	_ =	sdelay $0x3  }
0x3d6: {  	s21 =	simm.s32 $0xD520  }
0x3d7: {  	[tilespmem:s21+$0x0] =	vst.add.f32.msk $0xffff, v0  }
0x3d8: {  	v0 =	vld [tilespmem:$0xCF30];
	_ =	sdelay $0x3  }
0x3d9: {  	s17 =	simm.s32 $0xD530  }
0x3da: {  	[tilespmem:s17+$0x0] =	vst.add.f32.msk $0xffff, v0  }
0x3db: {  	v0 =	vld [tilespmem:$0xCF40];
	_ =	sdelay $0x3  }
0x3dc: {  	s16 =	simm.s32 $0xD540  }
0x3dd: {  	[tilespmem:s16+$0x0] =	vst.add.f32.msk $0xffff, v0  }
0x3de: {  	v0 =	vld [tilespmem:$0xCF50];
	_ =	sdelay $0x3  }
0x3df: {  	s15 =	simm.s32 $0xD550  }
0x3e0: {  	[tilespmem:s15+$0x0] =	vst.add.f32.msk $0xffff, v0  }
0x3e1: {  	v0 =	vld [tilespmem:$0xCF60];
	_ =	sdelay $0x3  }
0x3e2: {  	s23 =	simm.s32 $0xD560  }
0x3e3: {  	[tilespmem:s23+$0x0] =	vst.add.f32.msk $0xffff, v0  }
0x3e4: {  	v0 =	vld [tilespmem:$0xCF70];
	_ =	sdelay $0x3  }
0x3e5: {  	s18 =	simm.s32 $0xD570  }
0x3e6: {  	[tilespmem:s18+$0x0] =	vst.add.f32.msk $0xffff, v0  }
0x3e7: {  	v0 =	vld [tilespmem:$0xCF80];
	_ =	sdelay $0x3  }
0x3e8: {  	s24 =	simm.s32 $0xD580  }
0x3e9: {  	[tilespmem:s24+$0x0] =	vst.add.f32.msk $0xffff, v0  }
0x3ea: {  	v0 =	vld [tilespmem:$0xCF90];
	_ =	sdelay $0x3  }
0x3eb: {  	s20 =	simm.s32 $0xD590  }
0x3ec: {  	[tilespmem:s20+$0x0] =	vst.add.f32.msk $0xffff, v0  }
0x3ed: {  	v0 =	vld [tilespmem:$0xCFA0];
	_ =	sdelay $0x3  }
0x3ee: {  	s19 =	simm.s32 $0xD5A0  }
0x3ef: {  	[tilespmem:s19+$0x0] =	vst.add.f32.msk $0xffff, v0  }
0x3f0: {  	v0 =	vld [tilespmem:$0xCFB0];
	_ =	sdelay $0x3  }
0x3f1: {  	s10 =	simm.s32 $0xD5B0  }
0x3f2: {  	[tilespmem:s10+$0x0] =	vst.add.f32.msk $0xffff, v0  }
0x3f3: {  	v0 =	vld [tilespmem:$0xCFC0];
	_ =	sdelay $0x3  }
0x3f4: {  	s28 =	simm.s32 $0xD5C0  }
0x3f5: {  	[tilespmem:s28+$0x0] =	vst.add.f32.msk $0xffff, v0  }
0x3f6: {  	v0 =	vld [tilespmem:$0xCFD0];
	_ =	sdelay $0x3  }
0x3f7: {  	s22 =	simm.s32 $0xD5D0  }
0x3f8: {  	[tilespmem:s22+$0x0] =	vst.add.f32.msk $0xffff, v0  }
0x3f9: {  	v0 =	vld [tilespmem:$0xCFE0];
	_ =	sdelay $0x3  }
0x3fa: {  	s29 =	simm.s32 $0xD5E0  }
0x3fb: {  	[tilespmem:s29+$0x0] =	vst.add.f32.msk $0xffff, v0  }
0x3fc: {  	v0 =	vld [tilespmem:$0xCFF0];
	_ =	sdelay $0x3  }
0x3fd: {  	s11 =	simm.s32 $0xD5F0  }
0x3fe: {  	[tilespmem:s11+$0x0] =	vst.add.f32.msk $0xffff, v0  }
0x3ff: {  	v0 =	vld [tilespmem:$0xD000];
	_ =	sdelay $0x3  }
0x400: {  	s26 =	simm.s32 $0xD400  }
0x401: {  	[tilespmem:s26+$0x0] =	vst.add.f32.msk $0xffff, v0  }
0x402: {  	v0 =	vld [tilespmem:$0xD010];
	_ =	sdelay $0x3  }
0x403: {  	s5 =	simm.s32 $0xD410  }
0x404: {  	[tilespmem:s5+$0x0] =	vst.add.f32.msk $0xffff, v0  }
0x405: {  	v0 =	vld [tilespmem:$0xD020];
	_ =	sdelay $0x3  }
0x406: {  	s6 =	simm.s32 $0xD420  }
0x407: {  	[tilespmem:s6+$0x0] =	vst.add.f32.msk $0xffff, v0  }
0x408: {  	v0 =	vld [tilespmem:$0xD030];
	_ =	sdelay $0x3  }
0x409: {  	s7 =	simm.s32 $0xD430  }
0x40a: {  	[tilespmem:s7+$0x0] =	vst.add.f32.msk $0xffff, v0  }
0x40b: {  	v0 =	vld [tilespmem:$0xD040];
	_ =	sdelay $0x3  }
0x40c: {  	s22 =	simm.s32 $0xD440  }
0x40d: {  	[tilespmem:s22+$0x0] =	vst.add.f32.msk $0xffff, v0  }
0x40e: {  	v0 =	vld [tilespmem:$0xD050];
	_ =	sdelay $0x3  }
0x40f: {  	s6 =	simm.s32 $0xD450  }
0x410: {  	[tilespmem:s6+$0x0] =	vst.add.f32.msk $0xffff, v0  }
0x411: {  	v0 =	vld [tilespmem:$0xD060];
	_ =	sdelay $0x3  }
0x412: {  	s2 =	simm.s32 $0xD460  }
0x413: {  	[tilespmem:s2+$0x0] =	vst.add.f32.msk $0xffff, v0  }
0x414: {  	v0 =	vld [tilespmem:$0xD070];
	_ =	sdelay $0x3  }
0x415: {  	s5 =	simm.s32 $0xD470  }
0x416: {  	[tilespmem:s5+$0x0] =	vst.add.f32.msk $0xffff, v0  }
0x417: {  	v0 =	vld [tilespmem:$0xD080];
	_ =	sdelay $0x3  }
0x418: {  	s4 =	simm.s32 $0xD480  }
0x419: {  	[tilespmem:s4+$0x0] =	vst.add.f32.msk $0xffff, v0  }
0x41a: {  	v0 =	vld [tilespmem:$0xD090];
	_ =	sdelay $0x3  }
0x41b: {  	s29 =	simm.s32 $0xD490  }
0x41c: {  	[tilespmem:s29+$0x0] =	vst.add.f32.msk $0xffff, v0  }
0x41d: {  	v0 =	vld [tilespmem:$0xD0A0];
	_ =	sdelay $0x3  }
0x41e: {  	s0 =	simm.s32 $0xD4A0  }
0x41f: {  	[tilespmem:s0+$0x0] =	vst.add.f32.msk $0xffff, v0  }
0x420: {  	v0 =	vld [tilespmem:$0xD0B0];
	_ =	sdelay $0x3  }
0x421: {  	s24 =	simm.s32 $0xD4B0  }
0x422: {  	[tilespmem:s24+$0x0] =	vst.add.f32.msk $0xffff, v0  }
0x423: {  	v0 =	vld [tilespmem:$0xD0C0];
	_ =	sdelay $0x3  }
0x424: {  	s1 =	simm.s32 $0xD4C0  }
0x425: {  	[tilespmem:s1+$0x0] =	vst.add.f32.msk $0xffff, v0  }
0x426: {  	v0 =	vld [tilespmem:$0xD0D0];
	_ =	sdelay $0x3  }
0x427: {  	s13 =	simm.s32 $0xD4D0  }
0x428: {  	[tilespmem:s13+$0x0] =	vst.add.f32.msk $0xffff, v0  }
0x429: {  	v0 =	vld [tilespmem:$0xD0E0];
	_ =	sdelay $0x3  }
0x42a: {  	s1 =	simm.s32 $0xD4E0  }
0x42b: {  	[tilespmem:s1+$0x0] =	vst.add.f32.msk $0xffff, v0  }
0x42c: {  	v0 =	vld [tilespmem:$0xD0F0];
	_ =	sdelay $0x3  }
0x42d: {  	s2 =	simm.s32 $0xD4F0  }
0x42e: {  	[tilespmem:s2+$0x0] =	vst.add.f32.msk $0xffff, v0  }
0x42f: {  	v0 =	vld [tilespmem:$0xD100];
	_ =	sdelay $0x3  }
0x430: {  	s8 =	simm.s32 $0xD500  }
0x431: {  	[tilespmem:s8+$0x0] =	vst.add.f32.msk $0xffff, v0  }
0x432: {  	v0 =	vld [tilespmem:$0xD110];
	_ =	sdelay $0x3  }
0x433: {  	s8 =	simm.s32 $0xD510  }
0x434: {  	[tilespmem:s8+$0x0] =	vst.add.f32.msk $0xffff, v0  }
0x435: {  	v0 =	vld [tilespmem:$0xD120];
	_ =	sdelay $0x3  }
0x436: {  	s30 =	simm.s32 $0xD520  }
0x437: {  	[tilespmem:s30+$0x0] =	vst.add.f32.msk $0xffff, v0  }
0x438: {  	v0 =	vld [tilespmem:$0xD130];
	_ =	sdelay $0x3  }
0x439: {  	s25 =	simm.s32 $0xD530  }
0x43a: {  	[tilespmem:s25+$0x0] =	vst.add.f32.msk $0xffff, v0  }
0x43b: {  	v0 =	vld [tilespmem:$0xD140];
	_ =	sdelay $0x3  }
0x43c: {  	s21 =	simm.s32 $0xD540  }
0x43d: {  	[tilespmem:s21+$0x0] =	vst.add.f32.msk $0xffff, v0  }
0x43e: {  	v0 =	vld [tilespmem:$0xD150];
	_ =	sdelay $0x3  }
0x43f: {  	s14 =	simm.s32 $0xD550  }
0x440: {  	[tilespmem:s14+$0x0] =	vst.add.f32.msk $0xffff, v0  }
0x441: {  	v0 =	vld [tilespmem:$0xD160];
	_ =	sdelay $0x3  }
0x442: {  	s12 =	simm.s32 $0xD560  }
0x443: {  	[tilespmem:s12+$0x0] =	vst.add.f32.msk $0xffff, v0  }
0x444: {  	v0 =	vld [tilespmem:$0xD170];
	_ =	sdelay $0x3  }
0x445: {  	s17 =	simm.s32 $0xD570  }
0x446: {  	[tilespmem:s17+$0x0] =	vst.add.f32.msk $0xffff, v0  }
0x447: {  	v0 =	vld [tilespmem:$0xD180];
	_ =	sdelay $0x3  }
0x448: {  	s7 =	simm.s32 $0xD580  }
0x449: {  	[tilespmem:s7+$0x0] =	vst.add.f32.msk $0xffff, v0  }
0x44a: {  	v0 =	vld [tilespmem:$0xD190];
	_ =	sdelay $0x3  }
0x44b: {  	s23 =	simm.s32 $0xD590  }
0x44c: {  	[tilespmem:s23+$0x0] =	vst.add.f32.msk $0xffff, v0  }
0x44d: {  	v0 =	vld [tilespmem:$0xD1A0];
	_ =	sdelay $0x3  }
0x44e: {  	s18 =	simm.s32 $0xD5A0  }
0x44f: {  	[tilespmem:s18+$0x0] =	vst.add.f32.msk $0xffff, v0  }
0x450: {  	v0 =	vld [tilespmem:$0xD1B0];
	_ =	sdelay $0x3  }
0x451: {  	s15 =	simm.s32 $0xD5B0  }
0x452: {  	[tilespmem:s15+$0x0] =	vst.add.f32.msk $0xffff, v0  }
0x453: {  	v0 =	vld [tilespmem:$0xD1C0];
	_ =	sdelay $0x3  }
0x454: {  	s28 =	simm.s32 $0xD5C0  }
0x455: {  	[tilespmem:s28+$0x0] =	vst.add.f32.msk $0xffff, v0  }
0x456: {  	v0 =	vld [tilespmem:$0xD1D0];
	_ =	sdelay $0x3  }
0x457: {  	s8 =	simm.s32 $0xD5D0  }
0x458: {  	[tilespmem:s8+$0x0] =	vst.add.f32.msk $0xffff, v0  }
0x459: {  	v0 =	vld [tilespmem:$0xD1E0];
	_ =	sdelay $0x3  }
0x45a: {  	s16 =	simm.s32 $0xD5E0  }
0x45b: {  	[tilespmem:s16+$0x0] =	vst.add.f32.msk $0xffff, v0  }
0x45c: {  	v0 =	vld [tilespmem:$0xD1F0];
	_ =	sdelay $0x3  }
0x45d: {  	s19 =	simm.s32 $0xD5F0  }
0x45e: {  	[tilespmem:s19+$0x0] =	vst.add.f32.msk $0xffff, v0  }
0x45f: {  	v0 =	vld [tilespmem:$0xD200];
	_ =	sdelay $0x3  }
0x460: {  	s8 =	simm.s32 $0xD400  }
0x461: {  	[tilespmem:s8+$0x0] =	vst.add.f32.msk $0xffff, v0  }
0x462: {  	v0 =	vld [tilespmem:$0xD210];
	_ =	sdelay $0x3  }
0x463: {  	s20 =	simm.s32 $0xD410  }
0x464: {  	[tilespmem:s20+$0x0] =	vst.add.f32.msk $0xffff, v0  }
0x465: {  	v0 =	vld [tilespmem:$0xD220];
	_ =	sdelay $0x3  }
0x466: {  	s26 =	simm.s32 $0xD420  }
0x467: {  	[tilespmem:s26+$0x0] =	vst.add.f32.msk $0xffff, v0  }
0x468: {  	v0 =	vld [tilespmem:$0xD230];
	_ =	sdelay $0x3  }
0x469: {  	s11 =	simm.s32 $0xD430  }
0x46a: {  	[tilespmem:s11+$0x0] =	vst.add.f32.msk $0xffff, v0  }
0x46b: {  	v0 =	vld [tilespmem:$0xD240];
	_ =	sdelay $0x4  }
0x46c: {  	[tilespmem:s22+$0x0] =	vst.add.f32.msk $0xffff, v0  }
0x46d: {  	v0 =	vld [tilespmem:$0xD250];
	_ =	sdelay $0x4  }
0x46e: {  	[tilespmem:s6+$0x0] =	vst.add.f32.msk $0xffff, v0  }
0x46f: {  	v0 =	vld [tilespmem:$0xD260];
	_ =	sdelay $0x3  }
0x470: {  	s10 =	simm.s32 $0xD460  }
0x471: {  	[tilespmem:s10+$0x0] =	vst.add.f32.msk $0xffff, v0  }
0x472: {  	v0 =	vld [tilespmem:$0xD270];
	_ =	sdelay $0x4  }
0x473: {  	[tilespmem:s5+$0x0] =	vst.add.f32.msk $0xffff, v0  }
0x474: {  	v0 =	vld [tilespmem:$0xD280];
	_ =	sdelay $0x4  }
0x475: {  	[tilespmem:s4+$0x0] =	vst.add.f32.msk $0xffff, v0  }
0x476: {  	v0 =	vld [tilespmem:$0xD290];
	_ =	sdelay $0x4  }
0x477: {  	[tilespmem:s29+$0x0] =	vst.add.f32.msk $0xffff, v0  }
0x478: {  	v0 =	vld [tilespmem:$0xD2A0];
	_ =	sdelay $0x4  }
0x479: {  	[tilespmem:s0+$0x0] =	vst.add.f32.msk $0xffff, v0  }
0x47a: {  	v0 =	vld [tilespmem:$0xD2B0];
	_ =	sdelay $0x4  }
0x47b: {  	[tilespmem:s24+$0x0] =	vst.add.f32.msk $0xffff, v0  }
0x47c: {  	v0 =	vld [tilespmem:$0xD2C0];
	_ =	sdelay $0x3  }
0x47d: {  	s20 =	simm.s32 $0xD4C0  }
0x47e: {  	[tilespmem:s20+$0x0] =	vst.add.f32.msk $0xffff, v0  }
0x47f: {  	v0 =	vld [tilespmem:$0xD2D0];
	_ =	sdelay $0x3  }
0x480: {  	s22 =	simm.s32 $0xD4D0  }
0x481: {  	[tilespmem:s22+$0x0] =	vst.add.f32.msk $0xffff, v0  }
0x482: {  	v0 =	vld [tilespmem:$0xD2E0];
	_ =	sdelay $0x4  }
0x483: {  	[tilespmem:s1+$0x0] =	vst.add.f32.msk $0xffff, v0  }
0x484: {  	v0 =	vld [tilespmem:$0xD2F0];
	_ =	sdelay $0x4  }
0x485: {  	[tilespmem:s2+$0x0] =	vst.add.f32.msk $0xffff, v0  }
0x486: {  	v0 =	vld [tilespmem:$0xD300];
	_ =	sdelay $0x3  }
0x487: {  	s13 =	simm.s32 $0xD500  }
0x488: {  	[tilespmem:s13+$0x0] =	vst.add.f32.msk $0xffff, v0  }
0x489: {  	v0 =	vld [tilespmem:$0xD310];
	_ =	sdelay $0x3  }
0x48a: {  	s24 =	simm.s32 $0xD510  }
0x48b: {  	[tilespmem:s24+$0x0] =	vst.add.f32.msk $0xffff, v0  }
0x48c: {  	v0 =	vld [tilespmem:$0xD320];
	_ =	sdelay $0x3  }
0x48d: {  	s30 =	simm.s32 $0xD520  }
0x48e: {  	[tilespmem:s30+$0x0] =	vst.add.f32.msk $0xffff, v0  }
0x48f: {  	v0 =	vld [tilespmem:$0xD330];
	_ =	sdelay $0x3  }
0x490: {  	s25 =	simm.s32 $0xD530  }
0x491: {  	[tilespmem:s25+$0x0] =	vst.add.f32.msk $0xffff, v0  }
0x492: {  	v0 =	vld [tilespmem:$0xD340];
	_ =	sdelay $0x3  }
0x493: {  	s21 =	simm.s32 $0xD540  }
0x494: {  	[tilespmem:s21+$0x0] =	vst.add.f32.msk $0xffff, v0  }
0x495: {  	v0 =	vld [tilespmem:$0xD350];
	_ =	sdelay $0x3  }
0x496: {  	s14 =	simm.s32 $0xD550  }
0x497: {  	[tilespmem:s14+$0x0] =	vst.add.f32.msk $0xffff, v0  }
0x498: {  	v0 =	vld [tilespmem:$0xD360];
	_ =	sdelay $0x3  }
0x499: {  	s12 =	simm.s32 $0xD560  }
0x49a: {  	[tilespmem:s12+$0x0] =	vst.add.f32.msk $0xffff, v0  }
0x49b: {  	v0 =	vld [tilespmem:$0xD370];
	_ =	sdelay $0x3  }
0x49c: {  	s17 =	simm.s32 $0xD570  }
0x49d: {  	[tilespmem:s17+$0x0] =	vst.add.f32.msk $0xffff, v0  }
0x49e: {  	v0 =	vld [tilespmem:$0xD380];
	_ =	sdelay $0x4  }
0x49f: {  	[tilespmem:s7+$0x0] =	vst.add.f32.msk $0xffff, v0  }
0x4a0: {  	v0 =	vld [tilespmem:$0xD390];
	_ =	sdelay $0x3  }
0x4a1: {  	s23 =	simm.s32 $0xD590  }
0x4a2: {  	[tilespmem:s23+$0x0] =	vst.add.f32.msk $0xffff, v0  }
0x4a3: {  	v0 =	vld [tilespmem:$0xD3A0];
	_ =	sdelay $0x3  }
0x4a4: {  	s18 =	simm.s32 $0xD5A0  }
0x4a5: {  	[tilespmem:s18+$0x0] =	vst.add.f32.msk $0xffff, v0  }
0x4a6: {  	v0 =	vld [tilespmem:$0xD3B0];
	_ =	sdelay $0x3  }
0x4a7: {  	s15 =	simm.s32 $0xD5B0  }
0x4a8: {  	[tilespmem:s15+$0x0] =	vst.add.f32.msk $0xffff, v0  }
0x4a9: {  	v0 =	vld [tilespmem:$0xD3C0];
	_ =	sdelay $0x3  }
0x4aa: {  	s28 =	simm.s32 $0xD5C0  }
0x4ab: {  	[tilespmem:s28+$0x0] =	vst.add.f32.msk $0xffff, v0  }
0x4ac: {  	v0 =	vld [tilespmem:$0xD3D0];
	_ =	sdelay $0x3  }
0x4ad: {  	s26 =	simm.s32 $0xD5D0  }
0x4ae: {  	[tilespmem:s26+$0x0] =	vst.add.f32.msk $0xffff, v0  }
0x4af: {  	v0 =	vld [tilespmem:$0xD3E0];
	_ =	sdelay $0x3  }
0x4b0: {  	s16 =	simm.s32 $0xD5E0  }
0x4b1: {  	[tilespmem:s16+$0x0] =	vst.add.f32.msk $0xffff, v0  }
0x4b2: {  	v0 =	vld [tilespmem:$0xD3F0];
	_ =	sdelay $0x3  }
0x4b3: {  	s19 =	simm.s32 $0xD5F0  }
0x4b4: {  	s11 =	simm.s32 $0x0;
	s28 =	rddreg [dreg:$0x6];
	s16 =	simm.s32 $0x3;
	[tilespmem:s19+$0x0] =	vst.add.f32.msk $0xffff, v0  }
0x4b5: {  	[hbm4b:s28+s11] =	stream.linear.scatter [tilespmem:s8], [sflag:$0x3], $0x200, $0x38;
	[tilespmem:$0xD680] =	vst v63  }
0x4b6: {  	_ =	swait.ge [sflag:s16], $0x200  }
0x4b7: {  	s29 =	rddreg [dreg:$0x8]  }
0x4b8: {  	s30 =	rddreg [dreg:$0x7];
	s0 =	sadd.s32 $0x1, s29  }
0x4b9: {  	p0 =	sne.s32 s0, s30  }
.Ltmp1:
0x4ba: {  	_ = 	snop;
	(pc) =	sbr.rel @p0 .LBB2_1-.Ltmp1, $3  }
0x4bb: {  	_ =	sdelay $0x1  }
0x4bc: {  	[sflag:s16] =	ssyncset.done $0x0  }
0x4bd: {  	s1 =	simm.s32 $0x80;
	[sflag:s16] =	ssyncadd.s32 $0xFFFFFE00  }
0x4be: {  	_ =	sfence.sel $0x180000  }
0x4bf: {  	[bflag:$0x0] =	sbarrier.arrive $0xFFFF  }
0x4c0: {  	_ =	strace $0x90000047  }
0x4c1: {  	s0 =	stileid.u32;
	[bflag:$0x2] =	sbarrier.arrive $0xFFFF  }
0x4c2: {  	p0 =	sne.s32 s0, $0x0;
	s0 =	rddreg [dreg:$0x3]  }
0x4c3: {  	s0 =	sadd.s32 @!p0 $0x100000, s0  }
0x4c4: {  	[sflag:s0] =	ssyncadd.tile.s32 @!p0 $0x1;
	_ =	shalt  }
.Lfunc_end2:
_tile_overlayer_lowered:
.L_overlay_start_2:
0x4c5: {  	(tag) =	ssettag $0x2  }
0x4c6: {  	s0 =	rddreg [dreg:$0x0];
	s2 =	stileid.u32  }
0x4c7: {  	s1 =	rddreg [dreg:$0x1];
	p0 =	sne.s32 s2, $0x0  }
0x4c8: {  	s3 =	rddreg [dreg:$0x2];
	[bflag:$0x3] =	sbarrier.arrive $0xFFFF;
	s2 =	simm.s32 @!p0 $0x1C03  }
0x4c9: {  	[timem:s3], [sflag:s2] =	dma.local @!p0 [hbm:s0], s1  }
0x4ca: {  	s0 =	simm.s32 @!p0 $0x3  }
0x4cb: {  	_ =	swait.ge @!p0 [sflag:s0], s1  }
0x4cc: {  	s1 =	ssub.s32 @!p0 $0x0, s1;
	[sflag:s0] =	ssyncset.done @!p0 $0x0  }
0x4cd: {  	[sflag:s0] =	ssyncadd.s32 @!p0 s1  }
0x4ce: {  	[bflag:$0x3] =	sbarrier.arrive $0xFFFF  }
0x4cf: {  	_ =	shalt  }

</sc_bundles>
